<compile_context>
chip_gen: v7x
topology: tpu7x:2x2x1
jax: 0.10.2.dev20260603
libtpu: 0.0.44.dev20260713+nightly
codegen_flags: <defaults>
</compile_context>

<pallas_src>
import functools

import jax
import jax.numpy as jnp
import numpy as np
from jax import lax
from jax.experimental import pallas as pl
from jax.experimental.pallas import tpu as pltpu
from jax.experimental.pallas import tpu_sc as plsc

D = 1024
H = 16
P = 8
HD = D // H
QB = 16


def _proj_kernel(x_ref, w_ref, b_ref, o_ref, *, scale):
    r = jnp.dot(x_ref[...], w_ref[...], preferred_element_type=jnp.float32)
    r = r + b_ref[...]
    if scale != 1.0:
        r = r * scale
    o_ref[...] = r.astype(o_ref.dtype)


def _proj(x2d, W, b, scale=1.0, blk=512, dtype=jnp.float32):
    n, d = x2d.shape
    dout = W.shape[1]
    return pl.pallas_call(
        functools.partial(_proj_kernel, scale=scale),
        grid=(n // blk,),
        in_specs=[
            pl.BlockSpec((blk, d), lambda i: (i, 0)),
            pl.BlockSpec((d, dout), lambda i: (0, 0)),
            pl.BlockSpec((1, dout), lambda i: (0, 0)),
        ],
        out_specs=pl.BlockSpec((blk, dout), lambda i: (i, 0)),
        out_shape=jax.ShapeDtypeStruct((n, dout), dtype),
    )(x2d, W, b.reshape(1, dout))


def _gidx_kernel(x_ref, w1_ref, b1_ref, w2_ref, b2_ref, o_ref, *, K, nq):
    b = pl.program_id(0)
    h1 = jnp.dot(x_ref[...], w1_ref[...], preferred_element_type=jnp.float32)
    h1 = h1 + b1_ref[...]
    h1 = 0.5 * h1 * (1.0 + lax.erf(h1 * np.float32(1.0 / np.sqrt(2.0))))
    off = jnp.dot(h1, w2_ref[...], preferred_element_type=jnp.float32)
    off = off + b2_ref[...]
    col = lax.broadcasted_iota(jnp.int32, (off.shape[0], H * P), 1)
    pcol = (col % P).astype(jnp.float32)
    base = pcol * np.float32((K - 1) / (P - 1))
    idxf = jnp.clip(base + jnp.tanh(off) * (K / 32.0), 0.0, K - 1.0)
    idxi = jnp.round(idxf).astype(jnp.int32)
    gidx = idxi * H + (col // P) + b * (K * H)
    for h in range(H):
        o_ref[h] = gidx[:, h * P:(h + 1) * P]


def _gidx(query2d, Wm1, bm1, Wm2, bm2, B, Q, K, nq=512):
    nblk = Q // nq
    return pl.pallas_call(
        functools.partial(_gidx_kernel, K=K, nq=nq),
        grid=(B, nblk),
        in_specs=[
            pl.BlockSpec((nq, D), lambda b, i: (b * nblk + i, 0)),
            pl.BlockSpec((D, D), lambda b, i: (0, 0)),
            pl.BlockSpec((1, D), lambda b, i: (0, 0)),
            pl.BlockSpec((D, H * P), lambda b, i: (0, 0)),
            pl.BlockSpec((1, H * P), lambda b, i: (0, 0)),
        ],
        out_specs=pl.BlockSpec((H, nq, P), lambda b, i: (b, i, 0)),
        out_shape=jax.ShapeDtypeStruct((B * H, Q, P), jnp.int32),
    )(query2d, Wm1, bm1.reshape(1, D), Wm2, bm2.reshape(1, H * P))


_BCAST_DN = lax.GatherDimensionNumbers(
    offset_dims=(), collapsed_slice_dims=(0,), start_index_map=(0,))
SB = 128
NSUB = SB // QB


def _sc_attn_body(k2d, v2d, qr, gidx, out_o, wT_o,
                  idx2, q2, k3, v3, lblk, wblk, outblk,
                  semk0, semk1, semv0, semv1, *, B, Q, K):
    c = lax.axis_index("c")
    s = lax.axis_index("s")
    bh = c * H + s
    iota = lax.iota(jnp.int32, 16)
    lane15 = iota == 15
    nt = (Q // SB) * NSUB

    def load_super(t):
        i = t // NSUB
        sp = i & 1
        pltpu.sync_copy(gidx.at[bh, pl.ds(i * SB * P, SB * P)], idx2.at[sp])
        pltpu.sync_copy(
            qr.at[c, pl.ds(i * SB, SB), pl.ds(s * HD, HD)], q2.at[sp])

    def issue(t):
        sp = (t // NSUB) & 1
        jj = t % NSUB
        idxsl = idx2.at[sp, pl.ds(jj * QB * P, QB * P)]

        @pl.when(t % 2 == 0)
        def _():
            pltpu.async_copy(k2d.at[idxsl], k3.at[0], semk0)
            pltpu.async_copy(v2d.at[idxsl], v3.at[0], semv0)

        @pl.when(t % 2 == 1)
        def _():
            pltpu.async_copy(k2d.at[idxsl], k3.at[1], semk1)
            pltpu.async_copy(v2d.at[idxsl], v3.at[1], semv1)

    def drain(t):
        sp = (t // NSUB) & 1
        jj = t % NSUB
        idxsl = idx2.at[sp, pl.ds(jj * QB * P, QB * P)]

        @pl.when(t % 2 == 0)
        def _():
            pltpu.make_async_copy(k2d.at[idxsl], k3.at[0], semk0).wait()
            pltpu.make_async_copy(v2d.at[idxsl], v3.at[0], semv0).wait()

        @pl.when(t % 2 == 1)
        def _():
            pltpu.make_async_copy(k2d.at[idxsl], k3.at[1], semk1).wait()
            pltpu.make_async_copy(v2d.at[idxsl], v3.at[1], semv1).wait()

    load_super(0)
    issue(0)

    NC = HD // 16

    def body(t, _):
        sp = (t // NSUB) & 1
        jj = t % NSUB
        par = t & 1

        @pl.when(t + 1 < nt)
        def _():
            @pl.when(jj == NSUB - 1)
            def _():
                load_super(t + 1)
            issue(t + 1)

        drain(t)

        @plsc.parallel_loop(0, QB, unroll=4)
        def _logits(q):
            qc = [q2[sp, jj * QB + q, pl.ds(cc * 16, 16)] for cc in range(NC)]
            for p in range(P):
                r = q * P + p
                dot = None
                for hh in range(NC // 2):
                    pair = k3[par, r, pl.ds(hh * 32, 32)]
                    lo, hi = plsc.unpack(
                        pair, format=plsc.PackFormat.INTERLEAVED)
                    term = qc[2 * hh] * lo + qc[2 * hh + 1] * hi
                    dot = term if dot is None else dot + term
                sv = plsc.cumsum(dot)
                plsc.store_scatter(
                    lblk, [jnp.full((16,), p * QB, jnp.int32) + q], sv,
                    mask=lane15)
        l = [lblk[pl.ds(p * QB, QB)] for p in range(P)]
        m = l[0]
        for p in range(1, P):
            m = jnp.maximum(m, l[p])
        e = [jnp.exp(l[p] - m) for p in range(P)]
        tot = e[0]
        for p in range(1, P):
            tot = tot + e[p]
        r_ = 1.0 / tot
        w = [e[p] * r_ for p in range(P)]
        for p in range(P):
            wblk[p, pl.ds(jj * QB, QB)] = w[p]
        @plsc.parallel_loop(0, QB, unroll=4)
        def _vsum(q):
            qsel = jnp.zeros((16,), jnp.int32) + q
            acc = [jnp.zeros((16,), jnp.float32) for _ in range(NC)]
            for p in range(P):
                ws = lax.gather(
                    w[p], qsel[:, None], _BCAST_DN, slice_sizes=(1,),
                    mode=lax.GatherScatterMode.PROMISE_IN_BOUNDS)
                r = q * P + p
                for hh in range(NC // 2):
                    pair = v3[par, r, pl.ds(hh * 32, 32)]
                    lo, hi = plsc.unpack(
                        pair, format=plsc.PackFormat.INTERLEAVED)
                    acc[2 * hh] = acc[2 * hh] + ws * lo
                    acc[2 * hh + 1] = acc[2 * hh + 1] + ws * hi
            for cc in range(NC):
                outblk[jj * QB + q, pl.ds(cc * 16, 16)] = acc[cc]

        @pl.when(jj == NSUB - 1)
        def _():
            i = t // NSUB
            pltpu.sync_copy(wblk, wT_o.at[bh, :, pl.ds(i * SB, SB)])
            pltpu.sync_copy(
                outblk,
                out_o.at[c, pl.ds(i * SB, SB), pl.ds(s * HD, HD)])

        return 0

    lax.fori_loop(0, nt, body, 0)


def _sc_attn(k2d, v2d, qr, gidx, B, Q, K):
    mesh = plsc.VectorSubcoreMesh(
        core_axis_name="c", subcore_axis_name="s", num_cores=2, num_subcores=16
    )
    fn = pl.kernel(
        functools.partial(_sc_attn_body, B=B, Q=Q, K=K),
        out_type=(
            jax.ShapeDtypeStruct((B, Q, H * HD), jnp.float32),
            jax.ShapeDtypeStruct((B * H, P, Q), jnp.float32),
        ),
        mesh=mesh,
        scratch_types=[
            pltpu.VMEM((2, SB * P), jnp.int32),
            pltpu.VMEM((2, SB, HD), jnp.float32),
            pltpu.VMEM((2, QB * P, HD), jnp.bfloat16),
            pltpu.VMEM((2, QB * P, HD), jnp.bfloat16),
            pltpu.VMEM((P * QB,), jnp.float32),
            pltpu.VMEM((P, SB), jnp.float32),
            pltpu.VMEM((SB, HD), jnp.float32),
            pltpu.SemaphoreType.DMA,
            pltpu.SemaphoreType.DMA,
            pltpu.SemaphoreType.DMA,
            pltpu.SemaphoreType.DMA,
        ],
        compiler_params=pltpu.CompilerParams(
            needs_layout_passes=False, use_tc_tiling_on_sc=False
        ),
    )
    return fn(k2d, v2d, qr, gidx)


def _wtrans_kernel(x_ref, o_ref):
    o_ref[0] = x_ref[0].T


def _wtrans(wT, B, Q, nq=512):
    nblk = Q // nq
    return pl.pallas_call(
        _wtrans_kernel,
        grid=(B, nblk),
        in_specs=[pl.BlockSpec((1, H * P, nq), lambda b, i: (b, 0, i))],
        out_specs=pl.BlockSpec((1, nq, H * P), lambda b, i: (b, i, 0)),
        out_shape=jax.ShapeDtypeStruct((B, Q, H * P), jnp.float32),
    )(wT.reshape(B, H * P, Q))


def kernel(query, key, value, Wq, bq, Wk, bk, Wv, bv, Wo, bo, Wm1, bm1, Wm2, bm2):
    B, Q, _ = query.shape
    K = key.shape[1]
    scale = HD ** (-0.5)
    def _deileave_cols(W):
        Wr = W.reshape(W.shape[:-1] + (D // 32, 16, 2))
        return jnp.swapaxes(Wr, -1, -2).reshape(W.shape)

    q = _proj(query.reshape(B * Q, D), _deileave_cols(Wq), _deileave_cols(bq),
              scale=scale)
    k = _proj(key.reshape(B * K, D), Wk, bk, dtype=jnp.bfloat16)
    v = _proj(value.reshape(B * K, D), Wv, bv, dtype=jnp.bfloat16)
    gidx = _gidx(query.reshape(B * Q, D), Wm1, bm1, Wm2, bm2, B, Q, K)
    outh, wT = _sc_attn(
        k.reshape(B * K * H, HD),
        v.reshape(B * K * H, HD),
        q.reshape(B, Q, D),
        gidx.reshape(B * H, Q * P),
        B, Q, K,
    )
    Wo_r = jnp.swapaxes(Wo.reshape(D // 32, 16, 2, D), 1, 2).reshape(D, D)
    out = _proj(outh.reshape(B * Q, D), Wo_r, bo).reshape(B, Q, D)
    weights = _wtrans(wT, B, Q).reshape(B, Q, H, P)
    return out, weights

# --- scband reference (transcript-rebuilt; emitter-appended) ---
"""Pipeline reference for scband-deformable-cross-attention-53944789238476 (READ-ONLY COPY).

The authoritative reference and input builder live on the scoring server;
editing this copy changes nothing except your own understanding.
"""

import jax, jax.numpy as jnp
import numpy as np

EMBED_DIM = 1024
NUM_HEADS = 16
NUM_POINTS = 8
HEAD_DIM = EMBED_DIM // NUM_HEADS
B, Qlen, Klen = 2, 2048, 4096


def _linw(k, fi, fo):
    lim = 1.0 / np.sqrt(fi)
    return jax.random.uniform(k, (fi, fo), jnp.float32, -lim, lim)


def _linb(k, fi, fo):
    lim = 1.0 / np.sqrt(fi)
    return jax.random.uniform(k, (fo,), jnp.float32, -lim, lim)


def setup_inputs() -> dict:
    key0 = jax.random.key(0)
    ks = jax.random.split(key0, 20)
    D, H, P = EMBED_DIM, NUM_HEADS, NUM_POINTS
    inp = {
        "query": jax.random.normal(ks[0], (B, Qlen, D), jnp.float32),
        "key": jax.random.normal(ks[1], (B, Klen, D), jnp.float32),
        "value": jax.random.normal(ks[2], (B, Klen, D), jnp.float32),
        "Wq": _linw(ks[3], D, D), "bq": _linb(ks[4], D, D),
        "Wk": _linw(ks[5], D, D), "bk": _linb(ks[6], D, D),
        "Wv": _linw(ks[7], D, D), "bv": _linb(ks[8], D, D),
        "Wo": _linw(ks[9], D, D), "bo": _linb(ks[10], D, D),
        "Wm1": _linw(ks[11], D, D), "bm1": _linb(ks[12], D, D),
        "Wm2": _linw(ks[13], D, H * P), "bm2": _linb(ks[14], D, H * P),
    }
    return inp


def reference(query, key, value, Wq, bq, Wk, bk, Wv, bv, Wo, bo, Wm1, bm1, Wm2, bm2):
    Bq, Q, D = query.shape
    K = key.shape[1]
    H, P, hd = NUM_HEADS, NUM_POINTS, HEAD_DIM
    scale = hd ** (-0.5)
    q = (query @ Wq + bq).reshape(Bq, Q, H, hd)
    k = (key @ Wk + bk).reshape(Bq, K, H, hd)
    v = (value @ Wv + bv).reshape(Bq, K, H, hd)
    h1 = jax.nn.gelu(query @ Wm1 + bm1, approximate=False)
    offsets = (h1 @ Wm2 + bm2).reshape(Bq, Q, H, P)
    base = jnp.linspace(0.0, K - 1, P).reshape(1, 1, 1, P)
    offsets = jnp.tanh(offsets) * (K / 32.0)
    idx = jnp.clip(base + offsets, 0, K - 1)
    idx_long = jnp.round(idx).astype(jnp.int32)
    # gather sampled k/v: k_sample[b,q,h,p,:] = k[b, idx_long[b,q,h,p], h, :]
    k_bh = jnp.transpose(k, (0, 2, 1, 3))  # [B,H,K,hd]
    v_bh = jnp.transpose(v, (0, 2, 1, 3))
    idx_bh = jnp.transpose(idx_long, (0, 2, 1, 3)).reshape(Bq, H, Q * P)
    k_s = jnp.take_along_axis(k_bh, idx_bh[..., None], axis=2).reshape(Bq, H, Q, P, hd)
    v_s = jnp.take_along_axis(v_bh, idx_bh[..., None], axis=2).reshape(Bq, H, Q, P, hd)
    k_sample = jnp.transpose(k_s, (0, 2, 1, 3, 4))  # [B,Q,H,P,hd]
    v_sample = jnp.transpose(v_s, (0, 2, 1, 3, 4))
    attn_logits = jnp.sum(q[:, :, :, None, :] * k_sample, axis=-1) * scale
    attn_weights = jax.nn.softmax(attn_logits, axis=-1)
    out = jnp.sum(attn_weights[..., None] * v_sample, axis=3).reshape(Bq, Q, D)
    out = out @ Wo + bo
    return out, jax.lax.stop_gradient(attn_weights)

if __name__ == "__main__":
    import jax
    _d = setup_inputs()
    print(jax.jit(kernel)(*tuple(_d.values())))

</pallas_src>

<mosaic_0001>
#map = affine_map<(d0, d1) -> (0, 0)>
#map1 = affine_map<(d0, d1) -> (0, 0, 0)>
module attributes {stable_mosaic.version = 14 : i64} {
  func.func @_sc_attn_body(%arg0: i32, %arg1: i32, %arg2: memref<131072x64xbf16, #tpu.memory_space<hbm>>, %arg3: memref<131072x64xbf16, #tpu.memory_space<hbm>>, %arg4: memref<2x2048x1024xf32, #tpu.memory_space<hbm>>, %arg5: memref<32x16384xi32, #tpu.memory_space<hbm>>, %arg6: memref<2x2048x1024xf32, #tpu.memory_space<hbm>>, %arg7: memref<32x8x2048xf32, #tpu.memory_space<hbm>>, %arg8: memref<2x1024xi32, #tpu.memory_space<vmem>>, %arg9: memref<2x128x64xf32, #tpu.memory_space<vmem>>, %arg10: memref<2x128x64xbf16, #tpu.memory_space<vmem>>, %arg11: memref<2x128x64xbf16, #tpu.memory_space<vmem>>, %arg12: memref<128xf32, #tpu.memory_space<vmem>>, %arg13: memref<8x128xf32, #tpu.memory_space<vmem>>, %arg14: memref<128x64xf32, #tpu.memory_space<vmem>>, %arg15: memref<!tpu.dma_semaphore, #tpu.memory_space<semaphore_mem>>, %arg16: memref<!tpu.dma_semaphore, #tpu.memory_space<semaphore_mem>>, %arg17: memref<!tpu.dma_semaphore, #tpu.memory_space<semaphore_mem>>, %arg18: memref<!tpu.dma_semaphore, #tpu.memory_space<semaphore_mem>>) attributes {dimension_semantics = [#tpu.dimension_semantics<core_parallel>, #tpu.dimension_semantics<subcore_parallel>], iteration_bounds = array<i64: 2, 16>, scalar_prefetch = 0 : i64, scratch_operands = 11 : i64, tpu.core_type = #tpu.core_type<sc_vector_subcore>, window_params = [{transform_indices = #map}, {transform_indices = #map}, {transform_indices = #map1}, {transform_indices = #map}, {transform_indices = #map1}, {transform_indices = #map1}]} {
    %mul3A = arith.constant 16 : i32
    %mul3A_0 = arith.muli %arg0, %mul3A : i32
    %add3A = arith.addi %mul3A_0, %arg1 : i32
    %iota3A = tpu.iota {dimensions = array<i32: 0>} : vector<16xi32>
    %eq3A = arith.constant 15 : i32
    %eq3A_1 = vector.broadcast %eq3A : i32 to vector<16xi32>
    %eq3A_2 = arith.cmpi eq, %iota3A, %eq3A_1 : vector<16xi32>
    %run_scoped3A = arith.constant 0 : i32
    "tpu.region"() ({
      %run_scoped3A_35 = tpu.sem_alloc : memref<!tpu.dma_semaphore, #tpu.memory_space<semaphore_mem>>
      %dma_start3A_36 = arith.constant 0 : i32
      %dma_start3A_37 = tpu.memref_slice %arg8[%run_scoped3A, %dma_start3A_36] : memref<2x1024xi32, #tpu.memory_space<vmem>> -> memref<1x1024xi32, #tpu.memory_space<vmem>>
      %dma_start3A_38 = tpu.memref_squeeze %dma_start3A_37 : memref<1x1024xi32, #tpu.memory_space<vmem>> -> memref<1024xi32, #tpu.memory_space<vmem>>
      %dma_start3A_39 = arith.constant 0 : i32
      %dma_start3A_40 = tpu.memref_slice %arg5[%add3A, %dma_start3A_39] : memref<32x16384xi32, #tpu.memory_space<hbm>> -> memref<1x1024xi32, #tpu.memory_space<hbm>>
      %dma_start3A_41 = tpu.memref_squeeze %dma_start3A_40 : memref<1x1024xi32, #tpu.memory_space<hbm>> -> memref<1024xi32, #tpu.memory_space<hbm>>
      %dma_start3A_42 = arith.constant 0 : i32
      %dma_start3A_43 = tpu.memref_slice %arg8[%run_scoped3A, %dma_start3A_42] : memref<2x1024xi32, #tpu.memory_space<vmem>> -> memref<1x1024xi32, #tpu.memory_space<vmem>>
      %dma_start3A_44 = tpu.memref_squeeze %dma_start3A_43 : memref<1x1024xi32, #tpu.memory_space<vmem>> -> memref<1024xi32, #tpu.memory_space<vmem>>
      %dma_start3A_45 = arith.constant 0 : i32
      %dma_start3A_46 = tpu.memref_slice %arg5[%add3A, %dma_start3A_45] : memref<32x16384xi32, #tpu.memory_space<hbm>> -> memref<1x1024xi32, #tpu.memory_space<hbm>>
      %dma_start3A_47 = tpu.memref_squeeze %dma_start3A_46 : memref<1x1024xi32, #tpu.memory_space<hbm>> -> memref<1024xi32, #tpu.memory_space<hbm>>
      tpu.enqueue_dma source(%dma_start3A_47 : memref<1024xi32, #tpu.memory_space<hbm>>) target(%dma_start3A_44 : memref<1024xi32, #tpu.memory_space<vmem>>) target_semaphore(%run_scoped3A_35 : memref<!tpu.dma_semaphore, #tpu.memory_space<semaphore_mem>>)
      %dma_wait3A = arith.constant 0 : i32
      %dma_wait3A_48 = tpu.memref_slice %arg8[%run_scoped3A, %dma_wait3A] : memref<2x1024xi32, #tpu.memory_space<vmem>> -> memref<1x1024xi32, #tpu.memory_space<vmem>>
      %dma_wait3A_49 = tpu.memref_squeeze %dma_wait3A_48 : memref<1x1024xi32, #tpu.memory_space<vmem>> -> memref<1024xi32, #tpu.memory_space<vmem>>
      %dma_wait3A_50 = arith.constant 0 : i32
      %dma_wait3A_51 = tpu.memref_slice %arg5[%add3A, %dma_wait3A_50] : memref<32x16384xi32, #tpu.memory_space<hbm>> -> memref<1x1024xi32, #tpu.memory_space<hbm>>
      %dma_wait3A_52 = tpu.memref_squeeze %dma_wait3A_51 : memref<1x1024xi32, #tpu.memory_space<hbm>> -> memref<1024xi32, #tpu.memory_space<hbm>>
      %dma_wait3A_53 = arith.constant 0 : i32
      %dma_wait3A_54 = tpu.memref_slice %arg8[%run_scoped3A, %dma_wait3A_53] : memref<2x1024xi32, #tpu.memory_space<vmem>> -> memref<1x1024xi32, #tpu.memory_space<vmem>>
      %dma_wait3A_55 = tpu.memref_squeeze %dma_wait3A_54 : memref<1x1024xi32, #tpu.memory_space<vmem>> -> memref<1024xi32, #tpu.memory_space<vmem>>
      %dma_wait3A_56 = arith.constant 0 : i32
      %dma_wait3A_57 = tpu.memref_slice %arg5[%add3A, %dma_wait3A_56] : memref<32x16384xi32, #tpu.memory_space<hbm>> -> memref<1x1024xi32, #tpu.memory_space<hbm>>
      %dma_wait3A_58 = tpu.memref_squeeze %dma_wait3A_57 : memref<1x1024xi32, #tpu.memory_space<hbm>> -> memref<1024xi32, #tpu.memory_space<hbm>>
      tpu.wait_dma2 semaphore(%run_scoped3A_35 : memref<!tpu.dma_semaphore, #tpu.memory_space<semaphore_mem>>) src(%dma_wait3A_58 : memref<1024xi32, #tpu.memory_space<hbm>>) dst(%dma_wait3A_55 : memref<1024xi32, #tpu.memory_space<vmem>>)
      tpu.yield
    }) : () -> ()
    %mul3A_3 = arith.constant 64 : i32
    %mul3A_4 = arith.muli %arg1, %mul3A_3 : i32
    %run_scoped3A_5 = arith.constant 0 : i32
    "tpu.region"() ({
      %run_scoped3A_35 = tpu.sem_alloc : memref<!tpu.dma_semaphore, #tpu.memory_space<semaphore_mem>>
      %dma_start3A_36 = arith.constant 0 : i32
      %dma_start3A_37 = arith.constant 0 : i32
      %dma_start3A_38 = tpu.memref_slice %arg9[%run_scoped3A_5, %dma_start3A_36, %dma_start3A_37] : memref<2x128x64xf32, #tpu.memory_space<vmem>> -> memref<1x128x64xf32, #tpu.memory_space<vmem>>
      %dma_start3A_39 = tpu.memref_squeeze %dma_start3A_38 : memref<1x128x64xf32, #tpu.memory_space<vmem>> -> memref<128x64xf32, #tpu.memory_space<vmem>>
      %dma_start3A_40 = arith.constant 0 : i32
      %dma_start3A_41 = tpu.memref_slice %arg4[%arg0, %dma_start3A_40, %mul3A_4] : memref<2x2048x1024xf32, #tpu.memory_space<hbm>> -> memref<1x128x64xf32, #tpu.memory_space<hbm>>
      %dma_start3A_42 = tpu.memref_squeeze %dma_start3A_41 : memref<1x128x64xf32, #tpu.memory_space<hbm>> -> memref<128x64xf32, #tpu.memory_space<hbm>>
      %dma_start3A_43 = arith.constant 0 : i32
      %dma_start3A_44 = arith.constant 0 : i32
      %dma_start3A_45 = tpu.memref_slice %arg9[%run_scoped3A_5, %dma_start3A_43, %dma_start3A_44] : memref<2x128x64xf32, #tpu.memory_space<vmem>> -> memref<1x128x64xf32, #tpu.memory_space<vmem>>
      %dma_start3A_46 = tpu.memref_squeeze %dma_start3A_45 : memref<1x128x64xf32, #tpu.memory_space<vmem>> -> memref<128x64xf32, #tpu.memory_space<vmem>>
      %dma_start3A_47 = arith.constant 0 : i32
      %dma_start3A_48 = tpu.memref_slice %arg4[%arg0, %dma_start3A_47, %mul3A_4] : memref<2x2048x1024xf32, #tpu.memory_space<hbm>> -> memref<1x128x64xf32, #tpu.memory_space<hbm>>
      %dma_start3A_49 = tpu.memref_squeeze %dma_start3A_48 : memref<1x128x64xf32, #tpu.memory_space<hbm>> -> memref<128x64xf32, #tpu.memory_space<hbm>>
      tpu.enqueue_dma source(%dma_start3A_49 : memref<128x64xf32, #tpu.memory_space<hbm>>) target(%dma_start3A_46 : memref<128x64xf32, #tpu.memory_space<vmem>>) target_semaphore(%run_scoped3A_35 : memref<!tpu.dma_semaphore, #tpu.memory_space<semaphore_mem>>)
      %dma_wait3A = arith.constant 0 : i32
      %dma_wait3A_50 = arith.constant 0 : i32
      %dma_wait3A_51 = tpu.memref_slice %arg9[%run_scoped3A_5, %dma_wait3A, %dma_wait3A_50] : memref<2x128x64xf32, #tpu.memory_space<vmem>> -> memref<1x128x64xf32, #tpu.memory_space<vmem>>
      %dma_wait3A_52 = tpu.memref_squeeze %dma_wait3A_51 : memref<1x128x64xf32, #tpu.memory_space<vmem>> -> memref<128x64xf32, #tpu.memory_space<vmem>>
      %dma_wait3A_53 = arith.constant 0 : i32
      %dma_wait3A_54 = tpu.memref_slice %arg4[%arg0, %dma_wait3A_53, %mul3A_4] : memref<2x2048x1024xf32, #tpu.memory_space<hbm>> -> memref<1x128x64xf32, #tpu.memory_space<hbm>>
      %dma_wait3A_55 = tpu.memref_squeeze %dma_wait3A_54 : memref<1x128x64xf32, #tpu.memory_space<hbm>> -> memref<128x64xf32, #tpu.memory_space<hbm>>
      %dma_wait3A_56 = arith.constant 0 : i32
      %dma_wait3A_57 = arith.constant 0 : i32
      %dma_wait3A_58 = tpu.memref_slice %arg9[%run_scoped3A_5, %dma_wait3A_56, %dma_wait3A_57] : memref<2x128x64xf32, #tpu.memory_space<vmem>> -> memref<1x128x64xf32, #tpu.memory_space<vmem>>
      %dma_wait3A_59 = tpu.memref_squeeze %dma_wait3A_58 : memref<1x128x64xf32, #tpu.memory_space<vmem>> -> memref<128x64xf32, #tpu.memory_space<vmem>>
      %dma_wait3A_60 = arith.constant 0 : i32
      %dma_wait3A_61 = tpu.memref_slice %arg4[%arg0, %dma_wait3A_60, %mul3A_4] : memref<2x2048x1024xf32, #tpu.memory_space<hbm>> -> memref<1x128x64xf32, #tpu.memory_space<hbm>>
      %dma_wait3A_62 = tpu.memref_squeeze %dma_wait3A_61 : memref<1x128x64xf32, #tpu.memory_space<hbm>> -> memref<128x64xf32, #tpu.memory_space<hbm>>
      tpu.wait_dma2 semaphore(%run_scoped3A_35 : memref<!tpu.dma_semaphore, #tpu.memory_space<semaphore_mem>>) src(%dma_wait3A_62 : memref<128x64xf32, #tpu.memory_space<hbm>>) dst(%dma_wait3A_59 : memref<128x64xf32, #tpu.memory_space<vmem>>)
      tpu.yield
    }) : () -> ()
    %dma_start3A = arith.constant 0 : i32
    %dma_start3A_6 = arith.constant 0 : i32
    %dma_start3A_7 = arith.constant 0 : i32
    %dma_start3A_8 = arith.constant 0 : i32
    %dma_start3A_9 = tpu.memref_slice %arg10[%dma_start3A_6, %dma_start3A_7, %dma_start3A_8] : memref<2x128x64xbf16, #tpu.memory_space<vmem>> -> memref<1x128x64xbf16, #tpu.memory_space<vmem>>
    %dma_start3A_10 = tpu.memref_squeeze %dma_start3A_9 : memref<1x128x64xbf16, #tpu.memory_space<vmem>> -> memref<128x64xbf16, #tpu.memory_space<vmem>>
    %dma_start3A_11 = arith.constant 0 : i32
    %dma_start3A_12 = tpu.memref_slice %arg8[%dma_start3A, %dma_start3A_11] : memref<2x1024xi32, #tpu.memory_space<vmem>> -> memref<1x128xi32, #tpu.memory_space<vmem>>
    %dma_start3A_13 = tpu.memref_squeeze %dma_start3A_12 : memref<1x128xi32, #tpu.memory_space<vmem>> -> memref<128xi32, #tpu.memory_space<vmem>>
    %dma_start3A_14 = arith.constant 0 : i32
    %dma_start3A_15 = arith.constant 0 : i32
    %dma_start3A_16 = tpu.memref_slice %arg2[%dma_start3A_14, %dma_start3A_15] : memref<131072x64xbf16, #tpu.memory_space<hbm>> -> memref<131072x64xbf16, #tpu.memory_space<hbm>>
    tpu.enqueue_indirect_dma source(%dma_start3A_16 : memref<131072x64xbf16, #tpu.memory_space<hbm>>) target(%dma_start3A_10 : memref<128x64xbf16, #tpu.memory_space<vmem>>) offsets(%dma_start3A_13 : memref<128xi32, #tpu.memory_space<vmem>>) semaphore(%arg15 : memref<!tpu.dma_semaphore, #tpu.memory_space<semaphore_mem>>)
    %dma_start3A_17 = arith.constant 0 : i32
    %dma_start3A_18 = arith.constant 0 : i32
    %dma_start3A_19 = arith.constant 0 : i32
    %dma_start3A_20 = arith.constant 0 : i32
    %dma_start3A_21 = tpu.memref_slice %arg11[%dma_start3A_18, %dma_start3A_19, %dma_start3A_20] : memref<2x128x64xbf16, #tpu.memory_space<vmem>> -> memref<1x128x64xbf16, #tpu.memory_space<vmem>>
    %dma_start3A_22 = tpu.memref_squeeze %dma_start3A_21 : memref<1x128x64xbf16, #tpu.memory_space<vmem>> -> memref<128x64xbf16, #tpu.memory_space<vmem>>
    %dma_start3A_23 = arith.constant 0 : i32
    %dma_start3A_24 = tpu.memref_slice %arg8[%dma_start3A_17, %dma_start3A_23] : memref<2x1024xi32, #tpu.memory_space<vmem>> -> memref<1x128xi32, #tpu.memory_space<vmem>>
    %dma_start3A_25 = tpu.memref_squeeze %dma_start3A_24 : memref<1x128xi32, #tpu.memory_space<vmem>> -> memref<128xi32, #tpu.memory_space<vmem>>
    %dma_start3A_26 = arith.constant 0 : i32
    %dma_start3A_27 = arith.constant 0 : i32
    %dma_start3A_28 = tpu.memref_slice %arg3[%dma_start3A_26, %dma_start3A_27] : memref<131072x64xbf16, #tpu.memory_space<hbm>> -> memref<131072x64xbf16, #tpu.memory_space<hbm>>
    tpu.enqueue_indirect_dma source(%dma_start3A_28 : memref<131072x64xbf16, #tpu.memory_space<hbm>>) target(%dma_start3A_22 : memref<128x64xbf16, #tpu.memory_space<vmem>>) offsets(%dma_start3A_25 : memref<128xi32, #tpu.memory_space<vmem>>) semaphore(%arg17 : memref<!tpu.dma_semaphore, #tpu.memory_space<semaphore_mem>>)
    %scan3A = arith.constant 0 : i32
    %scan3A_29 = arith.constant 0 : i32
    %scan3A_30 = arith.constant 128 : i32
    %scan3A_31 = arith.addi %scan3A_29, %scan3A_30 : i32
    %scan3A_32 = arith.constant 1 : i32
    %scan3A_33 = scf.for %scan3A_35 = %scan3A_29 to %scan3A_31 step %scan3A_32 iter_args(%scan3A_36 = %scan3A) -> (i32)  : i32 {
      %jit3A = arith.constant 8 : i32
      %div3A = arith.divsi %scan3A_35, %jit3A : i32
      %sign3A = arith.constant 0 : i32
      %sign3A_37 = arith.cmpi sgt, %scan3A_35, %sign3A : i32
      %sign3A_38 = arith.extui %sign3A_37 : i1 to i32
      %sign3A_39 = arith.constant 0 : i32
      %sign3A_40 = arith.cmpi slt, %scan3A_35, %sign3A_39 : i32
      %sign3A_41 = arith.extui %sign3A_40 : i1 to i32
      %sign3A_42 = arith.subi %sign3A_38, %sign3A_41 : i32
      %sign3A_43 = arith.constant 0 : i32
      %sign3A_44 = arith.cmpi sgt, %jit3A, %sign3A_43 : i32
      %sign3A_45 = arith.extui %sign3A_44 : i1 to i32
      %sign3A_46 = arith.constant 0 : i32
      %sign3A_47 = arith.cmpi slt, %jit3A, %sign3A_46 : i32
      %sign3A_48 = arith.extui %sign3A_47 : i1 to i32
      %sign3A_49 = arith.subi %sign3A_45, %sign3A_48 : i32
      %ne3A = arith.cmpi ne, %sign3A_42, %sign3A_49 : i32
      %rem3A = arith.remsi %scan3A_35, %jit3A : i32
      %ne3A_50 = arith.constant 0 : i32
      %ne3A_51 = arith.cmpi ne, %rem3A, %ne3A_50 : i32
      %and3A = arith.andi %ne3A, %ne3A_51 : i1
      %sub3A = arith.constant 1 : i32
      %sub3A_52 = arith.subi %div3A, %sub3A : i32
      %select_n3A = arith.select %and3A, %sub3A_52, %div3A : i32
      %and3A_53 = arith.constant 1 : i32
      %and3A_54 = arith.andi %select_n3A, %and3A_53 : i32
      %jit3A_55 = arith.constant 8 : i32
      %eq3A_56 = arith.constant 0 : i32
      %eq3A_57 = arith.cmpi eq, %jit3A_55, %eq3A_56 : i32
      %jit3A_58 = arith.constant 1 : i32
      %select_n3A_59 = arith.select %eq3A_57, %jit3A_58, %jit3A_55 : i32
      %rem3A_60 = arith.remsi %scan3A_35, %select_n3A_59 : i32
      %ne3A_61 = arith.constant 0 : i32
      %ne3A_62 = arith.cmpi ne, %rem3A_60, %ne3A_61 : i32
      %lt3A = arith.constant 0 : i32
      %lt3A_63 = arith.cmpi slt, %rem3A_60, %lt3A : i32
      %lt3A_64 = arith.constant 0 : i32
      %lt3A_65 = arith.cmpi slt, %select_n3A_59, %lt3A_64 : i32
      %ne3A_66 = arith.xori %lt3A_63, %lt3A_65 : i1
      %and3A_67 = arith.andi %ne3A_66, %ne3A_62 : i1
      %add3A_68 = arith.addi %rem3A_60, %select_n3A_59 : i32
      %select_n3A_69 = arith.select %and3A_67, %add3A_68, %rem3A_60 : i32
      %and3A_70 = arith.constant 1 : i32
      %and3A_71 = arith.andi %scan3A_35, %and3A_70 : i32
      %add3A_72 = arith.constant 1 : i32
      %add3A_73 = arith.addi %scan3A_35, %add3A_72 : i32
      %lt3A_74 = arith.constant 128 : i32
      %lt3A_75 = arith.cmpi slt, %add3A_73, %lt3A_74 : i32
      %convert_element_type3A = arith.extui %lt3A_75 : i1 to i32
      %cond3A = arith.constant 0 : i32
      %cond3A_76 = arith.cmpi ne, %convert_element_type3A, %cond3A : i32
      scf.if %cond3A_76 {
        %eq3A_277 = arith.constant 7 : i32
        %eq3A_278 = arith.cmpi eq, %select_n3A_69, %eq3A_277 : i32
        %convert_element_type3A_279 = arith.extui %eq3A_278 : i1 to i32
        %cond3A_280 = arith.constant 0 : i32
        %cond3A_281 = arith.cmpi ne, %convert_element_type3A_279, %cond3A_280 : i32
        scf.if %cond3A_281 {
          %add3A_372 = arith.constant 1 : i32
          %add3A_373 = arith.addi %scan3A_35, %add3A_372 : i32
          %jit3A_374 = arith.constant 8 : i32
          %div3A_375 = arith.divsi %add3A_373, %jit3A_374 : i32
          %sign3A_376 = arith.constant 0 : i32
          %sign3A_377 = arith.cmpi sgt, %add3A_373, %sign3A_376 : i32
          %sign3A_378 = arith.extui %sign3A_377 : i1 to i32
          %sign3A_379 = arith.constant 0 : i32
          %sign3A_380 = arith.cmpi slt, %add3A_373, %sign3A_379 : i32
          %sign3A_381 = arith.extui %sign3A_380 : i1 to i32
          %sign3A_382 = arith.subi %sign3A_378, %sign3A_381 : i32
          %sign3A_383 = arith.constant 0 : i32
          %sign3A_384 = arith.cmpi sgt, %jit3A_374, %sign3A_383 : i32
          %sign3A_385 = arith.extui %sign3A_384 : i1 to i32
          %sign3A_386 = arith.constant 0 : i32
          %sign3A_387 = arith.cmpi slt, %jit3A_374, %sign3A_386 : i32
          %sign3A_388 = arith.extui %sign3A_387 : i1 to i32
          %sign3A_389 = arith.subi %sign3A_385, %sign3A_388 : i32
          %ne3A_390 = arith.cmpi ne, %sign3A_382, %sign3A_389 : i32
          %rem3A_391 = arith.remsi %add3A_373, %jit3A_374 : i32
          %ne3A_392 = arith.constant 0 : i32
          %ne3A_393 = arith.cmpi ne, %rem3A_391, %ne3A_392 : i32
          %and3A_394 = arith.andi %ne3A_390, %ne3A_393 : i1
          %sub3A_395 = arith.constant 1 : i32
          %sub3A_396 = arith.subi %div3A_375, %sub3A_395 : i32
          %select_n3A_397 = arith.select %and3A_394, %sub3A_396, %div3A_375 : i32
          %and3A_398 = arith.constant 1 : i32
          %and3A_399 = arith.andi %select_n3A_397, %and3A_398 : i32
          %mul3A_400 = arith.constant 128 : i32
          %mul3A_401 = arith.muli %select_n3A_397, %mul3A_400 : i32
          %mul3A_402 = arith.constant 8 : i32
          %mul3A_403 = arith.muli %mul3A_401, %mul3A_402 : i32
          "tpu.region"() ({
            %run_scoped3A_408 = tpu.sem_alloc : memref<!tpu.dma_semaphore, #tpu.memory_space<semaphore_mem>>
            %dma_start3A_409 = arith.constant 0 : i32
            %dma_start3A_410 = tpu.memref_slice %arg8[%and3A_399, %dma_start3A_409] : memref<2x1024xi32, #tpu.memory_space<vmem>> -> memref<1x1024xi32, #tpu.memory_space<vmem>>
            %dma_start3A_411 = tpu.memref_squeeze %dma_start3A_410 : memref<1x1024xi32, #tpu.memory_space<vmem>> -> memref<1024xi32, #tpu.memory_space<vmem>>
            %dma_start3A_412 = tpu.memref_slice %arg5[%add3A, %mul3A_403] : memref<32x16384xi32, #tpu.memory_space<hbm>> -> memref<1x1024xi32, #tpu.memory_space<hbm>>
            %dma_start3A_413 = tpu.memref_squeeze %dma_start3A_412 : memref<1x1024xi32, #tpu.memory_space<hbm>> -> memref<1024xi32, #tpu.memory_space<hbm>>
            %dma_start3A_414 = arith.constant 0 : i32
            %dma_start3A_415 = tpu.memref_slice %arg8[%and3A_399, %dma_start3A_414] : memref<2x1024xi32, #tpu.memory_space<vmem>> -> memref<1x1024xi32, #tpu.memory_space<vmem>>
            %dma_start3A_416 = tpu.memref_squeeze %dma_start3A_415 : memref<1x1024xi32, #tpu.memory_space<vmem>> -> memref<1024xi32, #tpu.memory_space<vmem>>
            %dma_start3A_417 = tpu.memref_slice %arg5[%add3A, %mul3A_403] : memref<32x16384xi32, #tpu.memory_space<hbm>> -> memref<1x1024xi32, #tpu.memory_space<hbm>>
            %dma_start3A_418 = tpu.memref_squeeze %dma_start3A_417 : memref<1x1024xi32, #tpu.memory_space<hbm>> -> memref<1024xi32, #tpu.memory_space<hbm>>
            tpu.enqueue_dma source(%dma_start3A_418 : memref<1024xi32, #tpu.memory_space<hbm>>) target(%dma_start3A_416 : memref<1024xi32, #tpu.memory_space<vmem>>) target_semaphore(%run_scoped3A_408 : memref<!tpu.dma_semaphore, #tpu.memory_space<semaphore_mem>>)
            %dma_wait3A = arith.constant 0 : i32
            %dma_wait3A_419 = tpu.memref_slice %arg8[%and3A_399, %dma_wait3A] : memref<2x1024xi32, #tpu.memory_space<vmem>> -> memref<1x1024xi32, #tpu.memory_space<vmem>>
            %dma_wait3A_420 = tpu.memref_squeeze %dma_wait3A_419 : memref<1x1024xi32, #tpu.memory_space<vmem>> -> memref<1024xi32, #tpu.memory_space<vmem>>
            %dma_wait3A_421 = tpu.memref_slice %arg5[%add3A, %mul3A_403] : memref<32x16384xi32, #tpu.memory_space<hbm>> -> memref<1x1024xi32, #tpu.memory_space<hbm>>
            %dma_wait3A_422 = tpu.memref_squeeze %dma_wait3A_421 : memref<1x1024xi32, #tpu.memory_space<hbm>> -> memref<1024xi32, #tpu.memory_space<hbm>>
            %dma_wait3A_423 = arith.constant 0 : i32
            %dma_wait3A_424 = tpu.memref_slice %arg8[%and3A_399, %dma_wait3A_423] : memref<2x1024xi32, #tpu.memory_space<vmem>> -> memref<1x1024xi32, #tpu.memory_space<vmem>>
            %dma_wait3A_425 = tpu.memref_squeeze %dma_wait3A_424 : memref<1x1024xi32, #tpu.memory_space<vmem>> -> memref<1024xi32, #tpu.memory_space<vmem>>
            %dma_wait3A_426 = tpu.memref_slice %arg5[%add3A, %mul3A_403] : memref<32x16384xi32, #tpu.memory_space<hbm>> -> memref<1x1024xi32, #tpu.memory_space<hbm>>
            %dma_wait3A_427 = tpu.memref_squeeze %dma_wait3A_426 : memref<1x1024xi32, #tpu.memory_space<hbm>> -> memref<1024xi32, #tpu.memory_space<hbm>>
            tpu.wait_dma2 semaphore(%run_scoped3A_408 : memref<!tpu.dma_semaphore, #tpu.memory_space<semaphore_mem>>) src(%dma_wait3A_427 : memref<1024xi32, #tpu.memory_space<hbm>>) dst(%dma_wait3A_425 : memref<1024xi32, #tpu.memory_space<vmem>>)
            tpu.yield
          }) : () -> ()
          %mul3A_404 = arith.constant 128 : i32
          %mul3A_405 = arith.muli %select_n3A_397, %mul3A_404 : i32
          %mul3A_406 = arith.constant 64 : i32
          %mul3A_407 = arith.muli %arg1, %mul3A_406 : i32
          "tpu.region"() ({
            %run_scoped3A_408 = tpu.sem_alloc : memref<!tpu.dma_semaphore, #tpu.memory_space<semaphore_mem>>
            %dma_start3A_409 = arith.constant 0 : i32
            %dma_start3A_410 = arith.constant 0 : i32
            %dma_start3A_411 = tpu.memref_slice %arg9[%and3A_399, %dma_start3A_409, %dma_start3A_410] : memref<2x128x64xf32, #tpu.memory_space<vmem>> -> memref<1x128x64xf32, #tpu.memory_space<vmem>>
            %dma_start3A_412 = tpu.memref_squeeze %dma_start3A_411 : memref<1x128x64xf32, #tpu.memory_space<vmem>> -> memref<128x64xf32, #tpu.memory_space<vmem>>
            %dma_start3A_413 = tpu.memref_slice %arg4[%arg0, %mul3A_405, %mul3A_407] : memref<2x2048x1024xf32, #tpu.memory_space<hbm>> -> memref<1x128x64xf32, #tpu.memory_space<hbm>>
            %dma_start3A_414 = tpu.memref_squeeze %dma_start3A_413 : memref<1x128x64xf32, #tpu.memory_space<hbm>> -> memref<128x64xf32, #tpu.memory_space<hbm>>
            %dma_start3A_415 = arith.constant 0 : i32
            %dma_start3A_416 = arith.constant 0 : i32
            %dma_start3A_417 = tpu.memref_slice %arg9[%and3A_399, %dma_start3A_415, %dma_start3A_416] : memref<2x128x64xf32, #tpu.memory_space<vmem>> -> memref<1x128x64xf32, #tpu.memory_space<vmem>>
            %dma_start3A_418 = tpu.memref_squeeze %dma_start3A_417 : memref<1x128x64xf32, #tpu.memory_space<vmem>> -> memref<128x64xf32, #tpu.memory_space<vmem>>
            %dma_start3A_419 = tpu.memref_slice %arg4[%arg0, %mul3A_405, %mul3A_407] : memref<2x2048x1024xf32, #tpu.memory_space<hbm>> -> memref<1x128x64xf32, #tpu.memory_space<hbm>>
            %dma_start3A_420 = tpu.memref_squeeze %dma_start3A_419 : memref<1x128x64xf32, #tpu.memory_space<hbm>> -> memref<128x64xf32, #tpu.memory_space<hbm>>
            tpu.enqueue_dma source(%dma_start3A_420 : memref<128x64xf32, #tpu.memory_space<hbm>>) target(%dma_start3A_418 : memref<128x64xf32, #tpu.memory_space<vmem>>) target_semaphore(%run_scoped3A_408 : memref<!tpu.dma_semaphore, #tpu.memory_space<semaphore_mem>>)
            %dma_wait3A = arith.constant 0 : i32
            %dma_wait3A_421 = arith.constant 0 : i32
            %dma_wait3A_422 = tpu.memref_slice %arg9[%and3A_399, %dma_wait3A, %dma_wait3A_421] : memref<2x128x64xf32, #tpu.memory_space<vmem>> -> memref<1x128x64xf32, #tpu.memory_space<vmem>>
            %dma_wait3A_423 = tpu.memref_squeeze %dma_wait3A_422 : memref<1x128x64xf32, #tpu.memory_space<vmem>> -> memref<128x64xf32, #tpu.memory_space<vmem>>
            %dma_wait3A_424 = tpu.memref_slice %arg4[%arg0, %mul3A_405, %mul3A_407] : memref<2x2048x1024xf32, #tpu.memory_space<hbm>> -> memref<1x128x64xf32, #tpu.memory_space<hbm>>
            %dma_wait3A_425 = tpu.memref_squeeze %dma_wait3A_424 : memref<1x128x64xf32, #tpu.memory_space<hbm>> -> memref<128x64xf32, #tpu.memory_space<hbm>>
            %dma_wait3A_426 = arith.constant 0 : i32
            %dma_wait3A_427 = arith.constant 0 : i32
            %dma_wait3A_428 = tpu.memref_slice %arg9[%and3A_399, %dma_wait3A_426, %dma_wait3A_427] : memref<2x128x64xf32, #tpu.memory_space<vmem>> -> memref<1x128x64xf32, #tpu.memory_space<vmem>>
            %dma_wait3A_429 = tpu.memref_squeeze %dma_wait3A_428 : memref<1x128x64xf32, #tpu.memory_space<vmem>> -> memref<128x64xf32, #tpu.memory_space<vmem>>
            %dma_wait3A_430 = tpu.memref_slice %arg4[%arg0, %mul3A_405, %mul3A_407] : memref<2x2048x1024xf32, #tpu.memory_space<hbm>> -> memref<1x128x64xf32, #tpu.memory_space<hbm>>
            %dma_wait3A_431 = tpu.memref_squeeze %dma_wait3A_430 : memref<1x128x64xf32, #tpu.memory_space<hbm>> -> memref<128x64xf32, #tpu.memory_space<hbm>>
            tpu.wait_dma2 semaphore(%run_scoped3A_408 : memref<!tpu.dma_semaphore, #tpu.memory_space<semaphore_mem>>) src(%dma_wait3A_431 : memref<128x64xf32, #tpu.memory_space<hbm>>) dst(%dma_wait3A_429 : memref<128x64xf32, #tpu.memory_space<vmem>>)
            tpu.yield
          }) : () -> ()
        } else {
        }
        %add3A_282 = arith.constant 1 : i32
        %add3A_283 = arith.addi %scan3A_35, %add3A_282 : i32
        %jit3A_284 = arith.constant 8 : i32
        %div3A_285 = arith.divsi %add3A_283, %jit3A_284 : i32
        %sign3A_286 = arith.constant 0 : i32
        %sign3A_287 = arith.cmpi sgt, %add3A_283, %sign3A_286 : i32
        %sign3A_288 = arith.extui %sign3A_287 : i1 to i32
        %sign3A_289 = arith.constant 0 : i32
        %sign3A_290 = arith.cmpi slt, %add3A_283, %sign3A_289 : i32
        %sign3A_291 = arith.extui %sign3A_290 : i1 to i32
        %sign3A_292 = arith.subi %sign3A_288, %sign3A_291 : i32
        %sign3A_293 = arith.constant 0 : i32
        %sign3A_294 = arith.cmpi sgt, %jit3A_284, %sign3A_293 : i32
        %sign3A_295 = arith.extui %sign3A_294 : i1 to i32
        %sign3A_296 = arith.constant 0 : i32
        %sign3A_297 = arith.cmpi slt, %jit3A_284, %sign3A_296 : i32
        %sign3A_298 = arith.extui %sign3A_297 : i1 to i32
        %sign3A_299 = arith.subi %sign3A_295, %sign3A_298 : i32
        %ne3A_300 = arith.cmpi ne, %sign3A_292, %sign3A_299 : i32
        %rem3A_301 = arith.remsi %add3A_283, %jit3A_284 : i32
        %ne3A_302 = arith.constant 0 : i32
        %ne3A_303 = arith.cmpi ne, %rem3A_301, %ne3A_302 : i32
        %and3A_304 = arith.andi %ne3A_300, %ne3A_303 : i1
        %sub3A_305 = arith.constant 1 : i32
        %sub3A_306 = arith.subi %div3A_285, %sub3A_305 : i32
        %select_n3A_307 = arith.select %and3A_304, %sub3A_306, %div3A_285 : i32
        %and3A_308 = arith.constant 1 : i32
        %and3A_309 = arith.andi %select_n3A_307, %and3A_308 : i32
        %jit3A_310 = arith.constant 8 : i32
        %eq3A_311 = arith.constant 0 : i32
        %eq3A_312 = arith.cmpi eq, %jit3A_310, %eq3A_311 : i32
        %jit3A_313 = arith.constant 1 : i32
        %select_n3A_314 = arith.select %eq3A_312, %jit3A_313, %jit3A_310 : i32
        %rem3A_315 = arith.remsi %add3A_283, %select_n3A_314 : i32
        %ne3A_316 = arith.constant 0 : i32
        %ne3A_317 = arith.cmpi ne, %rem3A_315, %ne3A_316 : i32
        %lt3A_318 = arith.constant 0 : i32
        %lt3A_319 = arith.cmpi slt, %rem3A_315, %lt3A_318 : i32
        %lt3A_320 = arith.constant 0 : i32
        %lt3A_321 = arith.cmpi slt, %select_n3A_314, %lt3A_320 : i32
        %ne3A_322 = arith.xori %lt3A_319, %lt3A_321 : i1
        %and3A_323 = arith.andi %ne3A_322, %ne3A_317 : i1
        %add3A_324 = arith.addi %rem3A_315, %select_n3A_314 : i32
        %select_n3A_325 = arith.select %and3A_323, %add3A_324, %rem3A_315 : i32
        %mul3A_326 = arith.constant 16 : i32
        %mul3A_327 = arith.muli %select_n3A_325, %mul3A_326 : i32
        %mul3A_328 = arith.constant 8 : i32
        %mul3A_329 = arith.muli %mul3A_327, %mul3A_328 : i32
        %jit3A_330 = arith.constant 2 : i32
        %eq3A_331 = arith.constant 0 : i32
        %eq3A_332 = arith.cmpi eq, %jit3A_330, %eq3A_331 : i32
        %jit3A_333 = arith.constant 1 : i32
        %select_n3A_334 = arith.select %eq3A_332, %jit3A_333, %jit3A_330 : i32
        %rem3A_335 = arith.remsi %add3A_283, %select_n3A_334 : i32
        %ne3A_336 = arith.constant 0 : i32
        %ne3A_337 = arith.cmpi ne, %rem3A_335, %ne3A_336 : i32
        %lt3A_338 = arith.constant 0 : i32
        %lt3A_339 = arith.cmpi slt, %rem3A_335, %lt3A_338 : i32
        %lt3A_340 = arith.constant 0 : i32
        %lt3A_341 = arith.cmpi slt, %select_n3A_334, %lt3A_340 : i32
        %ne3A_342 = arith.xori %lt3A_339, %lt3A_341 : i1
        %and3A_343 = arith.andi %ne3A_342, %ne3A_337 : i1
        %add3A_344 = arith.addi %rem3A_335, %select_n3A_334 : i32
        %select_n3A_345 = arith.select %and3A_343, %add3A_344, %rem3A_335 : i32
        %eq3A_346 = arith.constant 0 : i32
        %eq3A_347 = arith.cmpi eq, %select_n3A_345, %eq3A_346 : i32
        %convert_element_type3A_348 = arith.extui %eq3A_347 : i1 to i32
        %cond3A_349 = arith.constant 0 : i32
        %cond3A_350 = arith.cmpi ne, %convert_element_type3A_348, %cond3A_349 : i32
        scf.if %cond3A_350 {
          %dma_start3A_372 = arith.constant 0 : i32
          %dma_start3A_373 = arith.constant 0 : i32
          %dma_start3A_374 = arith.constant 0 : i32
          %dma_start3A_375 = tpu.memref_slice %arg10[%dma_start3A_372, %dma_start3A_373, %dma_start3A_374] : memref<2x128x64xbf16, #tpu.memory_space<vmem>> -> memref<1x128x64xbf16, #tpu.memory_space<vmem>>
          %dma_start3A_376 = tpu.memref_squeeze %dma_start3A_375 : memref<1x128x64xbf16, #tpu.memory_space<vmem>> -> memref<128x64xbf16, #tpu.memory_space<vmem>>
          %dma_start3A_377 = tpu.memref_slice %arg8[%and3A_309, %mul3A_329] : memref<2x1024xi32, #tpu.memory_space<vmem>> -> memref<1x128xi32, #tpu.memory_space<vmem>>
          %dma_start3A_378 = tpu.memref_squeeze %dma_start3A_377 : memref<1x128xi32, #tpu.memory_space<vmem>> -> memref<128xi32, #tpu.memory_space<vmem>>
          %dma_start3A_379 = arith.constant 0 : i32
          %dma_start3A_380 = arith.constant 0 : i32
          %dma_start3A_381 = tpu.memref_slice %arg2[%dma_start3A_379, %dma_start3A_380] : memref<131072x64xbf16, #tpu.memory_space<hbm>> -> memref<131072x64xbf16, #tpu.memory_space<hbm>>
          tpu.enqueue_indirect_dma source(%dma_start3A_381 : memref<131072x64xbf16, #tpu.memory_space<hbm>>) target(%dma_start3A_376 : memref<128x64xbf16, #tpu.memory_space<vmem>>) offsets(%dma_start3A_378 : memref<128xi32, #tpu.memory_space<vmem>>) semaphore(%arg15 : memref<!tpu.dma_semaphore, #tpu.memory_space<semaphore_mem>>)
          %dma_start3A_382 = arith.constant 0 : i32
          %dma_start3A_383 = arith.constant 0 : i32
          %dma_start3A_384 = arith.constant 0 : i32
          %dma_start3A_385 = tpu.memref_slice %arg11[%dma_start3A_382, %dma_start3A_383, %dma_start3A_384] : memref<2x128x64xbf16, #tpu.memory_space<vmem>> -> memref<1x128x64xbf16, #tpu.memory_space<vmem>>
          %dma_start3A_386 = tpu.memref_squeeze %dma_start3A_385 : memref<1x128x64xbf16, #tpu.memory_space<vmem>> -> memref<128x64xbf16, #tpu.memory_space<vmem>>
          %dma_start3A_387 = tpu.memref_slice %arg8[%and3A_309, %mul3A_329] : memref<2x1024xi32, #tpu.memory_space<vmem>> -> memref<1x128xi32, #tpu.memory_space<vmem>>
          %dma_start3A_388 = tpu.memref_squeeze %dma_start3A_387 : memref<1x128xi32, #tpu.memory_space<vmem>> -> memref<128xi32, #tpu.memory_space<vmem>>
          %dma_start3A_389 = arith.constant 0 : i32
          %dma_start3A_390 = arith.constant 0 : i32
          %dma_start3A_391 = tpu.memref_slice %arg3[%dma_start3A_389, %dma_start3A_390] : memref<131072x64xbf16, #tpu.memory_space<hbm>> -> memref<131072x64xbf16, #tpu.memory_space<hbm>>
          tpu.enqueue_indirect_dma source(%dma_start3A_391 : memref<131072x64xbf16, #tpu.memory_space<hbm>>) target(%dma_start3A_386 : memref<128x64xbf16, #tpu.memory_space<vmem>>) offsets(%dma_start3A_388 : memref<128xi32, #tpu.memory_space<vmem>>) semaphore(%arg17 : memref<!tpu.dma_semaphore, #tpu.memory_space<semaphore_mem>>)
        } else {
        }
        %jit3A_351 = arith.constant 2 : i32
        %eq3A_352 = arith.constant 0 : i32
        %eq3A_353 = arith.cmpi eq, %jit3A_351, %eq3A_352 : i32
        %jit3A_354 = arith.constant 1 : i32
        %select_n3A_355 = arith.select %eq3A_353, %jit3A_354, %jit3A_351 : i32
        %rem3A_356 = arith.remsi %add3A_283, %select_n3A_355 : i32
        %ne3A_357 = arith.constant 0 : i32
        %ne3A_358 = arith.cmpi ne, %rem3A_356, %ne3A_357 : i32
        %lt3A_359 = arith.constant 0 : i32
        %lt3A_360 = arith.cmpi slt, %rem3A_356, %lt3A_359 : i32
        %lt3A_361 = arith.constant 0 : i32
        %lt3A_362 = arith.cmpi slt, %select_n3A_355, %lt3A_361 : i32
        %ne3A_363 = arith.xori %lt3A_360, %lt3A_362 : i1
        %and3A_364 = arith.andi %ne3A_363, %ne3A_358 : i1
        %add3A_365 = arith.addi %rem3A_356, %select_n3A_355 : i32
        %select_n3A_366 = arith.select %and3A_364, %add3A_365, %rem3A_356 : i32
        %eq3A_367 = arith.constant 1 : i32
        %eq3A_368 = arith.cmpi eq, %select_n3A_366, %eq3A_367 : i32
        %convert_element_type3A_369 = arith.extui %eq3A_368 : i1 to i32
        %cond3A_370 = arith.constant 0 : i32
        %cond3A_371 = arith.cmpi ne, %convert_element_type3A_369, %cond3A_370 : i32
        scf.if %cond3A_371 {
          %dma_start3A_372 = arith.constant 1 : i32
          %dma_start3A_373 = arith.constant 0 : i32
          %dma_start3A_374 = arith.constant 0 : i32
          %dma_start3A_375 = tpu.memref_slice %arg10[%dma_start3A_372, %dma_start3A_373, %dma_start3A_374] : memref<2x128x64xbf16, #tpu.memory_space<vmem>> -> memref<1x128x64xbf16, #tpu.memory_space<vmem>>
          %dma_start3A_376 = tpu.memref_squeeze %dma_start3A_375 : memref<1x128x64xbf16, #tpu.memory_space<vmem>> -> memref<128x64xbf16, #tpu.memory_space<vmem>>
          %dma_start3A_377 = tpu.memref_slice %arg8[%and3A_309, %mul3A_329] : memref<2x1024xi32, #tpu.memory_space<vmem>> -> memref<1x128xi32, #tpu.memory_space<vmem>>
          %dma_start3A_378 = tpu.memref_squeeze %dma_start3A_377 : memref<1x128xi32, #tpu.memory_space<vmem>> -> memref<128xi32, #tpu.memory_space<vmem>>
          %dma_start3A_379 = arith.constant 0 : i32
          %dma_start3A_380 = arith.constant 0 : i32
          %dma_start3A_381 = tpu.memref_slice %arg2[%dma_start3A_379, %dma_start3A_380] : memref<131072x64xbf16, #tpu.memory_space<hbm>> -> memref<131072x64xbf16, #tpu.memory_space<hbm>>
          tpu.enqueue_indirect_dma source(%dma_start3A_381 : memref<131072x64xbf16, #tpu.memory_space<hbm>>) target(%dma_start3A_376 : memref<128x64xbf16, #tpu.memory_space<vmem>>) offsets(%dma_start3A_378 : memref<128xi32, #tpu.memory_space<vmem>>) semaphore(%arg16 : memref<!tpu.dma_semaphore, #tpu.memory_space<semaphore_mem>>)
          %dma_start3A_382 = arith.constant 1 : i32
          %dma_start3A_383 = arith.constant 0 : i32
          %dma_start3A_384 = arith.constant 0 : i32
          %dma_start3A_385 = tpu.memref_slice %arg11[%dma_start3A_382, %dma_start3A_383, %dma_start3A_384] : memref<2x128x64xbf16, #tpu.memory_space<vmem>> -> memref<1x128x64xbf16, #tpu.memory_space<vmem>>
          %dma_start3A_386 = tpu.memref_squeeze %dma_start3A_385 : memref<1x128x64xbf16, #tpu.memory_space<vmem>> -> memref<128x64xbf16, #tpu.memory_space<vmem>>
          %dma_start3A_387 = tpu.memref_slice %arg8[%and3A_309, %mul3A_329] : memref<2x1024xi32, #tpu.memory_space<vmem>> -> memref<1x128xi32, #tpu.memory_space<vmem>>
          %dma_start3A_388 = tpu.memref_squeeze %dma_start3A_387 : memref<1x128xi32, #tpu.memory_space<vmem>> -> memref<128xi32, #tpu.memory_space<vmem>>
          %dma_start3A_389 = arith.constant 0 : i32
          %dma_start3A_390 = arith.constant 0 : i32
          %dma_start3A_391 = tpu.memref_slice %arg3[%dma_start3A_389, %dma_start3A_390] : memref<131072x64xbf16, #tpu.memory_space<hbm>> -> memref<131072x64xbf16, #tpu.memory_space<hbm>>
          tpu.enqueue_indirect_dma source(%dma_start3A_391 : memref<131072x64xbf16, #tpu.memory_space<hbm>>) target(%dma_start3A_386 : memref<128x64xbf16, #tpu.memory_space<vmem>>) offsets(%dma_start3A_388 : memref<128xi32, #tpu.memory_space<vmem>>) semaphore(%arg18 : memref<!tpu.dma_semaphore, #tpu.memory_space<semaphore_mem>>)
        } else {
        }
      } else {
      }
      %jit3A_77 = arith.constant 8 : i32
      %div3A_78 = arith.divsi %scan3A_35, %jit3A_77 : i32
      %sign3A_79 = arith.constant 0 : i32
      %sign3A_80 = arith.cmpi sgt, %scan3A_35, %sign3A_79 : i32
      %sign3A_81 = arith.extui %sign3A_80 : i1 to i32
      %sign3A_82 = arith.constant 0 : i32
      %sign3A_83 = arith.cmpi slt, %scan3A_35, %sign3A_82 : i32
      %sign3A_84 = arith.extui %sign3A_83 : i1 to i32
      %sign3A_85 = arith.subi %sign3A_81, %sign3A_84 : i32
      %sign3A_86 = arith.constant 0 : i32
      %sign3A_87 = arith.cmpi sgt, %jit3A_77, %sign3A_86 : i32
      %sign3A_88 = arith.extui %sign3A_87 : i1 to i32
      %sign3A_89 = arith.constant 0 : i32
      %sign3A_90 = arith.cmpi slt, %jit3A_77, %sign3A_89 : i32
      %sign3A_91 = arith.extui %sign3A_90 : i1 to i32
      %sign3A_92 = arith.subi %sign3A_88, %sign3A_91 : i32
      %ne3A_93 = arith.cmpi ne, %sign3A_85, %sign3A_92 : i32
      %rem3A_94 = arith.remsi %scan3A_35, %jit3A_77 : i32
      %ne3A_95 = arith.constant 0 : i32
      %ne3A_96 = arith.cmpi ne, %rem3A_94, %ne3A_95 : i32
      %and3A_97 = arith.andi %ne3A_93, %ne3A_96 : i1
      %sub3A_98 = arith.constant 1 : i32
      %sub3A_99 = arith.subi %div3A_78, %sub3A_98 : i32
      %select_n3A_100 = arith.select %and3A_97, %sub3A_99, %div3A_78 : i32
      %and3A_101 = arith.constant 1 : i32
      %and3A_102 = arith.andi %select_n3A_100, %and3A_101 : i32
      %jit3A_103 = arith.constant 8 : i32
      %eq3A_104 = arith.constant 0 : i32
      %eq3A_105 = arith.cmpi eq, %jit3A_103, %eq3A_104 : i32
      %jit3A_106 = arith.constant 1 : i32
      %select_n3A_107 = arith.select %eq3A_105, %jit3A_106, %jit3A_103 : i32
      %rem3A_108 = arith.remsi %scan3A_35, %select_n3A_107 : i32
      %ne3A_109 = arith.constant 0 : i32
      %ne3A_110 = arith.cmpi ne, %rem3A_108, %ne3A_109 : i32
      %lt3A_111 = arith.constant 0 : i32
      %lt3A_112 = arith.cmpi slt, %rem3A_108, %lt3A_111 : i32
      %lt3A_113 = arith.constant 0 : i32
      %lt3A_114 = arith.cmpi slt, %select_n3A_107, %lt3A_113 : i32
      %ne3A_115 = arith.xori %lt3A_112, %lt3A_114 : i1
      %and3A_116 = arith.andi %ne3A_115, %ne3A_110 : i1
      %add3A_117 = arith.addi %rem3A_108, %select_n3A_107 : i32
      %select_n3A_118 = arith.select %and3A_116, %add3A_117, %rem3A_108 : i32
      %mul3A_119 = arith.constant 16 : i32
      %mul3A_120 = arith.muli %select_n3A_118, %mul3A_119 : i32
      %mul3A_121 = arith.constant 8 : i32
      %mul3A_122 = arith.muli %mul3A_120, %mul3A_121 : i32
      %jit3A_123 = arith.constant 2 : i32
      %eq3A_124 = arith.constant 0 : i32
      %eq3A_125 = arith.cmpi eq, %jit3A_123, %eq3A_124 : i32
      %jit3A_126 = arith.constant 1 : i32
      %select_n3A_127 = arith.select %eq3A_125, %jit3A_126, %jit3A_123 : i32
      %rem3A_128 = arith.remsi %scan3A_35, %select_n3A_127 : i32
      %ne3A_129 = arith.constant 0 : i32
      %ne3A_130 = arith.cmpi ne, %rem3A_128, %ne3A_129 : i32
      %lt3A_131 = arith.constant 0 : i32
      %lt3A_132 = arith.cmpi slt, %rem3A_128, %lt3A_131 : i32
      %lt3A_133 = arith.constant 0 : i32
      %lt3A_134 = arith.cmpi slt, %select_n3A_127, %lt3A_133 : i32
      %ne3A_135 = arith.xori %lt3A_132, %lt3A_134 : i1
      %and3A_136 = arith.andi %ne3A_135, %ne3A_130 : i1
      %add3A_137 = arith.addi %rem3A_128, %select_n3A_127 : i32
      %select_n3A_138 = arith.select %and3A_136, %add3A_137, %rem3A_128 : i32
      %eq3A_139 = arith.constant 0 : i32
      %eq3A_140 = arith.cmpi eq, %select_n3A_138, %eq3A_139 : i32
      %convert_element_type3A_141 = arith.extui %eq3A_140 : i1 to i32
      %cond3A_142 = arith.constant 0 : i32
      %cond3A_143 = arith.cmpi ne, %convert_element_type3A_141, %cond3A_142 : i32
      scf.if %cond3A_143 {
        %dma_wait3A = arith.constant 0 : i32
        %dma_wait3A_277 = arith.constant 0 : i32
        %dma_wait3A_278 = arith.constant 0 : i32
        %dma_wait3A_279 = tpu.memref_slice %arg10[%dma_wait3A, %dma_wait3A_277, %dma_wait3A_278] : memref<2x128x64xbf16, #tpu.memory_space<vmem>> -> memref<1x128x64xbf16, #tpu.memory_space<vmem>>
        %dma_wait3A_280 = tpu.memref_squeeze %dma_wait3A_279 : memref<1x128x64xbf16, #tpu.memory_space<vmem>> -> memref<128x64xbf16, #tpu.memory_space<vmem>>
        %dma_wait3A_281 = tpu.memref_slice %arg8[%and3A_102, %mul3A_122] : memref<2x1024xi32, #tpu.memory_space<vmem>> -> memref<1x128xi32, #tpu.memory_space<vmem>>
        %dma_wait3A_282 = tpu.memref_squeeze %dma_wait3A_281 : memref<1x128xi32, #tpu.memory_space<vmem>> -> memref<128xi32, #tpu.memory_space<vmem>>
        %dma_wait3A_283 = arith.constant 0 : i32
        %dma_wait3A_284 = arith.constant 0 : i32
        %dma_wait3A_285 = tpu.memref_slice %arg2[%dma_wait3A_283, %dma_wait3A_284] : memref<131072x64xbf16, #tpu.memory_space<hbm>> -> memref<131072x64xbf16, #tpu.memory_space<hbm>>
        tpu.wait_indirect_dma semaphore(%arg15 : memref<!tpu.dma_semaphore, #tpu.memory_space<semaphore_mem>>) src(%dma_wait3A_285 : memref<131072x64xbf16, #tpu.memory_space<hbm>>) dst(%dma_wait3A_280 : memref<128x64xbf16, #tpu.memory_space<vmem>>)
        %dma_wait3A_286 = arith.constant 0 : i32
        %dma_wait3A_287 = arith.constant 0 : i32
        %dma_wait3A_288 = arith.constant 0 : i32
        %dma_wait3A_289 = tpu.memref_slice %arg11[%dma_wait3A_286, %dma_wait3A_287, %dma_wait3A_288] : memref<2x128x64xbf16, #tpu.memory_space<vmem>> -> memref<1x128x64xbf16, #tpu.memory_space<vmem>>
        %dma_wait3A_290 = tpu.memref_squeeze %dma_wait3A_289 : memref<1x128x64xbf16, #tpu.memory_space<vmem>> -> memref<128x64xbf16, #tpu.memory_space<vmem>>
        %dma_wait3A_291 = tpu.memref_slice %arg8[%and3A_102, %mul3A_122] : memref<2x1024xi32, #tpu.memory_space<vmem>> -> memref<1x128xi32, #tpu.memory_space<vmem>>
        %dma_wait3A_292 = tpu.memref_squeeze %dma_wait3A_291 : memref<1x128xi32, #tpu.memory_space<vmem>> -> memref<128xi32, #tpu.memory_space<vmem>>
        %dma_wait3A_293 = arith.constant 0 : i32
        %dma_wait3A_294 = arith.constant 0 : i32
        %dma_wait3A_295 = tpu.memref_slice %arg3[%dma_wait3A_293, %dma_wait3A_294] : memref<131072x64xbf16, #tpu.memory_space<hbm>> -> memref<131072x64xbf16, #tpu.memory_space<hbm>>
        tpu.wait_indirect_dma semaphore(%arg17 : memref<!tpu.dma_semaphore, #tpu.memory_space<semaphore_mem>>) src(%dma_wait3A_295 : memref<131072x64xbf16, #tpu.memory_space<hbm>>) dst(%dma_wait3A_290 : memref<128x64xbf16, #tpu.memory_space<vmem>>)
      } else {
      }
      %jit3A_144 = arith.constant 2 : i32
      %eq3A_145 = arith.constant 0 : i32
      %eq3A_146 = arith.cmpi eq, %jit3A_144, %eq3A_145 : i32
      %jit3A_147 = arith.constant 1 : i32
      %select_n3A_148 = arith.select %eq3A_146, %jit3A_147, %jit3A_144 : i32
      %rem3A_149 = arith.remsi %scan3A_35, %select_n3A_148 : i32
      %ne3A_150 = arith.constant 0 : i32
      %ne3A_151 = arith.cmpi ne, %rem3A_149, %ne3A_150 : i32
      %lt3A_152 = arith.constant 0 : i32
      %lt3A_153 = arith.cmpi slt, %rem3A_149, %lt3A_152 : i32
      %lt3A_154 = arith.constant 0 : i32
      %lt3A_155 = arith.cmpi slt, %select_n3A_148, %lt3A_154 : i32
      %ne3A_156 = arith.xori %lt3A_153, %lt3A_155 : i1
      %and3A_157 = arith.andi %ne3A_156, %ne3A_151 : i1
      %add3A_158 = arith.addi %rem3A_149, %select_n3A_148 : i32
      %select_n3A_159 = arith.select %and3A_157, %add3A_158, %rem3A_149 : i32
      %eq3A_160 = arith.constant 1 : i32
      %eq3A_161 = arith.cmpi eq, %select_n3A_159, %eq3A_160 : i32
      %convert_element_type3A_162 = arith.extui %eq3A_161 : i1 to i32
      %cond3A_163 = arith.constant 0 : i32
      %cond3A_164 = arith.cmpi ne, %convert_element_type3A_162, %cond3A_163 : i32
      scf.if %cond3A_164 {
        %dma_wait3A = arith.constant 1 : i32
        %dma_wait3A_277 = arith.constant 0 : i32
        %dma_wait3A_278 = arith.constant 0 : i32
        %dma_wait3A_279 = tpu.memref_slice %arg10[%dma_wait3A, %dma_wait3A_277, %dma_wait3A_278] : memref<2x128x64xbf16, #tpu.memory_space<vmem>> -> memref<1x128x64xbf16, #tpu.memory_space<vmem>>
        %dma_wait3A_280 = tpu.memref_squeeze %dma_wait3A_279 : memref<1x128x64xbf16, #tpu.memory_space<vmem>> -> memref<128x64xbf16, #tpu.memory_space<vmem>>
        %dma_wait3A_281 = tpu.memref_slice %arg8[%and3A_102, %mul3A_122] : memref<2x1024xi32, #tpu.memory_space<vmem>> -> memref<1x128xi32, #tpu.memory_space<vmem>>
        %dma_wait3A_282 = tpu.memref_squeeze %dma_wait3A_281 : memref<1x128xi32, #tpu.memory_space<vmem>> -> memref<128xi32, #tpu.memory_space<vmem>>
        %dma_wait3A_283 = arith.constant 0 : i32
        %dma_wait3A_284 = arith.constant 0 : i32
        %dma_wait3A_285 = tpu.memref_slice %arg2[%dma_wait3A_283, %dma_wait3A_284] : memref<131072x64xbf16, #tpu.memory_space<hbm>> -> memref<131072x64xbf16, #tpu.memory_space<hbm>>
        tpu.wait_indirect_dma semaphore(%arg16 : memref<!tpu.dma_semaphore, #tpu.memory_space<semaphore_mem>>) src(%dma_wait3A_285 : memref<131072x64xbf16, #tpu.memory_space<hbm>>) dst(%dma_wait3A_280 : memref<128x64xbf16, #tpu.memory_space<vmem>>)
        %dma_wait3A_286 = arith.constant 1 : i32
        %dma_wait3A_287 = arith.constant 0 : i32
        %dma_wait3A_288 = arith.constant 0 : i32
        %dma_wait3A_289 = tpu.memref_slice %arg11[%dma_wait3A_286, %dma_wait3A_287, %dma_wait3A_288] : memref<2x128x64xbf16, #tpu.memory_space<vmem>> -> memref<1x128x64xbf16, #tpu.memory_space<vmem>>
        %dma_wait3A_290 = tpu.memref_squeeze %dma_wait3A_289 : memref<1x128x64xbf16, #tpu.memory_space<vmem>> -> memref<128x64xbf16, #tpu.memory_space<vmem>>
        %dma_wait3A_291 = tpu.memref_slice %arg8[%and3A_102, %mul3A_122] : memref<2x1024xi32, #tpu.memory_space<vmem>> -> memref<1x128xi32, #tpu.memory_space<vmem>>
        %dma_wait3A_292 = tpu.memref_squeeze %dma_wait3A_291 : memref<1x128xi32, #tpu.memory_space<vmem>> -> memref<128xi32, #tpu.memory_space<vmem>>
        %dma_wait3A_293 = arith.constant 0 : i32
        %dma_wait3A_294 = arith.constant 0 : i32
        %dma_wait3A_295 = tpu.memref_slice %arg3[%dma_wait3A_293, %dma_wait3A_294] : memref<131072x64xbf16, #tpu.memory_space<hbm>> -> memref<131072x64xbf16, #tpu.memory_space<hbm>>
        tpu.wait_indirect_dma semaphore(%arg18 : memref<!tpu.dma_semaphore, #tpu.memory_space<semaphore_mem>>) src(%dma_wait3A_295 : memref<131072x64xbf16, #tpu.memory_space<hbm>>) dst(%dma_wait3A_290 : memref<128x64xbf16, #tpu.memory_space<vmem>>)
      } else {
      }
      %parallel_loop3A = arith.constant 0 : i32
      %parallel_loop3A_165 = arith.constant 16 : i32
      %parallel_loop3A_166 = arith.constant 1 : i32
      scf.for %parallel_loop3A_277 = %parallel_loop3A to %parallel_loop3A_165 step %parallel_loop3A_166  : i32 {
        %parallel_loop3A_278 = arith.constant 16 : i32
        %parallel_loop3A_279 = arith.muli %select_n3A_69, %parallel_loop3A_278 : i32
        %parallel_loop3A_280 = arith.addi %parallel_loop3A_279, %parallel_loop3A_277 : i32
        %parallel_loop3A_281 = arith.index_cast %and3A_54 : i32 to index
        %parallel_loop3A_282 = arith.index_cast %parallel_loop3A_280 : i32 to index
        %parallel_loop3A_283 = arith.constant 0 : index
        %parallel_loop3A_284 = tpu.vector_load %arg9[%parallel_loop3A_281, %parallel_loop3A_282, %parallel_loop3A_283] {strides = array<i32>} : memref<2x128x64xf32, #tpu.memory_space<vmem>>, vector<16xf32>,
        %parallel_loop3A_285 = arith.constant 16 : i32
        %parallel_loop3A_286 = arith.muli %select_n3A_69, %parallel_loop3A_285 : i32
        %parallel_loop3A_287 = arith.addi %parallel_loop3A_286, %parallel_loop3A_277 : i32
        %parallel_loop3A_288 = arith.index_cast %and3A_54 : i32 to index
        %parallel_loop3A_289 = arith.index_cast %parallel_loop3A_287 : i32 to index
        %parallel_loop3A_290 = arith.constant 16 : index
        %parallel_loop3A_291 = tpu.vector_load %arg9[%parallel_loop3A_288, %parallel_loop3A_289, %parallel_loop3A_290] {strides = array<i32>} : memref<2x128x64xf32, #tpu.memory_space<vmem>>, vector<16xf32>,
        %parallel_loop3A_292 = arith.constant 16 : i32
        %parallel_loop3A_293 = arith.muli %select_n3A_69, %parallel_loop3A_292 : i32
        %parallel_loop3A_294 = arith.addi %parallel_loop3A_293, %parallel_loop3A_277 : i32
        %parallel_loop3A_295 = arith.index_cast %and3A_54 : i32 to index
        %parallel_loop3A_296 = arith.index_cast %parallel_loop3A_294 : i32 to index
        %parallel_loop3A_297 = arith.constant 32 : index
        %parallel_loop3A_298 = tpu.vector_load %arg9[%parallel_loop3A_295, %parallel_loop3A_296, %parallel_loop3A_297] {strides = array<i32>} : memref<2x128x64xf32, #tpu.memory_space<vmem>>, vector<16xf32>,
        %parallel_loop3A_299 = arith.constant 16 : i32
        %parallel_loop3A_300 = arith.muli %select_n3A_69, %parallel_loop3A_299 : i32
        %parallel_loop3A_301 = arith.addi %parallel_loop3A_300, %parallel_loop3A_277 : i32
        %parallel_loop3A_302 = arith.index_cast %and3A_54 : i32 to index
        %parallel_loop3A_303 = arith.index_cast %parallel_loop3A_301 : i32 to index
        %parallel_loop3A_304 = arith.constant 48 : index
        %parallel_loop3A_305 = tpu.vector_load %arg9[%parallel_loop3A_302, %parallel_loop3A_303, %parallel_loop3A_304] {strides = array<i32>} : memref<2x128x64xf32, #tpu.memory_space<vmem>>, vector<16xf32>,
        %parallel_loop3A_306 = arith.constant 8 : i32
        %parallel_loop3A_307 = arith.muli %parallel_loop3A_277, %parallel_loop3A_306 : i32
        %parallel_loop3A_308 = arith.constant 0 : i32
        %parallel_loop3A_309 = arith.addi %parallel_loop3A_307, %parallel_loop3A_308 : i32
        %parallel_loop3A_310 = arith.index_cast %and3A_71 : i32 to index
        %parallel_loop3A_311 = arith.index_cast %parallel_loop3A_309 : i32 to index
        %parallel_loop3A_312 = arith.constant 0 : index
        %parallel_loop3A_313 = tpu.vector_load %arg10[%parallel_loop3A_310, %parallel_loop3A_311, %parallel_loop3A_312] {strides = array<i32>} : memref<2x128x64xbf16, #tpu.memory_space<vmem>>, vector<32xbf16>,
        %parallel_loop3A_314 = tpu.unpack_subelements %parallel_loop3A_313, 0 {pack_format = #tpu.pack_format<interleaved>} : vector<32xbf16> -> vector<16xf32>
        %parallel_loop3A_315 = tpu.unpack_subelements %parallel_loop3A_313, 1 {pack_format = #tpu.pack_format<interleaved>} : vector<32xbf16> -> vector<16xf32>
        %parallel_loop3A_316 = arith.mulf %parallel_loop3A_284, %parallel_loop3A_314 : vector<16xf32>
        %parallel_loop3A_317 = arith.mulf %parallel_loop3A_291, %parallel_loop3A_315 : vector<16xf32>
        %parallel_loop3A_318 = arith.addf %parallel_loop3A_316, %parallel_loop3A_317 : vector<16xf32>
        %parallel_loop3A_319 = arith.index_cast %and3A_71 : i32 to index
        %parallel_loop3A_320 = arith.index_cast %parallel_loop3A_309 : i32 to index
        %parallel_loop3A_321 = arith.constant 32 : index
        %parallel_loop3A_322 = tpu.vector_load %arg10[%parallel_loop3A_319, %parallel_loop3A_320, %parallel_loop3A_321] {strides = array<i32>} : memref<2x128x64xbf16, #tpu.memory_space<vmem>>, vector<32xbf16>,
        %parallel_loop3A_323 = tpu.unpack_subelements %parallel_loop3A_322, 0 {pack_format = #tpu.pack_format<interleaved>} : vector<32xbf16> -> vector<16xf32>
        %parallel_loop3A_324 = tpu.unpack_subelements %parallel_loop3A_322, 1 {pack_format = #tpu.pack_format<interleaved>} : vector<32xbf16> -> vector<16xf32>
        %parallel_loop3A_325 = arith.mulf %parallel_loop3A_298, %parallel_loop3A_323 : vector<16xf32>
        %parallel_loop3A_326 = arith.mulf %parallel_loop3A_305, %parallel_loop3A_324 : vector<16xf32>
        %parallel_loop3A_327 = arith.addf %parallel_loop3A_325, %parallel_loop3A_326 : vector<16xf32>
        %parallel_loop3A_328 = arith.addf %parallel_loop3A_318, %parallel_loop3A_327 : vector<16xf32>
        %parallel_loop3A_329 = arith.constant true
        %parallel_loop3A_330 = vector.broadcast %parallel_loop3A_329 : i1 to vector<16xi1>
        %parallel_loop3A_331 = tpu.scan <sum>, %parallel_loop3A_328 masked %parallel_loop3A_330 : vector<16xf32>, vector<16xi1> -> vector<16xf32>
        %parallel_loop3A_332 = arith.constant 0 : i32
        %parallel_loop3A_333 = vector.broadcast %parallel_loop3A_332 : i32 to vector<16xi32>
        %parallel_loop3A_334 = vector.broadcast %parallel_loop3A_277 : i32 to vector<16xi32>
        %parallel_loop3A_335 = arith.addi %parallel_loop3A_333, %parallel_loop3A_334 : vector<16xi32>
        tpu.vector_store_idx %arg12[%parallel_loop3A_335], %parallel_loop3A_331 masked %eq3A_2 : memref<128xf32, #tpu.memory_space<vmem>>[vector<16xi32>], vector<16xf32>, vector<16xi1>
        %parallel_loop3A_336 = arith.constant 8 : i32
        %parallel_loop3A_337 = arith.muli %parallel_loop3A_277, %parallel_loop3A_336 : i32
        %parallel_loop3A_338 = arith.constant 1 : i32
        %parallel_loop3A_339 = arith.addi %parallel_loop3A_337, %parallel_loop3A_338 : i32
        %parallel_loop3A_340 = arith.index_cast %and3A_71 : i32 to index
        %parallel_loop3A_341 = arith.index_cast %parallel_loop3A_339 : i32 to index
        %parallel_loop3A_342 = arith.constant 0 : index
        %parallel_loop3A_343 = tpu.vector_load %arg10[%parallel_loop3A_340, %parallel_loop3A_341, %parallel_loop3A_342] {strides = array<i32>} : memref<2x128x64xbf16, #tpu.memory_space<vmem>>, vector<32xbf16>,
        %parallel_loop3A_344 = tpu.unpack_subelements %parallel_loop3A_343, 0 {pack_format = #tpu.pack_format<interleaved>} : vector<32xbf16> -> vector<16xf32>
        %parallel_loop3A_345 = tpu.unpack_subelements %parallel_loop3A_343, 1 {pack_format = #tpu.pack_format<interleaved>} : vector<32xbf16> -> vector<16xf32>
        %parallel_loop3A_346 = arith.mulf %parallel_loop3A_284, %parallel_loop3A_344 : vector<16xf32>
        %parallel_loop3A_347 = arith.mulf %parallel_loop3A_291, %parallel_loop3A_345 : vector<16xf32>
        %parallel_loop3A_348 = arith.addf %parallel_loop3A_346, %parallel_loop3A_347 : vector<16xf32>
        %parallel_loop3A_349 = arith.index_cast %and3A_71 : i32 to index
        %parallel_loop3A_350 = arith.index_cast %parallel_loop3A_339 : i32 to index
        %parallel_loop3A_351 = arith.constant 32 : index
        %parallel_loop3A_352 = tpu.vector_load %arg10[%parallel_loop3A_349, %parallel_loop3A_350, %parallel_loop3A_351] {strides = array<i32>} : memref<2x128x64xbf16, #tpu.memory_space<vmem>>, vector<32xbf16>,
        %parallel_loop3A_353 = tpu.unpack_subelements %parallel_loop3A_352, 0 {pack_format = #tpu.pack_format<interleaved>} : vector<32xbf16> -> vector<16xf32>
        %parallel_loop3A_354 = tpu.unpack_subelements %parallel_loop3A_352, 1 {pack_format = #tpu.pack_format<interleaved>} : vector<32xbf16> -> vector<16xf32>
        %parallel_loop3A_355 = arith.mulf %parallel_loop3A_298, %parallel_loop3A_353 : vector<16xf32>
        %parallel_loop3A_356 = arith.mulf %parallel_loop3A_305, %parallel_loop3A_354 : vector<16xf32>
        %parallel_loop3A_357 = arith.addf %parallel_loop3A_355, %parallel_loop3A_356 : vector<16xf32>
        %parallel_loop3A_358 = arith.addf %parallel_loop3A_348, %parallel_loop3A_357 : vector<16xf32>
        %parallel_loop3A_359 = arith.constant true
        %parallel_loop3A_360 = vector.broadcast %parallel_loop3A_359 : i1 to vector<16xi1>
        %parallel_loop3A_361 = tpu.scan <sum>, %parallel_loop3A_358 masked %parallel_loop3A_360 : vector<16xf32>, vector<16xi1> -> vector<16xf32>
        %parallel_loop3A_362 = arith.constant 16 : i32
        %parallel_loop3A_363 = vector.broadcast %parallel_loop3A_362 : i32 to vector<16xi32>
        %parallel_loop3A_364 = vector.broadcast %parallel_loop3A_277 : i32 to vector<16xi32>
        %parallel_loop3A_365 = arith.addi %parallel_loop3A_363, %parallel_loop3A_364 : vector<16xi32>
        tpu.vector_store_idx %arg12[%parallel_loop3A_365], %parallel_loop3A_361 masked %eq3A_2 : memref<128xf32, #tpu.memory_space<vmem>>[vector<16xi32>], vector<16xf32>, vector<16xi1>
        %parallel_loop3A_366 = arith.constant 8 : i32
        %parallel_loop3A_367 = arith.muli %parallel_loop3A_277, %parallel_loop3A_366 : i32
        %parallel_loop3A_368 = arith.constant 2 : i32
        %parallel_loop3A_369 = arith.addi %parallel_loop3A_367, %parallel_loop3A_368 : i32
        %parallel_loop3A_370 = arith.index_cast %and3A_71 : i32 to index
        %parallel_loop3A_371 = arith.index_cast %parallel_loop3A_369 : i32 to index
        %parallel_loop3A_372 = arith.constant 0 : index
        %parallel_loop3A_373 = tpu.vector_load %arg10[%parallel_loop3A_370, %parallel_loop3A_371, %parallel_loop3A_372] {strides = array<i32>} : memref<2x128x64xbf16, #tpu.memory_space<vmem>>, vector<32xbf16>,
        %parallel_loop3A_374 = tpu.unpack_subelements %parallel_loop3A_373, 0 {pack_format = #tpu.pack_format<interleaved>} : vector<32xbf16> -> vector<16xf32>
        %parallel_loop3A_375 = tpu.unpack_subelements %parallel_loop3A_373, 1 {pack_format = #tpu.pack_format<interleaved>} : vector<32xbf16> -> vector<16xf32>
        %parallel_loop3A_376 = arith.mulf %parallel_loop3A_284, %parallel_loop3A_374 : vector<16xf32>
        %parallel_loop3A_377 = arith.mulf %parallel_loop3A_291, %parallel_loop3A_375 : vector<16xf32>
        %parallel_loop3A_378 = arith.addf %parallel_loop3A_376, %parallel_loop3A_377 : vector<16xf32>
        %parallel_loop3A_379 = arith.index_cast %and3A_71 : i32 to index
        %parallel_loop3A_380 = arith.index_cast %parallel_loop3A_369 : i32 to index
        %parallel_loop3A_381 = arith.constant 32 : index
        %parallel_loop3A_382 = tpu.vector_load %arg10[%parallel_loop3A_379, %parallel_loop3A_380, %parallel_loop3A_381] {strides = array<i32>} : memref<2x128x64xbf16, #tpu.memory_space<vmem>>, vector<32xbf16>,
        %parallel_loop3A_383 = tpu.unpack_subelements %parallel_loop3A_382, 0 {pack_format = #tpu.pack_format<interleaved>} : vector<32xbf16> -> vector<16xf32>
        %parallel_loop3A_384 = tpu.unpack_subelements %parallel_loop3A_382, 1 {pack_format = #tpu.pack_format<interleaved>} : vector<32xbf16> -> vector<16xf32>
        %parallel_loop3A_385 = arith.mulf %parallel_loop3A_298, %parallel_loop3A_383 : vector<16xf32>
        %parallel_loop3A_386 = arith.mulf %parallel_loop3A_305, %parallel_loop3A_384 : vector<16xf32>
        %parallel_loop3A_387 = arith.addf %parallel_loop3A_385, %parallel_loop3A_386 : vector<16xf32>
        %parallel_loop3A_388 = arith.addf %parallel_loop3A_378, %parallel_loop3A_387 : vector<16xf32>
        %parallel_loop3A_389 = arith.constant true
        %parallel_loop3A_390 = vector.broadcast %parallel_loop3A_389 : i1 to vector<16xi1>
        %parallel_loop3A_391 = tpu.scan <sum>, %parallel_loop3A_388 masked %parallel_loop3A_390 : vector<16xf32>, vector<16xi1> -> vector<16xf32>
        %parallel_loop3A_392 = arith.constant 32 : i32
        %parallel_loop3A_393 = vector.broadcast %parallel_loop3A_392 : i32 to vector<16xi32>
        %parallel_loop3A_394 = vector.broadcast %parallel_loop3A_277 : i32 to vector<16xi32>
        %parallel_loop3A_395 = arith.addi %parallel_loop3A_393, %parallel_loop3A_394 : vector<16xi32>
        tpu.vector_store_idx %arg12[%parallel_loop3A_395], %parallel_loop3A_391 masked %eq3A_2 : memref<128xf32, #tpu.memory_space<vmem>>[vector<16xi32>], vector<16xf32>, vector<16xi1>
        %parallel_loop3A_396 = arith.constant 8 : i32
        %parallel_loop3A_397 = arith.muli %parallel_loop3A_277, %parallel_loop3A_396 : i32
        %parallel_loop3A_398 = arith.constant 3 : i32
        %parallel_loop3A_399 = arith.addi %parallel_loop3A_397, %parallel_loop3A_398 : i32
        %parallel_loop3A_400 = arith.index_cast %and3A_71 : i32 to index
        %parallel_loop3A_401 = arith.index_cast %parallel_loop3A_399 : i32 to index
        %parallel_loop3A_402 = arith.constant 0 : index
        %parallel_loop3A_403 = tpu.vector_load %arg10[%parallel_loop3A_400, %parallel_loop3A_401, %parallel_loop3A_402] {strides = array<i32>} : memref<2x128x64xbf16, #tpu.memory_space<vmem>>, vector<32xbf16>,
        %parallel_loop3A_404 = tpu.unpack_subelements %parallel_loop3A_403, 0 {pack_format = #tpu.pack_format<interleaved>} : vector<32xbf16> -> vector<16xf32>
        %parallel_loop3A_405 = tpu.unpack_subelements %parallel_loop3A_403, 1 {pack_format = #tpu.pack_format<interleaved>} : vector<32xbf16> -> vector<16xf32>
        %parallel_loop3A_406 = arith.mulf %parallel_loop3A_284, %parallel_loop3A_404 : vector<16xf32>
        %parallel_loop3A_407 = arith.mulf %parallel_loop3A_291, %parallel_loop3A_405 : vector<16xf32>
        %parallel_loop3A_408 = arith.addf %parallel_loop3A_406, %parallel_loop3A_407 : vector<16xf32>
        %parallel_loop3A_409 = arith.index_cast %and3A_71 : i32 to index
        %parallel_loop3A_410 = arith.index_cast %parallel_loop3A_399 : i32 to index
        %parallel_loop3A_411 = arith.constant 32 : index
        %parallel_loop3A_412 = tpu.vector_load %arg10[%parallel_loop3A_409, %parallel_loop3A_410, %parallel_loop3A_411] {strides = array<i32>} : memref<2x128x64xbf16, #tpu.memory_space<vmem>>, vector<32xbf16>,
        %parallel_loop3A_413 = tpu.unpack_subelements %parallel_loop3A_412, 0 {pack_format = #tpu.pack_format<interleaved>} : vector<32xbf16> -> vector<16xf32>
        %parallel_loop3A_414 = tpu.unpack_subelements %parallel_loop3A_412, 1 {pack_format = #tpu.pack_format<interleaved>} : vector<32xbf16> -> vector<16xf32>
        %parallel_loop3A_415 = arith.mulf %parallel_loop3A_298, %parallel_loop3A_413 : vector<16xf32>
        %parallel_loop3A_416 = arith.mulf %parallel_loop3A_305, %parallel_loop3A_414 : vector<16xf32>
        %parallel_loop3A_417 = arith.addf %parallel_loop3A_415, %parallel_loop3A_416 : vector<16xf32>
        %parallel_loop3A_418 = arith.addf %parallel_loop3A_408, %parallel_loop3A_417 : vector<16xf32>
        %parallel_loop3A_419 = arith.constant true
        %parallel_loop3A_420 = vector.broadcast %parallel_loop3A_419 : i1 to vector<16xi1>
        %parallel_loop3A_421 = tpu.scan <sum>, %parallel_loop3A_418 masked %parallel_loop3A_420 : vector<16xf32>, vector<16xi1> -> vector<16xf32>
        %parallel_loop3A_422 = arith.constant 48 : i32
        %parallel_loop3A_423 = vector.broadcast %parallel_loop3A_422 : i32 to vector<16xi32>
        %parallel_loop3A_424 = vector.broadcast %parallel_loop3A_277 : i32 to vector<16xi32>
        %parallel_loop3A_425 = arith.addi %parallel_loop3A_423, %parallel_loop3A_424 : vector<16xi32>
        tpu.vector_store_idx %arg12[%parallel_loop3A_425], %parallel_loop3A_421 masked %eq3A_2 : memref<128xf32, #tpu.memory_space<vmem>>[vector<16xi32>], vector<16xf32>, vector<16xi1>
        %parallel_loop3A_426 = arith.constant 8 : i32
        %parallel_loop3A_427 = arith.muli %parallel_loop3A_277, %parallel_loop3A_426 : i32
        %parallel_loop3A_428 = arith.constant 4 : i32
        %parallel_loop3A_429 = arith.addi %parallel_loop3A_427, %parallel_loop3A_428 : i32
        %parallel_loop3A_430 = arith.index_cast %and3A_71 : i32 to index
        %parallel_loop3A_431 = arith.index_cast %parallel_loop3A_429 : i32 to index
        %parallel_loop3A_432 = arith.constant 0 : index
        %parallel_loop3A_433 = tpu.vector_load %arg10[%parallel_loop3A_430, %parallel_loop3A_431, %parallel_loop3A_432] {strides = array<i32>} : memref<2x128x64xbf16, #tpu.memory_space<vmem>>, vector<32xbf16>,
        %parallel_loop3A_434 = tpu.unpack_subelements %parallel_loop3A_433, 0 {pack_format = #tpu.pack_format<interleaved>} : vector<32xbf16> -> vector<16xf32>
        %parallel_loop3A_435 = tpu.unpack_subelements %parallel_loop3A_433, 1 {pack_format = #tpu.pack_format<interleaved>} : vector<32xbf16> -> vector<16xf32>
        %parallel_loop3A_436 = arith.mulf %parallel_loop3A_284, %parallel_loop3A_434 : vector<16xf32>
        %parallel_loop3A_437 = arith.mulf %parallel_loop3A_291, %parallel_loop3A_435 : vector<16xf32>
        %parallel_loop3A_438 = arith.addf %parallel_loop3A_436, %parallel_loop3A_437 : vector<16xf32>
        %parallel_loop3A_439 = arith.index_cast %and3A_71 : i32 to index
        %parallel_loop3A_440 = arith.index_cast %parallel_loop3A_429 : i32 to index
        %parallel_loop3A_441 = arith.constant 32 : index
        %parallel_loop3A_442 = tpu.vector_load %arg10[%parallel_loop3A_439, %parallel_loop3A_440, %parallel_loop3A_441] {strides = array<i32>} : memref<2x128x64xbf16, #tpu.memory_space<vmem>>, vector<32xbf16>,
        %parallel_loop3A_443 = tpu.unpack_subelements %parallel_loop3A_442, 0 {pack_format = #tpu.pack_format<interleaved>} : vector<32xbf16> -> vector<16xf32>
        %parallel_loop3A_444 = tpu.unpack_subelements %parallel_loop3A_442, 1 {pack_format = #tpu.pack_format<interleaved>} : vector<32xbf16> -> vector<16xf32>
        %parallel_loop3A_445 = arith.mulf %parallel_loop3A_298, %parallel_loop3A_443 : vector<16xf32>
        %parallel_loop3A_446 = arith.mulf %parallel_loop3A_305, %parallel_loop3A_444 : vector<16xf32>
        %parallel_loop3A_447 = arith.addf %parallel_loop3A_445, %parallel_loop3A_446 : vector<16xf32>
        %parallel_loop3A_448 = arith.addf %parallel_loop3A_438, %parallel_loop3A_447 : vector<16xf32>
        %parallel_loop3A_449 = arith.constant true
        %parallel_loop3A_450 = vector.broadcast %parallel_loop3A_449 : i1 to vector<16xi1>
        %parallel_loop3A_451 = tpu.scan <sum>, %parallel_loop3A_448 masked %parallel_loop3A_450 : vector<16xf32>, vector<16xi1> -> vector<16xf32>
        %parallel_loop3A_452 = arith.constant 64 : i32
        %parallel_loop3A_453 = vector.broadcast %parallel_loop3A_452 : i32 to vector<16xi32>
        %parallel_loop3A_454 = vector.broadcast %parallel_loop3A_277 : i32 to vector<16xi32>
        %parallel_loop3A_455 = arith.addi %parallel_loop3A_453, %parallel_loop3A_454 : vector<16xi32>
        tpu.vector_store_idx %arg12[%parallel_loop3A_455], %parallel_loop3A_451 masked %eq3A_2 : memref<128xf32, #tpu.memory_space<vmem>>[vector<16xi32>], vector<16xf32>, vector<16xi1>
        %parallel_loop3A_456 = arith.constant 8 : i32
        %parallel_loop3A_457 = arith.muli %parallel_loop3A_277, %parallel_loop3A_456 : i32
        %parallel_loop3A_458 = arith.constant 5 : i32
        %parallel_loop3A_459 = arith.addi %parallel_loop3A_457, %parallel_loop3A_458 : i32
        %parallel_loop3A_460 = arith.index_cast %and3A_71 : i32 to index
        %parallel_loop3A_461 = arith.index_cast %parallel_loop3A_459 : i32 to index
        %parallel_loop3A_462 = arith.constant 0 : index
        %parallel_loop3A_463 = tpu.vector_load %arg10[%parallel_loop3A_460, %parallel_loop3A_461, %parallel_loop3A_462] {strides = array<i32>} : memref<2x128x64xbf16, #tpu.memory_space<vmem>>, vector<32xbf16>,
        %parallel_loop3A_464 = tpu.unpack_subelements %parallel_loop3A_463, 0 {pack_format = #tpu.pack_format<interleaved>} : vector<32xbf16> -> vector<16xf32>
        %parallel_loop3A_465 = tpu.unpack_subelements %parallel_loop3A_463, 1 {pack_format = #tpu.pack_format<interleaved>} : vector<32xbf16> -> vector<16xf32>
        %parallel_loop3A_466 = arith.mulf %parallel_loop3A_284, %parallel_loop3A_464 : vector<16xf32>
        %parallel_loop3A_467 = arith.mulf %parallel_loop3A_291, %parallel_loop3A_465 : vector<16xf32>
        %parallel_loop3A_468 = arith.addf %parallel_loop3A_466, %parallel_loop3A_467 : vector<16xf32>
        %parallel_loop3A_469 = arith.index_cast %and3A_71 : i32 to index
        %parallel_loop3A_470 = arith.index_cast %parallel_loop3A_459 : i32 to index
        %parallel_loop3A_471 = arith.constant 32 : index
        %parallel_loop3A_472 = tpu.vector_load %arg10[%parallel_loop3A_469, %parallel_loop3A_470, %parallel_loop3A_471] {strides = array<i32>} : memref<2x128x64xbf16, #tpu.memory_space<vmem>>, vector<32xbf16>,
        %parallel_loop3A_473 = tpu.unpack_subelements %parallel_loop3A_472, 0 {pack_format = #tpu.pack_format<interleaved>} : vector<32xbf16> -> vector<16xf32>
        %parallel_loop3A_474 = tpu.unpack_subelements %parallel_loop3A_472, 1 {pack_format = #tpu.pack_format<interleaved>} : vector<32xbf16> -> vector<16xf32>
        %parallel_loop3A_475 = arith.mulf %parallel_loop3A_298, %parallel_loop3A_473 : vector<16xf32>
        %parallel_loop3A_476 = arith.mulf %parallel_loop3A_305, %parallel_loop3A_474 : vector<16xf32>
        %parallel_loop3A_477 = arith.addf %parallel_loop3A_475, %parallel_loop3A_476 : vector<16xf32>
        %parallel_loop3A_478 = arith.addf %parallel_loop3A_468, %parallel_loop3A_477 : vector<16xf32>
        %parallel_loop3A_479 = arith.constant true
        %parallel_loop3A_480 = vector.broadcast %parallel_loop3A_479 : i1 to vector<16xi1>
        %parallel_loop3A_481 = tpu.scan <sum>, %parallel_loop3A_478 masked %parallel_loop3A_480 : vector<16xf32>, vector<16xi1> -> vector<16xf32>
        %parallel_loop3A_482 = arith.constant 80 : i32
        %parallel_loop3A_483 = vector.broadcast %parallel_loop3A_482 : i32 to vector<16xi32>
        %parallel_loop3A_484 = vector.broadcast %parallel_loop3A_277 : i32 to vector<16xi32>
        %parallel_loop3A_485 = arith.addi %parallel_loop3A_483, %parallel_loop3A_484 : vector<16xi32>
        tpu.vector_store_idx %arg12[%parallel_loop3A_485], %parallel_loop3A_481 masked %eq3A_2 : memref<128xf32, #tpu.memory_space<vmem>>[vector<16xi32>], vector<16xf32>, vector<16xi1>
        %parallel_loop3A_486 = arith.constant 8 : i32
        %parallel_loop3A_487 = arith.muli %parallel_loop3A_277, %parallel_loop3A_486 : i32
        %parallel_loop3A_488 = arith.constant 6 : i32
        %parallel_loop3A_489 = arith.addi %parallel_loop3A_487, %parallel_loop3A_488 : i32
        %parallel_loop3A_490 = arith.index_cast %and3A_71 : i32 to index
        %parallel_loop3A_491 = arith.index_cast %parallel_loop3A_489 : i32 to index
        %parallel_loop3A_492 = arith.constant 0 : index
        %parallel_loop3A_493 = tpu.vector_load %arg10[%parallel_loop3A_490, %parallel_loop3A_491, %parallel_loop3A_492] {strides = array<i32>} : memref<2x128x64xbf16, #tpu.memory_space<vmem>>, vector<32xbf16>,
        %parallel_loop3A_494 = tpu.unpack_subelements %parallel_loop3A_493, 0 {pack_format = #tpu.pack_format<interleaved>} : vector<32xbf16> -> vector<16xf32>
        %parallel_loop3A_495 = tpu.unpack_subelements %parallel_loop3A_493, 1 {pack_format = #tpu.pack_format<interleaved>} : vector<32xbf16> -> vector<16xf32>
        %parallel_loop3A_496 = arith.mulf %parallel_loop3A_284, %parallel_loop3A_494 : vector<16xf32>
        %parallel_loop3A_497 = arith.mulf %parallel_loop3A_291, %parallel_loop3A_495 : vector<16xf32>
        %parallel_loop3A_498 = arith.addf %parallel_loop3A_496, %parallel_loop3A_497 : vector<16xf32>
        %parallel_loop3A_499 = arith.index_cast %and3A_71 : i32 to index
        %parallel_loop3A_500 = arith.index_cast %parallel_loop3A_489 : i32 to index
        %parallel_loop3A_501 = arith.constant 32 : index
        %parallel_loop3A_502 = tpu.vector_load %arg10[%parallel_loop3A_499, %parallel_loop3A_500, %parallel_loop3A_501] {strides = array<i32>} : memref<2x128x64xbf16, #tpu.memory_space<vmem>>, vector<32xbf16>,
        %parallel_loop3A_503 = tpu.unpack_subelements %parallel_loop3A_502, 0 {pack_format = #tpu.pack_format<interleaved>} : vector<32xbf16> -> vector<16xf32>
        %parallel_loop3A_504 = tpu.unpack_subelements %parallel_loop3A_502, 1 {pack_format = #tpu.pack_format<interleaved>} : vector<32xbf16> -> vector<16xf32>
        %parallel_loop3A_505 = arith.mulf %parallel_loop3A_298, %parallel_loop3A_503 : vector<16xf32>
        %parallel_loop3A_506 = arith.mulf %parallel_loop3A_305, %parallel_loop3A_504 : vector<16xf32>
        %parallel_loop3A_507 = arith.addf %parallel_loop3A_505, %parallel_loop3A_506 : vector<16xf32>
        %parallel_loop3A_508 = arith.addf %parallel_loop3A_498, %parallel_loop3A_507 : vector<16xf32>
        %parallel_loop3A_509 = arith.constant true
        %parallel_loop3A_510 = vector.broadcast %parallel_loop3A_509 : i1 to vector<16xi1>
        %parallel_loop3A_511 = tpu.scan <sum>, %parallel_loop3A_508 masked %parallel_loop3A_510 : vector<16xf32>, vector<16xi1> -> vector<16xf32>
        %parallel_loop3A_512 = arith.constant 96 : i32
        %parallel_loop3A_513 = vector.broadcast %parallel_loop3A_512 : i32 to vector<16xi32>
        %parallel_loop3A_514 = vector.broadcast %parallel_loop3A_277 : i32 to vector<16xi32>
        %parallel_loop3A_515 = arith.addi %parallel_loop3A_513, %parallel_loop3A_514 : vector<16xi32>
        tpu.vector_store_idx %arg12[%parallel_loop3A_515], %parallel_loop3A_511 masked %eq3A_2 : memref<128xf32, #tpu.memory_space<vmem>>[vector<16xi32>], vector<16xf32>, vector<16xi1>
        %parallel_loop3A_516 = arith.constant 8 : i32
        %parallel_loop3A_517 = arith.muli %parallel_loop3A_277, %parallel_loop3A_516 : i32
        %parallel_loop3A_518 = arith.constant 7 : i32
        %parallel_loop3A_519 = arith.addi %parallel_loop3A_517, %parallel_loop3A_518 : i32
        %parallel_loop3A_520 = arith.index_cast %and3A_71 : i32 to index
        %parallel_loop3A_521 = arith.index_cast %parallel_loop3A_519 : i32 to index
        %parallel_loop3A_522 = arith.constant 0 : index
        %parallel_loop3A_523 = tpu.vector_load %arg10[%parallel_loop3A_520, %parallel_loop3A_521, %parallel_loop3A_522] {strides = array<i32>} : memref<2x128x64xbf16, #tpu.memory_space<vmem>>, vector<32xbf16>,
        %parallel_loop3A_524 = tpu.unpack_subelements %parallel_loop3A_523, 0 {pack_format = #tpu.pack_format<interleaved>} : vector<32xbf16> -> vector<16xf32>
        %parallel_loop3A_525 = tpu.unpack_subelements %parallel_loop3A_523, 1 {pack_format = #tpu.pack_format<interleaved>} : vector<32xbf16> -> vector<16xf32>
        %parallel_loop3A_526 = arith.mulf %parallel_loop3A_284, %parallel_loop3A_524 : vector<16xf32>
        %parallel_loop3A_527 = arith.mulf %parallel_loop3A_291, %parallel_loop3A_525 : vector<16xf32>
        %parallel_loop3A_528 = arith.addf %parallel_loop3A_526, %parallel_loop3A_527 : vector<16xf32>
        %parallel_loop3A_529 = arith.index_cast %and3A_71 : i32 to index
        %parallel_loop3A_530 = arith.index_cast %parallel_loop3A_519 : i32 to index
        %parallel_loop3A_531 = arith.constant 32 : index
        %parallel_loop3A_532 = tpu.vector_load %arg10[%parallel_loop3A_529, %parallel_loop3A_530, %parallel_loop3A_531] {strides = array<i32>} : memref<2x128x64xbf16, #tpu.memory_space<vmem>>, vector<32xbf16>,
        %parallel_loop3A_533 = tpu.unpack_subelements %parallel_loop3A_532, 0 {pack_format = #tpu.pack_format<interleaved>} : vector<32xbf16> -> vector<16xf32>
        %parallel_loop3A_534 = tpu.unpack_subelements %parallel_loop3A_532, 1 {pack_format = #tpu.pack_format<interleaved>} : vector<32xbf16> -> vector<16xf32>
        %parallel_loop3A_535 = arith.mulf %parallel_loop3A_298, %parallel_loop3A_533 : vector<16xf32>
        %parallel_loop3A_536 = arith.mulf %parallel_loop3A_305, %parallel_loop3A_534 : vector<16xf32>
        %parallel_loop3A_537 = arith.addf %parallel_loop3A_535, %parallel_loop3A_536 : vector<16xf32>
        %parallel_loop3A_538 = arith.addf %parallel_loop3A_528, %parallel_loop3A_537 : vector<16xf32>
        %parallel_loop3A_539 = arith.constant true
        %parallel_loop3A_540 = vector.broadcast %parallel_loop3A_539 : i1 to vector<16xi1>
        %parallel_loop3A_541 = tpu.scan <sum>, %parallel_loop3A_538 masked %parallel_loop3A_540 : vector<16xf32>, vector<16xi1> -> vector<16xf32>
        %parallel_loop3A_542 = arith.constant 112 : i32
        %parallel_loop3A_543 = vector.broadcast %parallel_loop3A_542 : i32 to vector<16xi32>
        %parallel_loop3A_544 = vector.broadcast %parallel_loop3A_277 : i32 to vector<16xi32>
        %parallel_loop3A_545 = arith.addi %parallel_loop3A_543, %parallel_loop3A_544 : vector<16xi32>
        tpu.vector_store_idx %arg12[%parallel_loop3A_545], %parallel_loop3A_541 masked %eq3A_2 : memref<128xf32, #tpu.memory_space<vmem>>[vector<16xi32>], vector<16xf32>, vector<16xi1>
      } {sc.loop_unroll_factor = 4 : i64, sc.parallel_access}
      %get3A = arith.constant 0 : index
      %get3A_167 = tpu.vector_load %arg12[%get3A] {strides = array<i32>} : memref<128xf32, #tpu.memory_space<vmem>>, vector<16xf32>,
      %get3A_168 = arith.constant 16 : index
      %get3A_169 = tpu.vector_load %arg12[%get3A_168] {strides = array<i32>} : memref<128xf32, #tpu.memory_space<vmem>>, vector<16xf32>,
      %get3A_170 = arith.constant 32 : index
      %get3A_171 = tpu.vector_load %arg12[%get3A_170] {strides = array<i32>} : memref<128xf32, #tpu.memory_space<vmem>>, vector<16xf32>,
      %get3A_172 = arith.constant 48 : index
      %get3A_173 = tpu.vector_load %arg12[%get3A_172] {strides = array<i32>} : memref<128xf32, #tpu.memory_space<vmem>>, vector<16xf32>,
      %get3A_174 = arith.constant 64 : index
      %get3A_175 = tpu.vector_load %arg12[%get3A_174] {strides = array<i32>} : memref<128xf32, #tpu.memory_space<vmem>>, vector<16xf32>,
      %get3A_176 = arith.constant 80 : index
      %get3A_177 = tpu.vector_load %arg12[%get3A_176] {strides = array<i32>} : memref<128xf32, #tpu.memory_space<vmem>>, vector<16xf32>,
      %get3A_178 = arith.constant 96 : index
      %get3A_179 = tpu.vector_load %arg12[%get3A_178] {strides = array<i32>} : memref<128xf32, #tpu.memory_space<vmem>>, vector<16xf32>,
      %get3A_180 = arith.constant 112 : index
      %get3A_181 = tpu.vector_load %arg12[%get3A_180] {strides = array<i32>} : memref<128xf32, #tpu.memory_space<vmem>>, vector<16xf32>,
      %max3A = arith.maximumf %get3A_167, %get3A_169 : vector<16xf32>
      %max3A_182 = arith.maximumf %max3A, %get3A_171 : vector<16xf32>
      %max3A_183 = arith.maximumf %max3A_182, %get3A_173 : vector<16xf32>
      %max3A_184 = arith.maximumf %max3A_183, %get3A_175 : vector<16xf32>
      %max3A_185 = arith.maximumf %max3A_184, %get3A_177 : vector<16xf32>
      %max3A_186 = arith.maximumf %max3A_185, %get3A_179 : vector<16xf32>
      %max3A_187 = arith.maximumf %max3A_186, %get3A_181 : vector<16xf32>
      %sub3A_188 = arith.subf %get3A_167, %max3A_187 : vector<16xf32>
      %exp3A = math.exp %sub3A_188 : vector<16xf32>
      %sub3A_189 = arith.subf %get3A_169, %max3A_187 : vector<16xf32>
      %exp3A_190 = math.exp %sub3A_189 : vector<16xf32>
      %sub3A_191 = arith.subf %get3A_171, %max3A_187 : vector<16xf32>
      %exp3A_192 = math.exp %sub3A_191 : vector<16xf32>
      %sub3A_193 = arith.subf %get3A_173, %max3A_187 : vector<16xf32>
      %exp3A_194 = math.exp %sub3A_193 : vector<16xf32>
      %sub3A_195 = arith.subf %get3A_175, %max3A_187 : vector<16xf32>
      %exp3A_196 = math.exp %sub3A_195 : vector<16xf32>
      %sub3A_197 = arith.subf %get3A_177, %max3A_187 : vector<16xf32>
      %exp3A_198 = math.exp %sub3A_197 : vector<16xf32>
      %sub3A_199 = arith.subf %get3A_179, %max3A_187 : vector<16xf32>
      %exp3A_200 = math.exp %sub3A_199 : vector<16xf32>
      %sub3A_201 = arith.subf %get3A_181, %max3A_187 : vector<16xf32>
      %exp3A_202 = math.exp %sub3A_201 : vector<16xf32>
      %add3A_203 = arith.addf %exp3A, %exp3A_190 : vector<16xf32>
      %add3A_204 = arith.addf %add3A_203, %exp3A_192 : vector<16xf32>
      %add3A_205 = arith.addf %add3A_204, %exp3A_194 : vector<16xf32>
      %add3A_206 = arith.addf %add3A_205, %exp3A_196 : vector<16xf32>
      %add3A_207 = arith.addf %add3A_206, %exp3A_198 : vector<16xf32>
      %add3A_208 = arith.addf %add3A_207, %exp3A_200 : vector<16xf32>
      %add3A_209 = arith.addf %add3A_208, %exp3A_202 : vector<16xf32>
      %div3A_210 = arith.constant 1.000000e+00 : f32
      %div3A_211 = vector.broadcast %div3A_210 : f32 to vector<16xf32>
      %div3A_212 = arith.divf %div3A_211, %add3A_209 : vector<16xf32>
      %mul3A_213 = arith.mulf %exp3A, %div3A_212 : vector<16xf32>
      %mul3A_214 = arith.mulf %exp3A_190, %div3A_212 : vector<16xf32>
      %mul3A_215 = arith.mulf %exp3A_192, %div3A_212 : vector<16xf32>
      %mul3A_216 = arith.mulf %exp3A_194, %div3A_212 : vector<16xf32>
      %mul3A_217 = arith.mulf %exp3A_196, %div3A_212 : vector<16xf32>
      %mul3A_218 = arith.mulf %exp3A_198, %div3A_212 : vector<16xf32>
      %mul3A_219 = arith.mulf %exp3A_200, %div3A_212 : vector<16xf32>
      %mul3A_220 = arith.mulf %exp3A_202, %div3A_212 : vector<16xf32>
      %mul3A_221 = arith.constant 16 : i32
      %mul3A_222 = arith.muli %select_n3A_69, %mul3A_221 : i32
      %swap3A = arith.constant 0 : i32
      %swap3A_223 = arith.index_cast %swap3A : i32 to index
      %swap3A_224 = arith.index_cast %mul3A_222 : i32 to index
      %swap3A_225 = tpu.vector_load %arg13[%swap3A_223, %swap3A_224] {strides = array<i32>} : memref<8x128xf32, #tpu.memory_space<vmem>>, vector<16xf32>,
      tpu.vector_store %arg13[%swap3A_223, %swap3A_224], %mul3A_213 {strides = array<i32>} : memref<8x128xf32, #tpu.memory_space<vmem>>, vector<16xf32>,
      %mul3A_226 = arith.constant 16 : i32
      %mul3A_227 = arith.muli %select_n3A_69, %mul3A_226 : i32
      %swap3A_228 = arith.constant 1 : i32
      %swap3A_229 = arith.index_cast %swap3A_228 : i32 to index
      %swap3A_230 = arith.index_cast %mul3A_227 : i32 to index
      %swap3A_231 = tpu.vector_load %arg13[%swap3A_229, %swap3A_230] {strides = array<i32>} : memref<8x128xf32, #tpu.memory_space<vmem>>, vector<16xf32>,
      tpu.vector_store %arg13[%swap3A_229, %swap3A_230], %mul3A_214 {strides = array<i32>} : memref<8x128xf32, #tpu.memory_space<vmem>>, vector<16xf32>,
      %mul3A_232 = arith.constant 16 : i32
      %mul3A_233 = arith.muli %select_n3A_69, %mul3A_232 : i32
      %swap3A_234 = arith.constant 2 : i32
      %swap3A_235 = arith.index_cast %swap3A_234 : i32 to index
      %swap3A_236 = arith.index_cast %mul3A_233 : i32 to index
      %swap3A_237 = tpu.vector_load %arg13[%swap3A_235, %swap3A_236] {strides = array<i32>} : memref<8x128xf32, #tpu.memory_space<vmem>>, vector<16xf32>,
      tpu.vector_store %arg13[%swap3A_235, %swap3A_236], %mul3A_215 {strides = array<i32>} : memref<8x128xf32, #tpu.memory_space<vmem>>, vector<16xf32>,
      %mul3A_238 = arith.constant 16 : i32
      %mul3A_239 = arith.muli %select_n3A_69, %mul3A_238 : i32
      %swap3A_240 = arith.constant 3 : i32
      %swap3A_241 = arith.index_cast %swap3A_240 : i32 to index
      %swap3A_242 = arith.index_cast %mul3A_239 : i32 to index
      %swap3A_243 = tpu.vector_load %arg13[%swap3A_241, %swap3A_242] {strides = array<i32>} : memref<8x128xf32, #tpu.memory_space<vmem>>, vector<16xf32>,
      tpu.vector_store %arg13[%swap3A_241, %swap3A_242], %mul3A_216 {strides = array<i32>} : memref<8x128xf32, #tpu.memory_space<vmem>>, vector<16xf32>,
      %mul3A_244 = arith.constant 16 : i32
      %mul3A_245 = arith.muli %select_n3A_69, %mul3A_244 : i32
      %swap3A_246 = arith.constant 4 : i32
      %swap3A_247 = arith.index_cast %swap3A_246 : i32 to index
      %swap3A_248 = arith.index_cast %mul3A_245 : i32 to index
      %swap3A_249 = tpu.vector_load %arg13[%swap3A_247, %swap3A_248] {strides = array<i32>} : memref<8x128xf32, #tpu.memory_space<vmem>>, vector<16xf32>,
      tpu.vector_store %arg13[%swap3A_247, %swap3A_248], %mul3A_217 {strides = array<i32>} : memref<8x128xf32, #tpu.memory_space<vmem>>, vector<16xf32>,
      %mul3A_250 = arith.constant 16 : i32
      %mul3A_251 = arith.muli %select_n3A_69, %mul3A_250 : i32
      %swap3A_252 = arith.constant 5 : i32
      %swap3A_253 = arith.index_cast %swap3A_252 : i32 to index
      %swap3A_254 = arith.index_cast %mul3A_251 : i32 to index
      %swap3A_255 = tpu.vector_load %arg13[%swap3A_253, %swap3A_254] {strides = array<i32>} : memref<8x128xf32, #tpu.memory_space<vmem>>, vector<16xf32>,
      tpu.vector_store %arg13[%swap3A_253, %swap3A_254], %mul3A_218 {strides = array<i32>} : memref<8x128xf32, #tpu.memory_space<vmem>>, vector<16xf32>,
      %mul3A_256 = arith.constant 16 : i32
      %mul3A_257 = arith.muli %select_n3A_69, %mul3A_256 : i32
      %swap3A_258 = arith.constant 6 : i32
      %swap3A_259 = arith.index_cast %swap3A_258 : i32 to index
      %swap3A_260 = arith.index_cast %mul3A_257 : i32 to index
      %swap3A_261 = tpu.vector_load %arg13[%swap3A_259, %swap3A_260] {strides = array<i32>} : memref<8x128xf32, #tpu.memory_space<vmem>>, vector<16xf32>,
      tpu.vector_store %arg13[%swap3A_259, %swap3A_260], %mul3A_219 {strides = array<i32>} : memref<8x128xf32, #tpu.memory_space<vmem>>, vector<16xf32>,
      %mul3A_262 = arith.constant 16 : i32
      %mul3A_263 = arith.muli %select_n3A_69, %mul3A_262 : i32
      %swap3A_264 = arith.constant 7 : i32
      %swap3A_265 = arith.index_cast %swap3A_264 : i32 to index
      %swap3A_266 = arith.index_cast %mul3A_263 : i32 to index
      %swap3A_267 = tpu.vector_load %arg13[%swap3A_265, %swap3A_266] {strides = array<i32>} : memref<8x128xf32, #tpu.memory_space<vmem>>, vector<16xf32>,
      tpu.vector_store %arg13[%swap3A_265, %swap3A_266], %mul3A_220 {strides = array<i32>} : memref<8x128xf32, #tpu.memory_space<vmem>>, vector<16xf32>,
      %parallel_loop3A_268 = arith.constant 0 : i32
      %parallel_loop3A_269 = arith.constant 16 : i32
      %parallel_loop3A_270 = arith.constant 1 : i32
      scf.for %parallel_loop3A_277 = %parallel_loop3A_268 to %parallel_loop3A_269 step %parallel_loop3A_270  : i32 {
        %parallel_loop3A_278 = arith.constant 0 : i32
        %parallel_loop3A_279 = vector.broadcast %parallel_loop3A_278 : i32 to vector<16xi32>
        %parallel_loop3A_280 = vector.broadcast %parallel_loop3A_277 : i32 to vector<16xi32>
        %parallel_loop3A_281 = arith.addi %parallel_loop3A_279, %parallel_loop3A_280 : vector<16xi32>
        %parallel_loop3A_282 = arith.constant 0.000000e+00 : f32
        %parallel_loop3A_283 = vector.broadcast %parallel_loop3A_282 : f32 to vector<16xf32>
        %parallel_loop3A_284 = arith.constant 0.000000e+00 : f32
        %parallel_loop3A_285 = vector.broadcast %parallel_loop3A_284 : f32 to vector<16xf32>
        %parallel_loop3A_286 = arith.constant 0.000000e+00 : f32
        %parallel_loop3A_287 = vector.broadcast %parallel_loop3A_286 : f32 to vector<16xf32>
        %parallel_loop3A_288 = arith.constant 0.000000e+00 : f32
        %parallel_loop3A_289 = vector.broadcast %parallel_loop3A_288 : f32 to vector<16xf32>
        %parallel_loop3A_290 = vector.shape_cast %parallel_loop3A_281 : vector<16xi32> to vector<16x1xi32>
        %parallel_loop3A_291 = vector.shape_cast %parallel_loop3A_290 : vector<16x1xi32> to vector<16xi32>
        %parallel_loop3A_292 = tpu.dynamic_gather %mul3A_213[%parallel_loop3A_291] in [0] : vector<16xf32>, vector<16xi32> -> vector<16xf32>
        %parallel_loop3A_293 = arith.constant 8 : i32
        %parallel_loop3A_294 = arith.muli %parallel_loop3A_277, %parallel_loop3A_293 : i32
        %parallel_loop3A_295 = arith.constant 0 : i32
        %parallel_loop3A_296 = arith.addi %parallel_loop3A_294, %parallel_loop3A_295 : i32
        %parallel_loop3A_297 = arith.index_cast %and3A_71 : i32 to index
        %parallel_loop3A_298 = arith.index_cast %parallel_loop3A_296 : i32 to index
        %parallel_loop3A_299 = arith.constant 0 : index
        %parallel_loop3A_300 = tpu.vector_load %arg11[%parallel_loop3A_297, %parallel_loop3A_298, %parallel_loop3A_299] {strides = array<i32>} : memref<2x128x64xbf16, #tpu.memory_space<vmem>>, vector<32xbf16>,
        %parallel_loop3A_301 = tpu.unpack_subelements %parallel_loop3A_300, 0 {pack_format = #tpu.pack_format<interleaved>} : vector<32xbf16> -> vector<16xf32>
        %parallel_loop3A_302 = tpu.unpack_subelements %parallel_loop3A_300, 1 {pack_format = #tpu.pack_format<interleaved>} : vector<32xbf16> -> vector<16xf32>
        %parallel_loop3A_303 = arith.mulf %parallel_loop3A_292, %parallel_loop3A_301 : vector<16xf32>
        %parallel_loop3A_304 = arith.addf %parallel_loop3A_283, %parallel_loop3A_303 : vector<16xf32>
        %parallel_loop3A_305 = arith.mulf %parallel_loop3A_292, %parallel_loop3A_302 : vector<16xf32>
        %parallel_loop3A_306 = arith.addf %parallel_loop3A_285, %parallel_loop3A_305 : vector<16xf32>
        %parallel_loop3A_307 = arith.index_cast %and3A_71 : i32 to index
        %parallel_loop3A_308 = arith.index_cast %parallel_loop3A_296 : i32 to index
        %parallel_loop3A_309 = arith.constant 32 : index
        %parallel_loop3A_310 = tpu.vector_load %arg11[%parallel_loop3A_307, %parallel_loop3A_308, %parallel_loop3A_309] {strides = array<i32>} : memref<2x128x64xbf16, #tpu.memory_space<vmem>>, vector<32xbf16>,
        %parallel_loop3A_311 = tpu.unpack_subelements %parallel_loop3A_310, 0 {pack_format = #tpu.pack_format<interleaved>} : vector<32xbf16> -> vector<16xf32>
        %parallel_loop3A_312 = tpu.unpack_subelements %parallel_loop3A_310, 1 {pack_format = #tpu.pack_format<interleaved>} : vector<32xbf16> -> vector<16xf32>
        %parallel_loop3A_313 = arith.mulf %parallel_loop3A_292, %parallel_loop3A_311 : vector<16xf32>
        %parallel_loop3A_314 = arith.addf %parallel_loop3A_287, %parallel_loop3A_313 : vector<16xf32>
        %parallel_loop3A_315 = arith.mulf %parallel_loop3A_292, %parallel_loop3A_312 : vector<16xf32>
        %parallel_loop3A_316 = arith.addf %parallel_loop3A_289, %parallel_loop3A_315 : vector<16xf32>
        %parallel_loop3A_317 = vector.shape_cast %parallel_loop3A_281 : vector<16xi32> to vector<16x1xi32>
        %parallel_loop3A_318 = vector.shape_cast %parallel_loop3A_317 : vector<16x1xi32> to vector<16xi32>
        %parallel_loop3A_319 = tpu.dynamic_gather %mul3A_214[%parallel_loop3A_318] in [0] : vector<16xf32>, vector<16xi32> -> vector<16xf32>
        %parallel_loop3A_320 = arith.constant 8 : i32
        %parallel_loop3A_321 = arith.muli %parallel_loop3A_277, %parallel_loop3A_320 : i32
        %parallel_loop3A_322 = arith.constant 1 : i32
        %parallel_loop3A_323 = arith.addi %parallel_loop3A_321, %parallel_loop3A_322 : i32
        %parallel_loop3A_324 = arith.index_cast %and3A_71 : i32 to index
        %parallel_loop3A_325 = arith.index_cast %parallel_loop3A_323 : i32 to index
        %parallel_loop3A_326 = arith.constant 0 : index
        %parallel_loop3A_327 = tpu.vector_load %arg11[%parallel_loop3A_324, %parallel_loop3A_325, %parallel_loop3A_326] {strides = array<i32>} : memref<2x128x64xbf16, #tpu.memory_space<vmem>>, vector<32xbf16>,
        %parallel_loop3A_328 = tpu.unpack_subelements %parallel_loop3A_327, 0 {pack_format = #tpu.pack_format<interleaved>} : vector<32xbf16> -> vector<16xf32>
        %parallel_loop3A_329 = tpu.unpack_subelements %parallel_loop3A_327, 1 {pack_format = #tpu.pack_format<interleaved>} : vector<32xbf16> -> vector<16xf32>
        %parallel_loop3A_330 = arith.mulf %parallel_loop3A_319, %parallel_loop3A_328 : vector<16xf32>
        %parallel_loop3A_331 = arith.addf %parallel_loop3A_304, %parallel_loop3A_330 : vector<16xf32>
        %parallel_loop3A_332 = arith.mulf %parallel_loop3A_319, %parallel_loop3A_329 : vector<16xf32>
        %parallel_loop3A_333 = arith.addf %parallel_loop3A_306, %parallel_loop3A_332 : vector<16xf32>
        %parallel_loop3A_334 = arith.index_cast %and3A_71 : i32 to index
        %parallel_loop3A_335 = arith.index_cast %parallel_loop3A_323 : i32 to index
        %parallel_loop3A_336 = arith.constant 32 : index
        %parallel_loop3A_337 = tpu.vector_load %arg11[%parallel_loop3A_334, %parallel_loop3A_335, %parallel_loop3A_336] {strides = array<i32>} : memref<2x128x64xbf16, #tpu.memory_space<vmem>>, vector<32xbf16>,
        %parallel_loop3A_338 = tpu.unpack_subelements %parallel_loop3A_337, 0 {pack_format = #tpu.pack_format<interleaved>} : vector<32xbf16> -> vector<16xf32>
        %parallel_loop3A_339 = tpu.unpack_subelements %parallel_loop3A_337, 1 {pack_format = #tpu.pack_format<interleaved>} : vector<32xbf16> -> vector<16xf32>
        %parallel_loop3A_340 = arith.mulf %parallel_loop3A_319, %parallel_loop3A_338 : vector<16xf32>
        %parallel_loop3A_341 = arith.addf %parallel_loop3A_314, %parallel_loop3A_340 : vector<16xf32>
        %parallel_loop3A_342 = arith.mulf %parallel_loop3A_319, %parallel_loop3A_339 : vector<16xf32>
        %parallel_loop3A_343 = arith.addf %parallel_loop3A_316, %parallel_loop3A_342 : vector<16xf32>
        %parallel_loop3A_344 = vector.shape_cast %parallel_loop3A_281 : vector<16xi32> to vector<16x1xi32>
        %parallel_loop3A_345 = vector.shape_cast %parallel_loop3A_344 : vector<16x1xi32> to vector<16xi32>
        %parallel_loop3A_346 = tpu.dynamic_gather %mul3A_215[%parallel_loop3A_345] in [0] : vector<16xf32>, vector<16xi32> -> vector<16xf32>
        %parallel_loop3A_347 = arith.constant 8 : i32
        %parallel_loop3A_348 = arith.muli %parallel_loop3A_277, %parallel_loop3A_347 : i32
        %parallel_loop3A_349 = arith.constant 2 : i32
        %parallel_loop3A_350 = arith.addi %parallel_loop3A_348, %parallel_loop3A_349 : i32
        %parallel_loop3A_351 = arith.index_cast %and3A_71 : i32 to index
        %parallel_loop3A_352 = arith.index_cast %parallel_loop3A_350 : i32 to index
        %parallel_loop3A_353 = arith.constant 0 : index
        %parallel_loop3A_354 = tpu.vector_load %arg11[%parallel_loop3A_351, %parallel_loop3A_352, %parallel_loop3A_353] {strides = array<i32>} : memref<2x128x64xbf16, #tpu.memory_space<vmem>>, vector<32xbf16>,
        %parallel_loop3A_355 = tpu.unpack_subelements %parallel_loop3A_354, 0 {pack_format = #tpu.pack_format<interleaved>} : vector<32xbf16> -> vector<16xf32>
        %parallel_loop3A_356 = tpu.unpack_subelements %parallel_loop3A_354, 1 {pack_format = #tpu.pack_format<interleaved>} : vector<32xbf16> -> vector<16xf32>
        %parallel_loop3A_357 = arith.mulf %parallel_loop3A_346, %parallel_loop3A_355 : vector<16xf32>
        %parallel_loop3A_358 = arith.addf %parallel_loop3A_331, %parallel_loop3A_357 : vector<16xf32>
        %parallel_loop3A_359 = arith.mulf %parallel_loop3A_346, %parallel_loop3A_356 : vector<16xf32>
        %parallel_loop3A_360 = arith.addf %parallel_loop3A_333, %parallel_loop3A_359 : vector<16xf32>
        %parallel_loop3A_361 = arith.index_cast %and3A_71 : i32 to index
        %parallel_loop3A_362 = arith.index_cast %parallel_loop3A_350 : i32 to index
        %parallel_loop3A_363 = arith.constant 32 : index
        %parallel_loop3A_364 = tpu.vector_load %arg11[%parallel_loop3A_361, %parallel_loop3A_362, %parallel_loop3A_363] {strides = array<i32>} : memref<2x128x64xbf16, #tpu.memory_space<vmem>>, vector<32xbf16>,
        %parallel_loop3A_365 = tpu.unpack_subelements %parallel_loop3A_364, 0 {pack_format = #tpu.pack_format<interleaved>} : vector<32xbf16> -> vector<16xf32>
        %parallel_loop3A_366 = tpu.unpack_subelements %parallel_loop3A_364, 1 {pack_format = #tpu.pack_format<interleaved>} : vector<32xbf16> -> vector<16xf32>
        %parallel_loop3A_367 = arith.mulf %parallel_loop3A_346, %parallel_loop3A_365 : vector<16xf32>
        %parallel_loop3A_368 = arith.addf %parallel_loop3A_341, %parallel_loop3A_367 : vector<16xf32>
        %parallel_loop3A_369 = arith.mulf %parallel_loop3A_346, %parallel_loop3A_366 : vector<16xf32>
        %parallel_loop3A_370 = arith.addf %parallel_loop3A_343, %parallel_loop3A_369 : vector<16xf32>
        %parallel_loop3A_371 = vector.shape_cast %parallel_loop3A_281 : vector<16xi32> to vector<16x1xi32>
        %parallel_loop3A_372 = vector.shape_cast %parallel_loop3A_371 : vector<16x1xi32> to vector<16xi32>
        %parallel_loop3A_373 = tpu.dynamic_gather %mul3A_216[%parallel_loop3A_372] in [0] : vector<16xf32>, vector<16xi32> -> vector<16xf32>
        %parallel_loop3A_374 = arith.constant 8 : i32
        %parallel_loop3A_375 = arith.muli %parallel_loop3A_277, %parallel_loop3A_374 : i32
        %parallel_loop3A_376 = arith.constant 3 : i32
        %parallel_loop3A_377 = arith.addi %parallel_loop3A_375, %parallel_loop3A_376 : i32
        %parallel_loop3A_378 = arith.index_cast %and3A_71 : i32 to index
        %parallel_loop3A_379 = arith.index_cast %parallel_loop3A_377 : i32 to index
        %parallel_loop3A_380 = arith.constant 0 : index
        %parallel_loop3A_381 = tpu.vector_load %arg11[%parallel_loop3A_378, %parallel_loop3A_379, %parallel_loop3A_380] {strides = array<i32>} : memref<2x128x64xbf16, #tpu.memory_space<vmem>>, vector<32xbf16>,
        %parallel_loop3A_382 = tpu.unpack_subelements %parallel_loop3A_381, 0 {pack_format = #tpu.pack_format<interleaved>} : vector<32xbf16> -> vector<16xf32>
        %parallel_loop3A_383 = tpu.unpack_subelements %parallel_loop3A_381, 1 {pack_format = #tpu.pack_format<interleaved>} : vector<32xbf16> -> vector<16xf32>
        %parallel_loop3A_384 = arith.mulf %parallel_loop3A_373, %parallel_loop3A_382 : vector<16xf32>
        %parallel_loop3A_385 = arith.addf %parallel_loop3A_358, %parallel_loop3A_384 : vector<16xf32>
        %parallel_loop3A_386 = arith.mulf %parallel_loop3A_373, %parallel_loop3A_383 : vector<16xf32>
        %parallel_loop3A_387 = arith.addf %parallel_loop3A_360, %parallel_loop3A_386 : vector<16xf32>
        %parallel_loop3A_388 = arith.index_cast %and3A_71 : i32 to index
        %parallel_loop3A_389 = arith.index_cast %parallel_loop3A_377 : i32 to index
        %parallel_loop3A_390 = arith.constant 32 : index
        %parallel_loop3A_391 = tpu.vector_load %arg11[%parallel_loop3A_388, %parallel_loop3A_389, %parallel_loop3A_390] {strides = array<i32>} : memref<2x128x64xbf16, #tpu.memory_space<vmem>>, vector<32xbf16>,
        %parallel_loop3A_392 = tpu.unpack_subelements %parallel_loop3A_391, 0 {pack_format = #tpu.pack_format<interleaved>} : vector<32xbf16> -> vector<16xf32>
        %parallel_loop3A_393 = tpu.unpack_subelements %parallel_loop3A_391, 1 {pack_format = #tpu.pack_format<interleaved>} : vector<32xbf16> -> vector<16xf32>
        %parallel_loop3A_394 = arith.mulf %parallel_loop3A_373, %parallel_loop3A_392 : vector<16xf32>
        %parallel_loop3A_395 = arith.addf %parallel_loop3A_368, %parallel_loop3A_394 : vector<16xf32>
        %parallel_loop3A_396 = arith.mulf %parallel_loop3A_373, %parallel_loop3A_393 : vector<16xf32>
        %parallel_loop3A_397 = arith.addf %parallel_loop3A_370, %parallel_loop3A_396 : vector<16xf32>
        %parallel_loop3A_398 = vector.shape_cast %parallel_loop3A_281 : vector<16xi32> to vector<16x1xi32>
        %parallel_loop3A_399 = vector.shape_cast %parallel_loop3A_398 : vector<16x1xi32> to vector<16xi32>
        %parallel_loop3A_400 = tpu.dynamic_gather %mul3A_217[%parallel_loop3A_399] in [0] : vector<16xf32>, vector<16xi32> -> vector<16xf32>
        %parallel_loop3A_401 = arith.constant 8 : i32
        %parallel_loop3A_402 = arith.muli %parallel_loop3A_277, %parallel_loop3A_401 : i32
        %parallel_loop3A_403 = arith.constant 4 : i32
        %parallel_loop3A_404 = arith.addi %parallel_loop3A_402, %parallel_loop3A_403 : i32
        %parallel_loop3A_405 = arith.index_cast %and3A_71 : i32 to index
        %parallel_loop3A_406 = arith.index_cast %parallel_loop3A_404 : i32 to index
        %parallel_loop3A_407 = arith.constant 0 : index
        %parallel_loop3A_408 = tpu.vector_load %arg11[%parallel_loop3A_405, %parallel_loop3A_406, %parallel_loop3A_407] {strides = array<i32>} : memref<2x128x64xbf16, #tpu.memory_space<vmem>>, vector<32xbf16>,
        %parallel_loop3A_409 = tpu.unpack_subelements %parallel_loop3A_408, 0 {pack_format = #tpu.pack_format<interleaved>} : vector<32xbf16> -> vector<16xf32>
        %parallel_loop3A_410 = tpu.unpack_subelements %parallel_loop3A_408, 1 {pack_format = #tpu.pack_format<interleaved>} : vector<32xbf16> -> vector<16xf32>
        %parallel_loop3A_411 = arith.mulf %parallel_loop3A_400, %parallel_loop3A_409 : vector<16xf32>
        %parallel_loop3A_412 = arith.addf %parallel_loop3A_385, %parallel_loop3A_411 : vector<16xf32>
        %parallel_loop3A_413 = arith.mulf %parallel_loop3A_400, %parallel_loop3A_410 : vector<16xf32>
        %parallel_loop3A_414 = arith.addf %parallel_loop3A_387, %parallel_loop3A_413 : vector<16xf32>
        %parallel_loop3A_415 = arith.index_cast %and3A_71 : i32 to index
        %parallel_loop3A_416 = arith.index_cast %parallel_loop3A_404 : i32 to index
        %parallel_loop3A_417 = arith.constant 32 : index
        %parallel_loop3A_418 = tpu.vector_load %arg11[%parallel_loop3A_415, %parallel_loop3A_416, %parallel_loop3A_417] {strides = array<i32>} : memref<2x128x64xbf16, #tpu.memory_space<vmem>>, vector<32xbf16>,
        %parallel_loop3A_419 = tpu.unpack_subelements %parallel_loop3A_418, 0 {pack_format = #tpu.pack_format<interleaved>} : vector<32xbf16> -> vector<16xf32>
        %parallel_loop3A_420 = tpu.unpack_subelements %parallel_loop3A_418, 1 {pack_format = #tpu.pack_format<interleaved>} : vector<32xbf16> -> vector<16xf32>
        %parallel_loop3A_421 = arith.mulf %parallel_loop3A_400, %parallel_loop3A_419 : vector<16xf32>
        %parallel_loop3A_422 = arith.addf %parallel_loop3A_395, %parallel_loop3A_421 : vector<16xf32>
        %parallel_loop3A_423 = arith.mulf %parallel_loop3A_400, %parallel_loop3A_420 : vector<16xf32>
        %parallel_loop3A_424 = arith.addf %parallel_loop3A_397, %parallel_loop3A_423 : vector<16xf32>
        %parallel_loop3A_425 = vector.shape_cast %parallel_loop3A_281 : vector<16xi32> to vector<16x1xi32>
        %parallel_loop3A_426 = vector.shape_cast %parallel_loop3A_425 : vector<16x1xi32> to vector<16xi32>
        %parallel_loop3A_427 = tpu.dynamic_gather %mul3A_218[%parallel_loop3A_426] in [0] : vector<16xf32>, vector<16xi32> -> vector<16xf32>
        %parallel_loop3A_428 = arith.constant 8 : i32
        %parallel_loop3A_429 = arith.muli %parallel_loop3A_277, %parallel_loop3A_428 : i32
        %parallel_loop3A_430 = arith.constant 5 : i32
        %parallel_loop3A_431 = arith.addi %parallel_loop3A_429, %parallel_loop3A_430 : i32
        %parallel_loop3A_432 = arith.index_cast %and3A_71 : i32 to index
        %parallel_loop3A_433 = arith.index_cast %parallel_loop3A_431 : i32 to index
        %parallel_loop3A_434 = arith.constant 0 : index
        %parallel_loop3A_435 = tpu.vector_load %arg11[%parallel_loop3A_432, %parallel_loop3A_433, %parallel_loop3A_434] {strides = array<i32>} : memref<2x128x64xbf16, #tpu.memory_space<vmem>>, vector<32xbf16>,
        %parallel_loop3A_436 = tpu.unpack_subelements %parallel_loop3A_435, 0 {pack_format = #tpu.pack_format<interleaved>} : vector<32xbf16> -> vector<16xf32>
        %parallel_loop3A_437 = tpu.unpack_subelements %parallel_loop3A_435, 1 {pack_format = #tpu.pack_format<interleaved>} : vector<32xbf16> -> vector<16xf32>
        %parallel_loop3A_438 = arith.mulf %parallel_loop3A_427, %parallel_loop3A_436 : vector<16xf32>
        %parallel_loop3A_439 = arith.addf %parallel_loop3A_412, %parallel_loop3A_438 : vector<16xf32>
        %parallel_loop3A_440 = arith.mulf %parallel_loop3A_427, %parallel_loop3A_437 : vector<16xf32>
        %parallel_loop3A_441 = arith.addf %parallel_loop3A_414, %parallel_loop3A_440 : vector<16xf32>
        %parallel_loop3A_442 = arith.index_cast %and3A_71 : i32 to index
        %parallel_loop3A_443 = arith.index_cast %parallel_loop3A_431 : i32 to index
        %parallel_loop3A_444 = arith.constant 32 : index
        %parallel_loop3A_445 = tpu.vector_load %arg11[%parallel_loop3A_442, %parallel_loop3A_443, %parallel_loop3A_444] {strides = array<i32>} : memref<2x128x64xbf16, #tpu.memory_space<vmem>>, vector<32xbf16>,
        %parallel_loop3A_446 = tpu.unpack_subelements %parallel_loop3A_445, 0 {pack_format = #tpu.pack_format<interleaved>} : vector<32xbf16> -> vector<16xf32>
        %parallel_loop3A_447 = tpu.unpack_subelements %parallel_loop3A_445, 1 {pack_format = #tpu.pack_format<interleaved>} : vector<32xbf16> -> vector<16xf32>
        %parallel_loop3A_448 = arith.mulf %parallel_loop3A_427, %parallel_loop3A_446 : vector<16xf32>
        %parallel_loop3A_449 = arith.addf %parallel_loop3A_422, %parallel_loop3A_448 : vector<16xf32>
        %parallel_loop3A_450 = arith.mulf %parallel_loop3A_427, %parallel_loop3A_447 : vector<16xf32>
        %parallel_loop3A_451 = arith.addf %parallel_loop3A_424, %parallel_loop3A_450 : vector<16xf32>
        %parallel_loop3A_452 = vector.shape_cast %parallel_loop3A_281 : vector<16xi32> to vector<16x1xi32>
        %parallel_loop3A_453 = vector.shape_cast %parallel_loop3A_452 : vector<16x1xi32> to vector<16xi32>
        %parallel_loop3A_454 = tpu.dynamic_gather %mul3A_219[%parallel_loop3A_453] in [0] : vector<16xf32>, vector<16xi32> -> vector<16xf32>
        %parallel_loop3A_455 = arith.constant 8 : i32
        %parallel_loop3A_456 = arith.muli %parallel_loop3A_277, %parallel_loop3A_455 : i32
        %parallel_loop3A_457 = arith.constant 6 : i32
        %parallel_loop3A_458 = arith.addi %parallel_loop3A_456, %parallel_loop3A_457 : i32
        %parallel_loop3A_459 = arith.index_cast %and3A_71 : i32 to index
        %parallel_loop3A_460 = arith.index_cast %parallel_loop3A_458 : i32 to index
        %parallel_loop3A_461 = arith.constant 0 : index
        %parallel_loop3A_462 = tpu.vector_load %arg11[%parallel_loop3A_459, %parallel_loop3A_460, %parallel_loop3A_461] {strides = array<i32>} : memref<2x128x64xbf16, #tpu.memory_space<vmem>>, vector<32xbf16>,
        %parallel_loop3A_463 = tpu.unpack_subelements %parallel_loop3A_462, 0 {pack_format = #tpu.pack_format<interleaved>} : vector<32xbf16> -> vector<16xf32>
        %parallel_loop3A_464 = tpu.unpack_subelements %parallel_loop3A_462, 1 {pack_format = #tpu.pack_format<interleaved>} : vector<32xbf16> -> vector<16xf32>
        %parallel_loop3A_465 = arith.mulf %parallel_loop3A_454, %parallel_loop3A_463 : vector<16xf32>
        %parallel_loop3A_466 = arith.addf %parallel_loop3A_439, %parallel_loop3A_465 : vector<16xf32>
        %parallel_loop3A_467 = arith.mulf %parallel_loop3A_454, %parallel_loop3A_464 : vector<16xf32>
        %parallel_loop3A_468 = arith.addf %parallel_loop3A_441, %parallel_loop3A_467 : vector<16xf32>
        %parallel_loop3A_469 = arith.index_cast %and3A_71 : i32 to index
        %parallel_loop3A_470 = arith.index_cast %parallel_loop3A_458 : i32 to index
        %parallel_loop3A_471 = arith.constant 32 : index
        %parallel_loop3A_472 = tpu.vector_load %arg11[%parallel_loop3A_469, %parallel_loop3A_470, %parallel_loop3A_471] {strides = array<i32>} : memref<2x128x64xbf16, #tpu.memory_space<vmem>>, vector<32xbf16>,
        %parallel_loop3A_473 = tpu.unpack_subelements %parallel_loop3A_472, 0 {pack_format = #tpu.pack_format<interleaved>} : vector<32xbf16> -> vector<16xf32>
        %parallel_loop3A_474 = tpu.unpack_subelements %parallel_loop3A_472, 1 {pack_format = #tpu.pack_format<interleaved>} : vector<32xbf16> -> vector<16xf32>
        %parallel_loop3A_475 = arith.mulf %parallel_loop3A_454, %parallel_loop3A_473 : vector<16xf32>
        %parallel_loop3A_476 = arith.addf %parallel_loop3A_449, %parallel_loop3A_475 : vector<16xf32>
        %parallel_loop3A_477 = arith.mulf %parallel_loop3A_454, %parallel_loop3A_474 : vector<16xf32>
        %parallel_loop3A_478 = arith.addf %parallel_loop3A_451, %parallel_loop3A_477 : vector<16xf32>
        %parallel_loop3A_479 = vector.shape_cast %parallel_loop3A_281 : vector<16xi32> to vector<16x1xi32>
        %parallel_loop3A_480 = vector.shape_cast %parallel_loop3A_479 : vector<16x1xi32> to vector<16xi32>
        %parallel_loop3A_481 = tpu.dynamic_gather %mul3A_220[%parallel_loop3A_480] in [0] : vector<16xf32>, vector<16xi32> -> vector<16xf32>
        %parallel_loop3A_482 = arith.constant 8 : i32
        %parallel_loop3A_483 = arith.muli %parallel_loop3A_277, %parallel_loop3A_482 : i32
        %parallel_loop3A_484 = arith.constant 7 : i32
        %parallel_loop3A_485 = arith.addi %parallel_loop3A_483, %parallel_loop3A_484 : i32
        %parallel_loop3A_486 = arith.index_cast %and3A_71 : i32 to index
        %parallel_loop3A_487 = arith.index_cast %parallel_loop3A_485 : i32 to index
        %parallel_loop3A_488 = arith.constant 0 : index
        %parallel_loop3A_489 = tpu.vector_load %arg11[%parallel_loop3A_486, %parallel_loop3A_487, %parallel_loop3A_488] {strides = array<i32>} : memref<2x128x64xbf16, #tpu.memory_space<vmem>>, vector<32xbf16>,
        %parallel_loop3A_490 = tpu.unpack_subelements %parallel_loop3A_489, 0 {pack_format = #tpu.pack_format<interleaved>} : vector<32xbf16> -> vector<16xf32>
        %parallel_loop3A_491 = tpu.unpack_subelements %parallel_loop3A_489, 1 {pack_format = #tpu.pack_format<interleaved>} : vector<32xbf16> -> vector<16xf32>
        %parallel_loop3A_492 = arith.mulf %parallel_loop3A_481, %parallel_loop3A_490 : vector<16xf32>
        %parallel_loop3A_493 = arith.addf %parallel_loop3A_466, %parallel_loop3A_492 : vector<16xf32>
        %parallel_loop3A_494 = arith.mulf %parallel_loop3A_481, %parallel_loop3A_491 : vector<16xf32>
        %parallel_loop3A_495 = arith.addf %parallel_loop3A_468, %parallel_loop3A_494 : vector<16xf32>
        %parallel_loop3A_496 = arith.index_cast %and3A_71 : i32 to index
        %parallel_loop3A_497 = arith.index_cast %parallel_loop3A_485 : i32 to index
        %parallel_loop3A_498 = arith.constant 32 : index
        %parallel_loop3A_499 = tpu.vector_load %arg11[%parallel_loop3A_496, %parallel_loop3A_497, %parallel_loop3A_498] {strides = array<i32>} : memref<2x128x64xbf16, #tpu.memory_space<vmem>>, vector<32xbf16>,
        %parallel_loop3A_500 = tpu.unpack_subelements %parallel_loop3A_499, 0 {pack_format = #tpu.pack_format<interleaved>} : vector<32xbf16> -> vector<16xf32>
        %parallel_loop3A_501 = tpu.unpack_subelements %parallel_loop3A_499, 1 {pack_format = #tpu.pack_format<interleaved>} : vector<32xbf16> -> vector<16xf32>
        %parallel_loop3A_502 = arith.mulf %parallel_loop3A_481, %parallel_loop3A_500 : vector<16xf32>
        %parallel_loop3A_503 = arith.addf %parallel_loop3A_476, %parallel_loop3A_502 : vector<16xf32>
        %parallel_loop3A_504 = arith.mulf %parallel_loop3A_481, %parallel_loop3A_501 : vector<16xf32>
        %parallel_loop3A_505 = arith.addf %parallel_loop3A_478, %parallel_loop3A_504 : vector<16xf32>
        %parallel_loop3A_506 = arith.constant 16 : i32
        %parallel_loop3A_507 = arith.muli %select_n3A_69, %parallel_loop3A_506 : i32
        %parallel_loop3A_508 = arith.addi %parallel_loop3A_507, %parallel_loop3A_277 : i32
        %parallel_loop3A_509 = arith.index_cast %parallel_loop3A_508 : i32 to index
        %parallel_loop3A_510 = arith.constant 0 : index
        %parallel_loop3A_511 = tpu.vector_load %arg14[%parallel_loop3A_509, %parallel_loop3A_510] {strides = array<i32>} : memref<128x64xf32, #tpu.memory_space<vmem>>, vector<16xf32>,
        tpu.vector_store %arg14[%parallel_loop3A_509, %parallel_loop3A_510], %parallel_loop3A_493 {strides = array<i32>} : memref<128x64xf32, #tpu.memory_space<vmem>>, vector<16xf32>,
        %parallel_loop3A_512 = arith.constant 16 : i32
        %parallel_loop3A_513 = arith.muli %select_n3A_69, %parallel_loop3A_512 : i32
        %parallel_loop3A_514 = arith.addi %parallel_loop3A_513, %parallel_loop3A_277 : i32
        %parallel_loop3A_515 = arith.index_cast %parallel_loop3A_514 : i32 to index
        %parallel_loop3A_516 = arith.constant 16 : index
        %parallel_loop3A_517 = tpu.vector_load %arg14[%parallel_loop3A_515, %parallel_loop3A_516] {strides = array<i32>} : memref<128x64xf32, #tpu.memory_space<vmem>>, vector<16xf32>,
        tpu.vector_store %arg14[%parallel_loop3A_515, %parallel_loop3A_516], %parallel_loop3A_495 {strides = array<i32>} : memref<128x64xf32, #tpu.memory_space<vmem>>, vector<16xf32>,
        %parallel_loop3A_518 = arith.constant 16 : i32
        %parallel_loop3A_519 = arith.muli %select_n3A_69, %parallel_loop3A_518 : i32
        %parallel_loop3A_520 = arith.addi %parallel_loop3A_519, %parallel_loop3A_277 : i32
        %parallel_loop3A_521 = arith.index_cast %parallel_loop3A_520 : i32 to index
        %parallel_loop3A_522 = arith.constant 32 : index
        %parallel_loop3A_523 = tpu.vector_load %arg14[%parallel_loop3A_521, %parallel_loop3A_522] {strides = array<i32>} : memref<128x64xf32, #tpu.memory_space<vmem>>, vector<16xf32>,
        tpu.vector_store %arg14[%parallel_loop3A_521, %parallel_loop3A_522], %parallel_loop3A_503 {strides = array<i32>} : memref<128x64xf32, #tpu.memory_space<vmem>>, vector<16xf32>,
        %parallel_loop3A_524 = arith.constant 16 : i32
        %parallel_loop3A_525 = arith.muli %select_n3A_69, %parallel_loop3A_524 : i32
        %parallel_loop3A_526 = arith.addi %parallel_loop3A_525, %parallel_loop3A_277 : i32
        %parallel_loop3A_527 = arith.index_cast %parallel_loop3A_526 : i32 to index
        %parallel_loop3A_528 = arith.constant 48 : index
        %parallel_loop3A_529 = tpu.vector_load %arg14[%parallel_loop3A_527, %parallel_loop3A_528] {strides = array<i32>} : memref<128x64xf32, #tpu.memory_space<vmem>>, vector<16xf32>,
        tpu.vector_store %arg14[%parallel_loop3A_527, %parallel_loop3A_528], %parallel_loop3A_505 {strides = array<i32>} : memref<128x64xf32, #tpu.memory_space<vmem>>, vector<16xf32>,
      } {sc.loop_unroll_factor = 4 : i64, sc.parallel_access}
      %eq3A_271 = arith.constant 7 : i32
      %eq3A_272 = arith.cmpi eq, %select_n3A_69, %eq3A_271 : i32
      %convert_element_type3A_273 = arith.extui %eq3A_272 : i1 to i32
      %cond3A_274 = arith.constant 0 : i32
      %cond3A_275 = arith.cmpi ne, %convert_element_type3A_273, %cond3A_274 : i32
      scf.if %cond3A_275 {
        %jit3A_277 = arith.constant 8 : i32
        %div3A_278 = arith.divsi %scan3A_35, %jit3A_277 : i32
        %sign3A_279 = arith.constant 0 : i32
        %sign3A_280 = arith.cmpi sgt, %scan3A_35, %sign3A_279 : i32
        %sign3A_281 = arith.extui %sign3A_280 : i1 to i32
        %sign3A_282 = arith.constant 0 : i32
        %sign3A_283 = arith.cmpi slt, %scan3A_35, %sign3A_282 : i32
        %sign3A_284 = arith.extui %sign3A_283 : i1 to i32
        %sign3A_285 = arith.subi %sign3A_281, %sign3A_284 : i32
        %sign3A_286 = arith.constant 0 : i32
        %sign3A_287 = arith.cmpi sgt, %jit3A_277, %sign3A_286 : i32
        %sign3A_288 = arith.extui %sign3A_287 : i1 to i32
        %sign3A_289 = arith.constant 0 : i32
        %sign3A_290 = arith.cmpi slt, %jit3A_277, %sign3A_289 : i32
        %sign3A_291 = arith.extui %sign3A_290 : i1 to i32
        %sign3A_292 = arith.subi %sign3A_288, %sign3A_291 : i32
        %ne3A_293 = arith.cmpi ne, %sign3A_285, %sign3A_292 : i32
        %rem3A_294 = arith.remsi %scan3A_35, %jit3A_277 : i32
        %ne3A_295 = arith.constant 0 : i32
        %ne3A_296 = arith.cmpi ne, %rem3A_294, %ne3A_295 : i32
        %and3A_297 = arith.andi %ne3A_293, %ne3A_296 : i1
        %sub3A_298 = arith.constant 1 : i32
        %sub3A_299 = arith.subi %div3A_278, %sub3A_298 : i32
        %select_n3A_300 = arith.select %and3A_297, %sub3A_299, %div3A_278 : i32
        %mul3A_301 = arith.constant 128 : i32
        %mul3A_302 = arith.muli %select_n3A_300, %mul3A_301 : i32
        "tpu.region"() ({
          %run_scoped3A_307 = tpu.sem_alloc : memref<!tpu.dma_semaphore, #tpu.memory_space<semaphore_mem>>
          %dma_start3A_308 = arith.constant 0 : i32
          %dma_start3A_309 = tpu.memref_slice %arg7[%add3A, %dma_start3A_308, %mul3A_302] : memref<32x8x2048xf32, #tpu.memory_space<hbm>> -> memref<1x8x128xf32, #tpu.memory_space<hbm>>
          %dma_start3A_310 = tpu.memref_squeeze %dma_start3A_309 : memref<1x8x128xf32, #tpu.memory_space<hbm>> -> memref<8x128xf32, #tpu.memory_space<hbm>>
          %dma_start3A_311 = arith.constant 0 : i32
          %dma_start3A_312 = tpu.memref_slice %arg7[%add3A, %dma_start3A_311, %mul3A_302] : memref<32x8x2048xf32, #tpu.memory_space<hbm>> -> memref<1x8x128xf32, #tpu.memory_space<hbm>>
          %dma_start3A_313 = tpu.memref_squeeze %dma_start3A_312 : memref<1x8x128xf32, #tpu.memory_space<hbm>> -> memref<8x128xf32, #tpu.memory_space<hbm>>
          tpu.enqueue_dma source(%arg13 : memref<8x128xf32, #tpu.memory_space<vmem>>) target(%dma_start3A_313 : memref<8x128xf32, #tpu.memory_space<hbm>>) target_semaphore(%run_scoped3A_307 : memref<!tpu.dma_semaphore, #tpu.memory_space<semaphore_mem>>)
          %dma_wait3A = arith.constant 0 : i32
          %dma_wait3A_314 = tpu.memref_slice %arg7[%add3A, %dma_wait3A, %mul3A_302] : memref<32x8x2048xf32, #tpu.memory_space<hbm>> -> memref<1x8x128xf32, #tpu.memory_space<hbm>>
          %dma_wait3A_315 = tpu.memref_squeeze %dma_wait3A_314 : memref<1x8x128xf32, #tpu.memory_space<hbm>> -> memref<8x128xf32, #tpu.memory_space<hbm>>
          %dma_wait3A_316 = arith.constant 0 : i32
          %dma_wait3A_317 = tpu.memref_slice %arg7[%add3A, %dma_wait3A_316, %mul3A_302] : memref<32x8x2048xf32, #tpu.memory_space<hbm>> -> memref<1x8x128xf32, #tpu.memory_space<hbm>>
          %dma_wait3A_318 = tpu.memref_squeeze %dma_wait3A_317 : memref<1x8x128xf32, #tpu.memory_space<hbm>> -> memref<8x128xf32, #tpu.memory_space<hbm>>
          tpu.wait_dma2 semaphore(%run_scoped3A_307 : memref<!tpu.dma_semaphore, #tpu.memory_space<semaphore_mem>>) src(%arg13 : memref<8x128xf32, #tpu.memory_space<vmem>>) dst(%dma_wait3A_318 : memref<8x128xf32, #tpu.memory_space<hbm>>)
          tpu.yield
        }) : () -> ()
        %mul3A_303 = arith.constant 128 : i32
        %mul3A_304 = arith.muli %select_n3A_300, %mul3A_303 : i32
        %mul3A_305 = arith.constant 64 : i32
        %mul3A_306 = arith.muli %arg1, %mul3A_305 : i32
        "tpu.region"() ({
          %run_scoped3A_307 = tpu.sem_alloc : memref<!tpu.dma_semaphore, #tpu.memory_space<semaphore_mem>>
          %dma_start3A_308 = tpu.memref_slice %arg6[%arg0, %mul3A_304, %mul3A_306] : memref<2x2048x1024xf32, #tpu.memory_space<hbm>> -> memref<1x128x64xf32, #tpu.memory_space<hbm>>
          %dma_start3A_309 = tpu.memref_squeeze %dma_start3A_308 : memref<1x128x64xf32, #tpu.memory_space<hbm>> -> memref<128x64xf32, #tpu.memory_space<hbm>>
          %dma_start3A_310 = tpu.memref_slice %arg6[%arg0, %mul3A_304, %mul3A_306] : memref<2x2048x1024xf32, #tpu.memory_space<hbm>> -> memref<1x128x64xf32, #tpu.memory_space<hbm>>
          %dma_start3A_311 = tpu.memref_squeeze %dma_start3A_310 : memref<1x128x64xf32, #tpu.memory_space<hbm>> -> memref<128x64xf32, #tpu.memory_space<hbm>>
          tpu.enqueue_dma source(%arg14 : memref<128x64xf32, #tpu.memory_space<vmem>>) target(%dma_start3A_311 : memref<128x64xf32, #tpu.memory_space<hbm>>) target_semaphore(%run_scoped3A_307 : memref<!tpu.dma_semaphore, #tpu.memory_space<semaphore_mem>>)
          %dma_wait3A = tpu.memref_slice %arg6[%arg0, %mul3A_304, %mul3A_306] : memref<2x2048x1024xf32, #tpu.memory_space<hbm>> -> memref<1x128x64xf32, #tpu.memory_space<hbm>>
          %dma_wait3A_312 = tpu.memref_squeeze %dma_wait3A : memref<1x128x64xf32, #tpu.memory_space<hbm>> -> memref<128x64xf32, #tpu.memory_space<hbm>>
          %dma_wait3A_313 = tpu.memref_slice %arg6[%arg0, %mul3A_304, %mul3A_306] : memref<2x2048x1024xf32, #tpu.memory_space<hbm>> -> memref<1x128x64xf32, #tpu.memory_space<hbm>>
          %dma_wait3A_314 = tpu.memref_squeeze %dma_wait3A_313 : memref<1x128x64xf32, #tpu.memory_space<hbm>> -> memref<128x64xf32, #tpu.memory_space<hbm>>
          tpu.wait_dma2 semaphore(%run_scoped3A_307 : memref<!tpu.dma_semaphore, #tpu.memory_space<semaphore_mem>>) src(%arg14 : memref<128x64xf32, #tpu.memory_space<vmem>>) dst(%dma_wait3A_314 : memref<128x64xf32, #tpu.memory_space<hbm>>)
          tpu.yield
        }) : () -> ()
      } else {
      }
      %scan3A_276 = arith.constant 0 : i32
      scf.yield %scan3A_276 : i32
    }
    %scan3A_34 = arith.constant 128 : i32
    return
  }
}

module attributes {stable_mosaic.version = 14 : i64} {
  func.func @_proj_kernel(%arg0: i32, %arg1: memref<512x1024xf32, #tpu.memory_space<vmem>>, %arg2: memref<1024x1024xf32, #tpu.memory_space<vmem>>, %arg3: memref<1x1024xf32, #tpu.memory_space<vmem>>, %arg4: memref<512x1024xf32, #tpu.memory_space<vmem>>) attributes {dimension_semantics = [#tpu.dimension_semantics<arbitrary>], iteration_bounds = array<i64: 8>, scalar_prefetch = 0 : i64, scratch_operands = 0 : i64, tpu.core_type = #tpu.core_type<tc>, window_params = [{transform_indices = @transform_0, window_bounds = array<i64: 512, 1024>}, {pipeline_mode = #tpu.pipeline_mode<synchronous>, transform_indices = @transform_1, window_bounds = array<i64: 1024, 1024>}, {pipeline_mode = #tpu.pipeline_mode<synchronous>, transform_indices = @transform_2, window_bounds = array<i64: 1, 1024>}, {transform_indices = @transform_3, window_bounds = array<i64: 512, 1024>}]} {
    %get3A = arith.constant 0 : index
    %get3A_0 = arith.constant 0 : index
    %get3A_1 = vector.load %arg1[%get3A, %get3A_0] : memref<512x1024xf32, #tpu.memory_space<vmem>>, vector<512x1024xf32>
    %get3A_2 = arith.constant 0 : index
    %get3A_3 = arith.constant 0 : index
    %get3A_4 = vector.load %arg2[%get3A_2, %get3A_3] : memref<1024x1024xf32, #tpu.memory_space<vmem>>, vector<1024x1024xf32>
    %dot_general3A = arith.constant dense<0.000000e+00> : vector<512x1024xf32>
    %dot_general3A_5 = tpu.matmul %get3A_1, %get3A_4, %dot_general3A {dimension_numbers = #tpu.dot_dimension_numbers<[1], [0], [0], [1], [0, 0, 1, 1], [], []>, transpose_lhs_hint = false} : vector<512x1024xf32>, vector<1024x1024xf32>, vector<512x1024xf32> -> vector<512x1024xf32>
    %get3A_6 = arith.constant 0 : index
    %get3A_7 = arith.constant 0 : index
    %get3A_8 = vector.load %arg3[%get3A_6, %get3A_7] : memref<1x1024xf32, #tpu.memory_space<vmem>>, vector<1x1024xf32>
    %add3A = vector.broadcast %get3A_8 : vector<1x1024xf32> to vector<512x1024xf32>
    %add3A_9 = arith.addf %dot_general3A_5, %add3A : vector<512x1024xf32>
    %mul3A = arith.constant 1.250000e-01 : f32
    %mul3A_10 = vector.broadcast %mul3A : f32 to vector<512x1024xf32>
    %mul3A_11 = arith.mulf %add3A_9, %mul3A_10 : vector<512x1024xf32>
    %swap3A = arith.constant 0 : index
    %swap3A_12 = arith.constant 0 : index
    %swap3A_13 = vector.load %arg4[%swap3A, %swap3A_12] : memref<512x1024xf32, #tpu.memory_space<vmem>>, vector<512x1024xf32>
    tpu.vector_store %arg4[%swap3A, %swap3A_12], %mul3A_11 {strides = array<i32>} : memref<512x1024xf32, #tpu.memory_space<vmem>>, vector<512x1024xf32>,
    return
  }
  func.func @transform_0(%arg0: i32) -> (i32, i32) {
    %c0_i32 = arith.constant 0 : i32
    %c0_i32_0 = arith.constant 0 : i32
    return %arg0, %c0_i32 : i32, i32
  }
  func.func @transform_1(%arg0: i32) -> (i32, i32) {
    %c0_i32 = arith.constant 0 : i32
    %c0_i32_0 = arith.constant 0 : i32
    %c0_i32_1 = arith.constant 0 : i32
    return %c0_i32, %c0_i32_0 : i32, i32
  }
  func.func @transform_2(%arg0: i32) -> (i32, i32) {
    %c0_i32 = arith.constant 0 : i32
    %c0_i32_0 = arith.constant 0 : i32
    %c0_i32_1 = arith.constant 0 : i32
    return %c0_i32, %c0_i32_0 : i32, i32
  }
  func.func @transform_3(%arg0: i32) -> (i32, i32) {
    %c0_i32 = arith.constant 0 : i32
    %c0_i32_0 = arith.constant 0 : i32
    return %arg0, %c0_i32 : i32, i32
  }
}

module attributes {stable_mosaic.version = 14 : i64} {
  func.func @_gidx_kernel(%arg0: i32, %arg1: i32, %arg2: memref<512x1024xf32, #tpu.memory_space<vmem>>, %arg3: memref<1024x1024xf32, #tpu.memory_space<vmem>>, %arg4: memref<1x1024xf32, #tpu.memory_space<vmem>>, %arg5: memref<1024x128xf32, #tpu.memory_space<vmem>>, %arg6: memref<1x128xf32, #tpu.memory_space<vmem>>, %arg7: memref<16x512x8xi32, #tpu.memory_space<vmem>>) attributes {dimension_semantics = [#tpu.dimension_semantics<arbitrary>, #tpu.dimension_semantics<arbitrary>], iteration_bounds = array<i64: 2, 4>, scalar_prefetch = 0 : i64, scratch_operands = 0 : i64, tpu.core_type = #tpu.core_type<tc>, window_params = [{transform_indices = @transform_0, window_bounds = array<i64: 512, 1024>}, {pipeline_mode = #tpu.pipeline_mode<synchronous>, transform_indices = @transform_1, window_bounds = array<i64: 1024, 1024>}, {pipeline_mode = #tpu.pipeline_mode<synchronous>, transform_indices = @transform_2, window_bounds = array<i64: 1, 1024>}, {pipeline_mode = #tpu.pipeline_mode<synchronous>, transform_indices = @transform_3, window_bounds = array<i64: 1024, 128>}, {pipeline_mode = #tpu.pipeline_mode<synchronous>, transform_indices = @transform_4, window_bounds = array<i64: 1, 128>}, {transform_indices = @transform_5, window_bounds = array<i64: 16, 512, 8>}]} {
    %get3A = arith.constant 0 : index
    %get3A_0 = arith.constant 0 : index
    %get3A_1 = vector.load %arg2[%get3A, %get3A_0] : memref<512x1024xf32, #tpu.memory_space<vmem>>, vector<512x1024xf32>
    %get3A_2 = arith.constant 0 : index
    %get3A_3 = arith.constant 0 : index
    %get3A_4 = vector.load %arg3[%get3A_2, %get3A_3] : memref<1024x1024xf32, #tpu.memory_space<vmem>>, vector<1024x1024xf32>
    %dot_general3A = arith.constant dense<0.000000e+00> : vector<512x1024xf32>
    %dot_general3A_5 = tpu.matmul %get3A_1, %get3A_4, %dot_general3A {dimension_numbers = #tpu.dot_dimension_numbers<[1], [0], [0], [1], [0, 0, 1, 1], [], []>, transpose_lhs_hint = false} : vector<512x1024xf32>, vector<1024x1024xf32>, vector<512x1024xf32> -> vector<512x1024xf32>
    %get3A_6 = arith.constant 0 : index
    %get3A_7 = arith.constant 0 : index
    %get3A_8 = vector.load %arg4[%get3A_6, %get3A_7] : memref<1x1024xf32, #tpu.memory_space<vmem>>, vector<1x1024xf32>
    %add3A = vector.broadcast %get3A_8 : vector<1x1024xf32> to vector<512x1024xf32>
    %add3A_9 = arith.addf %dot_general3A_5, %add3A : vector<512x1024xf32>
    %mul3A = arith.constant 5.000000e-01 : f32
    %mul3A_10 = vector.broadcast %mul3A : f32 to vector<512x1024xf32>
    %mul3A_11 = arith.mulf %mul3A_10, %add3A_9 : vector<512x1024xf32>
    %mul3A_12 = arith.constant 0.707106769 : f32
    %mul3A_13 = vector.broadcast %mul3A_12 : f32 to vector<512x1024xf32>
    %mul3A_14 = arith.mulf %add3A_9, %mul3A_13 : vector<512x1024xf32>
    %erf3A = math.erf %mul3A_14 : vector<512x1024xf32>
    %add3A_15 = arith.constant 1.000000e+00 : f32
    %add3A_16 = vector.broadcast %add3A_15 : f32 to vector<512x1024xf32>
    %add3A_17 = arith.addf %add3A_16, %erf3A : vector<512x1024xf32>
    %mul3A_18 = arith.mulf %mul3A_11, %add3A_17 : vector<512x1024xf32>
    %get3A_19 = arith.constant 0 : index
    %get3A_20 = arith.constant 0 : index
    %get3A_21 = vector.load %arg5[%get3A_19, %get3A_20] : memref<1024x128xf32, #tpu.memory_space<vmem>>, vector<1024x128xf32>
    %dot_general3A_22 = arith.constant dense<0.000000e+00> : vector<512x128xf32>
    %dot_general3A_23 = tpu.matmul %mul3A_18, %get3A_21, %dot_general3A_22 {dimension_numbers = #tpu.dot_dimension_numbers<[1], [0], [0], [1], [0, 0, 1, 1], [], []>, transpose_lhs_hint = false} : vector<512x1024xf32>, vector<1024x128xf32>, vector<512x128xf32> -> vector<512x128xf32>
    %get3A_24 = arith.constant 0 : index
    %get3A_25 = arith.constant 0 : index
    %get3A_26 = vector.load %arg6[%get3A_24, %get3A_25] : memref<1x128xf32, #tpu.memory_space<vmem>>, vector<1x128xf32>
    %add3A_27 = vector.broadcast %get3A_26 : vector<1x128xf32> to vector<512x128xf32>
    %add3A_28 = arith.addf %dot_general3A_23, %add3A_27 : vector<512x128xf32>
    %iota3A = tpu.iota {dimensions = array<i32: 1>} : vector<512x128xi32>
    %jit3A = arith.constant 8 : i32
    %eq3A = arith.constant 0 : i32
    %eq3A_29 = arith.cmpi eq, %jit3A, %eq3A : i32
    %jit3A_30 = arith.constant 1 : i32
    %select_n3A = arith.select %eq3A_29, %jit3A_30, %jit3A : i32
    %rem3A = vector.broadcast %select_n3A : i32 to vector<512x128xi32>
    %rem3A_31 = arith.remsi %iota3A, %rem3A : vector<512x128xi32>
    %ne3A = arith.constant 0 : i32
    %ne3A_32 = vector.broadcast %ne3A : i32 to vector<512x128xi32>
    %ne3A_33 = arith.cmpi ne, %rem3A_31, %ne3A_32 : vector<512x128xi32>
    %lt3A = arith.constant 0 : i32
    %lt3A_34 = vector.broadcast %lt3A : i32 to vector<512x128xi32>
    %lt3A_35 = arith.cmpi slt, %rem3A_31, %lt3A_34 : vector<512x128xi32>
    %lt3A_36 = arith.constant 0 : i32
    %lt3A_37 = arith.cmpi slt, %select_n3A, %lt3A_36 : i32
    %ne3A_38 = vector.broadcast %lt3A_37 : i1 to vector<512x128xi1>
    %ne3A_39 = vector.broadcast %ne3A_38 : vector<512x128xi1> to vector<512x128xi1>
    %ne3A_40 = arith.xori %lt3A_35, %ne3A_39 : vector<512x128xi1>
    %and3A = arith.andi %ne3A_40, %ne3A_33 : vector<512x128xi1>
    %add3A_41 = vector.broadcast %select_n3A : i32 to vector<512x128xi32>
    %add3A_42 = arith.addi %rem3A_31, %add3A_41 : vector<512x128xi32>
    %select_n3A_43 = arith.select %and3A, %add3A_42, %rem3A_31 : vector<512x128xi1>, vector<512x128xi32>
    %convert_element_type3A = arith.sitofp %select_n3A_43 : vector<512x128xi32> to vector<512x128xf32>
    %mul3A_44 = arith.constant 5.850000e+02 : f32
    %mul3A_45 = vector.broadcast %mul3A_44 : f32 to vector<512x128xf32>
    %mul3A_46 = arith.mulf %convert_element_type3A, %mul3A_45 : vector<512x128xf32>
    %tanh3A = math.tanh %add3A_28 : vector<512x128xf32>
    %mul3A_47 = arith.constant 1.280000e+02 : f32
    %mul3A_48 = vector.broadcast %mul3A_47 : f32 to vector<512x128xf32>
    %mul3A_49 = arith.mulf %tanh3A, %mul3A_48 : vector<512x128xf32>
    %add3A_50 = arith.addf %mul3A_46, %mul3A_49 : vector<512x128xf32>
    %jit3A_51 = arith.constant 0.000000e+00 : f32
    %jit3A_52 = arith.constant 4.095000e+03 : f32
    %max3A = vector.broadcast %jit3A_51 : f32 to vector<512x128xf32>
    %max3A_53 = arith.maximumf %max3A, %add3A_50 : vector<512x128xf32>
    %min3A = vector.broadcast %jit3A_52 : f32 to vector<512x128xf32>
    %min3A_54 = arith.minimumf %min3A, %max3A_53 : vector<512x128xf32>
    %round3A = math.roundeven %min3A_54 : vector<512x128xf32>
    %convert_element_type3A_55 = arith.fptosi %round3A : vector<512x128xf32> to vector<512x128xi32>
    %mul3A_56 = arith.constant 16 : i32
    %mul3A_57 = vector.broadcast %mul3A_56 : i32 to vector<512x128xi32>
    %mul3A_58 = arith.muli %convert_element_type3A_55, %mul3A_57 : vector<512x128xi32>
    %jit3A_59 = arith.constant 8 : i32
    %div3A = vector.broadcast %jit3A_59 : i32 to vector<512x128xi32>
    %div3A_60 = arith.divsi %iota3A, %div3A : vector<512x128xi32>
    %sign3A = arith.constant 0 : i32
    %sign3A_61 = vector.broadcast %sign3A : i32 to vector<512x128xi32>
    %sign3A_62 = arith.cmpi sgt, %iota3A, %sign3A_61 : vector<512x128xi32>
    %sign3A_63 = arith.extui %sign3A_62 : vector<512x128xi1> to vector<512x128xi32>
    %sign3A_64 = arith.constant 0 : i32
    %sign3A_65 = vector.broadcast %sign3A_64 : i32 to vector<512x128xi32>
    %sign3A_66 = arith.cmpi slt, %iota3A, %sign3A_65 : vector<512x128xi32>
    %sign3A_67 = arith.extui %sign3A_66 : vector<512x128xi1> to vector<512x128xi32>
    %sign3A_68 = arith.subi %sign3A_63, %sign3A_67 : vector<512x128xi32>
    %sign3A_69 = arith.constant 0 : i32
    %sign3A_70 = arith.cmpi sgt, %jit3A_59, %sign3A_69 : i32
    %sign3A_71 = arith.extui %sign3A_70 : i1 to i32
    %sign3A_72 = arith.constant 0 : i32
    %sign3A_73 = arith.cmpi slt, %jit3A_59, %sign3A_72 : i32
    %sign3A_74 = arith.extui %sign3A_73 : i1 to i32
    %sign3A_75 = arith.subi %sign3A_71, %sign3A_74 : i32
    %ne3A_76 = vector.broadcast %sign3A_75 : i32 to vector<512x128xi32>
    %ne3A_77 = arith.cmpi ne, %sign3A_68, %ne3A_76 : vector<512x128xi32>
    %rem3A_78 = vector.broadcast %jit3A_59 : i32 to vector<512x128xi32>
    %rem3A_79 = arith.remsi %iota3A, %rem3A_78 : vector<512x128xi32>
    %ne3A_80 = arith.constant 0 : i32
    %ne3A_81 = vector.broadcast %ne3A_80 : i32 to vector<512x128xi32>
    %ne3A_82 = arith.cmpi ne, %rem3A_79, %ne3A_81 : vector<512x128xi32>
    %and3A_83 = arith.andi %ne3A_77, %ne3A_82 : vector<512x128xi1>
    %sub3A = arith.constant 1 : i32
    %sub3A_84 = vector.broadcast %sub3A : i32 to vector<512x128xi32>
    %sub3A_85 = arith.subi %div3A_60, %sub3A_84 : vector<512x128xi32>
    %select_n3A_86 = arith.select %and3A_83, %sub3A_85, %div3A_60 : vector<512x128xi1>, vector<512x128xi32>
    %add3A_87 = arith.addi %mul3A_58, %select_n3A_86 : vector<512x128xi32>
    %mul3A_88 = arith.constant 65536 : i32
    %mul3A_89 = arith.muli %arg0, %mul3A_88 : i32
    %add3A_90 = vector.broadcast %mul3A_89 : i32 to vector<512x128xi32>
    %add3A_91 = arith.addi %add3A_87, %add3A_90 : vector<512x128xi32>
    %slice3A = vector.extract_strided_slice %add3A_91 {offsets = [0, 0], sizes = [512, 8], strides = [1, 1]} : vector<512x128xi32> to vector<512x8xi32>
    %swap3A = arith.constant 0 : index
    %swap3A_92 = arith.constant 0 : index
    %swap3A_93 = arith.constant 0 : index
    %swap3A_94 = vector.load %arg7[%swap3A, %swap3A_92, %swap3A_93] : memref<16x512x8xi32, #tpu.memory_space<vmem>>, vector<1x512x8xi32>
    %swap3A_95 = vector.shape_cast %swap3A_94 : vector<1x512x8xi32> to vector<512x8xi32>
    %swap3A_96 = vector.shape_cast %slice3A : vector<512x8xi32> to vector<1x512x8xi32>
    tpu.vector_store %arg7[%swap3A, %swap3A_92, %swap3A_93], %swap3A_96 {strides = array<i32>} : memref<16x512x8xi32, #tpu.memory_space<vmem>>, vector<1x512x8xi32>,
    %slice3A_97 = vector.extract_strided_slice %add3A_91 {offsets = [0, 8], sizes = [512, 8], strides = [1, 1]} : vector<512x128xi32> to vector<512x8xi32>
    %swap3A_98 = arith.constant 1 : index
    %swap3A_99 = arith.constant 0 : index
    %swap3A_100 = arith.constant 0 : index
    %swap3A_101 = vector.load %arg7[%swap3A_98, %swap3A_99, %swap3A_100] : memref<16x512x8xi32, #tpu.memory_space<vmem>>, vector<1x512x8xi32>
    %swap3A_102 = vector.shape_cast %swap3A_101 : vector<1x512x8xi32> to vector<512x8xi32>
    %swap3A_103 = vector.shape_cast %slice3A_97 : vector<512x8xi32> to vector<1x512x8xi32>
    tpu.vector_store %arg7[%swap3A_98, %swap3A_99, %swap3A_100], %swap3A_103 {strides = array<i32>} : memref<16x512x8xi32, #tpu.memory_space<vmem>>, vector<1x512x8xi32>,
    %slice3A_104 = vector.extract_strided_slice %add3A_91 {offsets = [0, 16], sizes = [512, 8], strides = [1, 1]} : vector<512x128xi32> to vector<512x8xi32>
    %swap3A_105 = arith.constant 2 : index
    %swap3A_106 = arith.constant 0 : index
    %swap3A_107 = arith.constant 0 : index
    %swap3A_108 = vector.load %arg7[%swap3A_105, %swap3A_106, %swap3A_107] : memref<16x512x8xi32, #tpu.memory_space<vmem>>, vector<1x512x8xi32>
    %swap3A_109 = vector.shape_cast %swap3A_108 : vector<1x512x8xi32> to vector<512x8xi32>
    %swap3A_110 = vector.shape_cast %slice3A_104 : vector<512x8xi32> to vector<1x512x8xi32>
    tpu.vector_store %arg7[%swap3A_105, %swap3A_106, %swap3A_107], %swap3A_110 {strides = array<i32>} : memref<16x512x8xi32, #tpu.memory_space<vmem>>, vector<1x512x8xi32>,
    %slice3A_111 = vector.extract_strided_slice %add3A_91 {offsets = [0, 24], sizes = [512, 8], strides = [1, 1]} : vector<512x128xi32> to vector<512x8xi32>
    %swap3A_112 = arith.constant 3 : index
    %swap3A_113 = arith.constant 0 : index
    %swap3A_114 = arith.constant 0 : index
    %swap3A_115 = vector.load %arg7[%swap3A_112, %swap3A_113, %swap3A_114] : memref<16x512x8xi32, #tpu.memory_space<vmem>>, vector<1x512x8xi32>
    %swap3A_116 = vector.shape_cast %swap3A_115 : vector<1x512x8xi32> to vector<512x8xi32>
    %swap3A_117 = vector.shape_cast %slice3A_111 : vector<512x8xi32> to vector<1x512x8xi32>
    tpu.vector_store %arg7[%swap3A_112, %swap3A_113, %swap3A_114], %swap3A_117 {strides = array<i32>} : memref<16x512x8xi32, #tpu.memory_space<vmem>>, vector<1x512x8xi32>,
    %slice3A_118 = vector.extract_strided_slice %add3A_91 {offsets = [0, 32], sizes = [512, 8], strides = [1, 1]} : vector<512x128xi32> to vector<512x8xi32>
    %swap3A_119 = arith.constant 4 : index
    %swap3A_120 = arith.constant 0 : index
    %swap3A_121 = arith.constant 0 : index
    %swap3A_122 = vector.load %arg7[%swap3A_119, %swap3A_120, %swap3A_121] : memref<16x512x8xi32, #tpu.memory_space<vmem>>, vector<1x512x8xi32>
    %swap3A_123 = vector.shape_cast %swap3A_122 : vector<1x512x8xi32> to vector<512x8xi32>
    %swap3A_124 = vector.shape_cast %slice3A_118 : vector<512x8xi32> to vector<1x512x8xi32>
    tpu.vector_store %arg7[%swap3A_119, %swap3A_120, %swap3A_121], %swap3A_124 {strides = array<i32>} : memref<16x512x8xi32, #tpu.memory_space<vmem>>, vector<1x512x8xi32>,
    %slice3A_125 = vector.extract_strided_slice %add3A_91 {offsets = [0, 40], sizes = [512, 8], strides = [1, 1]} : vector<512x128xi32> to vector<512x8xi32>
    %swap3A_126 = arith.constant 5 : index
    %swap3A_127 = arith.constant 0 : index
    %swap3A_128 = arith.constant 0 : index
    %swap3A_129 = vector.load %arg7[%swap3A_126, %swap3A_127, %swap3A_128] : memref<16x512x8xi32, #tpu.memory_space<vmem>>, vector<1x512x8xi32>
    %swap3A_130 = vector.shape_cast %swap3A_129 : vector<1x512x8xi32> to vector<512x8xi32>
    %swap3A_131 = vector.shape_cast %slice3A_125 : vector<512x8xi32> to vector<1x512x8xi32>
    tpu.vector_store %arg7[%swap3A_126, %swap3A_127, %swap3A_128], %swap3A_131 {strides = array<i32>} : memref<16x512x8xi32, #tpu.memory_space<vmem>>, vector<1x512x8xi32>,
    %slice3A_132 = vector.extract_strided_slice %add3A_91 {offsets = [0, 48], sizes = [512, 8], strides = [1, 1]} : vector<512x128xi32> to vector<512x8xi32>
    %swap3A_133 = arith.constant 6 : index
    %swap3A_134 = arith.constant 0 : index
    %swap3A_135 = arith.constant 0 : index
    %swap3A_136 = vector.load %arg7[%swap3A_133, %swap3A_134, %swap3A_135] : memref<16x512x8xi32, #tpu.memory_space<vmem>>, vector<1x512x8xi32>
    %swap3A_137 = vector.shape_cast %swap3A_136 : vector<1x512x8xi32> to vector<512x8xi32>
    %swap3A_138 = vector.shape_cast %slice3A_132 : vector<512x8xi32> to vector<1x512x8xi32>
    tpu.vector_store %arg7[%swap3A_133, %swap3A_134, %swap3A_135], %swap3A_138 {strides = array<i32>} : memref<16x512x8xi32, #tpu.memory_space<vmem>>, vector<1x512x8xi32>,
    %slice3A_139 = vector.extract_strided_slice %add3A_91 {offsets = [0, 56], sizes = [512, 8], strides = [1, 1]} : vector<512x128xi32> to vector<512x8xi32>
    %swap3A_140 = arith.constant 7 : index
    %swap3A_141 = arith.constant 0 : index
    %swap3A_142 = arith.constant 0 : index
    %swap3A_143 = vector.load %arg7[%swap3A_140, %swap3A_141, %swap3A_142] : memref<16x512x8xi32, #tpu.memory_space<vmem>>, vector<1x512x8xi32>
    %swap3A_144 = vector.shape_cast %swap3A_143 : vector<1x512x8xi32> to vector<512x8xi32>
    %swap3A_145 = vector.shape_cast %slice3A_139 : vector<512x8xi32> to vector<1x512x8xi32>
    tpu.vector_store %arg7[%swap3A_140, %swap3A_141, %swap3A_142], %swap3A_145 {strides = array<i32>} : memref<16x512x8xi32, #tpu.memory_space<vmem>>, vector<1x512x8xi32>,
    %slice3A_146 = vector.extract_strided_slice %add3A_91 {offsets = [0, 64], sizes = [512, 8], strides = [1, 1]} : vector<512x128xi32> to vector<512x8xi32>
    %swap3A_147 = arith.constant 8 : index
    %swap3A_148 = arith.constant 0 : index
    %swap3A_149 = arith.constant 0 : index
    %swap3A_150 = vector.load %arg7[%swap3A_147, %swap3A_148, %swap3A_149] : memref<16x512x8xi32, #tpu.memory_space<vmem>>, vector<1x512x8xi32>
    %swap3A_151 = vector.shape_cast %swap3A_150 : vector<1x512x8xi32> to vector<512x8xi32>
    %swap3A_152 = vector.shape_cast %slice3A_146 : vector<512x8xi32> to vector<1x512x8xi32>
    tpu.vector_store %arg7[%swap3A_147, %swap3A_148, %swap3A_149], %swap3A_152 {strides = array<i32>} : memref<16x512x8xi32, #tpu.memory_space<vmem>>, vector<1x512x8xi32>,
    %slice3A_153 = vector.extract_strided_slice %add3A_91 {offsets = [0, 72], sizes = [512, 8], strides = [1, 1]} : vector<512x128xi32> to vector<512x8xi32>
    %swap3A_154 = arith.constant 9 : index
    %swap3A_155 = arith.constant 0 : index
    %swap3A_156 = arith.constant 0 : index
    %swap3A_157 = vector.load %arg7[%swap3A_154, %swap3A_155, %swap3A_156] : memref<16x512x8xi32, #tpu.memory_space<vmem>>, vector<1x512x8xi32>
    %swap3A_158 = vector.shape_cast %swap3A_157 : vector<1x512x8xi32> to vector<512x8xi32>
    %swap3A_159 = vector.shape_cast %slice3A_153 : vector<512x8xi32> to vector<1x512x8xi32>
    tpu.vector_store %arg7[%swap3A_154, %swap3A_155, %swap3A_156], %swap3A_159 {strides = array<i32>} : memref<16x512x8xi32, #tpu.memory_space<vmem>>, vector<1x512x8xi32>,
    %slice3A_160 = vector.extract_strided_slice %add3A_91 {offsets = [0, 80], sizes = [512, 8], strides = [1, 1]} : vector<512x128xi32> to vector<512x8xi32>
    %swap3A_161 = arith.constant 10 : index
    %swap3A_162 = arith.constant 0 : index
    %swap3A_163 = arith.constant 0 : index
    %swap3A_164 = vector.load %arg7[%swap3A_161, %swap3A_162, %swap3A_163] : memref<16x512x8xi32, #tpu.memory_space<vmem>>, vector<1x512x8xi32>
    %swap3A_165 = vector.shape_cast %swap3A_164 : vector<1x512x8xi32> to vector<512x8xi32>
    %swap3A_166 = vector.shape_cast %slice3A_160 : vector<512x8xi32> to vector<1x512x8xi32>
    tpu.vector_store %arg7[%swap3A_161, %swap3A_162, %swap3A_163], %swap3A_166 {strides = array<i32>} : memref<16x512x8xi32, #tpu.memory_space<vmem>>, vector<1x512x8xi32>,
    %slice3A_167 = vector.extract_strided_slice %add3A_91 {offsets = [0, 88], sizes = [512, 8], strides = [1, 1]} : vector<512x128xi32> to vector<512x8xi32>
    %swap3A_168 = arith.constant 11 : index
    %swap3A_169 = arith.constant 0 : index
    %swap3A_170 = arith.constant 0 : index
    %swap3A_171 = vector.load %arg7[%swap3A_168, %swap3A_169, %swap3A_170] : memref<16x512x8xi32, #tpu.memory_space<vmem>>, vector<1x512x8xi32>
    %swap3A_172 = vector.shape_cast %swap3A_171 : vector<1x512x8xi32> to vector<512x8xi32>
    %swap3A_173 = vector.shape_cast %slice3A_167 : vector<512x8xi32> to vector<1x512x8xi32>
    tpu.vector_store %arg7[%swap3A_168, %swap3A_169, %swap3A_170], %swap3A_173 {strides = array<i32>} : memref<16x512x8xi32, #tpu.memory_space<vmem>>, vector<1x512x8xi32>,
    %slice3A_174 = vector.extract_strided_slice %add3A_91 {offsets = [0, 96], sizes = [512, 8], strides = [1, 1]} : vector<512x128xi32> to vector<512x8xi32>
    %swap3A_175 = arith.constant 12 : index
    %swap3A_176 = arith.constant 0 : index
    %swap3A_177 = arith.constant 0 : index
    %swap3A_178 = vector.load %arg7[%swap3A_175, %swap3A_176, %swap3A_177] : memref<16x512x8xi32, #tpu.memory_space<vmem>>, vector<1x512x8xi32>
    %swap3A_179 = vector.shape_cast %swap3A_178 : vector<1x512x8xi32> to vector<512x8xi32>
    %swap3A_180 = vector.shape_cast %slice3A_174 : vector<512x8xi32> to vector<1x512x8xi32>
    tpu.vector_store %arg7[%swap3A_175, %swap3A_176, %swap3A_177], %swap3A_180 {strides = array<i32>} : memref<16x512x8xi32, #tpu.memory_space<vmem>>, vector<1x512x8xi32>,
    %slice3A_181 = vector.extract_strided_slice %add3A_91 {offsets = [0, 104], sizes = [512, 8], strides = [1, 1]} : vector<512x128xi32> to vector<512x8xi32>
    %swap3A_182 = arith.constant 13 : index
    %swap3A_183 = arith.constant 0 : index
    %swap3A_184 = arith.constant 0 : index
    %swap3A_185 = vector.load %arg7[%swap3A_182, %swap3A_183, %swap3A_184] : memref<16x512x8xi32, #tpu.memory_space<vmem>>, vector<1x512x8xi32>
    %swap3A_186 = vector.shape_cast %swap3A_185 : vector<1x512x8xi32> to vector<512x8xi32>
    %swap3A_187 = vector.shape_cast %slice3A_181 : vector<512x8xi32> to vector<1x512x8xi32>
    tpu.vector_store %arg7[%swap3A_182, %swap3A_183, %swap3A_184], %swap3A_187 {strides = array<i32>} : memref<16x512x8xi32, #tpu.memory_space<vmem>>, vector<1x512x8xi32>,
    %slice3A_188 = vector.extract_strided_slice %add3A_91 {offsets = [0, 112], sizes = [512, 8], strides = [1, 1]} : vector<512x128xi32> to vector<512x8xi32>
    %swap3A_189 = arith.constant 14 : index
    %swap3A_190 = arith.constant 0 : index
    %swap3A_191 = arith.constant 0 : index
    %swap3A_192 = vector.load %arg7[%swap3A_189, %swap3A_190, %swap3A_191] : memref<16x512x8xi32, #tpu.memory_space<vmem>>, vector<1x512x8xi32>
    %swap3A_193 = vector.shape_cast %swap3A_192 : vector<1x512x8xi32> to vector<512x8xi32>
    %swap3A_194 = vector.shape_cast %slice3A_188 : vector<512x8xi32> to vector<1x512x8xi32>
    tpu.vector_store %arg7[%swap3A_189, %swap3A_190, %swap3A_191], %swap3A_194 {strides = array<i32>} : memref<16x512x8xi32, #tpu.memory_space<vmem>>, vector<1x512x8xi32>,
    %slice3A_195 = vector.extract_strided_slice %add3A_91 {offsets = [0, 120], sizes = [512, 8], strides = [1, 1]} : vector<512x128xi32> to vector<512x8xi32>
    %swap3A_196 = arith.constant 15 : index
    %swap3A_197 = arith.constant 0 : index
    %swap3A_198 = arith.constant 0 : index
    %swap3A_199 = vector.load %arg7[%swap3A_196, %swap3A_197, %swap3A_198] : memref<16x512x8xi32, #tpu.memory_space<vmem>>, vector<1x512x8xi32>
    %swap3A_200 = vector.shape_cast %swap3A_199 : vector<1x512x8xi32> to vector<512x8xi32>
    %swap3A_201 = vector.shape_cast %slice3A_195 : vector<512x8xi32> to vector<1x512x8xi32>
    tpu.vector_store %arg7[%swap3A_196, %swap3A_197, %swap3A_198], %swap3A_201 {strides = array<i32>} : memref<16x512x8xi32, #tpu.memory_space<vmem>>, vector<1x512x8xi32>,
    return
  }
  func.func @transform_0(%arg0: i32, %arg1: i32) -> (i32, i32) {
    %mul3A = arith.constant 4 : i32
    %mul3A_0 = arith.muli %arg0, %mul3A : i32
    %add3A = arith.addi %mul3A_0, %arg1 : i32
    %c0_i32 = arith.constant 0 : i32
    %c0_i32_1 = arith.constant 0 : i32
    return %add3A, %c0_i32 : i32, i32
  }
  func.func @transform_1(%arg0: i32, %arg1: i32) -> (i32, i32) {
    %c0_i32 = arith.constant 0 : i32
    %c0_i32_0 = arith.constant 0 : i32
    %c0_i32_1 = arith.constant 0 : i32
    return %c0_i32, %c0_i32_0 : i32, i32
  }
  func.func @transform_2(%arg0: i32, %arg1: i32) -> (i32, i32) {
    %c0_i32 = arith.constant 0 : i32
    %c0_i32_0 = arith.constant 0 : i32
    %c0_i32_1 = arith.constant 0 : i32
    return %c0_i32, %c0_i32_0 : i32, i32
  }
  func.func @transform_3(%arg0: i32, %arg1: i32) -> (i32, i32) {
    %c0_i32 = arith.constant 0 : i32
    %c0_i32_0 = arith.constant 0 : i32
    %c0_i32_1 = arith.constant 0 : i32
    return %c0_i32, %c0_i32_0 : i32, i32
  }
  func.func @transform_4(%arg0: i32, %arg1: i32) -> (i32, i32) {
    %c0_i32 = arith.constant 0 : i32
    %c0_i32_0 = arith.constant 0 : i32
    %c0_i32_1 = arith.constant 0 : i32
    return %c0_i32, %c0_i32_0 : i32, i32
  }
  func.func @transform_5(%arg0: i32, %arg1: i32) -> (i32, i32, i32) {
    %c0_i32 = arith.constant 0 : i32
    %c0_i32_0 = arith.constant 0 : i32
    return %arg0, %arg1, %c0_i32 : i32, i32, i32
  }
}

module attributes {stable_mosaic.version = 14 : i64} {
  func.func @_proj_kernel(%arg0: i32, %arg1: memref<512x1024xf32, #tpu.memory_space<vmem>>, %arg2: memref<1024x1024xf32, #tpu.memory_space<vmem>>, %arg3: memref<1x1024xf32, #tpu.memory_space<vmem>>, %arg4: memref<512x1024xbf16, #tpu.memory_space<vmem>>) attributes {dimension_semantics = [#tpu.dimension_semantics<arbitrary>], iteration_bounds = array<i64: 16>, scalar_prefetch = 0 : i64, scratch_operands = 0 : i64, tpu.core_type = #tpu.core_type<tc>, window_params = [{transform_indices = @transform_0, window_bounds = array<i64: 512, 1024>}, {pipeline_mode = #tpu.pipeline_mode<synchronous>, transform_indices = @transform_1, window_bounds = array<i64: 1024, 1024>}, {pipeline_mode = #tpu.pipeline_mode<synchronous>, transform_indices = @transform_2, window_bounds = array<i64: 1, 1024>}, {transform_indices = @transform_3, window_bounds = array<i64: 512, 1024>}]} {
    %get3A = arith.constant 0 : index
    %get3A_0 = arith.constant 0 : index
    %get3A_1 = vector.load %arg1[%get3A, %get3A_0] : memref<512x1024xf32, #tpu.memory_space<vmem>>, vector<512x1024xf32>
    %get3A_2 = arith.constant 0 : index
    %get3A_3 = arith.constant 0 : index
    %get3A_4 = vector.load %arg2[%get3A_2, %get3A_3] : memref<1024x1024xf32, #tpu.memory_space<vmem>>, vector<1024x1024xf32>
    %dot_general3A = arith.constant dense<0.000000e+00> : vector<512x1024xf32>
    %dot_general3A_5 = tpu.matmul %get3A_1, %get3A_4, %dot_general3A {dimension_numbers = #tpu.dot_dimension_numbers<[1], [0], [0], [1], [0, 0, 1, 1], [], []>, transpose_lhs_hint = false} : vector<512x1024xf32>, vector<1024x1024xf32>, vector<512x1024xf32> -> vector<512x1024xf32>
    %get3A_6 = arith.constant 0 : index
    %get3A_7 = arith.constant 0 : index
    %get3A_8 = vector.load %arg3[%get3A_6, %get3A_7] : memref<1x1024xf32, #tpu.memory_space<vmem>>, vector<1x1024xf32>
    %add3A = vector.broadcast %get3A_8 : vector<1x1024xf32> to vector<512x1024xf32>
    %add3A_9 = arith.addf %dot_general3A_5, %add3A : vector<512x1024xf32>
    %convert_element_type3A = arith.truncf %add3A_9 : vector<512x1024xf32> to vector<512x1024xbf16>
    %swap3A = arith.constant 0 : index
    %swap3A_10 = arith.constant 0 : index
    %swap3A_11 = vector.load %arg4[%swap3A, %swap3A_10] : memref<512x1024xbf16, #tpu.memory_space<vmem>>, vector<512x1024xbf16>
    tpu.vector_store %arg4[%swap3A, %swap3A_10], %convert_element_type3A {strides = array<i32>} : memref<512x1024xbf16, #tpu.memory_space<vmem>>, vector<512x1024xbf16>,
    return
  }
  func.func @transform_0(%arg0: i32) -> (i32, i32) {
    %c0_i32 = arith.constant 0 : i32
    %c0_i32_0 = arith.constant 0 : i32
    return %arg0, %c0_i32 : i32, i32
  }
  func.func @transform_1(%arg0: i32) -> (i32, i32) {
    %c0_i32 = arith.constant 0 : i32
    %c0_i32_0 = arith.constant 0 : i32
    %c0_i32_1 = arith.constant 0 : i32
    return %c0_i32, %c0_i32_0 : i32, i32
  }
  func.func @transform_2(%arg0: i32) -> (i32, i32) {
    %c0_i32 = arith.constant 0 : i32
    %c0_i32_0 = arith.constant 0 : i32
    %c0_i32_1 = arith.constant 0 : i32
    return %c0_i32, %c0_i32_0 : i32, i32
  }
  func.func @transform_3(%arg0: i32) -> (i32, i32) {
    %c0_i32 = arith.constant 0 : i32
    %c0_i32_0 = arith.constant 0 : i32
    return %arg0, %c0_i32 : i32, i32
  }
}

module attributes {stable_mosaic.version = 14 : i64} {
  func.func @_wtrans_kernel(%arg0: i32, %arg1: i32, %arg2: memref<1x128x512xf32, #tpu.memory_space<vmem>>, %arg3: memref<1x512x128xf32, #tpu.memory_space<vmem>>) attributes {dimension_semantics = [#tpu.dimension_semantics<arbitrary>, #tpu.dimension_semantics<arbitrary>], iteration_bounds = array<i64: 2, 4>, scalar_prefetch = 0 : i64, scratch_operands = 0 : i64, tpu.core_type = #tpu.core_type<tc>, window_params = [{transform_indices = @transform_0, window_bounds = array<i64: 1, 128, 512>}, {transform_indices = @transform_1, window_bounds = array<i64: 1, 512, 128>}]} {
    %get3A = arith.constant 0 : index
    %get3A_0 = arith.constant 0 : index
    %get3A_1 = arith.constant 0 : index
    %get3A_2 = vector.load %arg2[%get3A, %get3A_0, %get3A_1] : memref<1x128x512xf32, #tpu.memory_space<vmem>>, vector<1x128x512xf32>
    %get3A_3 = vector.shape_cast %get3A_2 : vector<1x128x512xf32> to vector<128x512xf32>
    %transpose3A = tpu.transpose %get3A_3, [1, 0] : vector<128x512xf32> -> vector<512x128xf32>
    %swap3A = arith.constant 0 : index
    %swap3A_4 = arith.constant 0 : index
    %swap3A_5 = arith.constant 0 : index
    %swap3A_6 = vector.load %arg3[%swap3A, %swap3A_4, %swap3A_5] : memref<1x512x128xf32, #tpu.memory_space<vmem>>, vector<1x512x128xf32>
    %swap3A_7 = vector.shape_cast %swap3A_6 : vector<1x512x128xf32> to vector<512x128xf32>
    %swap3A_8 = vector.shape_cast %transpose3A : vector<512x128xf32> to vector<1x512x128xf32>
    tpu.vector_store %arg3[%swap3A, %swap3A_4, %swap3A_5], %swap3A_8 {strides = array<i32>} : memref<1x512x128xf32, #tpu.memory_space<vmem>>, vector<1x512x128xf32>,
    return
  }
  func.func @transform_0(%arg0: i32, %arg1: i32) -> (i32, i32, i32) {
    %c0_i32 = arith.constant 0 : i32
    %c0_i32_0 = arith.constant 0 : i32
    return %arg0, %c0_i32, %arg1 : i32, i32, i32
  }
  func.func @transform_1(%arg0: i32, %arg1: i32) -> (i32, i32, i32) {
    %c0_i32 = arith.constant 0 : i32
    %c0_i32_0 = arith.constant 0 : i32
    return %arg0, %arg1, %c0_i32 : i32, i32, i32
  }
}

module attributes {stable_mosaic.version = 14 : i64} {
  func.func @_proj_kernel(%arg0: i32, %arg1: memref<512x1024xf32, #tpu.memory_space<vmem>>, %arg2: memref<1024x1024xf32, #tpu.memory_space<vmem>>, %arg3: memref<1x1024xf32, #tpu.memory_space<vmem>>, %arg4: memref<512x1024xf32, #tpu.memory_space<vmem>>) attributes {dimension_semantics = [#tpu.dimension_semantics<arbitrary>], iteration_bounds = array<i64: 8>, scalar_prefetch = 0 : i64, scratch_operands = 0 : i64, tpu.core_type = #tpu.core_type<tc>, window_params = [{transform_indices = @transform_0, window_bounds = array<i64: 512, 1024>}, {pipeline_mode = #tpu.pipeline_mode<synchronous>, transform_indices = @transform_1, window_bounds = array<i64: 1024, 1024>}, {pipeline_mode = #tpu.pipeline_mode<synchronous>, transform_indices = @transform_2, window_bounds = array<i64: 1, 1024>}, {transform_indices = @transform_3, window_bounds = array<i64: 512, 1024>}]} {
    %get3A = arith.constant 0 : index
    %get3A_0 = arith.constant 0 : index
    %get3A_1 = vector.load %arg1[%get3A, %get3A_0] : memref<512x1024xf32, #tpu.memory_space<vmem>>, vector<512x1024xf32>
    %get3A_2 = arith.constant 0 : index
    %get3A_3 = arith.constant 0 : index
    %get3A_4 = vector.load %arg2[%get3A_2, %get3A_3] : memref<1024x1024xf32, #tpu.memory_space<vmem>>, vector<1024x1024xf32>
    %dot_general3A = arith.constant dense<0.000000e+00> : vector<512x1024xf32>
    %dot_general3A_5 = tpu.matmul %get3A_1, %get3A_4, %dot_general3A {dimension_numbers = #tpu.dot_dimension_numbers<[1], [0], [0], [1], [0, 0, 1, 1], [], []>, transpose_lhs_hint = false} : vector<512x1024xf32>, vector<1024x1024xf32>, vector<512x1024xf32> -> vector<512x1024xf32>
    %get3A_6 = arith.constant 0 : index
    %get3A_7 = arith.constant 0 : index
    %get3A_8 = vector.load %arg3[%get3A_6, %get3A_7] : memref<1x1024xf32, #tpu.memory_space<vmem>>, vector<1x1024xf32>
    %add3A = vector.broadcast %get3A_8 : vector<1x1024xf32> to vector<512x1024xf32>
    %add3A_9 = arith.addf %dot_general3A_5, %add3A : vector<512x1024xf32>
    %swap3A = arith.constant 0 : index
    %swap3A_10 = arith.constant 0 : index
    %swap3A_11 = vector.load %arg4[%swap3A, %swap3A_10] : memref<512x1024xf32, #tpu.memory_space<vmem>>, vector<512x1024xf32>
    tpu.vector_store %arg4[%swap3A, %swap3A_10], %add3A_9 {strides = array<i32>} : memref<512x1024xf32, #tpu.memory_space<vmem>>, vector<512x1024xf32>,
    return
  }
  func.func @transform_0(%arg0: i32) -> (i32, i32) {
    %c0_i32 = arith.constant 0 : i32
    %c0_i32_0 = arith.constant 0 : i32
    return %arg0, %c0_i32 : i32, i32
  }
  func.func @transform_1(%arg0: i32) -> (i32, i32) {
    %c0_i32 = arith.constant 0 : i32
    %c0_i32_0 = arith.constant 0 : i32
    %c0_i32_1 = arith.constant 0 : i32
    return %c0_i32, %c0_i32_0 : i32, i32
  }
  func.func @transform_2(%arg0: i32) -> (i32, i32) {
    %c0_i32 = arith.constant 0 : i32
    %c0_i32_0 = arith.constant 0 : i32
    %c0_i32_1 = arith.constant 0 : i32
    return %c0_i32, %c0_i32_0 : i32, i32
  }
  func.func @transform_3(%arg0: i32) -> (i32, i32) {
    %c0_i32 = arith.constant 0 : i32
    %c0_i32_0 = arith.constant 0 : i32
    return %arg0, %c0_i32 : i32, i32
  }
}

</mosaic_0001>

<sc_bundles>
// kernel: kernel.9.cloned.1.call-start
scs
__scs_entry_jumppad:
0x0: {  	(pc) =	sbr.rel $0x88, $3  }
0x1: {  	(tag) =	ssettag $0x0;
	lr =	simm.s32 $0x1  }
0x2: {  	[smem:$0x3F92] =	sst lr;
	_ =	strace $0xD0000000  }
0x3: {  	_ = 	snop  }
0x4: {  	_ = 	snop  }
0x5: {  	_ = 	snop  }
0x6: {  	_ = 	snop  }
0x7: {  	_ = 	snop  }
__scs_overlays_trampoline_lowered:
0x8: {  	[smem:$0x3FA1] =	sst s0  }
0x9: {  	[smem:$0x3FA2] =	sst s1  }
0xa: {  	[smem:$0x3FA3] =	sst s2  }
0xb: {  	[smem:$0x3FA4] =	sst s3  }
0xc: {  	[smem:$0x3FA5] =	sst s4  }
0xd: {  	[smem:$0x3FA6] =	sst s5  }
0xe: {  	[smem:$0x3FA7] =	sst s6  }
0xf: {  	[smem:$0x3FA8] =	sst s7  }
0x10: {  	[smem:$0x3FA9] =	sst s8  }
0x11: {  	[smem:$0x3FAA] =	sst s9;
	s0 =	simm.s32 @!p0 $0x0  }
0x12: {  	s1 =	sld [smem:$0x3F90];
	s0 =	simm.s32 @p0 $0x1  }
0x13: {  	[smem:$0x3FAB] =	sst s0;
	s0 =	simm.s32 @!p1 $0x0  }
0x14: {  	s2 =	sld [smem:$0x3F8F];
	s0 =	simm.s32 @p1 $0x1  }
0x15: {  	[smem:$0x3FAC] =	sst s0;
	s0 =	simm.s32 @!p2 $0x0  }
0x16: {  	s3 =	sld [smem:$0x3FDB];
	s0 =	simm.s32 @p2 $0x1  }
0x17: {  	s4 =	simm.s32 $0x1BF5;
	[smem:$0x3FAE] =	sst s0  }
0x18: {  	s0 =	sld [smem:$0x3F91];
	_ =	swait.ge [sflag:s4], $0x0  }
0x19: {  	s7 =	sld [smem:$0x3F92]  }
0x1a: {  	s8 =	sadd.s32 $0xFFFFE003, lr  }
0x1b: {  	s9 =	sadd.s32 $0xFFFFFEF7, lr;
	s5 =	simm.s32 $0xFFFFFFFF;
	p2 =	slt.u32 s8, $0xFFFFF086  }
0x1c: {  	p1 =	slt.u32 s9, $0xF7A;
	s5 =	simm.s32 @!p2 $0x0  }
0x1d: {  	s5 =	simm.s32 @p1 $0x1;
	p0 =	seq.s32 s7, s2  }
0x1e: {  	s7 =	smul.u32 @!p0 $0xF7A, s2;
	p2 =	seq.s32 @!p0 s5, $0x0  }
0x1f: {  	s9 =	smul.u32 $0xF7A, s1;
	s8 =	simm.s32 @!p0 $0x1BF5;
	p2 =	por !p2, p0  }
0x20: {  	[sflag:s8] =	ssyncset.s32 @!p0 $0xFFFFF086;
	s6 =	sadd.s32 @!p0 s3, s7;
	s7 =	simm.s32 @!p0 $0x108  }
0x21: {  	s3 =	sadd.s32 s3, s9;
	s6 =	sadd.s32 @!p0 $0x88, s6;
	s7 =	simm.s32 @p2 $0x1082  }
0x22: {  	[simem:s7], [sflag:s8] =	dma.local @!p0 [hbm:s6], $0xF7A  }
0x23: {  	s9 =	sor.u32 $0xD0000000, s2;
	s6 =	simm.s32 $0x108;
	_ =	swait.ge @!p0 [sflag:s8], $0x0  }
0x24: {  	s3 =	sadd.s32 $0x88, s3;
	s6 =	simm.s32 @!p1 $0x1082;
	[sflag:s4] =	ssyncset.s32 $0xFFFFF086  }
0x25: {  	[simem:s6], [sflag:s4] =	dma.local [hbm:s3], $0xF7A  }
0x26: {  	[smem:$0x3F92] =	sst s1;
	(tag) =	ssettag s2;
	_ =	strace s9  }
0x27: {  	s1 =	sld [smem:$0x3FA2]  }
0x28: {  	s2 =	sld [smem:$0x3FA3]  }
0x29: {  	s4 =	sld [smem:$0x3FA5]  }
0x2a: {  	p0 =	seq.s32 s5, $0x0;
	s5 =	sld [smem:$0x3FA6]  }
0x2b: {  	s6 =	sld [smem:$0x3FA7]  }
0x2c: {  	s7 =	sld [smem:$0x3FA8]  }
0x2d: {  	s3 =	simm.s32 $0x108;
	s8 =	sld [smem:$0x3FA9]  }
0x2e: {  	s3 =	simm.s32 @!p0 $0x1082;
	s9 =	sld [smem:$0x3FAA]  }
0x2f: {  	lr =	sadd.s32 s0, s3;
	s0 =	sld [smem:$0x3FA1]  }
0x30: {  	s3 =	sld [smem:$0x3FA4]  }
0x31: {  	[smem:$0x3FAD] =	sst s10  }
0x32: {  	s10 =	sld [smem:$0x3FAB];
	_ =	sdelay $0x3  }
0x33: {  	p0 =	seq.s32 s10, $0x1;
	s10 =	sld [smem:$0x3FAD];
	_ =	sdelay $0x3  }
0x34: {  	[smem:$0x3FAD] =	sst s10  }
0x35: {  	s10 =	sld [smem:$0x3FAC];
	_ =	sdelay $0x3  }
0x36: {  	p1 =	seq.s32 s10, $0x1;
	s10 =	sld [smem:$0x3FAD];
	_ =	sdelay $0x3  }
0x37: {  	[smem:$0x3FAD] =	sst s10  }
0x38: {  	s10 =	sld [smem:$0x3FAE]  }
0x39: {  	_ = 	snop;
	(pc) =	sbr.ind lr, $3  }
0x3a: {  	_ = 	snop  }
0x3b: {  	_ = 	snop  }
0x3c: {  	p2 =	seq.s32 s10, $0x1;
	s10 =	sld [smem:$0x3FAD]  }
0x3d: {  	_ =	shalt  }
0x3e: {  	_ =	shalt  }
0x3f: {  	_ =	shalt  }
0x40: {  	_ =	shalt  }
0x41: {  	_ =	shalt  }
0x42: {  	_ =	shalt  }
0x43: {  	_ =	shalt  }
0x44: {  	_ =	shalt  }
0x45: {  	_ =	shalt  }
0x46: {  	_ =	shalt  }
0x47: {  	_ =	shalt  }
0x48: {  	_ =	shalt  }
0x49: {  	_ =	shalt  }
0x4a: {  	_ =	shalt  }
0x4b: {  	_ =	shalt  }
0x4c: {  	_ =	shalt  }
0x4d: {  	_ =	shalt  }
0x4e: {  	_ =	shalt  }
0x4f: {  	_ =	shalt  }
0x50: {  	_ =	shalt  }
0x51: {  	_ =	shalt  }
0x52: {  	_ =	shalt  }
0x53: {  	_ =	shalt  }
0x54: {  	_ =	shalt  }
0x55: {  	_ =	shalt  }
0x56: {  	_ =	shalt  }
0x57: {  	_ =	shalt  }
0x58: {  	_ =	shalt  }
0x59: {  	_ =	shalt  }
0x5a: {  	_ =	shalt  }
0x5b: {  	_ =	shalt  }
0x5c: {  	_ =	shalt  }
0x5d: {  	_ =	shalt  }
0x5e: {  	_ =	shalt  }
0x5f: {  	_ =	shalt  }
0x60: {  	_ =	shalt  }
0x61: {  	_ =	shalt  }
0x62: {  	_ =	shalt  }
0x63: {  	_ =	shalt  }
0x64: {  	_ =	shalt  }
0x65: {  	_ =	shalt  }
0x66: {  	_ =	shalt  }
0x67: {  	_ =	shalt  }
0x68: {  	_ =	shalt  }
0x69: {  	_ =	shalt  }
0x6a: {  	_ =	shalt  }
0x6b: {  	_ =	shalt  }
0x6c: {  	_ =	shalt  }
0x6d: {  	_ =	shalt  }
0x6e: {  	_ =	shalt  }
0x6f: {  	_ =	shalt  }
0x70: {  	_ =	shalt  }
0x71: {  	_ =	shalt  }
0x72: {  	_ =	shalt  }
0x73: {  	_ =	shalt  }
0x74: {  	_ =	shalt  }
0x75: {  	_ =	shalt  }
0x76: {  	_ =	shalt  }
0x77: {  	_ =	shalt  }
0x78: {  	_ =	shalt  }
0x79: {  	_ =	shalt  }
0x7a: {  	_ =	shalt  }
0x7b: {  	_ =	shalt  }
0x7c: {  	_ =	shalt  }
0x7d: {  	_ =	shalt  }
0x7e: {  	_ =	shalt  }
0x7f: {  	_ =	shalt  }
0x80: {  	_ =	shalt  }
0x81: {  	_ =	shalt  }
0x82: {  	_ =	shalt  }
0x83: {  	_ =	shalt  }
0x84: {  	_ =	shalt  }
0x85: {  	_ =	shalt  }
0x86: {  	_ =	shalt  }
0x87: {  	_ =	shalt  }
.Lfunc_end0:
.L_simem_size_0:
called_computation_lowered:
.L_overlay_start_0:
0x88: {  	s2 =	sld [smem:$0x3FD9]  }
0x89: {  	s3 =	sld [smem:$0x3FFE];
	_ =	sdelay $0x1  }
0x8a: {  	s1 =	srdreg.scid  }
0x8b: {  	s0 =	sand.u32 $0x1, s1  }
0x8c: {  	s14 =	sshll.u32 s0, $0xA;
	s2 =	sadd.s32 s3, s2  }
0x8d: {  	s2 =	sadd.s32 s2, s14  }
0x8e: {  	[smem:$0x3FB9] =	sst s2  }
0x8f: {  	_ = 	snop  }
0x90: {  	s2 =	sld [smem:$0x3FD0];
	_ =	sdelay $0x2  }
0x91: {  	s15 =	simm.s32 $0xA;
	s4 =	simm.s32 $0x10  }
0x92: {  	[smem:s4], [sflag:s15] =	dma.local [hbm:s2], $0x1  }
0x93: {  	_ =	swait.eq [sflag:s15], $0x1  }
0x94: {  	[sflag:s15] =	ssyncset.done $0x0  }
0x95: {  	s16 =	sld [smem:$0x10];
	[sflag:s15] =	ssyncadd.s32 $0xFFFFFFFF  }
0x96: {  	s17 =	sld [smem:$0x11];
	(tm) =	ssettm $0x1  }
0x97: {  	s18 =	sld [smem:$0x3FFB];
	_ =	sdelay $0x3  }
0x98: {  	_ =	strace s18  }
0x99: {  	s4 =	sld [smem:$0x3FFC];
	_ =	sdelay $0x3  }
0x9a: {  	_ =	strace s4  }
0x9b: {  	s4 =	sld [smem:$0x3FFD];
	_ =	sdelay $0x3  }
0x9c: {  	_ =	strace s4  }
0x9d: {  	_ =	strace $0x8FFFFFFF  }
0x9e: {  	s19 =	sld [smem:$0x3FDB];
	_ =	sdelay $0x1  }
0x9f: {  	s5 =	simm.s32 $_scs_section_size  }
0xa0: {  	s6 =	simm.s32 $_size__tile_overlayer_lowered;
	s7 =	simm.s32 $_tile_overlayer_lowered  }
0xa1: {  	s22 =	simm.s32 $0x1BFF;
	s21 =	sshll.u32 s7, $0x1;
	s4 =	sadd.s32 s5, s19  }
0xa2: {  	s8 =	simm.s32 $0x0;
	s20 =	sshll.u32 s6, $0x1;
	s6 =	sadd.s32 s21, s4  }
0xa3: {  	[timem:s8], [sflag:s22] =	dma.local [hbm:s6], s20  }
0xa4: {  	_ =	swait.ge [sflag:s22], s20  }
0xa5: {  	s5 =	ssub.s32 $0x0, s20;
	[sflag:s22] =	ssyncset.done $0x0  }
0xa6: {  	[sflag:s22] =	ssyncadd.s32 s5;
	_ =	sdelay $0x1  }
0xa7: {  	s23 =	simm.s32 $0x1B8B  }
0xa8: {  	_ =	swait.ge [sflag:s23], $0x1  }
0xa9: {  	[sflag:s23] =	ssyncset.done $0x0  }
0xaa: {  	s25 =	simm.s32 $0x1B8E;
	s24 =	sld [smem:$0x3FFE];
	[sflag:s23] =	ssyncadd.s32 $0xFFFFFFFF  }
0xab: {  	s26 =	simm.s32 $execute0_lowered;
	[smem:$0x3FD2] =	sst s25  }
0xac: {  	s6 =	sshll.u32 s26, $0x1;
	_ =	strace $0x80000046;
	[dreg:$0x1] =	wrdreg $0xFFFFFFFF  }
0xad: {  	s28 =	simm.s32 $_size_execute0_lowered;
	s4 =	sadd.s32 s4, s6;
	[dreg:$0x0] =	wrdreg $0x0  }
0xae: {  	s6 =	sshll.u32 s28, $0x1;
	[dreg:$0x2] =	wrdreg s4  }
0xaf: {  	[dreg:$0x3] =	wrdreg s6  }
0xb0: {  	[dreg:$0x4] =	wrdreg $0xC0  }
0xb1: {  	_ =	task [dreg:s8], $0x5FFFF  }
0xb2: {  	[dreg:$0x1] =	wrdreg $0xFFFFFFFF  }
0xb3: {  	[dreg:$0x0] =	wrdreg $0x60  }
0xb4: {  	[dreg:$0x2] =	wrdreg s16  }
0xb5: {  	[dreg:$0x3] =	wrdreg s24  }
0xb6: {  	[dreg:$0x4] =	wrdreg s17  }
0xb7: {  	[dreg:$0x5] =	wrdreg $0x9  }
0xb8: {  	_ =	task.clear_ibuf [dreg:s8], $0x6FFFF;
	_ =	strace $0x90000046  }
0xb9: {  	s29 =	simm.s32 $0x9;
	_ =	strace $0x80000048  }
0xba: {  	_ =	swait.ge [sflag:s29], $0x1  }
0xbb: {  	[sflag:s29] =	ssyncadd.s32 $0xFFFFFFFF  }
0xbc: {  	_ =	strace $0x90000048  }
0xbd: {  	_ =	sfence  }
0xbe: {  	s30 =	sld [smem:$0x0];
	_ =	sdelay $0x2  }
0xbf: {  	s31 =	sshll.u32 s1, $0xD;
	s1 =	sshrl.u32 s1, $0x2  }
0xc0: {  	s3 =	sand.u32 $0x4000, s31;
	s1 =	sadd.s32 s1, s30  }
0xc1: {  	s0 =	sor.u32 s3, s0;
	s1 =	sshll.u32 s1, $0x11  }
0xc2: {  	s0 =	sor.u32 s1, s0  }
0xc3: {  	s0 =	sadd.s32 $0x8F2B, s0  }
0xc4: {  	[sflag:s0] =	ssyncadd.remote.s32 $0x1  }
0xc5: {  	_ =	sfence.sel $0xFFFF  }
0xc6: {  	[dreg:$0x0] =	wrdreg $0xFFFFFFFF;
	(pc) =	sbr.abs _section_cstart, $3  }
0xc7: {  	[dreg:$0x1] =	wrdreg $0xFFFFFFFF  }
0xc8: {  	_ =	task.clear_ibuf [dreg:s8], $0x2FFFF;
	_ =	strace $0x9FFFFFFF  }
0xc9: {  	(tm) =	ssettm $0x7FFFFFFF  }
tec
execute0_lowered:
.L_overlay_start_1:
0x0: {  	(tag) =	ssettag $0x1  }
0x1: {  	s1 =	rddreg [dreg:$0x0]  }
0x2: {  	s0 =	rddreg [dreg:$0x1]  }
0x3: {  	s2 =	rddreg [dreg:$0x2]  }
0x4: {  	s3 =	simm.s32 $0x0;
	s6 =	srdreg.scid;
	s11 =	stileid.u32  }
0x5: {  	s14 =	simm.s32 $0x5;
	s18 =	simm.s32 $0x80;
	s19 =	simm.s32 $0x4800  }
0x6: {  	s20 =	simm.s32 $0x6800;
	s21 =	simm.s32 $0x8800;
	s22 =	simm.s32 $0x0  }
0x7: {  	[smem:$0x7FF] =	sst s3;
	s4 =	sadd.s32 $0x82400, s0;
	s5 =	sadd.s32 $0x2400, s0  }
0x8: {  	vm0 =	vcmask $0x3F3C;
	s7 =	sadd.s32 $0x102400, s0;
	s8 =	sadd.s32 $0x182400, s0;
	s28 =	sand.u32 $0x1, s6  }
0x9: {  	s10 =	sshll.u32 s11, $0xE;
	s11 =	sshll.u32 s11, $0x6;
	_ =	strace $0x80000047  }
0xa: {  	s6 =	ssub.s32 $0x2, s28;
	s9 =	sshll.u32 s28, $0x12;
	s0 =	sshll.u32 s28, $0x15  }
0xb: {  	s12 =	sshrl.u32 s6, $0x1;
	s9 =	sor.u32 s10, s9;
	s10 =	sor.u32 s11, s0  }
0xc: {  	s29 =	ssub.s32 s6, s12;
	s30 =	sshrl.u32 s9, $0x3;
	s31 =	sshrl.u32 s10, $0x3  }
0xd: {  	s11 =	sadd.s32 s2, s30;
	s12 =	sadd.s32 s5, s31;
	s13 =	smax.u32 s29, $0x1  }
.LBB2_1:
0xe: {  	[tilespmem:s3], [sflag:$0x5] =	stream.linear.gather [hbm4b:s11+s3], $0x400, $0x38;
	[tilespmem:$0xAC80] =	vst v63  }
0xf: {  	_ =	swait.ge [sflag:s14], $0x400  }
0x10: {  	s0 =	simm.s32 $0x40;
	[sflag:s14] =	ssyncset.done $0x0  }
0x11: {  	s6 =	simm.s32 $0x400;
	s15 =	simm.s32 $0x800;
	[sflag:s14] =	ssyncadd.s32 $0xFFFFFC00  }
0x12: {  	[tilespmem:s15], [sflag:$0x5] =	stream.strided.gather [hbm4b:s12+s0], $0x2000, s6, s0, $0x38;
	[tilespmem:$0xAC80] =	vst v63  }
0x13: {  	_ =	swait.ge [sflag:s14], $0x2000  }
0x14: {  	[sflag:s14] =	ssyncset.done $0x0  }
0x15: {  	[sflag:s14] =	ssyncadd.s32 $0xFFFFE000  }
0x16: {  	[tilespmem:s19], [sflag:$0x1] =	stream.indirect.gather [hbm4b:s1+s18], $0x20, s3, s18, $0xb8;
	[tilespmem:$0xAC80] =	vst v63  }
0x17: {  	p0 =	por $0x0, $0x0;
	s23 =	simm.s32 $0x0;
	s15 =	simm.s32 $0x0  }
0x18: {  	[tilespmem:s20], [sflag:$0x3] =	stream.indirect.gather [hbm4b:s4+s18], $0x20, s3, s18, $0xb8;
	[tilespmem:$0xAC80] =	vst v63  }
.LBB2_2:
0x19: {  	s25 =	sand.u32 $0x7, s15;
	p1 =	seq.s32 s15, $0x7F  }
0x1a: {  	p3 =	seq.s32 @!p1 s25, $0x7  }
0x1b: {  	s24 =	sadd.s32 $0x1, s15;
	p2 =	por !p3, p1  }
0x1c: {  	s0 =	sshll.u32 @!p2 s24, $0x7  }
0x1d: {  	s16 =	sshrl.u32 @!p2 s24, $0x3;
	s6 =	sadd.s32 @!p2 s9, s0  }
0x1e: {  	s16 =	sand.u32 @!p2 $0x1, s16;
	s6 =	sshrl.u32 @!p2 s6, $0x3  }
0x1f: {  	s28 =	simm.s32 @!p2 $0x0;
	s26 =	sshll.u32 @!p2 s16, $0xA;
	s6 =	sadd.s32 @!p2 s2, s6  }
0x20: {  	[tilespmem:s26], [sflag:$0x6] =	stream.linear.gather @!p2 [hbm4b:s6+s28], $0x400, $0x38;
	[tilespmem:$0xAC80] =	vst v63  }
0x21: {  	s29 =	simm.s32 @!p2 $0x400;
	s6 =	simm.s32 @!p2 $0x6;
	s26 =	sshll.u32 @!p2 s24, $0xE  }
0x22: {  	s16 =	sshll.u32 @!p2 s16, $0xD;
	_ =	swait.ge @!p2 [sflag:s6], $0x400;
	s26 =	sadd.s32 @!p2 s10, s26  }
0x23: {  	s16 =	sor.u32 @!p2 $0x800, s16;
	[sflag:s6] =	ssyncset.done @!p2 $0x0;
	s26 =	sshrl.u32 @!p2 s26, $0x3  }
0x24: {  	s28 =	simm.s32 @!p2 $0x40;
	[sflag:s6] =	ssyncadd.s32 @!p2 $0xFFFFFC00;
	s26 =	sadd.s32 @!p2 s5, s26  }
0x25: {  	[tilespmem:s16], [sflag:$0x6] =	stream.strided.gather @!p2 [hbm4b:s26+s28], $0x2000, s29, s28, $0x38;
	[tilespmem:$0xAC80] =	vst v63  }
0x26: {  	_ =	swait.ge @!p2 [sflag:s6], $0x2000  }
0x27: {  	p3 =	por p3, p1;
	[sflag:s6] =	ssyncset.done @!p2 $0x0  }
0x28: {  	s16 =	sand.u32 @!p1 $0x1, s24;
	[sflag:s6] =	ssyncadd.s32 @!p2 $0xFFFFE000;
	s6 =	sshll.u32 @!p3 s24, $0x7  }
0x29: {  	s0 =	smov.u32 @p2 s6;
	p2 =	seq.s32 @!p1 s16, $0x1;
	s6 =	sshll.u32 @!p1 s24, $0x7  }
0x2a: {  	s0 =	sand.u32 @!p1 $0x380, s0;
	s6 =	sand.u32 @!p1 $0x400, s6;
	p3 =	por !p2, p1  }
0x2b: {  	s0 =	sor.u32 @!p1 s0, s6;
	s6 =	simm.s32 @!p3 $0x80;
	s16 =	simm.s32 @!p3 $0x5800  }
0x2c: {  	[tilespmem:s16], [sflag:$0x2] =	stream.indirect.gather @!p3 [hbm4b:s1+s6], $0x20, s0, s6, $0xb8;
	[tilespmem:$0xAC80] =	vst v63  }
0x2d: {  	p2 =	por p2, p1;
	s16 =	simm.s32 @!p3 $0x7800  }
0x2e: {  	[tilespmem:s16], [sflag:$0x4] =	stream.indirect.gather @!p3 [hbm4b:s4+s6], $0x20, s0, s6, $0xb8;
	[tilespmem:$0xAC80] =	vst v63  }
0x2f: {  	s6 =	simm.s32 @!p2 $0x80;
	s16 =	simm.s32 @!p2 $0x4800  }
0x30: {  	[tilespmem:s16], [sflag:$0x1] =	stream.indirect.gather @!p2 [hbm4b:s1+s6], $0x20, s0, s6, $0xb8;
	[tilespmem:$0xAC80] =	vst v63  }
0x31: {  	s16 =	simm.s32 @!p2 $0x6800  }
0x32: {  	[tilespmem:s16], [sflag:$0x3] =	stream.indirect.gather @!p2 [hbm4b:s4+s6], $0x20, s0, s6, $0xb8;
	[tilespmem:$0xAC80] =	vst v63  }
0x33: {  	s0 =	sand.u32 @!p1 $0x1, s15  }
0x34: {  	p2 =	seq.s32 @!p1 s0, $0x0  }
0x35: {  	p2 =	por p1, !p2  }
.Ltmp0:
0x36: {  	_ = 	snop;
	(pc) =	sbr.rel @!p2 .LBB2_3-.Ltmp0, $1  }
0x37: {  	_ =	sdelay $0x3  }
.Ltmp1:
0x38: {  	(pc) =	sbr.rel .LBB2_5-.Ltmp1, $2  }
0x39: {  	_ =	sdelay $0x2  }
0x3a: {  	s6 =	simm.s32 $0x4;
	s0 =	simm.s32 $0x2  }
.LBB2_3:
0x3b: {  	s6 =	simm.s32 @!p1 $0x3;
	s0 =	simm.s32 @!p1 $0x1  }
.LBB2_5:
0x3c: {  	_ =	swait.ge [sflag:s0], $0x1000  }
0x3d: {  	s16 =	sshll.u32 s23, $0xC;
	s26 =	sshll.u32 s15, $0xC;
	[sflag:s0] =	ssyncset.done $0x0  }
0x3e: {  	s16 =	sand.u32 $0x7000, s16;
	s26 =	sand.u32 $0x8000, s26;
	[sflag:s0] =	ssyncadd.s32 $0xFFFFF000  }
0x3f: {  	s17 =	sor.u32 s16, s26;
	_ =	swait.ge [sflag:s6], $0x1000  }
0x40: {  	s26 =	simm.s32 $0x1;
	s0 =	sshrl.u32 s17, $0x2;
	[sflag:s6] =	ssyncset.done $0x0  }
0x41: {  	s26 =	simm.s32 @!p0 $0x0;
	s0 =	sadd.s32 $0x880, s0;
	[sflag:s6] =	ssyncadd.s32 $0xFFFFF000  }
0x42: {  	s26 =	sshll.u32 s26, $0xC;
	v22 =	vld [tilespmem:s0+$0x40]  }
0x43: {  	s30 =	sor.u32 $0x4A00, s26;
	v24 =	vld [tilespmem:s0+$0x50]  }
0x44: {  	v0 =	vld [tilespmem:s30+$0x100]  }
0x45: {  	v1 =	vld [tilespmem:s30+$0x110]  }
0x46: {  	v23 =	vld [tilespmem:s0+$0x60]  }
0x47: {  	v25 =	vld [tilespmem:s0+$0x70];
	_ =	sdelay $0x2  }
0x48: {  	v2 =	vunpack.i.u.bf16.f32 v0;
	v0 =	vunpack.i.l.bf16.f32 v0;
	v3 =	vunpack.i.u.bf16.f32 v1  }
0x49: {  	v5 =	vld [tilespmem:s30+$0xFFFFFE00];
	v1 =	vunpack.i.l.bf16.f32 v1;
	v0 =	vmul.f32 v0, v22;
	v2 =	vmul.f32 v2, v24  }
0x4a: {  	v6 =	vld [tilespmem:s30+$0xFFFFFE10];
	v1 =	vmul.f32 v1, v23;
	v3 =	vmul.f32 v3, v25  }
0x4b: {  	v7 =	vld [tilespmem:s30+$0xFFFFFF00]  }
0x4c: {  	v12 =	vld [tilespmem:s30+$0xFFFFFF10];
	v0 =	vadd.f32 v0, v2;
	v1 =	vadd.f32 v1, v3  }
0x4d: {  	v11 =	vld [tilespmem:s0+$0xFFFFFFA0]  }
0x4e: {  	v10 =	vld [tilespmem:s0+$0xFFFFFFB0];
	v0 =	vadd.f32 v1, v0  }
0x4f: {  	v14 =	vld [tilespmem:s0+$0xFFFFFFC0]  }
0x50: {  	v13 =	vld [tilespmem:s0+$0xFFFFFFD0];
	(xrf2) =	vadd.scan.msk.f32 $0xffff, v0  }
0x51: {  	v15 =	vld [tilespmem:s0+$0xFFFFFFE0]  }
0x52: {  	v8 =	vld [tilespmem:s0+$0xFFFFFFF0]  }
0x53: {  	v4 =	vld [tilespmem:s0+$0x0]  }
0x54: {  	v17 =	vunpack.i.u.bf16.f32 v6;
	v18 =	vunpack.i.l.bf16.f32 v6;
	v6 =	vld [tilespmem:s0+$0x20]  }
0x55: {  	s17 =	simm.s32 $0x3;
	v16 =	vunpack.i.l.bf16.f32 v5;
	v2 =	vld [tilespmem:s30+$0x0]  }
0x56: {  	v19 =	vunpack.i.u.bf16.f32 v7;
	v20 =	vunpack.i.l.bf16.f32 v7;
	v3 =	vld [tilespmem:s30+$0x10];
	v0 =	vmov s17  }
0x57: {  	v21 =	vunpack.i.u.bf16.f32 v12;
	v26 =	vunpack.i.l.bf16.f32 v12;
	v7 =	vld [tilespmem:s0+$0x30];
	v18 =	vmul.f32 v18, v11  }
0x58: {  	v20 =	vmul.f32 v20, v14;
	v19 =	vmul.f32 v19, v13;
	v1 =	vunpack.i.u.bf16.f32 v5;
	v5 =	vld [tilespmem:s0+$0x10]  }
0x59: {  	v12 =	vld [tilespmem:s0+$0xFFFFFF80];
	v26 =	vmul.f32 v26, v15;
	v21 =	vmul.f32 v21, v8  }
0x5a: {  	v9 =	vld [tilespmem:s0+$0xFFFFFF90];
	v17 =	vmul.f32 v17, v10;
	v19 =	vadd.f32 v20, v19;
	v27 =	vunpack.i.u.bf16.f32 v2;
	v28, _, _ =	vpop (xrf2)  }
0x5b: {  	v2 =	vunpack.i.l.bf16.f32 v2;
	v29 =	vunpack.i.u.bf16.f32 v3;
	v3 =	vunpack.i.l.bf16.f32 v3;
	[tilespmem:v0+s21+$0x0] =	vst.idx.msk vm0, v28  }
0x5c: {  	v21 =	vadd.f32 v26, v21;
	v2 =	vmul.f32 v2, v4;
	v3 =	vmul.f32 v3, v6;
	v28 =	vld [tilespmem:s30+$0x120]  }
0x5d: {  	v17 =	vadd.f32 v18, v17;
	v18 =	vmul.f32 v29, v7;
	v26 =	vmul.f32 v27, v5;
	v20 =	vld [tilespmem:s30+$0x130]  }
0x5e: {  	v16 =	vmul.f32 v16, v12  }
0x5f: {  	v1 =	vmul.f32 v1, v9;
	v3 =	vadd.f32 v3, v18;
	v2 =	vadd.f32 v2, v26  }
0x60: {  	v19 =	vadd.f32 v21, v19  }
0x61: {  	v1 =	vadd.f32 v16, v1;
	v2 =	vadd.f32 v3, v2  }
0x62: {  	v16 =	vunpack.i.u.bf16.f32 v28;
	v18 =	vunpack.i.l.bf16.f32 v28;
	v21 =	vunpack.i.u.bf16.f32 v20  }
0x63: {  	v20 =	vunpack.i.l.bf16.f32 v20;
	v18 =	vmul.f32 v18, v22;
	v16 =	vmul.f32 v16, v24  }
0x64: {  	v1 =	vadd.f32 v17, v1;
	(xrf2) =	vadd.scan.msk.f32 $0xffff, v19;
	v3 =	vmul.f32 v20, v23;
	v19 =	vmul.f32 v21, v25  }
0x65: {  	(xrf2) =	vadd.scan.msk.f32 $0xffff, v2  }
0x66: {  	(xrf2) =	vadd.scan.msk.f32 $0xffff, v1;
	v2 =	vadd.f32 v18, v16;
	v3 =	vadd.f32 v3, v19;
	_ =	sdelay $0x1  }
0x67: {  	v2 =	vadd.f32 v3, v2  }
0x68: {  	s17 =	simm.s32 $0x1  }
0x69: {  	v1 =	vmov s17;
	(xrf2) =	vadd.scan.msk.f32 $0xffff, v2  }
0x6a: {  	s17 =	simm.s32 $0x0  }
0x6b: {  	v2 =	vmov s17;
	_ =	sdelay $0x1  }
0x6c: {  	v3, _, _ =	vpop (xrf2)  }
0x6d: {  	[tilespmem:v1+s21+$0x0] =	vst.idx.msk vm0, v3;
	v17, _, _ =	vpop (xrf2)  }
0x6e: {  	v18 =	vor.u32 $0x10, v0;
	v16 =	vld [tilespmem:s30+$0xFFFFFF20];
	v3, _, _ =	vpop (xrf2)  }
0x6f: {  	v19 =	vld [tilespmem:s30+$0xFFFFFF30];
	[tilespmem:v2+s21+$0x0] =	vst.idx.msk vm0, v3  }
0x70: {  	v20 =	vld [tilespmem:s30+$0xFFFFFE20];
	_ =	sdelay $0x1  }
0x71: {  	s17 =	simm.s32 $0x2;
	v21 =	vld [tilespmem:s30+$0xFFFFFE30];
	v26, _, _ =	vpop (xrf2)  }
0x72: {  	v3 =	vmov s17;
	[tilespmem:v18+s21+$0x0] =	vst.idx.msk vm0, v26  }
0x73: {  	v18 =	vunpack.i.u.bf16.f32 v16;
	v16 =	vunpack.i.l.bf16.f32 v16;
	v26 =	vunpack.i.u.bf16.f32 v19;
	v27 =	vld [tilespmem:s30+$0x140]  }
0x74: {  	v19 =	vunpack.i.l.bf16.f32 v19;
	v29 =	vunpack.i.l.bf16.f32 v20;
	v16 =	vmul.f32 v16, v14;
	v28 =	vld [tilespmem:s30+$0x150]  }
0x75: {  	v20 =	vunpack.i.u.bf16.f32 v20;
	v18 =	vmul.f32 v18, v13;
	v19 =	vmul.f32 v19, v15  }
0x76: {  	v30 =	vunpack.i.l.bf16.f32 v21;
	v26 =	vmul.f32 v26, v8;
	v29 =	vmul.f32 v29, v12  }
0x77: {  	v21 =	vunpack.i.u.bf16.f32 v21;
	v20 =	vmul.f32 v20, v9;
	v30 =	vmul.f32 v30, v11  }
0x78: {  	v16 =	vadd.f32 v16, v18;
	v18 =	vmul.f32 v21, v10;
	v19 =	vadd.f32 v19, v26  }
0x79: {  	v21 =	vunpack.i.u.bf16.f32 v27;
	v26 =	vunpack.i.l.bf16.f32 v27;
	v27 =	vunpack.i.u.bf16.f32 v28  }
0x7a: {  	v28 =	vunpack.i.l.bf16.f32 v28;
	v26 =	vmul.f32 v26, v22;
	v21 =	vmul.f32 v21, v24  }
0x7b: {  	v20 =	vadd.f32 v29, v20;
	v28 =	vmul.f32 v28, v23;
	v27 =	vmul.f32 v27, v25  }
0x7c: {  	v18 =	vadd.f32 v30, v18;
	v16 =	vadd.f32 v19, v16  }
0x7d: {  	[tilespmem:v3+s21+$0x0] =	vst.idx.msk vm0, v17;
	v19 =	vadd.f32 v26, v21;
	v21 =	vadd.f32 v28, v27  }
0x7e: {  	v17 =	vadd.f32 v18, v20;
	v18 =	vld [tilespmem:s30+$0x20]  }
0x7f: {  	(xrf2) =	vadd.scan.msk.f32 $0xffff, v16;
	v16 =	vadd.f32 v21, v19;
	v19 =	vld [tilespmem:s30+$0x30]  }
0x80: {  	(xrf2) =	vadd.scan.msk.f32 $0xffff, v17  }
0x81: {  	(xrf2) =	vadd.scan.msk.f32 $0xffff, v16;
	_ =	sdelay $0x2  }
0x82: {  	v17 =	vunpack.i.l.bf16.f32 v18;
	v16 =	vunpack.i.u.bf16.f32 v18;
	v18 =	vunpack.i.u.bf16.f32 v19  }
0x83: {  	v17 =	vmul.f32 v17, v4;
	v19 =	vunpack.i.l.bf16.f32 v19;
	v18 =	vmul.f32 v18, v7  }
0x84: {  	v16 =	vmul.f32 v16, v5;
	v19 =	vmul.f32 v19, v6  }
0x85: {  	v20 =	vor.u32 $0x20, v0  }
0x86: {  	v16 =	vadd.f32 v17, v16;
	v17 =	vadd.f32 v19, v18  }
0x87: {  	v18, _, _ =	vpop (xrf2)  }
0x88: {  	v16 =	vadd.f32 v17, v16;
	v17 =	vor.u32 $0x10, v1;
	v19, _, _ =	vpop (xrf2)  }
0x89: {  	v21, _, _ =	vpop (xrf2)  }
0x8a: {  	[tilespmem:v20+s21+$0x0] =	vst.idx.msk vm0, v21  }
0x8b: {  	(xrf2) =	vadd.scan.msk.f32 $0xffff, v16;
	v20 =	vor.u32 $0x10, v2;
	v16 =	vld [tilespmem:s30+$0x160]  }
0x8c: {  	v21 =	vld [tilespmem:s30+$0x170]  }
0x8d: {  	[tilespmem:v17+s21+$0x0] =	vst.idx.msk vm0, v18  }
0x8e: {  	v17 =	vld [tilespmem:s30+$0xFFFFFF40];
	_ =	sdelay $0x1  }
0x8f: {  	v18 =	vor.u32 $0x10, v3;
	v26 =	vld [tilespmem:s30+$0xFFFFFF50];
	[tilespmem:v20+s21+$0x0] =	vst.idx.msk vm0, v19;
	v19 =	vunpack.i.u.bf16.f32 v16;
	v16 =	vunpack.i.l.bf16.f32 v16  }
0x90: {  	v20 =	vunpack.i.u.bf16.f32 v21;
	v21 =	vunpack.i.l.bf16.f32 v21;
	v16 =	vmul.f32 v16, v22  }
0x91: {  	v27 =	vld [tilespmem:s30+$0xFFFFFE40];
	v19 =	vmul.f32 v19, v24;
	v21 =	vmul.f32 v21, v23  }
0x92: {  	v28 =	vld [tilespmem:s30+$0xFFFFFE50];
	v20 =	vmul.f32 v20, v25;
	v29 =	vunpack.i.u.bf16.f32 v17;
	v17 =	vunpack.i.l.bf16.f32 v17  }
0x93: {  	v17 =	vmul.f32 v17, v14  }
0x94: {  	v30, _, _ =	vpop (xrf2);
	v16 =	vadd.f32 v16, v19;
	v19 =	vadd.f32 v21, v20;
	v21 =	vunpack.i.l.bf16.f32 v26  }
0x95: {  	v20 =	vunpack.i.u.bf16.f32 v26;
	v26 =	vmul.f32 v29, v13;
	[tilespmem:v18+s21+$0x0] =	vst.idx.msk vm0, v30;
	v18 =	vmul.f32 v21, v15  }
0x96: {  	v21 =	vunpack.i.l.bf16.f32 v27;
	v29 =	vld [tilespmem:s30+$0x40];
	v16 =	vadd.f32 v19, v16;
	v19 =	vmul.f32 v20, v8  }
0x97: {  	v20 =	vunpack.i.u.bf16.f32 v27;
	v27 =	vld [tilespmem:s30+$0x50];
	v30 =	vunpack.i.u.bf16.f32 v28;
	v28 =	vunpack.i.l.bf16.f32 v28  }
0x98: {  	v17 =	vadd.f32 v17, v26;
	v21 =	vmul.f32 v21, v12;
	v20 =	vmul.f32 v20, v9;
	(xrf2) =	vadd.scan.msk.f32 $0xffff, v16  }
0x99: {  	v16 =	vmul.f32 v28, v11;
	v28 =	vmul.f32 v30, v10;
	v18 =	vadd.f32 v18, v19  }
0x9a: {  	v20 =	vadd.f32 v21, v20  }
0x9b: {  	v16 =	vadd.f32 v16, v28;
	v17 =	vadd.f32 v18, v17;
	v19 =	vunpack.i.u.bf16.f32 v29  }
0x9c: {  	v21 =	vunpack.i.l.bf16.f32 v29;
	v26 =	vunpack.i.u.bf16.f32 v27;
	v27 =	vunpack.i.l.bf16.f32 v27  }
0x9d: {  	v21 =	vmul.f32 v21, v4;
	v19 =	vmul.f32 v19, v5;
	v16 =	vadd.f32 v16, v20  }
0x9e: {  	v20 =	vmul.f32 v27, v6;
	v26 =	vmul.f32 v26, v7;
	v27 =	vor.u32 $0x30, v0  }
0x9f: {  	(xrf2) =	vadd.scan.msk.f32 $0xffff, v16  }
0xa0: {  	v16 =	vadd.f32 v21, v19;
	v18 =	vadd.f32 v20, v26  }
0xa1: {  	(xrf2) =	vadd.scan.msk.f32 $0xffff, v17  }
0xa2: {  	v16 =	vadd.f32 v18, v16;
	v17, _, _ =	vpop (xrf2)  }
0xa3: {  	[tilespmem:v27+s21+$0x0] =	vst.idx.msk vm0, v17  }
0xa4: {  	(xrf2) =	vadd.scan.msk.f32 $0xffff, v16;
	v16 =	vld [tilespmem:s30+$0x180]  }
0xa5: {  	v17 =	vor.u32 $0x20, v2;
	v18 =	vld [tilespmem:s30+$0x190];
	_ =	sdelay $0x1  }
0xa6: {  	v19 =	vor.u32 $0x20, v1;
	_ =	sdelay $0x1  }
0xa7: {  	v20, _, _ =	vpop (xrf2)  }
0xa8: {  	[tilespmem:v17+s21+$0x0] =	vst.idx.msk vm0, v20;
	v17 =	vunpack.i.u.bf16.f32 v16;
	v16 =	vunpack.i.l.bf16.f32 v16;
	v20 =	vunpack.i.u.bf16.f32 v18  }
0xa9: {  	v27, _, _ =	vpop (xrf2);
	v18 =	vunpack.i.l.bf16.f32 v18;
	v26 =	vld [tilespmem:s30+$0xFFFFFE60];
	v16 =	vmul.f32 v16, v22;
	v17 =	vmul.f32 v17, v24  }
0xaa: {  	v21 =	vor.u32 $0x20, v3;
	v28 =	vld [tilespmem:s30+$0xFFFFFE70];
	[tilespmem:v19+s21+$0x0] =	vst.idx.msk vm0, v27;
	v18 =	vmul.f32 v18, v23;
	v19 =	vmul.f32 v20, v25  }
0xab: {  	v20 =	vld [tilespmem:s30+$0xFFFFFF60]  }
0xac: {  	v27 =	vld [tilespmem:s30+$0xFFFFFF70];
	v16 =	vadd.f32 v16, v17;
	v17 =	vadd.f32 v18, v19;
	_ =	sdelay $0x1  }
0xad: {  	v29, _, _ =	vpop (xrf2);
	v16 =	vadd.f32 v17, v16  }
0xae: {  	[tilespmem:v21+s21+$0x0] =	vst.idx.msk vm0, v29;
	v18 =	vunpack.i.u.bf16.f32 v26;
	v17 =	vunpack.i.l.bf16.f32 v26;
	v21 =	vunpack.i.u.bf16.f32 v28  }
0xaf: {  	v19 =	vld [tilespmem:s30+$0x60];
	v26 =	vunpack.i.l.bf16.f32 v28;
	v17 =	vmul.f32 v17, v12;
	v18 =	vmul.f32 v18, v9  }
0xb0: {  	v29 =	vunpack.i.u.bf16.f32 v20;
	(xrf2) =	vadd.scan.msk.f32 $0xffff, v16;
	v16 =	vunpack.i.l.bf16.f32 v20;
	v20 =	vunpack.i.u.bf16.f32 v27  }
0xb1: {  	v28 =	vld [tilespmem:s30+$0x70];
	v27 =	vunpack.i.l.bf16.f32 v27;
	v21 =	vmul.f32 v21, v10;
	v16 =	vmul.f32 v16, v14  }
0xb2: {  	v29 =	vmul.f32 v29, v13;
	v17 =	vadd.f32 v17, v18;
	v18 =	vmul.f32 v26, v11  }
0xb3: {  	v27 =	vmul.f32 v27, v15;
	v20 =	vmul.f32 v20, v8  }
0xb4: {  	v26 =	vunpack.i.u.bf16.f32 v19;
	v18 =	vadd.f32 v18, v21  }
0xb5: {  	v19 =	vunpack.i.l.bf16.f32 v19;
	v16 =	vadd.f32 v16, v29;
	v20 =	vadd.f32 v27, v20  }
0xb6: {  	v30 =	vunpack.i.u.bf16.f32 v28;
	v17 =	vadd.f32 v18, v17;
	v18 =	vor.u32 $0x40, v0  }
0xb7: {  	v21 =	vunpack.i.l.bf16.f32 v28;
	v19 =	vmul.f32 v19, v4;
	v26 =	vmul.f32 v26, v5  }
0xb8: {  	v21 =	vmul.f32 v21, v6;
	v27 =	vmul.f32 v30, v7;
	(xrf2) =	vadd.scan.msk.f32 $0xffff, v17  }
0xb9: {  	v16 =	vadd.f32 v20, v16  }
0xba: {  	v17 =	vadd.f32 v19, v26;
	v19 =	vadd.f32 v21, v27;
	v20, _, _ =	vpop (xrf2)  }
0xbb: {  	(xrf2) =	vadd.scan.msk.f32 $0xffff, v16;
	[tilespmem:v18+s21+$0x0] =	vst.idx.msk vm0, v20  }
0xbc: {  	v16 =	vadd.f32 v19, v17;
	v17 =	vld [tilespmem:s30+$0x1A0]  }
0xbd: {  	v18 =	vld [tilespmem:s30+$0x1B0]  }
0xbe: {  	v19 =	vor.u32 $0x30, v2;
	(xrf2) =	vadd.scan.msk.f32 $0xffff, v16;
	_ =	sdelay $0x2  }
0xbf: {  	v16 =	vor.u32 $0x30, v1;
	v21 =	vunpack.i.u.bf16.f32 v17  }
0xc0: {  	v17 =	vunpack.i.l.bf16.f32 v17;
	v26 =	vunpack.i.u.bf16.f32 v18;
	v18 =	vunpack.i.l.bf16.f32 v18;
	v20, _, _ =	vpop (xrf2)  }
0xc1: {  	v17 =	vmul.f32 v17, v22;
	v18 =	vmul.f32 v18, v23;
	[tilespmem:v19+s21+$0x0] =	vst.idx.msk vm0, v20  }
0xc2: {  	v26 =	vmul.f32 v26, v25;
	v19 =	vmul.f32 v21, v24;
	v20 =	vor.u32 $0x30, v3;
	v21 =	vld [tilespmem:s30+$0xFFFFFE80]  }
0xc3: {  	v28, _, _ =	vpop (xrf2);
	v27 =	vld [tilespmem:s30+$0xFFFFFE90]  }
0xc4: {  	[tilespmem:v16+s21+$0x0] =	vst.idx.msk vm0, v28;
	v16 =	vadd.f32 v17, v19;
	v17 =	vadd.f32 v18, v26  }
0xc5: {  	v18 =	vld [tilespmem:s30+$0xFFFFFF80]  }
0xc6: {  	v19 =	vld [tilespmem:s30+$0xFFFFFF90];
	v26, _, _ =	vpop (xrf2);
	v16 =	vadd.f32 v17, v16  }
0xc7: {  	[tilespmem:v20+s21+$0x0] =	vst.idx.msk vm0, v26  }
0xc8: {  	s6 =	sadd.s32 $0x100, s0;
	s0 =	sadd.s32 $0x400, s30;
	v17 =	vunpack.i.l.bf16.f32 v21;
	v20 =	vunpack.i.u.bf16.f32 v21;
	v21 =	vunpack.i.l.bf16.f32 v27;
	v28 =	vld [tilespmem:s30+$0x80];
	(xrf2) =	vadd.scan.msk.f32 $0xffff, v16  }
0xc9: {  	v32 =	vld [tilespmem:s0+$0x100];
	v16 =	vunpack.i.u.bf16.f32 v27;
	v17 =	vmul.f32 v17, v12;
	v20 =	vmul.f32 v20, v9  }
0xca: {  	v29 =	vld [tilespmem:s30+$0x90];
	v21 =	vmul.f32 v21, v11;
	v16 =	vmul.f32 v16, v10;
	v26 =	vunpack.i.u.bf16.f32 v18  }
0xcb: {  	v34 =	vld [tilespmem:s0+$0x110];
	v18 =	vunpack.i.l.bf16.f32 v18;
	v30 =	vunpack.i.u.bf16.f32 v19;
	v19 =	vunpack.i.l.bf16.f32 v19  }
0xcc: {  	v57 =	vld [tilespmem:s0+$0xFFFFFF00];
	v35 =	vor.u32 $0x50, v0;
	v18 =	vmul.f32 v18, v14;
	v19 =	vmul.f32 v19, v15  }
0xcd: {  	v27 =	vld [tilespmem:s6+$0x40];
	v30 =	vmul.f32 v30, v8;
	v17 =	vadd.f32 v17, v20;
	v31 =	vunpack.i.u.bf16.f32 v28  }
0xce: {  	v20 =	vmul.f32 v26, v13;
	v26 =	vld [tilespmem:s6+$0x50];
	v28 =	vunpack.i.l.bf16.f32 v28;
	v31 =	vmul.f32 v31, v5  }
0xcf: {  	v36 =	vunpack.i.u.bf16.f32 v29;
	v33 =	vmul.f32 v28, v4;
	v28 =	vunpack.i.l.bf16.f32 v29;
	v29 =	vld [tilespmem:s6+$0x60]  }
0xd0: {  	v16 =	vadd.f32 v21, v16;
	v37 =	vmul.f32 v28, v6;
	v28 =	vld [tilespmem:s6+$0x70]  }
0xd1: {  	v19 =	vadd.f32 v19, v30;
	v30 =	vld [tilespmem:s0+$0xFFFFFE00];
	v18 =	vadd.f32 v18, v20;
	v20 =	vmul.f32 v36, v7  }
0xd2: {  	v44 =	vld [tilespmem:s0+$0x10];
	v58 =	vunpack.i.u.bf16.f32 v32;
	v16 =	vadd.f32 v16, v17;
	v21 =	vadd.f32 v33, v31;
	v31, _, _ =	vpop (xrf2)  }
0xd3: {  	v32 =	vunpack.i.l.bf16.f32 v32;
	v59 =	vunpack.i.u.bf16.f32 v34;
	v17 =	vadd.f32 v37, v20;
	v20 =	vld [tilespmem:s0+$0xFFFFFE10];
	[tilespmem:v35+s21+$0x0] =	vst.idx.msk vm0, v31  }
0xd4: {  	v34 =	vunpack.i.l.bf16.f32 v34;
	(xrf2) =	vadd.scan.msk.f32 $0xffff, v16;
	v60 =	vmul.f32 v58, v26;
	v31 =	vmul.f32 v32, v27;
	v35 =	vld [tilespmem:s30+$0x1C0]  }
0xd5: {  	v16 =	vadd.f32 v19, v18;
	v18 =	vmul.f32 v34, v29;
	v19 =	vmul.f32 v59, v28;
	v61 =	vld [tilespmem:s30+$0x1D0]  }
0xd6: {  	v38 =	vunpack.i.u.bf16.f32 v57;
	v36 =	vunpack.i.u.bf16.f32 v30;
	v53 =	vadd.f32 v17, v21  }
0xd7: {  	v40 =	vunpack.i.l.bf16.f32 v30;
	v30 =	vld [tilespmem:s0+$0x0];
	(xrf2) =	vadd.scan.msk.f32 $0xffff, v16;
	v21 =	vadd.f32 v31, v60;
	v18 =	vadd.f32 v18, v19  }
0xd8: {  	v43 =	vunpack.i.l.bf16.f32 v57;
	v46 =	vunpack.i.u.bf16.f32 v44;
	v41 =	vor.u32 $0x40, v2;
	v17 =	vld [tilespmem:s0+$0xFFFFFF10]  }
0xd9: {  	v37 =	vunpack.i.u.bf16.f32 v20;
	v45 =	vunpack.i.l.bf16.f32 v20;
	v19 =	vld [tilespmem:s6+$0xFFFFFF90];
	v18 =	vadd.f32 v18, v21  }
0xda: {  	v20 =	vld [tilespmem:s6+$0xFFFFFFA0];
	v31 =	vunpack.i.u.bf16.f32 v35;
	v62 =	vunpack.i.l.bf16.f32 v35;
	v63 =	vunpack.i.u.bf16.f32 v61  }
0xdb: {  	v21 =	vld [tilespmem:s6+$0xFFFFFFB0];
	v34 =	vunpack.i.l.bf16.f32 v61;
	v32 =	vmul.f32 v62, v22;
	v31 =	vmul.f32 v31, v24;
	(xrf2) =	vadd.scan.msk.f32 $0xffff, v18  }
0xdc: {  	s16 =	sshrl.u32 s16, $0x2;
	v39 =	vor.u32 $0x40, v1;
	v16 =	vld [tilespmem:s6+$0xFFFFFFC0];
	v34 =	vmul.f32 v34, v23;
	v33 =	vmul.f32 v63, v25  }
0xdd: {  	s31 =	sshll.u32 s25, $0x4;
	s28 =	sadd.s32 $0x8D00, s16;
	s16 =	simm.s32 $0x8;
	v47 =	vunpack.i.u.bf16.f32 v30;
	v49 =	vunpack.i.l.bf16.f32 v30;
	v48 =	vunpack.i.u.bf16.f32 v17;
	v18 =	vld [tilespmem:s6+$0xFFFFFFD0]  }
0xde: {  	s29 =	sor.u32 $0x6A00, s26;
	s26 =	sshrl.u32 s15, $0x3;
	s15 =	simm.s32 $0x4;
	v50 =	vunpack.i.l.bf16.f32 v17;
	v17 =	vld [tilespmem:s6+$0xFFFFFFE0];
	v42, _, _ =	vpop (xrf2);
	(xrf2) =	vadd.scan.msk.f32 $0xffff, v53;
	v51 =	vadd.f32 v32, v31;
	v52 =	vadd.f32 v34, v33  }
.LBB2_6:
0xdf: {  	p1 =	slt.u32 s16, $0xC;
	v53 =	vmul.f32 v36, v19;
	v30 =	vmul.f32 v45, v20;
	v33 =	vld [tilespmem:s6+$0xFFFFFFF0];
	v44 =	vunpack.i.l.bf16.f32 v44;
	[tilespmem:v41+s21+$0x0] =	vst.idx.msk vm0, v42  }
0xe0: {  	s17 =	sadd.s32 $0x3, s15;
	v31 =	vmul.f32 v37, v21;
	v34 =	vld [tilespmem:s6+$0x0];
	v32 =	vadd.f32 v52, v51  }
0xe1: {  	v41 =	vmov s17;
	v42 =	vmul.f32 v43, v16;
	v35 =	vld [tilespmem:s6+$0x10];
	v36, _, _ =	vpop (xrf2)  }
0xe2: {  	v43 =	vadd.f32 v30, v31;
	v30 =	vmul.f32 v38, v18;
	v37 =	vld [tilespmem:s6+$0x20];
	[tilespmem:v39+s21+$0x0] =	vst.idx.msk vm0, v36;
	(xrf2) =	vadd.scan.msk.f32 $0xffff, v32  }
0xe3: {  	v31 =	vmul.f32 v50, v17;
	v36 =	vld [tilespmem:s6+$0x30]  }
0xe4: {  	v39 =	vor.u32 $0x40, v3;
	v38 =	vld [tilespmem:s6+$0xFFFFFF80];
	v30 =	vadd.f32 v42, v30;
	v32 =	vmul.f32 v48, v33  }
0xe5: {  	v42 =	vmul.f32 v49, v34;
	v45, _, _ =	vpop (xrf2);
	v48 =	vld [tilespmem:s30+$0xFFFFFEA0]  }
0xe6: {  	s17 =	sadd.s32 $0x1, s15;
	v49 =	vadd.f32 v31, v32;
	v47 =	vmul.f32 v47, v35;
	[tilespmem:v41+s21+$0x0] =	vst.idx.msk vm0, v45;
	v45 =	vld [tilespmem:s30+$0xFFFFFEB0]  }
0xe7: {  	v32 =	vmov s15;
	v31 =	vmov s17;
	v44 =	vmul.f32 v44, v37;
	v50 =	vld [tilespmem:s0+$0x120]  }
0xe8: {  	v51 =	vor.u32 $0x60, v0;
	s17 =	sadd.s32 $0x2, s15;
	s15 =	smov.u32 s16;
	v42 =	vadd.f32 v42, v47;
	v46 =	vmul.f32 v46, v36;
	v47 =	vld [tilespmem:s0+$0x130];
	v52, _, _ =	vpop (xrf2)  }
0xe9: {  	v49 =	vadd.f32 v49, v30;
	v30 =	vmov s17;
	v40 =	vmul.f32 v40, v38;
	v54 =	vld [tilespmem:s30+$0xFFFFFFA0];
	[tilespmem:v39+s21+$0x0] =	vst.idx.msk vm0, v52  }
0xea: {  	v39 =	vadd.f32 v44, v46;
	v44 =	vunpack.i.u.bf16.f32 v48;
	v46 =	vunpack.i.l.bf16.f32 v48;
	v48 =	vld [tilespmem:s30+$0xFFFFFFB0]  }
0xeb: {  	v40 =	vadd.f32 v40, v53;
	(xrf2) =	vadd.scan.msk.f32 $0xffff, v49;
	v49 =	vunpack.i.u.bf16.f32 v45;
	v45 =	vunpack.i.l.bf16.f32 v45;
	v52 =	vld [tilespmem:s30+$0xA0]  }
0xec: {  	v44 =	vmul.f32 v44, v9;
	v39 =	vadd.f32 v39, v42;
	v42 =	vmul.f32 v46, v12;
	v46 =	vld [tilespmem:s30+$0xB0];
	v53, _, _ =	vpop (xrf2)  }
0xed: {  	v55 =	vunpack.i.u.bf16.f32 v50;
	v50 =	vunpack.i.l.bf16.f32 v50;
	v56 =	vunpack.i.u.bf16.f32 v47;
	[tilespmem:v51+s21+$0x0] =	vst.idx.msk vm0, v53  }
0xee: {  	v50 =	vmul.f32 v50, v27;
	v51 =	vmul.f32 v55, v26;
	v47 =	vunpack.i.l.bf16.f32 v47;
	(xrf2) =	vadd.scan.msk.f32 $0xffff, v39;
	v39 =	vld [tilespmem:s30+$0x1E0]  }
0xef: {  	v40 =	vadd.f32 v43, v40;
	v43 =	vmul.f32 v47, v29;
	v47 =	vmul.f32 v56, v28;
	v53 =	vld [tilespmem:s30+$0x1F0]  }
0xf0: {  	v55 =	vunpack.i.u.bf16.f32 v54;
	v54 =	vunpack.i.l.bf16.f32 v54;
	v56 =	vunpack.i.u.bf16.f32 v48  }
0xf1: {  	v50 =	vadd.f32 v50, v51;
	v43 =	vadd.f32 v43, v47;
	(xrf2) =	vadd.scan.msk.f32 $0xffff, v40;
	v40 =	vunpack.i.l.bf16.f32 v48  }
0xf2: {  	v47 =	vunpack.i.u.bf16.f32 v52;
	v48 =	vunpack.i.l.bf16.f32 v52;
	v51 =	vunpack.i.u.bf16.f32 v46  }
0xf3: {  	v45 =	vmul.f32 v45, v11;
	v46 =	vunpack.i.l.bf16.f32 v46;
	v43 =	vadd.f32 v43, v50  }
0xf4: {  	v50 =	vunpack.i.u.bf16.f32 v39;
	v39 =	vunpack.i.l.bf16.f32 v39;
	v52 =	vunpack.i.u.bf16.f32 v53  }
0xf5: {  	v39 =	vmul.f32 v39, v22;
	v24 =	vmul.f32 v50, v24;
	v50 =	vunpack.i.l.bf16.f32 v53;
	v57, _, _ =	vpop (xrf2)  }
0xf6: {  	v23 =	vmul.f32 v50, v23;
	v25 =	vmul.f32 v52, v25;
	[tilespmem:v31+s21+$0x0] =	vst.idx.msk vm0, v57;
	(xrf2) =	vadd.scan.msk.f32 $0xffff, v43  }
0xf7: {  	v42 =	vadd.f32 v42, v44;
	v44 =	vmul.f32 v49, v10;
	v49 =	vmul.f32 v54, v14;
	v22 =	vmovc v27;
	v43 =	vld [tilespmem:s0+$0xFFFFFF20]  }
0xf8: {  	v52 =	vmul.f32 v55, v13;
	v54 =	vadd.f32 v39, v24;
	v53 =	vadd.f32 v23, v25;
	v27 =	vld [tilespmem:s0+$0xFFFFFF30];
	v50, _, _ =	vpop (xrf2)  }
0xf9: {  	v40 =	vmul.f32 v40, v15;
	v24 =	vmov v26;
	[tilespmem:v30+s21+$0x0] =	vst.idx.msk vm0, v50;
	v50 =	vmul.f32 v56, v8  }
0xfa: {  	v47 =	vmul.f32 v47, v5;
	v48 =	vmul.f32 v48, v4;
	v53 =	vadd.f32 v53, v54;
	v23 =	vmovc v29;
	v26 =	vld [tilespmem:s0+$0x20]  }
0xfb: {  	v44 =	vadd.f32 v45, v44;
	v45 =	vmul.f32 v46, v6;
	v46 =	vmul.f32 v51, v7;
	v29 =	vld [tilespmem:s0+$0x30];
	v39, _, _ =	vpop (xrf2)  }
0xfc: {  	v51 =	vor.u32 $0x10, v41;
	v25 =	vmovc v28;
	[tilespmem:v32+s21+$0x0] =	vst.idx.msk vm0, v39;
	v39 =	vunpack.i.u.bf16.f32 v43;
	(xrf2) =	vadd.scan.msk.f32 $0xffff, v53  }
0xfd: {  	v43 =	vunpack.i.l.bf16.f32 v43;
	v28 =	vld [tilespmem:s0+$0xFFFFFE20];
	v53 =	vunpack.i.u.bf16.f32 v27;
	v27 =	vunpack.i.l.bf16.f32 v27  }
0xfe: {  	v49 =	vadd.f32 v49, v52;
	v43 =	vmul.f32 v43, v16;
	v39 =	vmul.f32 v39, v18;
	v54 =	vld [tilespmem:s0+$0xFFFFFE30]  }
0xff: {  	v27 =	vmul.f32 v27, v17;
	v52 =	vunpack.i.u.bf16.f32 v26;
	v26 =	vunpack.i.l.bf16.f32 v26  }
0x100: {  	v53 =	vmul.f32 v53, v33;
	v55 =	vunpack.i.u.bf16.f32 v29;
	v29 =	vunpack.i.l.bf16.f32 v29;
	v56, _, _ =	vpop (xrf2)  }
0x101: {  	v26 =	vmul.f32 v26, v34;
	v52 =	vmul.f32 v52, v35;
	[tilespmem:v51+s21+$0x0] =	vst.idx.msk vm0, v56  }
0x102: {  	v57 =	vor.u32 $0x70, v0;
	v0 =	vmovc v41;
	v51 =	vunpack.i.u.bf16.f32 v28;
	v28 =	vunpack.i.l.bf16.f32 v28;
	v56 =	vld [tilespmem:s0+$0x140]  }
0x103: {  	v28 =	vmul.f32 v28, v38;
	v41 =	vunpack.i.u.bf16.f32 v54;
	v54 =	vunpack.i.l.bf16.f32 v54;
	v58 =	vld [tilespmem:s0+$0x150]  }
0x104: {  	v39 =	vadd.f32 v43, v39;
	v59 =	vmul.f32 v51, v19;
	v54 =	vmul.f32 v54, v20  }
0x105: {  	v27 =	vadd.f32 v27, v53;
	v29 =	vmul.f32 v29, v37;
	v41 =	vmul.f32 v41, v21  }
0x106: {  	v43 =	vmul.f32 v55, v36;
	v26 =	vadd.f32 v26, v52;
	v28 =	vadd.f32 v28, v59;
	v51, _, _ =	vpop (xrf2)  }
0x107: {  	v27 =	vadd.f32 v27, v39;
	v41 =	vadd.f32 v54, v41;
	[tilespmem:v57+s21+$0x0] =	vst.idx.msk vm0, v51  }
0x108: {  	v39 =	vunpack.i.u.bf16.f32 v56;
	v51 =	vunpack.i.l.bf16.f32 v56;
	v52 =	vunpack.i.u.bf16.f32 v58  }
0x109: {  	v51 =	vmul.f32 v51, v22;
	v39 =	vmul.f32 v39, v24;
	v53 =	vunpack.i.l.bf16.f32 v58;
	(xrf2) =	vadd.scan.msk.f32 $0xffff, v27  }
0x10a: {  	v27 =	vadd.f32 v29, v43;
	v29 =	vmul.f32 v53, v23;
	v43 =	vmul.f32 v52, v25  }
0x10b: {  	v40 =	vadd.f32 v40, v50;
	v28 =	vadd.f32 v41, v28  }
0x10c: {  	v39 =	vadd.f32 v51, v39;
	v29 =	vadd.f32 v29, v43  }
0x10d: {  	v26 =	vadd.f32 v27, v26;
	v27 =	vadd.f32 v48, v47;
	(xrf2) =	vadd.scan.msk.f32 $0xffff, v28  }
0x10e: {  	v28 =	vadd.f32 v29, v39;
	v29 =	vadd.f32 v45, v46  }
0x10f: {  	v40 =	vadd.f32 v40, v49;
	v41 =	vadd.f32 v44, v42;
	v39 =	vor.u32 $0x10, v31  }
0x110: {  	v27 =	vadd.f32 v29, v27;
	(xrf2) =	vadd.scan.msk.f32 $0xffff, v28;
	_ =	sdelay $0x2  }
0x111: {  	v28 =	vor.u32 $0x10, v32;
	v29, _, _ =	vpop (xrf2);
	(xrf2) =	vadd.scan.msk.f32 $0xffff, v26  }
0x112: {  	[tilespmem:v39+s21+$0x0] =	vst.idx.msk vm0, v29  }
0x113: {  	v26 =	vld [tilespmem:s0+$0xFFFFFF40]  }
0x114: {  	v39 =	vor.u32 $0x20, v0;
	v29 =	vld [tilespmem:s0+$0xFFFFFF50];
	(xrf2) =	vadd.scan.msk.f32 $0xffff, v41  }
0x115: {  	v41, _, _ =	vpop (xrf2)  }
0x116: {  	[tilespmem:v28+s21+$0x0] =	vst.idx.msk vm0, v41  }
0x117: {  	v41 =	vor.u32 $0x10, v30;
	v28 =	vld [tilespmem:s0+$0xFFFFFE40];
	(xrf2) =	vadd.scan.msk.f32 $0xffff, v40  }
0x118: {  	v40 =	vld [tilespmem:s0+$0xFFFFFE50];
	v42 =	vunpack.i.u.bf16.f32 v26;
	v26 =	vunpack.i.l.bf16.f32 v26;
	v43, _, _ =	vpop (xrf2)  }
0x119: {  	v26 =	vmul.f32 v26, v16;
	v44 =	vunpack.i.u.bf16.f32 v29;
	v29 =	vunpack.i.l.bf16.f32 v29;
	[tilespmem:v39+s21+$0x0] =	vst.idx.msk vm0, v43  }
0x11a: {  	v39 =	vmul.f32 v42, v18;
	v43 =	vor.u32 $0x50, v2;
	v29 =	vmul.f32 v29, v17;
	v42 =	vld [tilespmem:s0+$0x160];
	(xrf2) =	vadd.scan.msk.f32 $0xffff, v27  }
0x11b: {  	v46 =	vor.u32 $0x50, v1;
	v27 =	vmul.f32 v44, v33;
	v44 =	vld [tilespmem:s0+$0x170];
	v45, _, _ =	vpop (xrf2)  }
0x11c: {  	v26 =	vadd.f32 v26, v39;
	v48 =	vunpack.i.u.bf16.f32 v28;
	v28 =	vunpack.i.l.bf16.f32 v28;
	[tilespmem:v41+s21+$0x0] =	vst.idx.msk vm0, v45  }
0x11d: {  	v28 =	vmul.f32 v28, v38;
	v39 =	vunpack.i.u.bf16.f32 v40;
	v40 =	vunpack.i.l.bf16.f32 v40;
	v41 =	vld [tilespmem:s0+$0x40]  }
0x11e: {  	v27 =	vadd.f32 v29, v27;
	v45 =	vmul.f32 v48, v19;
	v40 =	vmul.f32 v40, v20;
	v29 =	vld [tilespmem:s0+$0x50];
	v47, _, _ =	vpop (xrf2)  }
0x11f: {  	v39 =	vmul.f32 v39, v21;
	[tilespmem:v43+s21+$0x0] =	vst.idx.msk vm0, v47;
	v43 =	vor.u32 $0x50, v3  }
0x120: {  	v47 =	vunpack.i.u.bf16.f32 v42;
	v42 =	vunpack.i.l.bf16.f32 v42;
	v48 =	vunpack.i.u.bf16.f32 v44;
	v49 =	vld [tilespmem:s30+$0xFFFFFEC0]  }
0x121: {  	v42 =	vmul.f32 v42, v22;
	v47 =	vmul.f32 v47, v24;
	v44 =	vunpack.i.l.bf16.f32 v44;
	v50 =	vld [tilespmem:s30+$0xFFFFFED0];
	v51, _, _ =	vpop (xrf2)  }
0x122: {  	v44 =	vmul.f32 v44, v23;
	v53 =	vmul.f32 v48, v25;
	v52 =	vunpack.i.u.bf16.f32 v41;
	[tilespmem:v46+s21+$0x0] =	vst.idx.msk vm0, v51  }
0x123: {  	v41 =	vunpack.i.l.bf16.f32 v41;
	v46 =	vunpack.i.u.bf16.f32 v29;
	v29 =	vunpack.i.l.bf16.f32 v29;
	v51 =	vld [tilespmem:s30+$0xFFFFFFC0]  }
0x124: {  	v42 =	vadd.f32 v42, v47;
	v41 =	vmul.f32 v41, v34;
	v44 =	vadd.f32 v44, v53;
	v47 =	vld [tilespmem:s30+$0xFFFFFFD0];
	v48, _, _ =	vpop (xrf2)  }
0x125: {  	v28 =	vadd.f32 v28, v45;
	v45 =	vmul.f32 v52, v35;
	v29 =	vmul.f32 v29, v37  }
0x126: {  	v39 =	vadd.f32 v40, v39;
	v40 =	vmul.f32 v46, v36;
	v42 =	vadd.f32 v44, v42  }
0x127: {  	v26 =	vadd.f32 v27, v26;
	v27 =	vadd.f32 v41, v45;
	v41 =	vunpack.i.u.bf16.f32 v49;
	[tilespmem:v43+s21+$0x0] =	vst.idx.msk vm0, v48  }
0x128: {  	v28 =	vadd.f32 v39, v28;
	v39 =	vunpack.i.l.bf16.f32 v49;
	v29 =	vadd.f32 v29, v40;
	(xrf2) =	vadd.scan.msk.f32 $0xffff, v42;
	v40 =	vld [tilespmem:s30+$0xC0]  }
0x129: {  	v43 =	vunpack.i.l.bf16.f32 v50;
	v42 =	vunpack.i.u.bf16.f32 v50;
	v44 =	vunpack.i.u.bf16.f32 v51;
	v45 =	vld [tilespmem:s30+$0xD0]  }
0x12a: {  	v27 =	vadd.f32 v29, v27;
	v29 =	vunpack.i.l.bf16.f32 v51;
	v46 =	vunpack.i.u.bf16.f32 v47  }
0x12b: {  	(xrf2) =	vadd.scan.msk.f32 $0xffff, v28;
	v28 =	vmul.f32 v39, v12;
	v39 =	vmul.f32 v41, v9;
	v41 =	vunpack.i.l.bf16.f32 v47  }
0x12c: {  	v43 =	vmul.f32 v43, v11;
	v42 =	vmul.f32 v42, v10;
	v47 =	vor.u32 $0x20, v32  }
0x12d: {  	v29 =	vmul.f32 v29, v14;
	v48 =	vunpack.i.u.bf16.f32 v40;
	v40 =	vunpack.i.l.bf16.f32 v40  }
0x12e: {  	v49 =	vor.u32 $0x30, v0;
	(xrf2) =	vadd.scan.msk.f32 $0xffff, v26;
	v26 =	vunpack.i.u.bf16.f32 v45;
	v45 =	vunpack.i.l.bf16.f32 v45  }
0x12f: {  	v41 =	vmul.f32 v41, v15;
	v28 =	vadd.f32 v28, v39;
	v39 =	vmul.f32 v44, v13  }
0x130: {  	v42 =	vadd.f32 v43, v42;
	v43 =	vmul.f32 v46, v8;
	v40 =	vmul.f32 v40, v4  }
0x131: {  	(xrf2) =	vadd.scan.msk.f32 $0xffff, v27;
	v27 =	vadd.f32 v29, v39;
	v29 =	vmul.f32 v48, v5;
	v39 =	vmul.f32 v45, v6  }
0x132: {  	v41 =	vadd.f32 v41, v43;
	v28 =	vadd.f32 v42, v28;
	v26 =	vmul.f32 v26, v7;
	v44, _, _ =	vpop (xrf2)  }
0x133: {  	[tilespmem:v49+s21+$0x0] =	vst.idx.msk vm0, v44;
	v29 =	vadd.f32 v40, v29  }
0x134: {  	v40 =	vor.u32 $0x20, v31;
	v27 =	vadd.f32 v41, v27;
	v26 =	vadd.f32 v39, v26;
	v42 =	vld [tilespmem:s0+$0x180];
	(xrf2) =	vadd.scan.msk.f32 $0xffff, v28  }
0x135: {  	v28 =	vld [tilespmem:s0+$0x190];
	v39, _, _ =	vpop (xrf2)  }
0x136: {  	v29 =	vadd.f32 v26, v29;
	[tilespmem:v47+s21+$0x0] =	vst.idx.msk vm0, v39  }
0x137: {  	v41 =	vor.u32 $0x20, v30;
	v39 =	vld [tilespmem:s0+$0xFFFFFE60];
	(xrf2) =	vadd.scan.msk.f32 $0xffff, v27  }
0x138: {  	v44 =	vor.u32 $0x60, v2;
	v27 =	vld [tilespmem:s0+$0xFFFFFE70];
	v43, _, _ =	vpop (xrf2)  }
0x139: {  	v26 =	vor.u32 $0x30, v32;
	[tilespmem:v40+s21+$0x0] =	vst.idx.msk vm0, v43;
	v40 =	vor.u32 $0x60, v1;
	v43 =	vor.u32 $0x60, v3  }
0x13a: {  	v46 =	vunpack.i.u.bf16.f32 v42;
	v42 =	vunpack.i.l.bf16.f32 v42;
	v45 =	vld [tilespmem:s0+$0xFFFFFF60];
	v47 =	vunpack.i.u.bf16.f32 v28;
	(xrf2) =	vadd.scan.msk.f32 $0xffff, v29  }
0x13b: {  	v42 =	vmul.f32 v42, v22;
	v46 =	vmul.f32 v46, v24;
	v28 =	vunpack.i.l.bf16.f32 v28;
	v29 =	vld [tilespmem:s0+$0xFFFFFF70];
	v48, _, _ =	vpop (xrf2)  }
0x13c: {  	v28 =	vmul.f32 v28, v23;
	v51 =	vmul.f32 v47, v25;
	v49 =	vunpack.i.u.bf16.f32 v39;
	[tilespmem:v41+s21+$0x0] =	vst.idx.msk vm0, v48  }
0x13d: {  	v39 =	vunpack.i.l.bf16.f32 v39;
	v47 =	vunpack.i.u.bf16.f32 v27;
	v27 =	vunpack.i.l.bf16.f32 v27;
	v48 =	vld [tilespmem:s0+$0x60]  }
0x13e: {  	v42 =	vadd.f32 v42, v46;
	v39 =	vmul.f32 v39, v38;
	v28 =	vadd.f32 v28, v51;
	v50 =	vld [tilespmem:s0+$0x70];
	v41, _, _ =	vpop (xrf2)  }
0x13f: {  	v46 =	vmul.f32 v49, v19;
	v49 =	vunpack.i.u.bf16.f32 v45;
	v45 =	vunpack.i.l.bf16.f32 v45;
	[tilespmem:v44+s21+$0x0] =	vst.idx.msk vm0, v41  }
0x140: {  	v28 =	vadd.f32 v28, v42;
	v41 =	vunpack.i.u.bf16.f32 v29;
	v29 =	vunpack.i.l.bf16.f32 v29;
	v42 =	vld [tilespmem:s30+$0xFFFFFEE0]  }
0x141: {  	v27 =	vmul.f32 v27, v20;
	v52 =	vmul.f32 v47, v21;
	v39 =	vadd.f32 v39, v46;
	v46 =	vld [tilespmem:s30+$0xFFFFFEF0];
	v47, _, _ =	vpop (xrf2)  }
0x142: {  	v45 =	vmul.f32 v45, v16;
	v51 =	vunpack.i.u.bf16.f32 v48;
	v48 =	vunpack.i.l.bf16.f32 v48;
	(xrf2) =	vadd.scan.msk.f32 $0xffff, v28  }
0x143: {  	v28 =	vmul.f32 v49, v18;
	v49 =	vunpack.i.u.bf16.f32 v50;
	v50 =	vunpack.i.l.bf16.f32 v50;
	[tilespmem:v40+s21+$0x0] =	vst.idx.msk vm0, v47  }
0x144: {  	v27 =	vadd.f32 v27, v52;
	v29 =	vmul.f32 v29, v17;
	v40 =	vmul.f32 v41, v33;
	v41 =	vld [tilespmem:s30+$0xFFFFFFE0];
	v44, _, _ =	vpop (xrf2)  }
0x145: {  	v47 =	vmul.f32 v51, v35;
	v28 =	vadd.f32 v45, v28;
	v45 =	vmul.f32 v48, v34;
	v48 =	vld [tilespmem:s30+$0xFFFFFFF0]  }
0x146: {  	v49 =	vmul.f32 v49, v36;
	v29 =	vadd.f32 v29, v40;
	v40 =	vmul.f32 v50, v37  }
0x147: {  	v27 =	vadd.f32 v27, v39;
	v39 =	vadd.f32 v45, v47;
	v45 =	vunpack.i.u.bf16.f32 v42;
	[tilespmem:v43+s21+$0x0] =	vst.idx.msk vm0, v44  }
0x148: {  	v28 =	vadd.f32 v29, v28;
	v29 =	vadd.f32 v40, v49;
	v40 =	vor.u32 $0x40, v0;
	v43 =	vld [tilespmem:s30+$0xE0]  }
0x149: {  	v44 =	vunpack.i.l.bf16.f32 v46;
	(xrf2) =	vadd.scan.msk.f32 $0xffff, v27;
	v27 =	vunpack.i.l.bf16.f32 v42;
	v42 =	vunpack.i.u.bf16.f32 v46;
	v46 =	vld [tilespmem:s30+$0xF0];
	s30 =	smov.u32 s0  }
0x14a: {  	v29 =	vadd.f32 v29, v39;
	v39 =	vunpack.i.u.bf16.f32 v41;
	v41 =	vunpack.i.l.bf16.f32 v41  }
0x14b: {  	v27 =	vmul.f32 v27, v12;
	v47 =	vunpack.i.u.bf16.f32 v48;
	v48 =	vunpack.i.l.bf16.f32 v48;
	v12 =	vmovc v38  }
0x14c: {  	v45 =	vmul.f32 v45, v9;
	v44 =	vmul.f32 v44, v11;
	v38 =	vor.u32 $0x30, v31;
	(xrf2) =	vadd.scan.msk.f32 $0xffff, v28;
	v28, _, _ =	vpop (xrf2)  }
0x14d: {  	v9 =	vmovc v19;
	[tilespmem:v40+s21+$0x0] =	vst.idx.msk vm0, v28;
	v28 =	vmul.f32 v42, v10;
	v40 =	vunpack.i.u.bf16.f32 v43;
	v42 =	vunpack.i.l.bf16.f32 v43  }
0x14e: {  	v11 =	vmovc v20;
	v14 =	vmul.f32 v41, v14;
	v10 =	vmovc v21;
	v19 =	vld [tilespmem:s0+$0x1A0];
	v41 =	vunpack.i.u.bf16.f32 v46;
	v43 =	vunpack.i.l.bf16.f32 v46  }
0x14f: {  	v13 =	vmul.f32 v39, v13;
	v15 =	vmul.f32 v48, v15;
	v21 =	vadd.f32 v27, v45;
	v20 =	vld [tilespmem:s0+$0x1B0];
	(xrf2) =	vadd.scan.msk.f32 $0xffff, v29  }
0x150: {  	v27 =	vadd.f32 v44, v28;
	v28 =	vmul.f32 v47, v8;
	v29 =	vmul.f32 v42, v4;
	v8 =	vmovc v33  }
0x151: {  	v33 =	vadd.f32 v14, v13;
	v13 =	vmul.f32 v40, v5;
	v39 =	vmul.f32 v43, v6;
	v4 =	vmovc v34  }
0x152: {  	v5 =	vmovc v35;
	v21 =	vadd.f32 v27, v21;
	v15 =	vadd.f32 v15, v28;
	v27 =	vmul.f32 v41, v7  }
0x153: {  	v6 =	vmov v37;
	v28 =	vor.u32 $0x30, v30;
	v29 =	vadd.f32 v29, v13;
	v7, _, _ =	vpop (xrf2)  }
0x154: {  	v14 =	vmovc v16;
	v35 =	vunpack.i.u.bf16.f32 v19;
	v19 =	vunpack.i.l.bf16.f32 v19;
	[tilespmem:v26+s21+$0x0] =	vst.idx.msk vm0, v7;
	v37 =	vunpack.i.u.bf16.f32 v20;
	v7 =	vmovc v36  }
0x155: {  	v13 =	vmovc v18;
	v19 =	vmul.f32 v19, v22;
	v34 =	vmul.f32 v35, v24;
	v20 =	vunpack.i.l.bf16.f32 v20;
	v16 =	vld [tilespmem:s0+$0xFFFFFE80];
	(xrf2) =	vadd.scan.msk.f32 $0xffff, v21  }
0x156: {  	v27 =	vadd.f32 v39, v27;
	v20 =	vmul.f32 v20, v23;
	v21 =	vmul.f32 v37, v25;
	v18 =	vld [tilespmem:s0+$0xFFFFFE90];
	v26, _, _ =	vpop (xrf2)  }
0x157: {  	[tilespmem:v38+s21+$0x0] =	vst.idx.msk vm0, v26;
	v26 =	vadd.f32 v15, v33;
	v15 =	vmov v17  }
0x158: {  	v19 =	vadd.f32 v19, v34;
	v20 =	vadd.f32 v20, v21;
	v17 =	vld [tilespmem:s0+$0xFFFFFF80]  }
0x159: {  	v29 =	vadd.f32 v27, v29;
	v34 =	vor.u32 $0x70, v2;
	v2 =	vmov v32;
	v21 =	vld [tilespmem:s0+$0xFFFFFF90];
	v33, _, _ =	vpop (xrf2);
	(xrf2) =	vadd.scan.msk.f32 $0xffff, v26  }
0x15a: {  	v19 =	vadd.f32 v20, v19;
	v26 =	vunpack.i.u.bf16.f32 v16;
	v16 =	vunpack.i.l.bf16.f32 v16;
	[tilespmem:v28+s21+$0x0] =	vst.idx.msk vm0, v33  }
0x15b: {  	v16 =	vmul.f32 v16, v12;
	v20 =	vunpack.i.u.bf16.f32 v18;
	v18 =	vunpack.i.l.bf16.f32 v18;
	v28 =	vld [tilespmem:s0+$0x80]  }
0x15c: {  	v26 =	vmul.f32 v26, v9;
	v18 =	vmul.f32 v18, v11;
	v32 =	vld [tilespmem:s0+$0x90];
	(xrf2) =	vadd.scan.msk.f32 $0xffff, v19;
	v19 =	vor.u32 $0x70, v1;
	v1 =	vmovc v31  }
0x15d: {  	v20 =	vmul.f32 v20, v10;
	v31 =	vunpack.i.u.bf16.f32 v17;
	v17 =	vunpack.i.l.bf16.f32 v17  }
0x15e: {  	s6 =	sadd.s32 $0x100, s6;
	v17 =	vmul.f32 v17, v14;
	v33 =	vunpack.i.u.bf16.f32 v21;
	v21 =	vunpack.i.l.bf16.f32 v21  }
0x15f: {  	v16 =	vadd.f32 v16, v26;
	v31 =	vmul.f32 v31, v13;
	v27 =	vld [tilespmem:s6+$0x40];
	v21 =	vmul.f32 v21, v15;
	v35, _, _ =	vpop (xrf2);
	(xrf2) =	vadd.scan.msk.f32 $0xffff, v29  }
0x160: {  	s0 =	sadd.s32 $0x400, s0;
	v33 =	vmul.f32 v33, v8;
	v26 =	vld [tilespmem:s6+$0x50];
	v29 =	vunpack.i.u.bf16.f32 v28;
	v28 =	vunpack.i.l.bf16.f32 v28;
	[tilespmem:v34+s21+$0x0] =	vst.idx.msk vm0, v35  }
0x161: {  	v34 =	vld [tilespmem:s0+$0x100];
	v35 =	vmul.f32 v28, v4;
	v28 =	vunpack.i.u.bf16.f32 v32;
	v32 =	vunpack.i.l.bf16.f32 v32  }
0x162: {  	v38 =	vor.u32 $0x50, v0;
	v37 =	vmul.f32 v29, v5;
	v36 =	vld [tilespmem:s0+$0x110];
	v32 =	vmul.f32 v32, v6  }
0x163: {  	v18 =	vadd.f32 v18, v20;
	v17 =	vadd.f32 v17, v31;
	v20 =	vmul.f32 v28, v7;
	v29 =	vld [tilespmem:s6+$0x60];
	v31, _, _ =	vpop (xrf2)  }
0x164: {  	v39 =	vadd.f32 v21, v33;
	v33 =	vadd.f32 v35, v37;
	v28 =	vld [tilespmem:s6+$0x70];
	[tilespmem:v19+s21+$0x0] =	vst.idx.msk vm0, v31  }
0x165: {  	v16 =	vadd.f32 v18, v16;
	v18 =	vadd.f32 v32, v20;
	v20 =	vor.u32 $0x70, v3;
	v3 =	vmovc v30;
	v19 =	vld [tilespmem:s0+$0xFFFFFE00]  }
0x166: {  	v17 =	vadd.f32 v39, v17;
	v30 =	vld [tilespmem:s0+$0xFFFFFE10];
	v21, _, _ =	vpop (xrf2)  }
0x167: {  	v32 =	vunpack.i.u.bf16.f32 v34;
	v34 =	vunpack.i.l.bf16.f32 v34;
	v31 =	vld [tilespmem:s0+$0xFFFFFF00];
	v37 =	vunpack.i.u.bf16.f32 v36;
	[tilespmem:v38+s21+$0x0] =	vst.idx.msk vm0, v21  }
0x168: {  	v21 =	vmul.f32 v34, v27;
	v32 =	vmul.f32 v32, v26;
	v34 =	vunpack.i.l.bf16.f32 v36;
	v42 =	vld [tilespmem:s30+$0x1C0];
	(xrf2) =	vadd.scan.msk.f32 $0xffff, v16  }
0x169: {  	v33 =	vadd.f32 v18, v33;
	v16 =	vmul.f32 v34, v29;
	v34 =	vmul.f32 v37, v28;
	v18 =	vld [tilespmem:s30+$0x1D0];
	v35, _, _ =	vpop (xrf2)  }
0x16a: {  	v36 =	vunpack.i.u.bf16.f32 v19;
	v40 =	vunpack.i.l.bf16.f32 v19;
	v46 =	vld [tilespmem:s0+$0xFFFFFF10];
	[tilespmem:v20+s21+$0x0] =	vst.idx.msk vm0, v35  }
0x16b: {  	v20 =	vadd.f32 v21, v32;
	v37 =	vunpack.i.u.bf16.f32 v30;
	v35 =	vld [tilespmem:s0+$0x0];
	v16 =	vadd.f32 v16, v34;
	(xrf2) =	vadd.scan.msk.f32 $0xffff, v17  }
0x16c: {  	v45 =	vunpack.i.l.bf16.f32 v30;
	v38 =	vunpack.i.u.bf16.f32 v31;
	v43 =	vunpack.i.l.bf16.f32 v31;
	v44 =	vld [tilespmem:s0+$0x10]  }
0x16d: {  	v41 =	vor.u32 $0x40, v2;
	v39 =	vor.u32 $0x40, v1;
	v19 =	vld [tilespmem:s6+$0xFFFFFF90];
	v16 =	vadd.f32 v16, v20  }
.Ltmp2:
0x16e: {  	v17 =	vunpack.i.u.bf16.f32 v42;
	v30 =	vunpack.i.l.bf16.f32 v42;
	v20 =	vld [tilespmem:s6+$0xFFFFFFA0];
	v31 =	vunpack.i.u.bf16.f32 v18;
	(pc) =	sbr.rel @p1 .LBB2_6-.Ltmp2, $4  }
0x16f: {  	v30 =	vmul.f32 v30, v22;
	v32 =	vmul.f32 v17, v24;
	v17 =	vunpack.i.l.bf16.f32 v18;
	v21 =	vld [tilespmem:s6+$0xFFFFFFB0];
	(xrf2) =	vadd.scan.msk.f32 $0xffff, v16  }
0x170: {  	v48 =	vunpack.i.u.bf16.f32 v46;
	v34 =	vmul.f32 v17, v23;
	v31 =	vmul.f32 v31, v25;
	v16 =	vld [tilespmem:s6+$0xFFFFFFC0]  }
0x171: {  	v50 =	vunpack.i.l.bf16.f32 v46;
	v47 =	vunpack.i.u.bf16.f32 v35;
	v49 =	vunpack.i.l.bf16.f32 v35;
	v18 =	vld [tilespmem:s6+$0xFFFFFFD0]  }
0x172: {  	s16 =	sadd.s32 $0x4, s16;
	v51 =	vadd.f32 v30, v32;
	v46 =	vunpack.i.u.bf16.f32 v44;
	v52 =	vadd.f32 v34, v31;
	v17 =	vld [tilespmem:s6+$0xFFFFFFE0];
	v42, _, _ =	vpop (xrf2);
	(xrf2) =	vadd.scan.msk.f32 $0xffff, v33  }
0x173: {  	_ = 	snop  }
0x174: {  	v31 =	vld [tilespmem:s6+$0xFFFFFFF0];
	s16 =	sadd.s32 $0x3, s15  }
0x175: {  	v32 =	vld [tilespmem:s6+$0x0];
	v30 =	vmov s16  }
0x176: {  	v34 =	vld [tilespmem:s6+$0x10]  }
0x177: {  	v33 =	vld [tilespmem:s6+$0x20]  }
0x178: {  	v35 =	vld [tilespmem:s6+$0x30];
	v54 =	vmul.f32 v36, v19;
	v53, _, _ =	vpop (xrf2)  }
0x179: {  	v45 =	vmul.f32 v45, v20;
	v36 =	vld [tilespmem:s6+$0xFFFFFF80];
	v51 =	vadd.f32 v52, v51;
	v37 =	vmul.f32 v37, v21;
	v61, _, _ =	vpop (xrf2)  }
0x17a: {  	v43 =	vmul.f32 v43, v16;
	v38 =	vmul.f32 v38, v18;
	[tilespmem:v30+s21+$0x0] =	vst.idx.msk vm0, v61  }
0x17b: {  	v50 =	vmul.f32 v50, v17;
	v48 =	vmul.f32 v48, v31;
	v52 =	vld [tilespmem:s0+$0x120]  }
0x17c: {  	v44 =	vunpack.i.l.bf16.f32 v44;
	(xrf2) =	vadd.scan.msk.f32 $0xffff, v51;
	v62 =	vmul.f32 v49, v32;
	v47 =	vmul.f32 v47, v34;
	v63 =	vld [tilespmem:s0+$0x130]  }
0x17d: {  	v37 =	vadd.f32 v45, v37;
	v44 =	vmul.f32 v44, v33;
	v55 =	vmul.f32 v46, v35  }
0x17e: {  	v38 =	vadd.f32 v43, v38;
	v40 =	vmul.f32 v40, v36;
	v48 =	vadd.f32 v50, v48  }
0x17f: {  	v43 =	vadd.f32 v62, v47;
	v44 =	vadd.f32 v44, v55  }
0x180: {  	v56 =	vor.u32 $0x60, v0;
	v40 =	vadd.f32 v40, v54;
	v38 =	vadd.f32 v48, v38  }
0x181: {  	v57 =	vunpack.i.u.bf16.f32 v52;
	v58 =	vunpack.i.l.bf16.f32 v52;
	v59 =	vunpack.i.u.bf16.f32 v63  }
0x182: {  	v49 =	vunpack.i.l.bf16.f32 v63;
	v47 =	vmul.f32 v58, v27;
	v45 =	vmul.f32 v57, v26  }
0x183: {  	v60 =	vadd.f32 v44, v43;
	(xrf2) =	vadd.scan.msk.f32 $0xffff, v38;
	v61 =	vmul.f32 v49, v29;
	v62 =	vmul.f32 v59, v28  }
0x184: {  	v37 =	vadd.f32 v37, v40  }
0x185: {  	v40, _, _ =	vpop (xrf2);
	(xrf2) =	vadd.scan.msk.f32 $0xffff, v60;
	v63 =	vadd.f32 v47, v45;
	v43 =	vadd.f32 v61, v62  }
0x186: {  	v48, _, _ =	vpop (xrf2);
	(xrf2) =	vadd.scan.msk.f32 $0xffff, v37  }
0x187: {  	[tilespmem:v56+s21+$0x0] =	vst.idx.msk vm0, v48;
	v38 =	vadd.f32 v43, v63  }
0x188: {  	s16 =	sadd.s32 $0x1, s15;
	v49 =	vld [tilespmem:s30+$0x1E0]  }
0x189: {  	v37 =	vmov s16;
	v44 =	vld [tilespmem:s30+$0x1F0];
	(xrf2) =	vadd.scan.msk.f32 $0xffff, v38;
	_ =	sdelay $0x2  }
0x18a: {  	v38 =	vmov s15  }
0x18b: {  	v56 =	vor.u32 $0x10, v30;
	v51, _, _ =	vpop (xrf2)  }
0x18c: {  	v50 =	vunpack.i.l.bf16.f32 v49;
	v43 =	vunpack.i.u.bf16.f32 v49;
	v52 =	vunpack.i.u.bf16.f32 v44;
	[tilespmem:v37+s21+$0x0] =	vst.idx.msk vm0, v51  }
0x18d: {  	v54 =	vunpack.i.l.bf16.f32 v44;
	v22 =	vmul.f32 v50, v22;
	v24 =	vmul.f32 v43, v24;
	v45, _, _ =	vpop (xrf2);
	v55 =	vld [tilespmem:s0+$0xFFFFFF20]  }
0x18e: {  	v23 =	vmul.f32 v54, v23;
	v25 =	vmul.f32 v52, v25;
	v57 =	vld [tilespmem:s0+$0xFFFFFF30];
	v58, _, _ =	vpop (xrf2)  }
0x18f: {  	[tilespmem:v38+s21+$0x0] =	vst.idx.msk vm0, v58  }
0x190: {  	s17 =	sadd.s32 $0x2, s15;
	v24 =	vadd.f32 v22, v24;
	v23 =	vadd.f32 v23, v25;
	v25 =	vld [tilespmem:s0+$0xFFFFFE20]  }
0x191: {  	v22 =	vmov s17;
	v47 =	vld [tilespmem:s0+$0xFFFFFE30];
	v59, _, _ =	vpop (xrf2)  }
0x192: {  	v49 =	vor.u32 $0x40, v3;
	v23 =	vadd.f32 v23, v24;
	[tilespmem:v56+s21+$0x0] =	vst.idx.msk vm0, v59  }
0x193: {  	v24 =	vunpack.i.u.bf16.f32 v55;
	v44 =	vunpack.i.l.bf16.f32 v55;
	v60 =	vunpack.i.u.bf16.f32 v57;
	v48 =	vld [tilespmem:s0+$0x140]  }
0x194: {  	[tilespmem:v41+s21+$0x0] =	vst.idx.msk vm0, v42;
	v43 =	vunpack.i.l.bf16.f32 v57;
	v44 =	vmul.f32 v44, v16;
	v24 =	vmul.f32 v24, v18;
	v61 =	vld [tilespmem:s0+$0x150]  }
0x195: {  	[tilespmem:v39+s21+$0x0] =	vst.idx.msk vm0, v53;
	v43 =	vmul.f32 v43, v17;
	v46 =	vmul.f32 v60, v31;
	v62 =	vunpack.i.l.bf16.f32 v25  }
0x196: {  	[tilespmem:v22+s21+$0x0] =	vst.idx.msk vm0, v45;
	v25 =	vunpack.i.u.bf16.f32 v25;
	v63 =	vunpack.i.l.bf16.f32 v47;
	v47 =	vunpack.i.u.bf16.f32 v47  }
0x197: {  	v55 =	vld [tilespmem:s30+$0xFFFFFFB0];
	v24 =	vadd.f32 v44, v24;
	v51 =	vmul.f32 v62, v36;
	v25 =	vmul.f32 v25, v19  }
0x198: {  	v60 =	vld [tilespmem:s30+$0xFFFFFEA0];
	v43 =	vadd.f32 v43, v46;
	v52 =	vmul.f32 v63, v20;
	v56 =	vmul.f32 v47, v21  }
0x199: {  	v53 =	vld [tilespmem:s0+$0x20];
	v57 =	vunpack.i.u.bf16.f32 v48;
	v58 =	vunpack.i.l.bf16.f32 v48;
	v59 =	vunpack.i.u.bf16.f32 v61  }
0x19a: {  	v45 =	vld [tilespmem:s0+$0x30];
	v61 =	vunpack.i.l.bf16.f32 v61;
	v42 =	vmul.f32 v58, v27;
	v41 =	vmul.f32 v57, v26  }
0x19b: {  	v63 =	vld [tilespmem:s30+$0xFFFFFFA0];
	v24 =	vadd.f32 v43, v24;
	v47 =	vmul.f32 v61, v29;
	v46 =	vmul.f32 v59, v28  }
0x19c: {  	[tilespmem:v49+s21+$0x0] =	vst.idx.msk vm0, v40;
	v62 =	vld [tilespmem:s30+$0xFFFFFEB0];
	v40 =	vunpack.i.l.bf16.f32 v55;
	v25 =	vadd.f32 v51, v25;
	v44 =	vadd.f32 v52, v56  }
0x19d: {  	(xrf2) =	vadd.scan.msk.f32 $0xffff, v23;
	v39 =	vunpack.i.l.bf16.f32 v60;
	v41 =	vadd.f32 v42, v41;
	v54 =	vadd.f32 v47, v46  }
0x19e: {  	v43 =	vunpack.i.l.bf16.f32 v53;
	v40 =	vmul.f32 v40, v15;
	(xrf2) =	vadd.scan.msk.f32 $0xffff, v24;
	v23 =	vadd.f32 v44, v25  }
0x19f: {  	v56 =	vld [tilespmem:s30+$0xA0];
	v39 =	vmul.f32 v39, v12;
	v43 =	vmul.f32 v43, v32;
	v24 =	vadd.f32 v54, v41  }
0x1a0: {  	v25 =	vunpack.i.u.bf16.f32 v60;
	v60 =	vor.u32 $0x10, v37;
	v44 =	vunpack.i.l.bf16.f32 v63;
	(xrf2) =	vadd.scan.msk.f32 $0xffff, v23  }
0x1a1: {  	v23 =	vunpack.i.l.bf16.f32 v62;
	v59 =	vunpack.i.u.bf16.f32 v45;
	v45 =	vunpack.i.l.bf16.f32 v45;
	(xrf2) =	vadd.scan.msk.f32 $0xffff, v24  }
0x1a2: {  	v58 =	vunpack.i.u.bf16.f32 v53;
	v45 =	vmul.f32 v45, v33;
	v48 =	vmul.f32 v59, v35  }
0x1a3: {  	v61 =	vunpack.i.u.bf16.f32 v55;
	v44 =	vmul.f32 v44, v14;
	v47 =	vmul.f32 v58, v34  }
0x1a4: {  	v59 =	vmul.f32 v61, v8;
	v42 =	vunpack.i.l.bf16.f32 v56;
	v45 =	vadd.f32 v45, v48  }
0x1a5: {  	v57 =	vld [tilespmem:s30+$0xB0];
	v42 =	vmul.f32 v42, v4;
	v41 =	vunpack.i.u.bf16.f32 v62;
	v43 =	vadd.f32 v43, v47  }
0x1a6: {  	v47 =	vor.u32 $0x20, v30;
	v54 =	vmul.f32 v41, v10;
	v24 =	vmul.f32 v25, v9  }
0x1a7: {  	v25 =	vunpack.i.u.bf16.f32 v63;
	v63 =	vmul.f32 v23, v11;
	v23, _, _ =	vpop (xrf2);
	v55 =	vadd.f32 v45, v43  }
0x1a8: {  	v40 =	vadd.f32 v40, v59;
	v62 =	vunpack.i.u.bf16.f32 v56;
	v56, _, _ =	vpop (xrf2);
	v25 =	vmul.f32 v25, v13  }
0x1a9: {  	v24 =	vadd.f32 v39, v24;
	[tilespmem:v60+s21+$0x0] =	vst.idx.msk vm0, v56;
	v39 =	vadd.f32 v63, v54;
	(xrf2) =	vadd.scan.msk.f32 $0xffff, v55  }
0x1aa: {  	v48 =	vunpack.i.u.bf16.f32 v57;
	v57 =	vunpack.i.l.bf16.f32 v57;
	v63 =	vor.u32 $0x10, v38;
	v60 =	vld [tilespmem:s0+$0xFFFFFF40];
	v58, _, _ =	vpop (xrf2)  }
0x1ab: {  	v62 =	vmul.f32 v62, v5;
	v25 =	vadd.f32 v44, v25;
	v24 =	vadd.f32 v39, v24;
	v61, _, _ =	vpop (xrf2)  }
0x1ac: {  	v45 =	vmul.f32 v57, v6;
	v49 =	vmul.f32 v48, v7;
	v52 =	vld [tilespmem:s0+$0xFFFFFF50];
	[tilespmem:v47+s21+$0x0] =	vst.idx.msk vm0, v61  }
0x1ad: {  	(xrf2) =	vadd.scan.msk.f32 $0xffff, v24;
	v24 =	vadd.f32 v40, v25;
	v53 =	vld [tilespmem:s0+$0x160]  }
0x1ae: {  	v42 =	vadd.f32 v42, v62;
	v45 =	vadd.f32 v45, v49;
	v55 =	vor.u32 $0x10, v22;
	v54 =	vld [tilespmem:s0+$0x170]  }
0x1af: {  	[tilespmem:v63+s21+$0x0] =	vst.idx.msk vm0, v58;
	v56 =	vunpack.i.l.bf16.f32 v60;
	(xrf2) =	vadd.scan.msk.f32 $0xffff, v24;
	v24 =	vunpack.i.u.bf16.f32 v60  }
0x1b0: {  	v57 =	vmul.f32 v56, v16;
	v25 =	vadd.f32 v45, v42;
	v24 =	vmul.f32 v24, v18  }
0x1b1: {  	v62 =	vor.u32 $0x50, v2;
	v58 =	vunpack.i.u.bf16.f32 v52;
	v52 =	vunpack.i.l.bf16.f32 v52;
	v61 =	vld [tilespmem:s0+$0xFFFFFE50]  }
0x1b2: {  	v43 =	vld [tilespmem:s0+$0xFFFFFE40];
	v42 =	vmul.f32 v58, v31;
	(xrf2) =	vadd.scan.msk.f32 $0xffff, v25;
	v25 =	vmul.f32 v52, v17;
	v24 =	vadd.f32 v57, v24  }
0x1b3: {  	v63, _, _ =	vpop (xrf2);
	v59 =	vunpack.i.u.bf16.f32 v53;
	v39 =	vunpack.i.l.bf16.f32 v53;
	v60 =	vunpack.i.u.bf16.f32 v54  }
0x1b4: {  	[tilespmem:v55+s21+$0x0] =	vst.idx.msk vm0, v63;
	v44 =	vunpack.i.l.bf16.f32 v54;
	v39 =	vmul.f32 v39, v27;
	v45 =	vmul.f32 v59, v26  }
0x1b5: {  	v49 =	vld [tilespmem:s0+$0x50];
	v25 =	vadd.f32 v25, v42;
	v44 =	vmul.f32 v44, v29;
	v46 =	vmul.f32 v60, v28  }
0x1b6: {  	v40 =	vld [tilespmem:s0+$0x40];
	v56 =	vunpack.i.u.bf16.f32 v61;
	v47 =	vunpack.i.l.bf16.f32 v61;
	v53 =	vor.u32 $0x50, v1  }
0x1b7: {  	v54 =	vunpack.i.u.bf16.f32 v43;
	v39 =	vadd.f32 v39, v45;
	v44 =	vadd.f32 v44, v46  }
0x1b8: {  	v43 =	vunpack.i.l.bf16.f32 v43;
	v58 =	vmul.f32 v47, v20;
	v24 =	vadd.f32 v25, v24  }
0x1b9: {  	v43 =	vmul.f32 v43, v36;
	v57 =	vmul.f32 v54, v19;
	v39 =	vadd.f32 v44, v39  }
0x1ba: {  	v59 =	vmul.f32 v56, v21;
	v60 =	vor.u32 $0x50, v3;
	v54 =	vunpack.i.u.bf16.f32 v49;
	v55, _, _ =	vpop (xrf2)  }
0x1bb: {  	[tilespmem:v62+s21+$0x0] =	vst.idx.msk vm0, v55;
	v62 =	vunpack.i.u.bf16.f32 v40;
	v40 =	vunpack.i.l.bf16.f32 v40;
	(xrf2) =	vadd.scan.msk.f32 $0xffff, v39  }
0x1bc: {  	v45 =	vmul.f32 v54, v35;
	v55 =	vunpack.i.l.bf16.f32 v49;
	v42 =	vld [tilespmem:s30+$0xFFFFFEC0];
	v61, _, _ =	vpop (xrf2);
	v40 =	vmul.f32 v40, v32  }
0x1bd: {  	v63 =	vld [tilespmem:s30+$0xFFFFFED0];
	v52 =	vmul.f32 v62, v34;
	v47 =	vmul.f32 v55, v33;
	[tilespmem:v53+s21+$0x0] =	vst.idx.msk vm0, v61  }
0x1be: {  	v41 =	vadd.f32 v43, v57;
	v57, _, _ =	vpop (xrf2);
	v56 =	vld [tilespmem:s30+$0xFFFFFFC0];
	v39 =	vadd.f32 v58, v59  }
0x1bf: {  	v53 =	vld [tilespmem:s30+$0xFFFFFFD0];
	v25 =	vadd.f32 v40, v52;
	[tilespmem:v60+s21+$0x0] =	vst.idx.msk vm0, v57;
	v59 =	vadd.f32 v47, v45  }
0x1c0: {  	v48 =	vor.u32 $0x20, v38;
	v60 =	vor.u32 $0x30, v30;
	v44 =	vld [tilespmem:s30+$0xC0]  }
0x1c1: {  	v50 =	vld [tilespmem:s30+$0xD0];
	v39 =	vadd.f32 v39, v41;
	v25 =	vadd.f32 v59, v25;
	v58 =	vunpack.i.u.bf16.f32 v42  }
0x1c2: {  	v61 =	vunpack.i.u.bf16.f32 v63;
	v62 =	vunpack.i.l.bf16.f32 v63;
	v40 =	vmul.f32 v58, v9  }
0x1c3: {  	v42 =	vunpack.i.l.bf16.f32 v42;
	(xrf2) =	vadd.scan.msk.f32 $0xffff, v39;
	v46 =	vmul.f32 v62, v11;
	v45 =	vmul.f32 v61, v10  }
0x1c4: {  	v63 =	vunpack.i.u.bf16.f32 v56;
	v54 =	vunpack.i.l.bf16.f32 v56;
	v55 =	vunpack.i.u.bf16.f32 v53  }
0x1c5: {  	v56 =	vmul.f32 v42, v12;
	v57 =	vunpack.i.l.bf16.f32 v53;
	(xrf2) =	vadd.scan.msk.f32 $0xffff, v24;
	v41 =	vmul.f32 v54, v14;
	v58, _, _ =	vpop (xrf2)  }
0x1c6: {  	v24 =	vunpack.i.u.bf16.f32 v44;
	v59 =	vunpack.i.l.bf16.f32 v44;
	v62 =	vunpack.i.u.bf16.f32 v50;
	[tilespmem:v60+s21+$0x0] =	vst.idx.msk vm0, v58  }
0x1c7: {  	v42 =	vmul.f32 v57, v15;
	v49 =	vmul.f32 v55, v8;
	v50 =	vunpack.i.l.bf16.f32 v50;
	v61 =	vld [tilespmem:s0+$0x180]  }
0x1c8: {  	v55 =	vadd.f32 v46, v45;
	v24 =	vmul.f32 v24, v5;
	v60 =	vmul.f32 v63, v13;
	v63 =	vld [tilespmem:s0+$0x190]  }
0x1c9: {  	v39 =	vadd.f32 v56, v40;
	v56 =	vmul.f32 v50, v6;
	(xrf2) =	vadd.scan.msk.f32 $0xffff, v25;
	v25 =	vmul.f32 v59, v4  }
0x1ca: {  	v57 =	vmul.f32 v62, v7;
	v42 =	vadd.f32 v42, v49;
	v41 =	vadd.f32 v41, v60  }
0x1cb: {  	v39 =	vadd.f32 v55, v39;
	v58 =	vor.u32 $0x20, v37;
	v24 =	vadd.f32 v25, v24  }
0x1cc: {  	v25 =	vadd.f32 v56, v57;
	v41 =	vadd.f32 v42, v41  }
0x1cd: {  	(xrf2) =	vadd.scan.msk.f32 $0xffff, v39;
	v62, _, _ =	vpop (xrf2);
	v59 =	vunpack.i.u.bf16.f32 v61;
	v60 =	vunpack.i.l.bf16.f32 v61;
	v61 =	vunpack.i.u.bf16.f32 v63  }
0x1ce: {  	[tilespmem:v48+s21+$0x0] =	vst.idx.msk vm0, v62;
	v63 =	vunpack.i.l.bf16.f32 v63;
	v45 =	vmul.f32 v60, v27;
	v42 =	vmul.f32 v59, v26  }
0x1cf: {  	v49 =	vor.u32 $0x20, v22;
	v51, _, _ =	vpop (xrf2);
	v50 =	vld [tilespmem:s0+$0xFFFFFE60];
	v47 =	vmul.f32 v63, v29;
	v46 =	vmul.f32 v61, v28  }
0x1d0: {  	v24 =	vadd.f32 v25, v24;
	v52 =	vld [tilespmem:s0+$0xFFFFFE70];
	[tilespmem:v58+s21+$0x0] =	vst.idx.msk vm0, v51;
	(xrf2) =	vadd.scan.msk.f32 $0xffff, v41  }
0x1d1: {  	v25 =	vld [tilespmem:s0+$0xFFFFFF60];
	v53 =	vadd.f32 v45, v42;
	v54 =	vadd.f32 v47, v46  }
0x1d2: {  	v44 =	vld [tilespmem:s0+$0xFFFFFF70]  }
0x1d3: {  	v56 =	vor.u32 $0x60, v2;
	(xrf2) =	vadd.scan.msk.f32 $0xffff, v24;
	v55, _, _ =	vpop (xrf2);
	v41 =	vadd.f32 v54, v53  }
0x1d4: {  	v24 =	vor.u32 $0x60, v1;
	[tilespmem:v49+s21+$0x0] =	vst.idx.msk vm0, v55;
	v57 =	vunpack.i.u.bf16.f32 v50;
	v40 =	vunpack.i.l.bf16.f32 v50  }
0x1d5: {  	v58 =	vunpack.i.u.bf16.f32 v52;
	v43 =	vunpack.i.l.bf16.f32 v52;
	v40 =	vmul.f32 v40, v36;
	(xrf2) =	vadd.scan.msk.f32 $0xffff, v41  }
0x1d6: {  	v45 =	vld [tilespmem:s0+$0x60];
	v39 =	vmul.f32 v57, v19;
	v60 =	vunpack.i.u.bf16.f32 v25;
	v25 =	vunpack.i.l.bf16.f32 v25  }
0x1d7: {  	v59 =	vld [tilespmem:s0+$0x70];
	v61 =	vunpack.i.u.bf16.f32 v44;
	v43 =	vmul.f32 v43, v20;
	v63 =	vmul.f32 v58, v21  }
0x1d8: {  	v62, _, _ =	vpop (xrf2);
	v44 =	vunpack.i.l.bf16.f32 v44;
	v25 =	vmul.f32 v25, v16;
	v47 =	vmul.f32 v60, v18  }
0x1d9: {  	[tilespmem:v56+s21+$0x0] =	vst.idx.msk vm0, v62;
	v56 =	vmul.f32 v44, v17;
	v57 =	vmul.f32 v61, v31  }
0x1da: {  	v39 =	vadd.f32 v40, v39;
	v40 =	vadd.f32 v43, v63;
	v52, _, _ =	vpop (xrf2)  }
0x1db: {  	v49 =	vld [tilespmem:s30+$0xFFFFFEE0];
	v25 =	vadd.f32 v25, v47;
	v43 =	vadd.f32 v56, v57;
	[tilespmem:v24+s21+$0x0] =	vst.idx.msk vm0, v52;
	v24 =	vor.u32 $0x40, v30  }
0x1dc: {  	v55 =	vld [tilespmem:s30+$0xFFFFFEF0];
	v53 =	vunpack.i.u.bf16.f32 v45;
	v45 =	vunpack.i.l.bf16.f32 v45;
	v54 =	vunpack.i.u.bf16.f32 v59  }
0x1dd: {  	v46 =	vunpack.i.l.bf16.f32 v59;
	v45 =	vmul.f32 v45, v32;
	v42 =	vmul.f32 v53, v34;
	v58 =	vld [tilespmem:s30+$0xFFFFFFE0]  }
0x1de: {  	v47, _, _ =	vpop (xrf2);
	v59 =	vmul.f32 v46, v33;
	v60 =	vmul.f32 v54, v35  }
0x1df: {  	v50 =	vor.u32 $0x60, v3;
	v39 =	vadd.f32 v40, v39;
	v25 =	vadd.f32 v43, v25;
	v51 =	vld [tilespmem:s30+$0xFFFFFFF0];
	v62, _, _ =	vpop (xrf2)  }
0x1e0: {  	v63 =	vunpack.i.u.bf16.f32 v49;
	v61 =	vadd.f32 v45, v42;
	v52 =	vadd.f32 v59, v60;
	[tilespmem:v24+s21+$0x0] =	vst.idx.msk vm0, v62  }
0x1e1: {  	v53 =	vunpack.i.u.bf16.f32 v55;
	v41 =	vunpack.i.l.bf16.f32 v55;
	v59 =	vmul.f32 v63, v9;
	v54 =	vld [tilespmem:s0+$0x1A0]  }
0x1e2: {  	v40 =	vadd.f32 v52, v61;
	v61 =	vmul.f32 v41, v11;
	v55 =	vunpack.i.u.bf16.f32 v58;
	v57 =	vld [tilespmem:s0+$0x1B0]  }
0x1e3: {  	v56 =	vunpack.i.l.bf16.f32 v58;
	(xrf2) =	vadd.scan.msk.f32 $0xffff, v39;
	v24 =	vunpack.i.l.bf16.f32 v49;
	v62 =	vmul.f32 v53, v10  }
0x1e4: {  	v60 =	vunpack.i.l.bf16.f32 v51;
	v63 =	vmul.f32 v56, v14;
	(xrf2) =	vadd.scan.msk.f32 $0xffff, v25;
	v58 =	vmul.f32 v24, v12  }
0x1e5: {  	v41 =	vmul.f32 v55, v13;
	v42 =	vmul.f32 v60, v15;
	v24 =	vunpack.i.u.bf16.f32 v51  }
0x1e6: {  	v10 =	vadd.f32 v61, v62;
	v43 =	vmul.f32 v24, v8;
	v9 =	vadd.f32 v58, v59  }
0x1e7: {  	[tilespmem:v50+s21+$0x0] =	vst.idx.msk vm0, v47;
	v45 =	vunpack.i.u.bf16.f32 v54;
	v46 =	vunpack.i.l.bf16.f32 v54;
	v24 =	vunpack.i.u.bf16.f32 v57  }
0x1e8: {  	v50 =	vld [tilespmem:s30+$0xE0];
	v25 =	vunpack.i.l.bf16.f32 v57;
	v15 =	vmul.f32 v46, v27;
	v11 =	vmul.f32 v45, v26  }
0x1e9: {  	(xrf2) =	vadd.scan.msk.f32 $0xffff, v40;
	v12 =	vadd.f32 v63, v41;
	v49 =	vmul.f32 v25, v29;
	v24 =	vmul.f32 v24, v28  }
0x1ea: {  	v53 =	vor.u32 $0x30, v37;
	v8 =	vadd.f32 v42, v43;
	v9 =	vadd.f32 v10, v9  }
0x1eb: {  	v51 =	vld [tilespmem:s30+$0xF0];
	v11 =	vadd.f32 v15, v11;
	v52 =	vadd.f32 v49, v24  }
0x1ec: {  	v8 =	vadd.f32 v8, v12;
	v25 =	vor.u32 $0x30, v38  }
0x1ed: {  	v56 =	vunpack.i.u.bf16.f32 v50;
	(xrf2) =	vadd.scan.msk.f32 $0xffff, v9;
	v55, _, _ =	vpop (xrf2);
	v54 =	vadd.f32 v52, v11  }
0x1ee: {  	v62 =	vmul.f32 v56, v5;
	(xrf2) =	vadd.scan.msk.f32 $0xffff, v8;
	v63, _, _ =	vpop (xrf2)  }
0x1ef: {  	v59 =	vor.u32 $0x30, v22;
	v57 =	vunpack.i.l.bf16.f32 v50;
	[tilespmem:v53+s21+$0x0] =	vst.idx.msk vm0, v63;
	(xrf2) =	vadd.scan.msk.f32 $0xffff, v54  }
0x1f0: {  	v58 =	vunpack.i.u.bf16.f32 v51;
	v10 =	vunpack.i.l.bf16.f32 v51;
	v61 =	vmul.f32 v57, v4;
	v8 =	vld [tilespmem:s0+$0xFFFFFF80]  }
0x1f1: {  	v39 =	vmul.f32 v58, v7;
	v15 =	vmul.f32 v10, v6;
	[tilespmem:v25+s21+$0x0] =	vst.idx.msk vm0, v55;
	v42 =	vld [tilespmem:s0+$0xFFFFFF90]  }
0x1f2: {  	v60 =	vld [tilespmem:s0+$0xFFFFFE80]  }
0x1f3: {  	v4 =	vadd.f32 v61, v62;
	v41 =	vadd.f32 v15, v39;
	v43, _, _ =	vpop (xrf2);
	v40 =	vld [tilespmem:s0+$0xFFFFFE90]  }
0x1f4: {  	[tilespmem:v59+s21+$0x0] =	vst.idx.msk vm0, v43  }
0x1f5: {  	v45 =	vor.u32 $0x50, v30;
	v46 =	vadd.f32 v41, v4;
	v48 =	vld [tilespmem:s0+$0x80]  }
0x1f6: {  	v51 =	vld [tilespmem:s0+$0x90];
	v24 =	vunpack.i.l.bf16.f32 v8;
	v8 =	vunpack.i.u.bf16.f32 v8;
	v25 =	vunpack.i.u.bf16.f32 v42  }
0x1f7: {  	v4, _, _ =	vpop (xrf2);
	v6 =	vunpack.i.l.bf16.f32 v42;
	v44 =	vunpack.i.l.bf16.f32 v60;
	v47 =	vunpack.i.u.bf16.f32 v60  }
0x1f8: {  	v49 =	vunpack.i.u.bf16.f32 v40;
	v5, _, _ =	vpop (xrf2);
	v24 =	vmul.f32 v24, v16;
	v8 =	vmul.f32 v8, v18  }
0x1f9: {  	v9 =	vunpack.i.l.bf16.f32 v40;
	v6 =	vmul.f32 v6, v17;
	v54 =	vmul.f32 v25, v31;
	v53, _, _ =	vpop (xrf2)  }
0x1fa: {  	v55 =	vunpack.i.l.bf16.f32 v48;
	v12 =	vunpack.i.u.bf16.f32 v48;
	v10 =	vmul.f32 v44, v36;
	[tilespmem:v45+s21+$0x0] =	vst.idx.msk vm0, v53  }
0x1fb: {  	v56 =	vunpack.i.l.bf16.f32 v51;
	v50 =	vmul.f32 v47, v19;
	v9 =	vmul.f32 v9, v20;
	v25 =	vld [tilespmem:s0+$0x1C0]  }
0x1fc: {  	v14 =	vunpack.i.u.bf16.f32 v51;
	v52 =	vmul.f32 v49, v21;
	v13 =	vmul.f32 v55, v32;
	v57 =	vld [tilespmem:s0+$0x1D0]  }
0x1fd: {  	v12 =	vmul.f32 v12, v34;
	v39 =	vmul.f32 v56, v33;
	v8 =	vadd.f32 v24, v8  }
0x1fe: {  	v14 =	vmul.f32 v14, v35;
	v10 =	vadd.f32 v10, v50;
	v9 =	vadd.f32 v9, v52  }
0x1ff: {  	v6 =	vadd.f32 v6, v54;
	v58 =	vadd.f32 v13, v12  }
0x200: {  	v59 =	vadd.f32 v39, v14;
	v9 =	vadd.f32 v9, v10  }
0x201: {  	v60 =	vunpack.i.u.bf16.f32 v25;
	v61 =	vunpack.i.l.bf16.f32 v25;
	v62 =	vunpack.i.u.bf16.f32 v57  }
0x202: {  	v39 =	vunpack.i.l.bf16.f32 v57;
	v63 =	vmul.f32 v61, v27;
	v12 =	vmul.f32 v60, v26  }
0x203: {  	(xrf2) =	vadd.scan.msk.f32 $0xffff, v46;
	v40 =	vmul.f32 v39, v29;
	v41 =	vmul.f32 v62, v28  }
0x204: {  	v6 =	vadd.f32 v6, v8;
	(xrf2) =	vadd.scan.msk.f32 $0xffff, v9  }
0x205: {  	v42 =	vadd.f32 v63, v12;
	v8 =	vadd.f32 v40, v41  }
0x206: {  	v7 =	vadd.f32 v59, v58;
	(xrf2) =	vadd.scan.msk.f32 $0xffff, v6  }
0x207: {  	v6 =	vadd.f32 v8, v42  }
0x208: {  	(xrf2) =	vadd.scan.msk.f32 $0xffff, v7  }
0x209: {  	(xrf2) =	vadd.scan.msk.f32 $0xffff, v6  }
0x20a: {  	v43 =	vor.u32 $0x40, v38;
	_ =	sdelay $0x1  }
0x20b: {  	v44 =	vor.u32 $0x40, v37  }
0x20c: {  	v6, _, _ =	vpop (xrf2)  }
0x20d: {  	v46 =	vor.u32 $0x40, v22;
	v45, _, _ =	vpop (xrf2)  }
0x20e: {  	v48 =	vor.u32 $0x60, v30;
	[tilespmem:v43+s21+$0x0] =	vst.idx.msk vm0, v45  }
0x20f: {  	v47, _, _ =	vpop (xrf2);
	v9 =	vld [tilespmem:s0+$0xFFFFFEA0]  }
0x210: {  	[tilespmem:v44+s21+$0x0] =	vst.idx.msk vm0, v47;
	v49 =	vld [tilespmem:s0+$0xFFFFFEB0]  }
0x211: {  	v50, _, _ =	vpop (xrf2);
	v51 =	vld [tilespmem:s0+$0xFFFFFFA0]  }
0x212: {  	[tilespmem:v46+s21+$0x0] =	vst.idx.msk vm0, v50;
	v52 =	vld [tilespmem:s0+$0xFFFFFFB0];
	v53, _, _ =	vpop (xrf2)  }
0x213: {  	v10 =	vld [tilespmem:s0+$0xA0];
	[tilespmem:v48+s21+$0x0] =	vst.idx.msk vm0, v53  }
0x214: {  	v11 =	vld [tilespmem:s0+$0x1E0]  }
0x215: {  	v55 =	vunpack.i.u.bf16.f32 v9;
	v9 =	vunpack.i.l.bf16.f32 v9;
	v56 =	vld [tilespmem:s0+$0x1F0]  }
0x216: {  	v24 =	vunpack.i.u.bf16.f32 v49;
	v7 =	vunpack.i.l.bf16.f32 v49;
	v9 =	vmul.f32 v9, v36  }
0x217: {  	v54 =	vld [tilespmem:s0+$0xB0];
	v13 =	vmul.f32 v55, v19;
	v25 =	vunpack.i.u.bf16.f32 v51;
	v12 =	vunpack.i.l.bf16.f32 v51  }
0x218: {  	v57 =	vunpack.i.u.bf16.f32 v52;
	v8 =	vunpack.i.l.bf16.f32 v52;
	v7 =	vmul.f32 v7, v20  }
0x219: {  	v62 =	vmul.f32 v24, v21;
	v58 =	vunpack.i.u.bf16.f32 v10;
	v10 =	vunpack.i.l.bf16.f32 v10  }
0x21a: {  	v60 =	vunpack.i.u.bf16.f32 v11;
	v11 =	vunpack.i.l.bf16.f32 v11;
	v61 =	vunpack.i.u.bf16.f32 v56  }
0x21b: {  	v15 =	vunpack.i.l.bf16.f32 v56;
	v11 =	vmul.f32 v11, v27;
	v26 =	vmul.f32 v60, v26  }
0x21c: {  	v59 =	vunpack.i.u.bf16.f32 v54;
	v15 =	vmul.f32 v15, v29;
	v27 =	vmul.f32 v61, v28  }
0x21d: {  	v14 =	vunpack.i.l.bf16.f32 v54;
	v12 =	vmul.f32 v12, v16;
	v24 =	vmul.f32 v25, v18  }
0x21e: {  	v8 =	vmul.f32 v8, v17;
	v11 =	vadd.f32 v11, v26;
	v15 =	vadd.f32 v15, v27  }
0x21f: {  	v25 =	vmul.f32 v57, v31;
	v9 =	vadd.f32 v9, v13;
	v7 =	vadd.f32 v7, v62  }
0x220: {  	v10 =	vmul.f32 v10, v32;
	v12 =	vadd.f32 v12, v24;
	v11 =	vadd.f32 v15, v11  }
0x221: {  	v63 =	vmul.f32 v58, v34;
	v8 =	vadd.f32 v8, v25;
	v7 =	vadd.f32 v7, v9  }
0x222: {  	v39 =	vmul.f32 v14, v33;
	v40 =	vmul.f32 v59, v35;
	(xrf2) =	vadd.scan.msk.f32 $0xffff, v11  }
0x223: {  	v8 =	vadd.f32 v8, v12;
	(xrf2) =	vadd.scan.msk.f32 $0xffff, v7  }
0x224: {  	v41 =	vadd.f32 v10, v63;
	v9 =	vadd.f32 v39, v40  }
0x225: {  	(xrf2) =	vadd.scan.msk.f32 $0xffff, v8  }
0x226: {  	v7 =	vadd.f32 v9, v41;
	_ =	sdelay $0x1  }
0x227: {  	(xrf2) =	vadd.scan.msk.f32 $0xffff, v7  }
0x228: {  	v42 =	vor.u32 $0x50, v38;
	_ =	sdelay $0x1  }
0x229: {  	v43 =	vor.u32 $0x50, v37  }
0x22a: {  	v9, _, _ =	vpop (xrf2)  }
0x22b: {  	v44, _, _ =	vpop (xrf2)  }
0x22c: {  	v45 =	vor.u32 $0x50, v22;
	[tilespmem:v42+s21+$0x0] =	vst.idx.msk vm0, v44  }
0x22d: {  	v46, _, _ =	vpop (xrf2);
	v10 =	vld [tilespmem:s0+$0xFFFFFEC0]  }
0x22e: {  	v47 =	vld [tilespmem:s0+$0xFFFFFED0];
	[tilespmem:v43+s21+$0x0] =	vst.idx.msk vm0, v46  }
0x22f: {  	v8 =	vld [tilespmem:s0+$0xFFFFFFC0]  }
0x230: {  	v48, _, _ =	vpop (xrf2);
	v11 =	vld [tilespmem:s0+$0xFFFFFFD0]  }
0x231: {  	[tilespmem:v45+s21+$0x0] =	vst.idx.msk vm0, v48  }
0x232: {  	v7 =	vld [tilespmem:s0+$0xC0]  }
0x233: {  	v51 =	vld [tilespmem:s0+$0xD0];
	v49 =	vunpack.i.u.bf16.f32 v10;
	v10 =	vunpack.i.l.bf16.f32 v10;
	v50 =	vunpack.i.u.bf16.f32 v47  }
0x234: {  	v12 =	vunpack.i.l.bf16.f32 v47;
	v24 =	vunpack.i.u.bf16.f32 v8;
	v8 =	vunpack.i.l.bf16.f32 v8  }
0x235: {  	v25 =	vunpack.i.u.bf16.f32 v11;
	v10 =	vmul.f32 v10, v36;
	v13 =	vmul.f32 v49, v19  }
0x236: {  	v11 =	vunpack.i.l.bf16.f32 v11;
	v12 =	vmul.f32 v12, v20;
	v14 =	vmul.f32 v50, v21  }
0x237: {  	v8 =	vmul.f32 v8, v16;
	v26 =	vunpack.i.u.bf16.f32 v7;
	v7 =	vunpack.i.l.bf16.f32 v7  }
0x238: {  	v27 =	vunpack.i.u.bf16.f32 v51;
	v52 =	vmul.f32 v24, v18;
	v11 =	vmul.f32 v11, v17  }
0x239: {  	v53 =	vmul.f32 v25, v31;
	v10 =	vadd.f32 v10, v13;
	v12 =	vadd.f32 v12, v14  }
0x23a: {  	v15 =	vunpack.i.l.bf16.f32 v51;
	v7 =	vmul.f32 v7, v32;
	v8 =	vadd.f32 v8, v52  }
0x23b: {  	v54 =	vmul.f32 v26, v34;
	v11 =	vadd.f32 v11, v53;
	v10 =	vadd.f32 v12, v10  }
0x23c: {  	v55 =	vmul.f32 v15, v33;
	v56 =	vmul.f32 v27, v35  }
0x23d: {  	v8 =	vadd.f32 v11, v8;
	(xrf2) =	vadd.scan.msk.f32 $0xffff, v10  }
0x23e: {  	v7 =	vadd.f32 v7, v54;
	v57 =	vadd.f32 v55, v56  }
0x23f: {  	(xrf2) =	vadd.scan.msk.f32 $0xffff, v8  }
0x240: {  	v7 =	vadd.f32 v57, v7;
	_ =	sdelay $0x1  }
0x241: {  	(xrf2) =	vadd.scan.msk.f32 $0xffff, v7  }
0x242: {  	v58 =	vor.u32 $0x60, v38;
	_ =	sdelay $0x1  }
0x243: {  	v59 =	vor.u32 $0x60, v37;
	_ =	sdelay $0x1  }
0x244: {  	v60, _, _ =	vpop (xrf2)  }
0x245: {  	v61 =	vor.u32 $0x60, v22;
	[tilespmem:v58+s21+$0x0] =	vst.idx.msk vm0, v60  }
0x246: {  	v62, _, _ =	vpop (xrf2);
	v7 =	vld [tilespmem:s0+$0xFFFFFEE0]  }
0x247: {  	v63 =	vld [tilespmem:s0+$0xFFFFFEF0];
	[tilespmem:v59+s21+$0x0] =	vst.idx.msk vm0, v62  }
0x248: {  	v8 =	vld [tilespmem:s0+$0xFFFFFFE0]  }
0x249: {  	v39, _, _ =	vpop (xrf2);
	v40 =	vld [tilespmem:s0+$0xFFFFFFF0]  }
0x24a: {  	[tilespmem:v61+s21+$0x0] =	vst.idx.msk vm0, v39  }
0x24b: {  	v10 =	vld [tilespmem:s0+$0xE0]  }
0x24c: {  	v43 =	vld [tilespmem:s0+$0xF0];
	v41 =	vunpack.i.u.bf16.f32 v7;
	v7 =	vunpack.i.l.bf16.f32 v7;
	v42 =	vunpack.i.u.bf16.f32 v63  }
0x24d: {  	v12 =	vunpack.i.l.bf16.f32 v63;
	v24 =	vunpack.i.u.bf16.f32 v8;
	v8 =	vunpack.i.l.bf16.f32 v8  }
0x24e: {  	v7 =	vmul.f32 v7, v36;
	v25 =	vunpack.i.u.bf16.f32 v40;
	v11 =	vmul.f32 v41, v19  }
0x24f: {  	v13 =	vunpack.i.l.bf16.f32 v40;
	v12 =	vmul.f32 v12, v20;
	v14 =	vmul.f32 v42, v21  }
0x250: {  	v44 =	vunpack.i.u.bf16.f32 v10;
	v10 =	vunpack.i.l.bf16.f32 v10;
	v8 =	vmul.f32 v8, v16  }
0x251: {  	v45 =	vunpack.i.u.bf16.f32 v43;
	v15 =	vunpack.i.l.bf16.f32 v43;
	v46 =	vmul.f32 v24, v18  }
0x252: {  	v47 =	vmul.f32 v13, v17;
	v48 =	vmul.f32 v25, v31;
	v7 =	vadd.f32 v7, v11  }
0x253: {  	v12 =	vadd.f32 v12, v14;
	v10 =	vmul.f32 v10, v32;
	v49 =	vmul.f32 v44, v34  }
0x254: {  	v15 =	vmul.f32 v15, v33;
	v16 =	vmul.f32 v45, v35;
	v8 =	vadd.f32 v8, v46  }
0x255: {  	v11 =	vadd.f32 v47, v48;
	v7 =	vadd.f32 v12, v7  }
0x256: {  	v10 =	vadd.f32 v10, v49;
	v50 =	vadd.f32 v15, v16  }
0x257: {  	v8 =	vadd.f32 v11, v8  }
0x258: {  	(xrf2) =	vadd.scan.msk.f32 $0xffff, v7;
	v51 =	vadd.f32 v50, v10  }
0x259: {  	v52 =	vor.u32 $0x70, v0;
	(xrf2) =	vadd.scan.msk.f32 $0xffff, v8  }
0x25a: {  	v53 =	vor.u32 $0x70, v2;
	(xrf2) =	vadd.scan.msk.f32 $0xffff, v51  }
0x25b: {  	v54 =	vor.u32 $0x70, v1  }
0x25c: {  	v55 =	vor.u32 $0x70, v3  }
0x25d: {  	v56 =	vor.u32 $0x70, v30  }
0x25e: {  	v57 =	vor.u32 $0x70, v38;
	[tilespmem:v52+s21+$0x0] =	vst.idx.msk vm0, v23  }
0x25f: {  	[tilespmem:v53+s21+$0x0] =	vst.idx.msk vm0, v4;
	v58 =	vor.u32 $0x70, v37  }
0x260: {  	[tilespmem:v54+s21+$0x0] =	vst.idx.msk vm0, v5;
	v59 =	vor.u32 $0x70, v22  }
0x261: {  	[tilespmem:v55+s21+$0x0] =	vst.idx.msk vm0, v6  }
0x262: {  	[tilespmem:v56+s21+$0x0] =	vst.idx.msk vm0, v9;
	v60, _, _ =	vpop (xrf2)  }
0x263: {  	[tilespmem:v57+s21+$0x0] =	vst.idx.msk vm0, v60;
	v61, _, _ =	vpop (xrf2)  }
0x264: {  	[tilespmem:v58+s21+$0x0] =	vst.idx.msk vm0, v61;
	v62, _, _ =	vpop (xrf2)  }
0x265: {  	[tilespmem:v59+s21+$0x0] =	vst.idx.msk vm0, v62  }
0x266: {  	v0 =	vld [tilespmem:$0x8800]  }
0x267: {  	v1 =	vld [tilespmem:$0x8810]  }
0x268: {  	v2 =	vld [tilespmem:$0x8820]  }
0x269: {  	v3 =	vld [tilespmem:$0x8830]  }
0x26a: {  	v4 =	vld [tilespmem:$0x8840]  }
0x26b: {  	v5 =	vld [tilespmem:$0x8850]  }
0x26c: {  	v6 =	vld [tilespmem:$0x8860];
	v63 =	vmax.f32 v0, v1  }
0x26d: {  	v12 =	vld [tilespmem:$0x8870];
	v7 =	vmax.f32 v63, v2  }
0x26e: {  	v7 =	vmax.f32 v7, v3  }
0x26f: {  	v7 =	vmax.f32 v7, v4  }
0x270: {  	v7 =	vmax.f32 v7, v5  }
0x271: {  	v7 =	vmax.f32 v7, v6  }
0x272: {  	v7 =	vmax.f32 v7, v12  }
0x273: {  	v0 =	vsub.f32 v0, v7  }
0x274: {  	v1 =	vsub.f32 v1, v7  }
0x275: {  	v0 =	vmul.f32 $1.442695020e+00, v0  }
0x276: {  	v2 =	vsub.f32 v2, v7;
	v1 =	vmul.f32 $1.442695020e+00, v1  }
0x277: {  	(erf) = vpow2.f32 v0  }
0x278: {  	v14 =	vsub.f32 v3, v7;
	v13 =	vmul.f32 $1.442695020e+00, v2;
	(erf) = vpow2.f32 v1;
	_ =	sdelay $0x1  }
0x279: {  	v16 =	vsub.f32 v4, v7;
	v15 =	vmul.f32 $1.442695020e+00, v14;
	(erf) = vpow2.f32 v13;
	_ =	sdelay $0x1  }
0x27a: {  	v18 =	vsub.f32 v5, v7;
	v17 =	vmul.f32 $1.442695020e+00, v16;
	(erf) = vpow2.f32 v15;
	_ =	sdelay $0x1  }
0x27b: {  	v32 =	vsub.f32 v6, v7;
	v19 =	vmul.f32 $1.442695020e+00, v18;
	(erf) = vpow2.f32 v17;
	_ =	sdelay $0x1  }
0x27c: {  	v35 =	vsub.f32 v12, v7;
	v34 =	vmul.f32 $1.442695020e+00, v32;
	v33 =	vpop (erf);
	(erf) = vpow2.f32 v19  }
0x27d: {  	v36 =	vpop (erf)  }
0x27e: {  	v37 =	vmul.f32 $1.442695020e+00, v35;
	(erf) = vpow2.f32 v34;
	v38 =	vadd.f32 v36, v33  }
0x27f: {  	v39 =	vpop (erf)  }
0x280: {  	(erf) = vpow2.f32 v37;
	v40 =	vadd.f32 v38, v39  }
0x281: {  	v41 =	vpop (erf)  }
0x282: {  	v0 =	vadd.f32 v40, v41  }
0x283: {  	v42 =	vpop (erf)  }
0x284: {  	v0 =	vadd.f32 v0, v42  }
0x285: {  	v43 =	vpop (erf)  }
0x286: {  	v0 =	vadd.f32 v0, v43  }
0x287: {  	v44 =	vpop (erf)  }
0x288: {  	v0 =	vadd.f32 v0, v44  }
0x289: {  	v45 =	vpop (erf)  }
0x28a: {  	v0 =	vadd.f32 v0, v45;
	_ =	sdelay $0x1  }
0x28b: {  	(erf) = vrcp.f32 v0;
	_ =	sdelay $0x8  }
0x28c: {  	v0 =	vpop (erf)  }
0x28d: {  	v57 =	vmul.f32 v0, v33  }
0x28e: {  	v56 =	vmul.f32 v0, v36  }
0x28f: {  	v55 =	vmul.f32 v0, v39;
	[tilespmem:s31+$0x8880] =	vst v57  }
0x290: {  	v7 =	vmul.f32 v0, v41;
	[tilespmem:s31+$0x8900] =	vst v56  }
0x291: {  	v6 =	vmul.f32 v0, v42;
	[tilespmem:s31+$0x8980] =	vst v55  }
0x292: {  	v5 =	vmul.f32 v0, v43;
	[tilespmem:s31+$0x8A00] =	vst v7  }
0x293: {  	v4 =	vmul.f32 v0, v44;
	[tilespmem:s31+$0x8A80] =	vst v6  }
0x294: {  	v3 =	vmul.f32 v0, v45;
	[tilespmem:s31+$0x8B00] =	vst v5  }
0x295: {  	[tilespmem:s31+$0x8B80] =	vst v4  }
0x296: {  	[tilespmem:s31+$0x8C00] =	vst v3  }
0x297: {  	v46 =	vld [tilespmem:s29+$0x110]  }
0x298: {  	v47 =	vld [tilespmem:s29+$0xFFFFFE00]  }
0x299: {  	s6 =	simm.s32 $0x0;
	v25 =	vld [tilespmem:s29+$0x130]  }
0x29a: {  	s15 =	simm.s32 $0x1;
	v10 =	vmov s6;
	v48 =	vld [tilespmem:s29+$0xFFFFFE10]  }
0x29b: {  	s16 =	simm.s32 $0x2;
	v9 =	vmov s15;
	v24 =	vperm.xlane v56, v10;
	v22 =	vld [tilespmem:s29+$0x150]  }
0x29c: {  	s17 =	simm.s32 $0x3;
	v8 =	vmov s16;
	v13 =	vperm.xlane v57, v10;
	v26 =	vperm.xlane v56, v9;
	v49 =	vld [tilespmem:s29+$0xFFFFFF00]  }
0x29d: {  	v28 =	vmov s17;
	v27 =	vperm.xlane v56, v8;
	v29 =	vperm.xlane v57, v9;
	v20 =	vld [tilespmem:s29+$0x170]  }
0x29e: {  	v30 =	vperm.xlane v57, v28;
	v31 =	vperm.xlane v57, v8;
	v52 =	vld [tilespmem:s29+$0xFFFFFF10]  }
0x29f: {  	v33 =	vperm.xlane v56, v28;
	v23 =	vperm.xlane v55, v28;
	v18 =	vld [tilespmem:s29+$0x190]  }
0x2a0: {  	v21 =	vperm.xlane v7, v28;
	v19 =	vperm.xlane v6, v28;
	v54 =	vld [tilespmem:s29+$0x0]  }
0x2a1: {  	v17 =	vperm.xlane v5, v28;
	v59 =	vld [tilespmem:s29+$0x10];
	v50 =	vunpack.i.u.bf16.f32 v46;
	v32 =	vunpack.i.l.bf16.f32 v46  }
0x2a2: {  	v51 =	vunpack.i.u.bf16.f32 v47;
	v34 =	vunpack.i.l.bf16.f32 v47;
	v53 =	vunpack.i.u.bf16.f32 v25  }
0x2a3: {  	v11 =	vld [tilespmem:s29+$0x1F0];
	v36 =	vunpack.i.u.bf16.f32 v48;
	v37 =	vunpack.i.l.bf16.f32 v48;
	v58 =	vunpack.i.u.bf16.f32 v22  }
0x2a4: {  	v39 =	vunpack.i.u.bf16.f32 v49;
	v40 =	vunpack.i.l.bf16.f32 v49;
	v60 =	vunpack.i.u.bf16.f32 v20  }
0x2a5: {  	v42 =	vunpack.i.u.bf16.f32 v52;
	v61 =	vunpack.i.l.bf16.f32 v52;
	v62 =	vunpack.i.u.bf16.f32 v18  }
0x2a6: {  	v0 =	vunpack.i.u.bf16.f32 v54;
	v38 =	vunpack.i.l.bf16.f32 v54;
	v52 =	vunpack.i.u.bf16.f32 v59  }
0x2a7: {  	v41 =	vunpack.i.l.bf16.f32 v59;
	v16 =	vmul.f32 v50, v30;
	v35 =	vmul.f32 v51, v13  }
0x2a8: {  	v2 =	vld [tilespmem:s29+$0xFFFFFE20];
	v54 =	vunpack.i.u.bf16.f32 v11;
	v12 =	vmul.f32 v53, v33;
	v14 =	vmul.f32 v58, v23  }
0x2a9: {  	v25 =	vunpack.i.l.bf16.f32 v25;
	v15 =	vmul.f32 v60, v21;
	v63 =	vmul.f32 v62, v19  }
0x2aa: {  	v22 =	vunpack.i.l.bf16.f32 v22;
	v34 =	vmul.f32 v34, v13;
	v37 =	vmul.f32 v37, v13  }
0x2ab: {  	v20 =	vunpack.i.l.bf16.f32 v20;
	v36 =	vmul.f32 v36, v13;
	v40 =	vmul.f32 v40, v29  }
0x2ac: {  	v18 =	vunpack.i.l.bf16.f32 v18;
	v39 =	vmul.f32 v39, v29;
	v43 =	vmul.f32 v61, v29  }
0x2ad: {  	v29 =	vmul.f32 v42, v29;
	v62 =	vunpack.i.l.bf16.f32 v2;
	v38 =	vmul.f32 v38, v31  }
0x2ae: {  	v44 =	vmul.f32 v0, v31;
	v41 =	vmul.f32 v41, v31;
	v16 =	vadd.f32 $0.0e+00, v16  }
0x2af: {  	v31 =	vmul.f32 v52, v31;
	v34 =	vadd.f32 $0.0e+00, v34;
	v35 =	vadd.f32 $0.0e+00, v35  }
0x2b0: {  	v61 =	vld [tilespmem:s29+$0xFFFFFF30];
	v32 =	vmul.f32 v32, v30;
	v37 =	vadd.f32 $0.0e+00, v37;
	v36 =	vadd.f32 $0.0e+00, v36  }
0x2b1: {  	v25 =	vmul.f32 v25, v33;
	v40 =	vadd.f32 $0.0e+00, v40;
	v39 =	vadd.f32 $0.0e+00, v39  }
0x2b2: {  	v60 =	vld [tilespmem:s29+$0x100];
	v22 =	vmul.f32 v22, v23;
	v43 =	vadd.f32 $0.0e+00, v43;
	v29 =	vadd.f32 $0.0e+00, v29  }
0x2b3: {  	v20 =	vmul.f32 v20, v21;
	v32 =	vadd.f32 $0.0e+00, v32;
	v12 =	vadd.f32 v12, v16;
	v16 =	vld [tilespmem:s29+$0x1B0]  }
0x2b4: {  	v50 =	vld [tilespmem:s29+$0xFFFFFF20];
	v18 =	vmul.f32 v18, v19;
	v38 =	vadd.f32 $0.0e+00, v38;
	v44 =	vadd.f32 $0.0e+00, v44  }
0x2b5: {  	v25 =	vadd.f32 v25, v32;
	v42 =	vunpack.i.l.bf16.f32 v61;
	v12 =	vadd.f32 v14, v12;
	v14 =	vld [tilespmem:s29+$0x1D0]  }
0x2b6: {  	v41 =	vadd.f32 $0.0e+00, v41;
	v31 =	vadd.f32 $0.0e+00, v31;
	v42 =	vmul.f32 v42, v26  }
0x2b7: {  	v49 =	vunpack.i.u.bf16.f32 v60;
	v22 =	vadd.f32 v22, v25;
	v12 =	vadd.f32 v15, v12  }
0x2b8: {  	v15 =	vperm.xlane v4, v28;
	v42 =	vadd.f32 v42, v43;
	v1 =	vunpack.i.u.bf16.f32 v16  }
0x2b9: {  	v20 =	vadd.f32 v20, v22;
	v12 =	vadd.f32 v63, v12;
	v45 =	vmul.f32 v1, v17  }
0x2ba: {  	v16 =	vunpack.i.l.bf16.f32 v16;
	v1 =	vunpack.i.u.bf16.f32 v50;
	v53 =	vunpack.i.u.bf16.f32 v14  }
0x2bb: {  	v50 =	vunpack.i.l.bf16.f32 v50;
	v45 =	vadd.f32 v45, v12;
	v48 =	vmul.f32 v53, v15  }
0x2bc: {  	v0 =	vld [tilespmem:s29+$0x20];
	v18 =	vadd.f32 v18, v20;
	v14 =	vunpack.i.l.bf16.f32 v14;
	v12 =	vperm.xlane v3, v28  }
0x2bd: {  	v16 =	vmul.f32 v16, v17;
	v28 =	vld [tilespmem:s29+$0xFFFFFE30];
	v14 =	vmul.f32 v14, v15;
	v58 =	vadd.f32 v48, v45  }
0x2be: {  	v59 =	vmul.f32 v54, v12;
	v48 =	vunpack.i.u.bf16.f32 v2;
	v45 =	vmul.f32 v62, v24  }
0x2bf: {  	v16 =	vadd.f32 v16, v18;
	v62 =	vmul.f32 v50, v26;
	v48 =	vmul.f32 v48, v24  }
0x2c0: {  	v13 =	vadd.f32 v59, v58;
	v58 =	vunpack.i.l.bf16.f32 v60;
	v59 =	vunpack.i.u.bf16.f32 v61  }
0x2c1: {  	v2 =	vld [tilespmem:s29+$0x30];
	v60 =	vunpack.i.u.bf16.f32 v0;
	v61 =	vunpack.i.l.bf16.f32 v0;
	v34 =	vadd.f32 v45, v34  }
0x2c2: {  	v63 =	vunpack.i.u.bf16.f32 v28;
	v53 =	vmul.f32 v58, v30;
	v30 =	vmul.f32 v49, v30  }
0x2c3: {  	v28 =	vunpack.i.l.bf16.f32 v28;
	v46 =	vmul.f32 v61, v27;
	v49 =	vmul.f32 v60, v27  }
0x2c4: {  	v40 =	vadd.f32 v62, v40;
	v28 =	vmul.f32 v28, v24;
	v24 =	vmul.f32 v63, v24  }
0x2c5: {  	v0 =	vld [tilespmem:s29+$0x120];
	v35 =	vadd.f32 v48, v35;
	v63 =	vmul.f32 v1, v26;
	v26 =	vmul.f32 v59, v26  }
0x2c6: {  	v1 =	vunpack.i.u.bf16.f32 v2;
	v52 =	vunpack.i.l.bf16.f32 v2;
	v38 =	vadd.f32 v46, v38  }
0x2c7: {  	v60 =	vld [tilespmem:s29+$0xFFFFFE50];
	v2 =	vperm.xlane v55, v10;
	v53 =	vadd.f32 $0.0e+00, v53;
	v30 =	vadd.f32 $0.0e+00, v30  }
0x2c8: {  	v61 =	vld [tilespmem:s29+$0xFFFFFF40];
	v44 =	vadd.f32 v49, v44;
	v52 =	vmul.f32 v52, v27;
	v27 =	vmul.f32 v1, v27  }
0x2c9: {  	v59 =	vld [tilespmem:s29+$0xFFFFFE40];
	v28 =	vadd.f32 v28, v37;
	v37 =	vperm.xlane v55, v9;
	v24 =	vadd.f32 v24, v36  }
0x2ca: {  	v36 =	vperm.xlane v55, v8;
	v39 =	vadd.f32 v63, v39;
	v51 =	vunpack.i.l.bf16.f32 v0  }
0x2cb: {  	v26 =	vadd.f32 v26, v29;
	v58 =	vunpack.i.u.bf16.f32 v0;
	v51 =	vmul.f32 v51, v33  }
0x2cc: {  	v29 =	vld [tilespmem:s29+$0xFFFFFF50];
	v45 =	vmul.f32 v58, v33;
	v63 =	vunpack.i.l.bf16.f32 v60;
	v33 =	vunpack.i.u.bf16.f32 v60  }
0x2cd: {  	v1 =	vld [tilespmem:s29+$0x50];
	v47 =	vunpack.i.l.bf16.f32 v61;
	v41 =	vadd.f32 v52, v41;
	v27 =	vadd.f32 v27, v31  }
0x2ce: {  	v48 =	vunpack.i.l.bf16.f32 v59;
	v43 =	vmul.f32 v63, v2;
	v33 =	vmul.f32 v33, v2  }
0x2cf: {  	v0 =	vld [tilespmem:s29+$0x40];
	v62 =	vunpack.i.u.bf16.f32 v59;
	v47 =	vmul.f32 v47, v37;
	v48 =	vmul.f32 v48, v2  }
0x2d0: {  	v50 =	vmul.f32 v62, v2;
	v2 =	vunpack.i.u.bf16.f32 v61;
	v51 =	vadd.f32 v51, v53  }
0x2d1: {  	v31 =	vld [tilespmem:s29+$0x140];
	v30 =	vadd.f32 v45, v30;
	v58 =	vunpack.i.u.bf16.f32 v29;
	v29 =	vunpack.i.l.bf16.f32 v29  }
0x2d2: {  	v60 =	vunpack.i.u.bf16.f32 v1;
	v49 =	vmul.f32 v2, v37;
	v28 =	vadd.f32 v43, v28  }
0x2d3: {  	v54 =	vunpack.i.l.bf16.f32 v1;
	v24 =	vadd.f32 v33, v24;
	v40 =	vadd.f32 v47, v40  }
0x2d4: {  	v59 =	vunpack.i.u.bf16.f32 v0;
	v29 =	vmul.f32 v29, v37;
	v37 =	vmul.f32 v58, v37  }
0x2d5: {  	v61 =	vld [tilespmem:s29+$0xFFFFFE60];
	v46 =	vunpack.i.l.bf16.f32 v0;
	v54 =	vmul.f32 v54, v36;
	v0 =	vperm.xlane v7, v10  }
0x2d6: {  	v62 =	vld [tilespmem:s29+$0xFFFFFE70];
	v32 =	vmul.f32 v46, v36;
	v46 =	vmul.f32 v59, v36;
	v63 =	vunpack.i.l.bf16.f32 v31  }
0x2d7: {  	v31 =	vunpack.i.u.bf16.f32 v31;
	v39 =	vadd.f32 v49, v39;
	v45 =	vmul.f32 v63, v23  }
0x2d8: {  	v31 =	vmul.f32 v31, v23;
	v23 =	vadd.f32 v48, v34;
	v34 =	vadd.f32 v50, v35  }
0x2d9: {  	v43 =	vld [tilespmem:s29+$0xFFFFFF60];
	v36 =	vmul.f32 v60, v36;
	v29 =	vadd.f32 v29, v42;
	v26 =	vadd.f32 v37, v26  }
0x2da: {  	v63 =	vperm.xlane v7, v8;
	v41 =	vadd.f32 v54, v41;
	v1 =	vunpack.i.u.bf16.f32 v61  }
0x2db: {  	v58 =	vld [tilespmem:s29+$0xFFFFFF70];
	v2 =	vunpack.i.l.bf16.f32 v61;
	v52 =	vunpack.i.u.bf16.f32 v62;
	v59 =	vunpack.i.l.bf16.f32 v62  }
0x2dc: {  	v60 =	vld [tilespmem:s29+$0x60];
	v61 =	vperm.xlane v7, v9;
	v32 =	vadd.f32 v32, v38;
	v44 =	vadd.f32 v46, v44  }
0x2dd: {  	v27 =	vadd.f32 v36, v27;
	v48 =	vmul.f32 v2, v0;
	v33 =	vmul.f32 v1, v0  }
0x2de: {  	v50 =	vmul.f32 v59, v0;
	v35 =	vmul.f32 v52, v0;
	v0 =	vunpack.i.u.bf16.f32 v43  }
0x2df: {  	v43 =	vunpack.i.l.bf16.f32 v43;
	v45 =	vadd.f32 v45, v51;
	v30 =	vadd.f32 v31, v30  }
0x2e0: {  	v62 =	vld [tilespmem:s29+$0x70];
	v2 =	vunpack.i.u.bf16.f32 v58;
	v49 =	vunpack.i.l.bf16.f32 v58;
	v43 =	vmul.f32 v43, v61  }
0x2e1: {  	v54 =	vld [tilespmem:s29+$0x80];
	v46 =	vmul.f32 v0, v61;
	v58 =	vunpack.i.u.bf16.f32 v60;
	v42 =	vunpack.i.l.bf16.f32 v60  }
0x2e2: {  	v1 =	vld [tilespmem:s29+$0x160];
	v49 =	vmul.f32 v49, v61;
	v47 =	vmul.f32 v2, v61;
	v28 =	vadd.f32 v50, v28  }
0x2e3: {  	v59 =	vld [tilespmem:s29+$0xFFFFFE80];
	v24 =	vadd.f32 v35, v24;
	v25 =	vmul.f32 v42, v63;
	v42 =	vmul.f32 v58, v63  }
0x2e4: {  	v52 =	vld [tilespmem:s29+$0xFFFFFF90];
	v40 =	vadd.f32 v43, v40;
	v39 =	vadd.f32 v46, v39;
	v58 =	vperm.xlane v6, v9  }
0x2e5: {  	v31 =	vunpack.i.u.bf16.f32 v62;
	v37 =	vunpack.i.l.bf16.f32 v62;
	v62 =	vperm.xlane v6, v10  }
0x2e6: {  	v29 =	vadd.f32 v49, v29;
	v26 =	vadd.f32 v47, v26;
	v49 =	vunpack.i.l.bf16.f32 v54  }
0x2e7: {  	v60 =	vld [tilespmem:s29+$0xFFFFFE90];
	v37 =	vmul.f32 v37, v63;
	v31 =	vmul.f32 v31, v63;
	v61 =	vunpack.i.l.bf16.f32 v1  }
0x2e8: {  	v36 =	vunpack.i.u.bf16.f32 v1;
	v0 =	vunpack.i.u.bf16.f32 v59;
	v1 =	vunpack.i.l.bf16.f32 v59  }
0x2e9: {  	v25 =	vadd.f32 v25, v32;
	v42 =	vadd.f32 v42, v44;
	v46 =	vunpack.i.l.bf16.f32 v52  }
0x2ea: {  	v38 =	vmul.f32 v61, v21;
	v36 =	vmul.f32 v36, v21;
	v21 =	vadd.f32 v48, v23  }
0x2eb: {  	v23 =	vadd.f32 v33, v34;
	v48 =	vmul.f32 v1, v62;
	v35 =	vmul.f32 v0, v62  }
0x2ec: {  	v46 =	vmul.f32 v46, v58;
	v2 =	vunpack.i.u.bf16.f32 v60;
	v53 =	vunpack.i.l.bf16.f32 v60  }
0x2ed: {  	v63 =	vld [tilespmem:s29+$0xFFFFFF80];
	v60 =	vperm.xlane v6, v8;
	v37 =	vadd.f32 v37, v41;
	v27 =	vadd.f32 v31, v27  }
0x2ee: {  	v59 =	vld [tilespmem:s29+$0x90];
	v50 =	vmul.f32 v53, v62;
	v33 =	vmul.f32 v2, v62;
	v38 =	vadd.f32 v38, v45  }
0x2ef: {  	v62 =	vunpack.i.u.bf16.f32 v52;
	v30 =	vadd.f32 v36, v30;
	v52 =	vadd.f32 v48, v21  }
0x2f0: {  	v21 =	vadd.f32 v35, v23;
	v23 =	vperm.xlane v5, v10;
	v41 =	vmul.f32 v62, v58  }
0x2f1: {  	v1 =	vld [tilespmem:s29+$0xFFFFFEA0];
	v29 =	vadd.f32 v46, v29;
	v22 =	vmul.f32 v49, v60;
	v62 =	vperm.xlane v5, v9  }
0x2f2: {  	v31 =	vld [tilespmem:s29+$0x180];
	v61 =	vunpack.i.u.bf16.f32 v63;
	v34 =	vunpack.i.l.bf16.f32 v63;
	v63 =	vunpack.i.u.bf16.f32 v54  }
0x2f3: {  	v0 =	vunpack.i.u.bf16.f32 v59;
	v47 =	vunpack.i.l.bf16.f32 v59;
	v34 =	vmul.f32 v34, v58  }
0x2f4: {  	v28 =	vadd.f32 v50, v28;
	v44 =	vmul.f32 v61, v58;
	v45 =	vmul.f32 v63, v60  }
0x2f5: {  	v2 =	vld [tilespmem:s29+$0xFFFFFEB0];
	v24 =	vadd.f32 v33, v24;
	v47 =	vmul.f32 v47, v60;
	v32 =	vmul.f32 v0, v60  }
0x2f6: {  	v53 =	vld [tilespmem:s29+$0xFFFFFFA0];
	v54 =	vunpack.i.u.bf16.f32 v1;
	v43 =	vunpack.i.l.bf16.f32 v1;
	v26 =	vadd.f32 v41, v26  }
0x2f7: {  	v22 =	vadd.f32 v22, v25;
	v25 =	vperm.xlane v5, v8;
	v51 =	vunpack.i.l.bf16.f32 v31  }
0x2f8: {  	v31 =	vunpack.i.u.bf16.f32 v31;
	v43 =	vmul.f32 v43, v23;
	v33 =	vmul.f32 v54, v23  }
0x2f9: {  	v36 =	vmul.f32 v51, v19;
	v31 =	vmul.f32 v31, v19;
	v34 =	vadd.f32 v34, v40  }
0x2fa: {  	v59 =	vld [tilespmem:s29+$0xFFFFFFB0];
	v58 =	vunpack.i.u.bf16.f32 v2;
	v39 =	vadd.f32 v44, v39;
	v60 =	vunpack.i.l.bf16.f32 v2  }
0x2fb: {  	v50 =	vld [tilespmem:s29+$0xFFFFFEC0];
	v42 =	vadd.f32 v45, v42;
	v0 =	vunpack.i.u.bf16.f32 v53;
	v35 =	vunpack.i.l.bf16.f32 v53  }
0x2fc: {  	v61 =	vld [tilespmem:s29+$0xA0];
	v37 =	vadd.f32 v47, v37;
	v48 =	vmul.f32 v60, v23;
	v23 =	vmul.f32 v58, v23  }
0x2fd: {  	v63 =	vld [tilespmem:s29+$0xB0];
	v27 =	vadd.f32 v32, v27;
	v35 =	vmul.f32 v35, v62;
	v45 =	vmul.f32 v0, v62  }
0x2fe: {  	v1 =	vld [tilespmem:s29+$0x1A0];
	v52 =	vadd.f32 v43, v52;
	v53 =	vadd.f32 v33, v21;
	v21 =	vperm.xlane v4, v10  }
0x2ff: {  	v10 =	vperm.xlane v3, v10;
	v2 =	vunpack.i.u.bf16.f32 v59;
	v44 =	vunpack.i.l.bf16.f32 v59  }
0x300: {  	v36 =	vadd.f32 v36, v38;
	v30 =	vadd.f32 v31, v30;
	v54 =	vunpack.i.u.bf16.f32 v50  }
0x301: {  	v58 =	vunpack.i.l.bf16.f32 v50;
	v49 =	vunpack.i.u.bf16.f32 v61;
	v46 =	vunpack.i.l.bf16.f32 v61  }
0x302: {  	v31 =	vunpack.i.u.bf16.f32 v63;
	v41 =	vunpack.i.l.bf16.f32 v63;
	v44 =	vmul.f32 v44, v62  }
0x303: {  	v51 =	vld [tilespmem:s29+$0xFFFFFED0];
	v40 =	vmul.f32 v2, v62;
	v32 =	vunpack.i.u.bf16.f32 v1;
	v28 =	vadd.f32 v48, v28  }
0x304: {  	v23 =	vadd.f32 v23, v24;
	v43 =	vmul.f32 v58, v21;
	v33 =	vmul.f32 v54, v21  }
0x305: {  	v34 =	vadd.f32 v35, v34;
	v63 =	vperm.xlane v4, v8;
	v20 =	vmul.f32 v46, v25  }
0x306: {  	v39 =	vadd.f32 v45, v39;
	v38 =	vmul.f32 v49, v25;
	v41 =	vmul.f32 v41, v25  }
0x307: {  	v60 =	vld [tilespmem:s29+$0xFFFFFFD0];
	v25 =	vmul.f32 v31, v25;
	v31 =	vunpack.i.l.bf16.f32 v1;
	v32 =	vmul.f32 v32, v17  }
0x308: {  	v0 =	vld [tilespmem:s29+$0xD0];
	v31 =	vmul.f32 v31, v17;
	v59 =	vunpack.i.u.bf16.f32 v51;
	v29 =	vadd.f32 v44, v29  }
0x309: {  	v46 =	vunpack.i.l.bf16.f32 v51;
	v26 =	vadd.f32 v40, v26;
	v17 =	vadd.f32 v43, v52  }
0x30a: {  	v24 =	vld [tilespmem:s29+$0xFFFFFFC0];
	v19 =	vadd.f32 v33, v53;
	v61 =	vmul.f32 v46, v21;
	v21 =	vmul.f32 v59, v21  }
0x30b: {  	v62 =	vld [tilespmem:s29+$0xC0];
	v20 =	vadd.f32 v20, v22;
	v22 =	vperm.xlane v4, v9;
	v38 =	vadd.f32 v38, v42  }
0x30c: {  	v2 =	vld [tilespmem:s29+$0x1C0];
	v37 =	vadd.f32 v41, v37;
	v25 =	vadd.f32 v25, v27;
	v1 =	vunpack.i.u.bf16.f32 v60  }
0x30d: {  	v30 =	vadd.f32 v32, v30;
	v46 =	vunpack.i.l.bf16.f32 v60;
	v48 =	vunpack.i.u.bf16.f32 v0  }
0x30e: {  	v50 =	vld [tilespmem:s29+$0xFFFFFEF0];
	v41 =	vunpack.i.l.bf16.f32 v0;
	v9 =	vperm.xlane v3, v9;
	v31 =	vadd.f32 v31, v36  }
0x30f: {  	v41 =	vmul.f32 v41, v63;
	v36 =	vmul.f32 v48, v63;
	v27 =	vunpack.i.u.bf16.f32 v24  }
0x310: {  	v49 =	vld [tilespmem:s29+$0xFFFFFEE0];
	v24 =	vunpack.i.l.bf16.f32 v24;
	v47 =	vunpack.i.u.bf16.f32 v62;
	v35 =	vunpack.i.l.bf16.f32 v62  }
0x311: {  	v42 =	vmul.f32 v46, v22;
	v51 =	vunpack.i.u.bf16.f32 v2;
	v32 =	vunpack.i.l.bf16.f32 v2  }
0x312: {  	v52 =	vadd.f32 v61, v28;
	v24 =	vmul.f32 v24, v22;
	v27 =	vmul.f32 v27, v22  }
0x313: {  	v21 =	vadd.f32 v21, v23;
	v2 =	vunpack.i.u.bf16.f32 v50;
	v22 =	vmul.f32 v1, v22  }
0x314: {  	v35 =	vmul.f32 v35, v63;
	v23 =	vadd.f32 v24, v34;
	v24 =	vadd.f32 v27, v39;
	v27 =	vld [tilespmem:s29+$0xFFFFFFE0]  }
0x315: {  	v18 =	vmul.f32 v47, v63;
	v32 =	vmul.f32 v32, v15;
	v28 =	vunpack.i.u.bf16.f32 v49  }
0x316: {  	v33 =	vmul.f32 v51, v15;
	v62 =	vunpack.i.l.bf16.f32 v49;
	v28 =	vmul.f32 v28, v10  }
0x317: {  	v63 =	vld [tilespmem:s29+$0xFFFFFFF0];
	v22 =	vadd.f32 v22, v26;
	v26 =	vunpack.i.l.bf16.f32 v50;
	v34 =	vmul.f32 v62, v10  }
0x318: {  	v26 =	vmul.f32 v26, v10;
	v10 =	vmul.f32 v2, v10;
	v19 =	vadd.f32 v28, v19  }
0x319: {  	v61 =	vld [tilespmem:s29+$0x1E0];
	[tilespmem:s28+$0x70] =	vst v13;
	v17 =	vadd.f32 v34, v17;
	v58 =	vunpack.i.u.bf16.f32 v27;
	v27 =	vunpack.i.l.bf16.f32 v27  }
0x31a: {  	v41 =	vadd.f32 v41, v37;
	v15 =	vadd.f32 v26, v52;
	[tilespmem:s28+$0xFFFFFF90] =	vst v19;
	v27 =	vmul.f32 v27, v9  }
0x31b: {  	v0 =	vadd.f32 v33, v30;
	v10 =	vadd.f32 v10, v21;
	[tilespmem:s28+$0xFFFFFF80] =	vst v17;
	v33 =	vmul.f32 v58, v9  }
0x31c: {  	v53 =	vld [tilespmem:s29+$0xE0];
	v37 =	vadd.f32 v14, v16;
	v60 =	vunpack.i.l.bf16.f32 v63;
	[tilespmem:s28+$0xFFFFFFA0] =	vst v15;
	v34 =	vadd.f32 v27, v23  }
0x31d: {  	v29 =	vadd.f32 v42, v29;
	v16 =	vmul.f32 v60, v9;
	[tilespmem:s28+$0xFFFFFFB0] =	vst v10;
	v42 =	vadd.f32 v33, v24  }
0x31e: {  	s6 =	simm.s32 $0x4;
	v11 =	vunpack.i.l.bf16.f32 v11;
	v8 =	vperm.xlane v3, v8;
	[tilespmem:s28+$0xFFFFFFC0] =	vst v34  }
0x31f: {  	v54 =	vld [tilespmem:s29+$0xF0];
	v43 =	vmov s6;
	v59 =	vunpack.i.u.bf16.f32 v63;
	v16 =	vadd.f32 v16, v29;
	[tilespmem:s28+$0xFFFFFFD0] =	vst v42  }
0x320: {  	v40 =	vperm.xlane v57, v43;
	v25 =	vadd.f32 v36, v25;
	v14 =	vmul.f32 v59, v9;
	[tilespmem:$0x1FF80] =	vst v7  }
0x321: {  	v47 =	vperm.xlane v3, v43;
	v20 =	vadd.f32 v35, v20;
	v62 =	vunpack.i.l.bf16.f32 v53;
	[tilespmem:s28+$0xFFFFFFE0] =	vst v16  }
0x322: {  	v28 =	vunpack.i.u.bf16.f32 v53;
	v2 =	vmul.f32 v62, v8;
	v22 =	vadd.f32 v14, v22;
	[tilespmem:$0x1FF90] =	vst v56  }
0x323: {  	v49 =	vperm.xlane v4, v43;
	v18 =	vadd.f32 v18, v38;
	v28 =	vmul.f32 v28, v8;
	[tilespmem:$0x1FFA0] =	vst v55  }
0x324: {  	v36 =	vunpack.i.u.bf16.f32 v61;
	v26 =	vunpack.i.u.bf16.f32 v54;
	v51 =	vadd.f32 v2, v20;
	[tilespmem:s28+$0xFFFFFFF0] =	vst v22  }
0x325: {  	v63 =	vunpack.i.l.bf16.f32 v54;
	v19 =	vmul.f32 v36, v12;
	v52 =	vperm.xlane v5, v43;
	[tilespmem:$0x1FFB0] =	vst v57  }
0x326: {  	v13 =	vmul.f32 v63, v8;
	v8 =	vmul.f32 v26, v8;
	v53 =	vadd.f32 v28, v18;
	[tilespmem:s28+$0x0] =	vst v51  }
0x327: {  	s30 =	simm.s32 $0x5;
	s31 =	simm.s32 $0x6;
	v1 =	vadd.f32 v32, v31;
	v59 =	vperm.xlane v7, v43;
	v60 =	vperm.xlane v55, v43;
	[tilespmem:$0x1FFC0] =	vst v3  }
0x328: {  	v28 =	vmov s30;
	v26 =	vmov s31;
	v54 =	vadd.f32 v13, v41;
	[tilespmem:s28+$0x10] =	vst v53  }
0x329: {  	v48 =	vperm.xlane v3, v28;
	v46 =	vperm.xlane v3, v26;
	v9 =	vunpack.i.l.bf16.f32 v61;
	[tilespmem:$0x1FFD0] =	vst v4  }
0x32a: {  	v50 =	vperm.xlane v4, v26;
	v63 =	vadd.f32 v8, v25;
	v38 =	vmul.f32 v9, v12;
	[tilespmem:s28+$0x20] =	vst v54  }
0x32b: {  	v58 =	vperm.xlane v6, v43;
	v23 =	vmul.f32 v11, v12;
	[tilespmem:$0x1FFE0] =	vst v5  }
0x32c: {  	v33 =	vperm.xlane v56, v43;
	v1 =	vadd.f32 v38, v1;
	v56 =	vperm.xlane v6, v28;
	[tilespmem:s28+$0x30] =	vst v63  }
0x32d: {  	s0 =	sadd.s32 $0x400, s29;
	v23 =	vadd.f32 v23, v37;
	v55 =	vperm.xlane v6, v26;
	v51 =	vperm.xlane v4, v28;
	[tilespmem:$0x1FFF0] =	vst v6  }
0x32e: {  	s15 =	simm.s32 $0x8;
	v22 =	vadd.f32 v19, v0;
	v53 =	vperm.xlane v5, v26;
	v54 =	vperm.xlane v5, v28;
	[tilespmem:s28+$0x40] =	vst v1;
	v35 =	vld [tilespmem:s0+$0x110]  }
.LBB2_8:
0x32f: {  	v25 =	vld [tilespmem:s0+$0xFFFFFE00]  }
0x330: {  	v0 =	vld [tilespmem:$0x1FF80]  }
0x331: {  	v61 =	vld [tilespmem:$0x1FF90];
	[tilespmem:$0x1FDD0] =	vst v58  }
0x332: {  	v63 =	vld [tilespmem:$0x1FFB0];
	[tilespmem:$0x1FE40] =	vst v52  }
0x333: {  	v29 =	vld [tilespmem:s0+$0x10];
	[tilespmem:$0x1FED0] =	vst v51  }
0x334: {  	v9 =	vld [tilespmem:$0x1FFF0];
	[tilespmem:$0x1FEC0] =	vst v49  }
0x335: {  	v17 =	vld [tilespmem:$0x1FFE0];
	[tilespmem:$0x1FEE0] =	vst v50  }
0x336: {  	v32 =	vld [tilespmem:$0x1FFD0];
	[tilespmem:$0x1FF40] =	vst v48;
	v3 =	vperm.xlane v0, v28  }
0x337: {  	s16 =	sadd.s32 $0x3, s6;
	v62 =	vmov s15;
	[tilespmem:$0x1FF50] =	vst v46;
	v58 =	vld [tilespmem:$0x1FFA0];
	v2 =	vperm.xlane v0, v26;
	v46 =	vperm.xlane v61, v28  }
0x338: {  	[tilespmem:s28+$0x50] =	vst v22;
	v22 =	vld [tilespmem:s0+$0xFFFFFE10];
	v48 =	vmov s16;
	v44 =	vperm.xlane v61, v26;
	v50 =	vperm.xlane v63, v28  }
0x339: {  	[tilespmem:$0x1FF30] =	vst v47;
	v49 =	vld [tilespmem:s0+$0x130];
	v52 =	vunpack.i.l.bf16.f32 v35;
	v47 =	vperm.xlane v63, v48;
	v51 =	vperm.xlane v63, v26  }
0x33a: {  	[tilespmem:s28+$0x60] =	vst v23;
	v23 =	vld [tilespmem:s0+$0xFFFFFF00];
	v1 =	vmovc v0;
	v27 =	vunpack.i.u.bf16.f32 v25;
	v45 =	vperm.xlane v61, v48;
	v0 =	vperm.xlane v9, v48  }
0x33b: {  	v18 =	vperm.xlane v17, v48;
	v6 =	vperm.xlane v32, v48;
	v34 =	vunpack.i.l.bf16.f32 v29  }
0x33c: {  	[tilespmem:$0x1FE60] =	vst v53;
	v41 =	vperm.xlane v58, v28;
	v53 =	vperm.xlane v58, v26;
	v26 =	vunpack.i.u.bf16.f32 v35  }
0x33d: {  	[tilespmem:$0x1FDE0] =	vst v56;
	v4 =	vld [tilespmem:s0+$0x150];
	v35 =	vunpack.i.l.bf16.f32 v25;
	v10 =	vmul.f32 v27, v40;
	v42 =	vperm.xlane v58, v48  }
0x33e: {  	[tilespmem:$0x1FE50] =	vst v54;
	v7 =	vld [tilespmem:s0+$0x170];
	v54 =	vunpack.i.u.bf16.f32 v22;
	v16 =	vunpack.i.l.bf16.f32 v22;
	v39 =	vperm.xlane v1, v48  }
0x33f: {  	[tilespmem:$0x1FDF0] =	vst v55;
	v11 =	vld [tilespmem:s0+$0x1D0];
	v26 =	vmul.f32 v26, v47;
	v27 =	vunpack.i.u.bf16.f32 v49;
	v56 =	vunpack.i.u.bf16.f32 v23  }
0x340: {  	v38 =	vld [tilespmem:$0x1FFC0];
	[tilespmem:$0x1FD80] =	vst v3;
	v57 =	vunpack.i.l.bf16.f32 v23;
	v55 =	vmul.f32 v16, v40;
	v54 =	vmul.f32 v54, v40  }
0x341: {  	v8 =	vld [tilespmem:s0+$0x190];
	[tilespmem:$0x1FD90] =	vst v2;
	v2 =	vunpack.i.u.bf16.f32 v29;
	v3 =	vmul.f32 v34, v51;
	v52 =	vmul.f32 v52, v47  }
0x342: {  	v9 =	vld [tilespmem:s0+$0x20];
	v49 =	vunpack.i.l.bf16.f32 v49;
	v27 =	vmul.f32 v27, v45;
	v28 =	vunpack.i.u.bf16.f32 v4  }
0x343: {  	v25 =	vld [tilespmem:s0+$0xFFFFFF10];
	v23 =	vunpack.i.u.bf16.f32 v7;
	v57 =	vmul.f32 v57, v50;
	v56 =	vmul.f32 v56, v50  }
0x344: {  	v22 =	vld [tilespmem:s0+$0x0];
	[tilespmem:$0x1FD60] =	vst v4;
	v4 =	vunpack.i.u.bf16.f32 v11;
	v2 =	vmul.f32 v2, v51;
	v49 =	vmul.f32 v49, v45  }
0x345: {  	v43 =	vld [tilespmem:s0+$0x1B0];
	v26 =	vadd.f32 $0.0e+00, v26;
	v23 =	vmul.f32 v23, v39;
	v4 =	vmul.f32 v4, v6  }
0x346: {  	v58 =	vld [tilespmem:s0+$0xFFFFFE20];
	[tilespmem:$0x1FDA0] =	vst v39;
	v39 =	vperm.xlane v38, v48;
	v55 =	vadd.f32 $0.0e+00, v55;
	v54 =	vadd.f32 $0.0e+00, v54  }
0x347: {  	v61 =	vld [tilespmem:s0+$0xFFFFFE30];
	v29 =	vadd.f32 $0.0e+00, v57;
	v57 =	vunpack.i.u.bf16.f32 v9;
	v9 =	vunpack.i.l.bf16.f32 v9  }
0x348: {  	[tilespmem:$0x1FF70] =	vst v62;
	v37 =	vmovc v59;
	v17 =	vld [tilespmem:s0+$0x180];
	v26 =	vadd.f32 v27, v26;
	v27 =	vmul.f32 v28, v42;
	v59 =	vunpack.i.u.bf16.f32 v25  }
0x349: {  	v32 =	vld [tilespmem:s0+$0x120];
	[tilespmem:$0x1FF00] =	vst v6;
	v15 =	vunpack.i.l.bf16.f32 v25;
	v25 =	vunpack.i.u.bf16.f32 v8;
	v62 =	vunpack.i.u.bf16.f32 v22  }
0x34a: {  	v14 =	vld [tilespmem:s0+$0x140];
	[tilespmem:$0x1FE30] =	vst v43;
	v63 =	vunpack.i.l.bf16.f32 v22;
	v22 =	vunpack.i.u.bf16.f32 v43;
	v43 =	vmul.f32 v35, v40  }
0x34b: {  	[tilespmem:$0x1FD70] =	vst v7;
	v7 =	vld [tilespmem:s0+$0x1F0];
	v6 =	vunpack.i.u.bf16.f32 v58;
	v9 =	vmul.f32 v9, v44;
	v20 =	vmul.f32 v57, v44  }
0x34c: {  	v34 =	vld [tilespmem:s0+$0x100];
	v35 =	vunpack.i.l.bf16.f32 v61;
	v25 =	vmul.f32 v25, v0;
	v22 =	vmul.f32 v22, v18  }
0x34d: {  	v12 =	vmovc v60;
	v38 =	vld [tilespmem:s0+$0xFFFFFF30];
	v40 =	vadd.f32 $0.0e+00, v10;
	v60 =	vmul.f32 v15, v50;
	v50 =	vmul.f32 v59, v50  }
0x34e: {  	[tilespmem:$0x1FDB0] =	vst v17;
	v59 =	vmul.f32 v62, v51;
	v62 =	vunpack.i.l.bf16.f32 v32;
	v17 =	vmul.f32 v6, v33  }
0x34f: {  	[tilespmem:$0x1FDC0] =	vst v8;
	v8 =	vld [tilespmem:s0+$0x1A0];
	v6 =	vunpack.i.u.bf16.f32 v14;
	v14 =	vunpack.i.l.bf16.f32 v14;
	v26 =	vadd.f32 v27, v26  }
0x350: {  	v16 =	vunpack.i.u.bf16.f32 v7;
	v28 =	vadd.f32 $0.0e+00, v43;
	v62 =	vmul.f32 v62, v45  }
0x351: {  	[tilespmem:$0x1FF20] =	vst v7;
	v43 =	vld [tilespmem:s0+$0x30];
	v7 =	vunpack.i.u.bf16.f32 v34;
	v14 =	vmul.f32 v14, v42;
	v6 =	vmul.f32 v6, v42  }
0x352: {  	[tilespmem:$0x1FE80] =	vst v18;
	v18 =	vmul.f32 v16, v39;
	v30 =	vunpack.i.u.bf16.f32 v38;
	v26 =	vadd.f32 v23, v26  }
0x353: {  	[tilespmem:$0x1FE10] =	vst v0;
	v0 =	vld [tilespmem:s0+$0xFFFFFF20];
	v17 =	vadd.f32 v17, v40;
	v23 =	vadd.f32 $0.0e+00, v50;
	v30 =	vmul.f32 v30, v46  }
0x354: {  	v36 =	vld [tilespmem:s0+$0x1C0];
	[tilespmem:$0x1FE20] =	vst v8;
	v8 =	vunpack.i.l.bf16.f32 v38;
	v38 =	vadd.f32 $0.0e+00, v59;
	v19 =	vadd.f32 v25, v26  }
0x355: {  	[tilespmem:$0x1FEB0] =	vst v11;
	v11 =	vld [tilespmem:s0+$0xFFFFFE40];
	v25 =	vadd.f32 $0.0e+00, v56;
	v8 =	vmul.f32 v8, v46;
	v23 =	vadd.f32 v30, v23  }
0x356: {  	v16 =	vld [tilespmem:s0+$0xFFFFFF50];
	v56 =	vunpack.i.u.bf16.f32 v43;
	v10 =	vunpack.i.l.bf16.f32 v43;
	v20 =	vadd.f32 v20, v38  }
0x357: {  	v1 =	vadd.f32 v22, v19;
	v19 =	vunpack.i.l.bf16.f32 v58;
	v58 =	vmul.f32 v63, v51  }
0x358: {  	v5 =	vld [tilespmem:s0+$0x1E0];
	v63 =	vunpack.i.u.bf16.f32 v61;
	v61 =	vunpack.i.u.bf16.f32 v0;
	v0 =	vunpack.i.l.bf16.f32 v0  }
0x359: {  	[tilespmem:$0x1FEA0] =	vst v36;
	v36 =	vld [tilespmem:s0+$0x40];
	v51 =	vunpack.i.l.bf16.f32 v34;
	v22 =	vadd.f32 $0.0e+00, v2;
	v34 =	vadd.f32 $0.0e+00, v52  }
0x35a: {  	v52 =	vunpack.i.u.bf16.f32 v11;
	v11 =	vunpack.i.l.bf16.f32 v11;
	v10 =	vmul.f32 v10, v44  }
0x35b: {  	v13 =	vld [tilespmem:s0+$0xFFFFFE50];
	v44 =	vmul.f32 v56, v44;
	v2 =	vunpack.i.u.bf16.f32 v16;
	v27 =	vmul.f32 v19, v33  }
0x35c: {  	v16 =	vunpack.i.l.bf16.f32 v16;
	v51 =	vmul.f32 v51, v47;
	v47 =	vmul.f32 v7, v47  }
0x35d: {  	v15 =	vld [tilespmem:s0+$0xFFFFFF40];
	v19 =	vadd.f32 $0.0e+00, v60;
	v7 =	vmul.f32 v35, v33;
	v33 =	vmul.f32 v63, v33  }
0x35e: {  	[tilespmem:$0x1FF10] =	vst v5;
	v50 =	vld [tilespmem:s0+$0x50];
	v5 =	vmul.f32 v0, v46;
	v0 =	vunpack.i.l.bf16.f32 v36;
	v11 =	vmul.f32 v11, v12  }
0x35f: {  	v16 =	vmul.f32 v16, v41;
	v1 =	vadd.f32 v4, v1;
	v4 =	vunpack.i.u.bf16.f32 v32  }
0x360: {  	v24 =	vadd.f32 $0.0e+00, v58;
	v58 =	vunpack.i.u.bf16.f32 v13;
	v22 =	vadd.f32 v44, v22  }
0x361: {  	v13 =	vunpack.i.l.bf16.f32 v13;
	v34 =	vadd.f32 v49, v34;
	v31 =	vadd.f32 $0.0e+00, v51  }
0x362: {  	v57 =	vld [tilespmem:s0+$0x70];
	v47 =	vadd.f32 $0.0e+00, v47;
	v51 =	vmul.f32 v61, v46;
	v60 =	vmul.f32 v4, v45  }
0x363: {  	v45 =	vunpack.i.u.bf16.f32 v15;
	v61 =	vunpack.i.l.bf16.f32 v15;
	v4 =	vunpack.i.u.bf16.f32 v50  }
0x364: {  	v50 =	vunpack.i.l.bf16.f32 v50;
	v27 =	vadd.f32 v27, v28;
	v28 =	vadd.f32 v7, v55  }
0x365: {  	v21 =	vld [tilespmem:s0+$0xFFFFFE60];
	v33 =	vadd.f32 v33, v54;
	v29 =	vadd.f32 v5, v29;
	v13 =	vmul.f32 v13, v12  }
0x366: {  	v48 =	vld [tilespmem:s0+$0x160];
	v8 =	vadd.f32 v8, v19;
	v19 =	vmul.f32 v58, v12;
	v7 =	vmul.f32 v2, v41  }
0x367: {  	v59 =	vld [tilespmem:s0+$0xFFFFFE80];
	v2 =	vunpack.i.u.bf16.f32 v57;
	v57 =	vunpack.i.l.bf16.f32 v57;
	v1 =	vadd.f32 v18, v1  }
0x368: {  	[tilespmem:$0x1FF60] =	vst v39;
	v39 =	vld [tilespmem:s0+$0x90];
	v18 =	vadd.f32 $0.0e+00, v3;
	v9 =	vadd.f32 v9, v24;
	v30 =	vmul.f32 v61, v41  }
0x369: {  	v63 =	vld [tilespmem:s0+$0xFFFFFE70];
	v50 =	vmul.f32 v50, v53;
	v5 =	vmul.f32 v4, v53;
	v25 =	vadd.f32 v51, v25  }
0x36a: {  	v32 =	vld [tilespmem:s0+$0xFFFFFF70];
	v31 =	vadd.f32 v62, v31;
	v58 =	vadd.f32 v60, v47;
	v60 =	vunpack.i.u.bf16.f32 v21  }
0x36b: {  	v40 =	vld [tilespmem:s0+$0xFFFFFEA0];
	v21 =	vunpack.i.l.bf16.f32 v21;
	v27 =	vadd.f32 v11, v27;
	v19 =	vadd.f32 v19, v33  }
0x36c: {  	s28 =	sadd.s32 $0x100, s28;
	v15 =	vld [tilespmem:$0x1FD60];
	v16 =	vadd.f32 v16, v8;
	v7 =	vadd.f32 v7, v23;
	v33 =	vunpack.i.l.bf16.f32 v59  }
0x36d: {  	v46 =	vld [tilespmem:s0+$0x60];
	[tilespmem:s28+$0x70] =	vst v1;
	v1 =	vunpack.i.u.bf16.f32 v36;
	v10 =	vadd.f32 v10, v18;
	v18 =	vmul.f32 v45, v41  }
0x36e: {  	v43 =	vld [tilespmem:s0+$0xFFFFFF60];
	v24 =	vunpack.i.u.bf16.f32 v63;
	v63 =	vunpack.i.l.bf16.f32 v63;
	v21 =	vmul.f32 v21, v37  }
0x36f: {  	v61 =	vld [tilespmem:s0+$0xFFFFFED0];
	v29 =	vadd.f32 v30, v29;
	v5 =	vadd.f32 v5, v22;
	v38 =	vunpack.i.u.bf16.f32 v32  }
0x370: {  	v4 =	vld [tilespmem:s0+$0xFFFFFEF0];
	v32 =	vunpack.i.l.bf16.f32 v32;
	v30 =	vmul.f32 v63, v37;
	v24 =	vmul.f32 v24, v37  }
0x371: {  	v62 =	vld [tilespmem:s0+$0xFFFFFFC0];
	v14 =	vadd.f32 v14, v31;
	v6 =	vadd.f32 v6, v58;
	v3 =	vunpack.i.l.bf16.f32 v15  }
0x372: {  	v15 =	vmul.f32 v52, v12;
	v41 =	vunpack.i.u.bf16.f32 v46;
	v12 =	vld [tilespmem:$0x1FD70];
	v18 =	vadd.f32 v18, v25  }
0x373: {  	v36 =	vld [tilespmem:s0+$0x80];
	v10 =	vadd.f32 v50, v10;
	v25 =	vunpack.i.u.bf16.f32 v59;
	v21 =	vadd.f32 v21, v27  }
0x374: {  	v58 =	vld [tilespmem:$0x1FD90];
	[tilespmem:$0x1FE70] =	vst v61;
	v61 =	vmul.f32 v0, v53;
	v3 =	vmul.f32 v3, v42;
	v0 =	vunpack.i.u.bf16.f32 v43  }
0x375: {  	v56 =	vld [tilespmem:s0+$0xFFFFFE90];
	v43 =	vunpack.i.l.bf16.f32 v43;
	v42 =	vunpack.i.l.bf16.f32 v46;
	[tilespmem:$0x1FEF0] =	vst v4;
	v4 =	vunpack.i.u.bf16.f32 v48  }
0x376: {  	v59 =	vld [tilespmem:$0x1FDA0];
	v48 =	vunpack.i.l.bf16.f32 v48;
	v19 =	vadd.f32 v24, v19;
	[tilespmem:$0x1FE90] =	vst v62;
	v62 =	vmul.f32 v1, v53  }
0x377: {  	v26 =	vld [tilespmem:s0+$0xFFFFFF80];
	v9 =	vadd.f32 v61, v9;
	v3 =	vadd.f32 v3, v34;
	v1 =	vunpack.i.l.bf16.f32 v12  }
0x378: {  	v12 =	vadd.f32 v15, v17;
	v17 =	vadd.f32 v13, v28;
	v28 =	vmul.f32 v60, v37;
	v37 =	vld [tilespmem:$0x1FD80]  }
0x379: {  	v35 =	vld [tilespmem:s0+$0xFFFFFF90];
	v50 =	vunpack.i.u.bf16.f32 v36;
	v20 =	vadd.f32 v62, v20;
	v34 =	vmul.f32 v41, v58  }
0x37a: {  	v55 =	vld [tilespmem:s0+$0xFFFFFEB0];
	v36 =	vunpack.i.l.bf16.f32 v36;
	v41 =	vunpack.i.u.bf16.f32 v56;
	v2 =	vmul.f32 v2, v58  }
0x37b: {  	v62 =	vld [tilespmem:$0x1FDC0];
	v4 =	vmul.f32 v4, v59;
	v15 =	vunpack.i.l.bf16.f32 v39;
	v20 =	vadd.f32 v34, v20  }
0x37c: {  	v54 =	vld [tilespmem:s0+$0xA0];
	v1 =	vmul.f32 v1, v59;
	v2 =	vadd.f32 v2, v5;
	v12 =	vadd.f32 v28, v12  }
0x37d: {  	v52 =	vld [tilespmem:s0+$0xFFFFFFB0];
	v17 =	vadd.f32 v30, v17;
	v4 =	vadd.f32 v4, v6;
	v23 =	vmul.f32 v43, v37  }
0x37e: {  	v60 =	vld [tilespmem:$0x1FDB0];
	v1 =	vadd.f32 v1, v3;
	v0 =	vmul.f32 v0, v37;
	v22 =	vmul.f32 v32, v37  }
0x37f: {  	[tilespmem:$0x1FE00] =	vst v55;
	v55 =	vld [tilespmem:s0+$0xB0];
	v3 =	vunpack.i.u.bf16.f32 v40;
	v31 =	vmul.f32 v38, v37;
	v32 =	vmul.f32 v42, v58  }
0x380: {  	v30 =	vld [tilespmem:$0x1FDD0];
	v63 =	vunpack.i.l.bf16.f32 v62;
	v38 =	vmul.f32 v57, v58;
	v42 =	vmul.f32 v48, v59  }
0x381: {  	v43 =	vunpack.i.l.bf16.f32 v56;
	v37 =	vunpack.i.u.bf16.f32 v26;
	v26 =	vunpack.i.l.bf16.f32 v26  }
0x382: {  	v48 =	vunpack.i.u.bf16.f32 v35;
	v35 =	vunpack.i.l.bf16.f32 v35;
	v56 =	vunpack.i.u.bf16.f32 v39  }
0x383: {  	v49 =	vld [tilespmem:s0+$0xD0];
	v61 =	vunpack.i.u.bf16.f32 v60;
	v27 =	vunpack.i.l.bf16.f32 v60;
	v57 =	vunpack.i.l.bf16.f32 v52  }
0x384: {  	v51 =	vld [tilespmem:s0+$0xFFFFFFA0];
	v58 =	vunpack.i.u.bf16.f32 v54;
	v59 =	vunpack.i.l.bf16.f32 v54;
	v60 =	vunpack.i.u.bf16.f32 v55  }
0x385: {  	v24 =	vmul.f32 v25, v30;
	v23 =	vadd.f32 v23, v29;
	v0 =	vadd.f32 v0, v18;
	v29 =	vld [tilespmem:$0x1FDE0]  }
0x386: {  	v62 =	vld [tilespmem:$0x1FE20];
	v25 =	vmul.f32 v43, v30;
	v16 =	vadd.f32 v22, v16;
	v7 =	vadd.f32 v31, v7  }
0x387: {  	v28 =	vmul.f32 v33, v30;
	v9 =	vadd.f32 v32, v9;
	v10 =	vadd.f32 v38, v10  }
0x388: {  	v18 =	vmul.f32 v41, v30;
	v5 =	vadd.f32 v42, v14;
	v17 =	vadd.f32 v25, v17;
	v25 =	vld [tilespmem:$0x1FE40]  }
0x389: {  	v46 =	vld [tilespmem:s0+$0xFFFFFFE0];
	v30 =	vunpack.i.l.bf16.f32 v40;
	v38 =	vunpack.i.l.bf16.f32 v51;
	v40 =	vunpack.i.u.bf16.f32 v52  }
0x38a: {  	v54 =	vld [tilespmem:$0x1FEA0];
	v52 =	vunpack.i.l.bf16.f32 v49;
	v21 =	vadd.f32 v28, v21;
	v22 =	vmul.f32 v26, v29  }
0x38b: {  	v28 =	vunpack.i.l.bf16.f32 v62;
	v26 =	vmul.f32 v37, v29;
	v6 =	vmul.f32 v48, v29;
	v48 =	vld [tilespmem:$0x1FDF0]  }
0x38c: {  	v12 =	vadd.f32 v24, v12;
	v18 =	vadd.f32 v18, v19;
	v14 =	vmul.f32 v35, v29  }
0x38d: {  	v37 =	vunpack.i.u.bf16.f32 v51;
	v24 =	vmul.f32 v30, v25;
	v0 =	vadd.f32 v26, v0;
	v26 =	vld [tilespmem:$0x1FE50]  }
0x38e: {  	v44 =	vld [tilespmem:s0+$0xFFFFFFD0];
	v51 =	vunpack.i.u.bf16.f32 v46;
	v19 =	vadd.f32 v22, v23;
	v14 =	vadd.f32 v14, v16  }
0x38f: {  	v45 =	vld [tilespmem:s0+$0xFFFFFEC0];
	v3 =	vmul.f32 v3, v25;
	v6 =	vadd.f32 v6, v7;
	v21 =	vadd.f32 v24, v21  }
0x390: {  	v53 =	vld [tilespmem:s0+$0xFFFFFEE0];
	v24 =	vunpack.i.l.bf16.f32 v54;
	v29 =	vmul.f32 v36, v48;
	v31 =	vmul.f32 v50, v48  }
0x391: {  	v3 =	vadd.f32 v3, v12;
	v15 =	vmul.f32 v15, v48;
	v50 =	vld [tilespmem:$0x1FE00];
	v33 =	vmul.f32 v56, v48  }
0x392: {  	v56 =	vld [tilespmem:$0x1FE10];
	v7 =	vadd.f32 v29, v9;
	v9 =	vmul.f32 v38, v26;
	v20 =	vadd.f32 v31, v20  }
0x393: {  	v10 =	vadd.f32 v15, v10;
	v15 =	vmul.f32 v37, v26;
	v2 =	vadd.f32 v33, v2  }
0x394: {  	v47 =	vld [tilespmem:s0+$0xC0];
	v23 =	vmul.f32 v57, v26;
	v26 =	vmul.f32 v40, v26;
	v29 =	vunpack.i.l.bf16.f32 v45  }
0x395: {  	v40 =	vunpack.i.u.bf16.f32 v44;
	v9 =	vadd.f32 v9, v19;
	v0 =	vadd.f32 v15, v0  }
0x396: {  	v57 =	vld [tilespmem:$0x1FE60];
	v14 =	vadd.f32 v23, v14;
	v6 =	vadd.f32 v26, v6;
	v26 =	vunpack.i.u.bf16.f32 v53  }
0x397: {  	v32 =	vunpack.i.u.bf16.f32 v50;
	v27 =	vmul.f32 v27, v56;
	v34 =	vunpack.i.l.bf16.f32 v50  }
0x398: {  	v8 =	vld [tilespmem:s0+$0xF0];
	v35 =	vmul.f32 v61, v56;
	v36 =	vmul.f32 v63, v56;
	v61 =	vunpack.i.l.bf16.f32 v55  }
0x399: {  	v13 =	vld [tilespmem:s0+$0xE0];
	v63 =	vunpack.i.u.bf16.f32 v62;
	v62 =	vunpack.i.u.bf16.f32 v47;
	v22 =	vmul.f32 v34, v25  }
0x39a: {  	v55 =	vld [tilespmem:$0x1FE30];
	v16 =	vmul.f32 v32, v25;
	v25 =	vunpack.i.u.bf16.f32 v45;
	v5 =	vadd.f32 v27, v5  }
0x39b: {  	v4 =	vadd.f32 v35, v4;
	v27 =	vmul.f32 v59, v57;
	v30 =	vmul.f32 v58, v57;
	v58 =	vld [tilespmem:$0x1FE70]  }
0x39c: {  	v1 =	vadd.f32 v36, v1;
	v31 =	vmul.f32 v61, v57;
	v33 =	vmul.f32 v60, v57;
	v59 =	vld [tilespmem:$0x1FE80]  }
0x39d: {  	v60 =	vld [tilespmem:$0x1FE90];
	v61 =	vunpack.i.l.bf16.f32 v44;
	v12 =	vadd.f32 v22, v17;
	v16 =	vadd.f32 v16, v18  }
0x39e: {  	v44 =	vunpack.i.u.bf16.f32 v49;
	v49 =	vld [tilespmem:$0x1FF00];
	v7 =	vadd.f32 v27, v7;
	v20 =	vadd.f32 v30, v20  }
0x39f: {  	v22 =	vld [tilespmem:$0x1FEC0];
	v10 =	vadd.f32 v31, v10;
	v2 =	vadd.f32 v33, v2;
	v56 =	vunpack.i.l.bf16.f32 v55  }
0x3a0: {  	v55 =	vunpack.i.u.bf16.f32 v54;
	v54 =	vunpack.i.u.bf16.f32 v13;
	v13 =	vunpack.i.l.bf16.f32 v13  }
0x3a1: {  	v11 =	vld [tilespmem:s0+$0xFFFFFFF0];
	v32 =	vunpack.i.u.bf16.f32 v58;
	v28 =	vmul.f32 v28, v59;
	v34 =	vunpack.i.l.bf16.f32 v58  }
0x3a2: {  	v27 =	vld [tilespmem:$0x1FED0];
	v35 =	vmul.f32 v63, v59;
	v36 =	vmul.f32 v56, v59;
	v37 =	vunpack.i.u.bf16.f32 v60  }
0x3a3: {  	v38 =	vunpack.i.l.bf16.f32 v60;
	v63 =	vunpack.i.l.bf16.f32 v47;
	v24 =	vmul.f32 v24, v49  }
0x3a4: {  	v50 =	vmul.f32 v55, v49;
	v55 =	vunpack.i.u.bf16.f32 v8;
	v58 =	vmul.f32 v29, v22  }
0x3a5: {  	v8 =	vunpack.i.l.bf16.f32 v8;
	v59 =	vmul.f32 v25, v22;
	v60 =	vmul.f32 v34, v22  }
0x3a6: {  	v56 =	vld [tilespmem:$0x1FEB0];
	v15 =	vmul.f32 v32, v22;
	v29 =	vunpack.i.l.bf16.f32 v53;
	v53 =	vunpack.i.u.bf16.f32 v11  }
0x3a7: {  	v11 =	vunpack.i.l.bf16.f32 v11;
	v22 =	vmul.f32 v38, v27;
	v5 =	vadd.f32 v28, v5  }
0x3a8: {  	v25 =	vmul.f32 v61, v27;
	v4 =	vadd.f32 v35, v4;
	v1 =	vadd.f32 v36, v1;
	v61 =	vld [tilespmem:$0x1FEE0]  }
0x3a9: {  	v23 =	vmul.f32 v37, v27;
	v17 =	vadd.f32 v58, v21;
	v58 =	vld [tilespmem:$0x1FF20];
	v3 =	vadd.f32 v59, v3  }
0x3aa: {  	v27 =	vmul.f32 v40, v27;
	v12 =	vadd.f32 v60, v12;
	v59 =	vld [tilespmem:$0x1FF30];
	v15 =	vadd.f32 v15, v16  }
0x3ab: {  	v9 =	vadd.f32 v22, v9;
	v0 =	vadd.f32 v23, v0;
	v57 =	vunpack.i.l.bf16.f32 v56  }
0x3ac: {  	v14 =	vadd.f32 v25, v14;
	v5 =	vadd.f32 v24, v5;
	v24 =	vld [tilespmem:$0x1FF50];
	v36 =	vmul.f32 v57, v49  }
0x3ad: {  	v38 =	vld [tilespmem:$0x1FFF0];
	v6 =	vadd.f32 v27, v6;
	v28 =	vmul.f32 v63, v61;
	v30 =	vmul.f32 v62, v61  }
0x3ae: {  	v56 =	vld [tilespmem:$0x1FF10];
	v31 =	vmul.f32 v52, v61;
	v33 =	vmul.f32 v44, v61;
	v52 =	vunpack.i.l.bf16.f32 v46  }
0x3af: {  	v27 =	vld [tilespmem:$0x1FFC0];
	v43 =	vunpack.i.l.bf16.f32 v58;
	v60 =	vmul.f32 v29, v59;
	v1 =	vadd.f32 v36, v1  }
0x3b0: {  	v62 =	vld [tilespmem:$0x1FEF0];
	v61 =	vmul.f32 v26, v59;
	v7 =	vadd.f32 v28, v7;
	v20 =	vadd.f32 v30, v20  }
0x3b1: {  	v10 =	vadd.f32 v31, v10;
	v13 =	vmul.f32 v13, v24;
	v32 =	vmul.f32 v54, v24  }
0x3b2: {  	s31 =	sadd.s32 $0x1, s15;
	v26 =	vld [tilespmem:$0x1FF40];
	v2 =	vadd.f32 v33, v2;
	v8 =	vmul.f32 v8, v24;
	v33 =	vmul.f32 v55, v24  }
0x3b3: {  	v24 =	vld [tilespmem:$0x1FF60];
	v28 =	vmov s31;
	v57 =	vunpack.i.u.bf16.f32 v56;
	v21 =	vunpack.i.l.bf16.f32 v56  }
0x3b4: {  	v17 =	vadd.f32 v60, v17;
	v3 =	vadd.f32 v61, v3;
	v48 =	vperm.xlane v27, v28  }
0x3b5: {  	v56 =	vperm.xlane v38, v28;
	v63 =	vunpack.i.u.bf16.f32 v62;
	v34 =	vunpack.i.l.bf16.f32 v62  }
0x3b6: {  	v36 =	vld [tilespmem:$0x1FFE0];
	v7 =	vadd.f32 v13, v7;
	[tilespmem:s28+$0xFFFFFF80] =	vst v17;
	v62 =	vmul.f32 v34, v59;
	v22 =	vmul.f32 v63, v59  }
0x3b7: {  	v60 =	vld [tilespmem:$0x1FF80];
	v37 =	vadd.f32 v32, v20;
	[tilespmem:s28+$0xFFFFFF90] =	vst v3;
	v23 =	vmul.f32 v52, v26;
	v25 =	vmul.f32 v51, v26  }
0x3b8: {  	v61 =	vld [tilespmem:$0x1FF90];
	v55 =	vadd.f32 v8, v10;
	v11 =	vmul.f32 v11, v26;
	[tilespmem:s28+$0x0] =	vst v7;
	v34 =	vmul.f32 v21, v24  }
0x3b9: {  	v2 =	vadd.f32 v33, v2;
	[tilespmem:s28+$0x10] =	vst v37;
	v35 =	vmul.f32 v57, v24;
	v21 =	vmul.f32 v43, v24;
	v24 =	vld [tilespmem:$0x1FF70]  }
0x3ba: {  	s17 =	sadd.s32 $0x2, s15;
	v63 =	vmul.f32 v53, v26;
	[tilespmem:s28+$0x20] =	vst v55;
	v12 =	vadd.f32 v62, v12;
	v0 =	vadd.f32 v25, v0;
	v25 =	vld [tilespmem:$0x1FFD0]  }
0x3bb: {  	v26 =	vmov s17;
	v54 =	vperm.xlane v36, v28;
	[tilespmem:s28+$0x30] =	vst v2;
	v15 =	vadd.f32 v22, v15;
	v62 =	vld [tilespmem:$0x1FFA0]  }
0x3bc: {  	v46 =	vperm.xlane v27, v26;
	v9 =	vadd.f32 v23, v9;
	v6 =	vadd.f32 v63, v6;
	v63 =	vld [tilespmem:$0x1FFB0];
	[tilespmem:s28+$0xFFFFFFA0] =	vst v12  }
0x3bd: {  	p1 =	slt.u32 s15, $0xC;
	v53 =	vperm.xlane v36, v26;
	v55 =	vperm.xlane v38, v26;
	[tilespmem:s28+$0xFFFFFFB0] =	vst v15  }
.Ltmp3:
0x3be: {  	v11 =	vadd.f32 v11, v14;
	[tilespmem:s28+$0xFFFFFFC0] =	vst v9;
	v47 =	vperm.xlane v27, v24;
	v52 =	vperm.xlane v36, v24;
	(pc) =	sbr.rel @p1 .LBB2_8-.Ltmp3, $4  }
0x3bf: {  	v4 =	vadd.f32 v50, v4;
	[tilespmem:s28+$0xFFFFFFD0] =	vst v0;
	v58 =	vperm.xlane v38, v24;
	v59 =	vperm.xlane v60, v24  }
0x3c0: {  	v5 =	vadd.f32 v34, v5;
	[tilespmem:s28+$0xFFFFFFE0] =	vst v11;
	v33 =	vperm.xlane v61, v24;
	v49 =	vperm.xlane v25, v24  }
0x3c1: {  	s0 =	sadd.s32 $0x400, s0;
	v22 =	vadd.f32 v35, v4;
	[tilespmem:s28+$0xFFFFFFF0] =	vst v6;
	v60 =	vperm.xlane v62, v24;
	v40 =	vperm.xlane v63, v24  }
0x3c2: {  	s6 =	smov.u32 s15;
	s15 =	sadd.s32 $0x4, s15;
	v23 =	vadd.f32 v21, v1;
	v35 =	vld [tilespmem:s0+$0x110];
	[tilespmem:s28+$0x40] =	vst v5;
	v51 =	vperm.xlane v25, v28;
	v50 =	vperm.xlane v25, v26  }
0x3c3: {  	v0 =	vld [tilespmem:s0+$0xFFFFFE00]  }
0x3c4: {  	v6 =	vld [tilespmem:$0x1FF80]  }
0x3c5: {  	v5 =	vld [tilespmem:$0x1FFA0]  }
0x3c6: {  	v7 =	vld [tilespmem:$0x1FF90]  }
0x3c7: {  	v3 =	vld [tilespmem:$0x1FFB0]  }
0x3c8: {  	v12 =	vld [tilespmem:s0+$0x130]  }
0x3c9: {  	v1 =	vld [tilespmem:s0+$0xFFFFFE10];
	v27 =	vperm.xlane v6, v28  }
0x3ca: {  	s6 =	sadd.s32 $0x3, s6;
	v8 =	vld [tilespmem:s0+$0x150];
	v25 =	vperm.xlane v6, v26;
	v9 =	vperm.xlane v5, v28  }
0x3cb: {  	v2 =	vld [tilespmem:s0+$0xFFFFFF00];
	v15 =	vmov s6;
	v29 =	vperm.xlane v5, v26;
	v13 =	vperm.xlane v7, v28  }
0x3cc: {  	v43 =	vld [tilespmem:$0x1FFF0];
	v44 =	vunpack.i.u.bf16.f32 v35;
	v14 =	vperm.xlane v7, v26;
	v16 =	vperm.xlane v3, v28  }
0x3cd: {  	v45 =	vld [tilespmem:s0+$0xFFFFFF10];
	v19 =	vunpack.i.l.bf16.f32 v35;
	v17 =	vperm.xlane v3, v15;
	v18 =	vperm.xlane v3, v26  }
0x3ce: {  	v31 =	vld [tilespmem:s0+$0x0];
	v4 =	vunpack.i.u.bf16.f32 v0;
	v20 =	vperm.xlane v7, v15;
	v21 =	vunpack.i.l.bf16.f32 v0  }
0x3cf: {  	v57 =	vunpack.i.u.bf16.f32 v12;
	v10 =	vperm.xlane v5, v15;
	v30 =	vunpack.i.u.bf16.f32 v1  }
0x3d0: {  	v63 =	vld [tilespmem:s0+$0x10];
	v1 =	vunpack.i.l.bf16.f32 v1;
	v61 =	vunpack.i.u.bf16.f32 v8;
	v28 =	vperm.xlane v6, v15  }
0x3d1: {  	v32 =	vunpack.i.u.bf16.f32 v2;
	v34 =	vunpack.i.l.bf16.f32 v2;
	v11 =	vperm.xlane v43, v15  }
0x3d2: {  	v36 =	vunpack.i.u.bf16.f32 v45;
	v37 =	vunpack.i.l.bf16.f32 v45;
	v24 =	vmul.f32 v4, v40  }
0x3d3: {  	v38 =	vunpack.i.u.bf16.f32 v31;
	v21 =	vmul.f32 v21, v40;
	v30 =	vmul.f32 v30, v40  }
0x3d4: {  	v31 =	vunpack.i.l.bf16.f32 v31;
	v3 =	vmul.f32 v44, v17;
	v4 =	vmul.f32 v57, v20  }
0x3d5: {  	v35 =	vunpack.i.l.bf16.f32 v63;
	v62 =	vmul.f32 v61, v10;
	v34 =	vmul.f32 v34, v16  }
0x3d6: {  	v26 =	vld [tilespmem:s0+$0x170];
	v12 =	vunpack.i.l.bf16.f32 v12;
	v32 =	vmul.f32 v32, v16;
	v37 =	vmul.f32 v37, v16  }
0x3d7: {  	v7 =	vld [tilespmem:s0+$0x190];
	v8 =	vunpack.i.l.bf16.f32 v8;
	v16 =	vmul.f32 v36, v16;
	v31 =	vmul.f32 v31, v18  }
0x3d8: {  	v5 =	vld [tilespmem:s0+$0x1B0];
	v38 =	vmul.f32 v38, v18;
	v21 =	vadd.f32 $0.0e+00, v21;
	v24 =	vadd.f32 $0.0e+00, v24  }
0x3d9: {  	v45 =	vld [tilespmem:$0x1FFE0];
	v35 =	vmul.f32 v35, v18;
	v30 =	vadd.f32 $0.0e+00, v30;
	v3 =	vadd.f32 $0.0e+00, v3  }
0x3da: {  	v19 =	vmul.f32 v19, v17;
	v34 =	vadd.f32 $0.0e+00, v34;
	v32 =	vadd.f32 $0.0e+00, v32  }
0x3db: {  	v12 =	vmul.f32 v12, v20;
	v37 =	vadd.f32 $0.0e+00, v37;
	v16 =	vadd.f32 $0.0e+00, v16  }
0x3dc: {  	v8 =	vmul.f32 v8, v10;
	v31 =	vadd.f32 $0.0e+00, v31;
	v38 =	vadd.f32 $0.0e+00, v38  }
0x3dd: {  	v35 =	vadd.f32 $0.0e+00, v35;
	v19 =	vadd.f32 $0.0e+00, v19;
	v42 =	vunpack.i.u.bf16.f32 v26  }
0x3de: {  	v44 =	vunpack.i.u.bf16.f32 v7;
	v6 =	vperm.xlane v45, v15;
	v39 =	vunpack.i.u.bf16.f32 v5  }
0x3df: {  	v41 =	vld [tilespmem:s0+$0xFFFFFE20];
	v26 =	vunpack.i.l.bf16.f32 v26;
	v7 =	vunpack.i.l.bf16.f32 v7;
	v5 =	vunpack.i.l.bf16.f32 v5  }
0x3e0: {  	v3 =	vadd.f32 v4, v3;
	v2 =	vmul.f32 v42, v28;
	v42 =	vunpack.i.u.bf16.f32 v63;
	v63 =	vld [tilespmem:s0+$0x100]  }
0x3e1: {  	v57 =	vld [tilespmem:$0x1FFD0];
	v0 =	vmul.f32 v44, v11;
	v44 =	vmul.f32 v1, v40;
	v12 =	vadd.f32 v12, v19  }
0x3e2: {  	v26 =	vmul.f32 v26, v28;
	v7 =	vmul.f32 v7, v11;
	v4 =	vadd.f32 v62, v3;
	v3 =	vld [tilespmem:s0+$0x1D0]  }
0x3e3: {  	v39 =	vmul.f32 v39, v6;
	v18 =	vmul.f32 v42, v18;
	v8 =	vadd.f32 v8, v12  }
0x3e4: {  	v61 =	vld [tilespmem:$0x1FFC0];
	v5 =	vmul.f32 v5, v6;
	v44 =	vadd.f32 $0.0e+00, v44;
	v4 =	vadd.f32 v2, v4  }
0x3e5: {  	v18 =	vadd.f32 $0.0e+00, v18;
	v2 =	vld [tilespmem:s0+$0x1F0];
	v8 =	vadd.f32 v26, v8;
	v40 =	vunpack.i.l.bf16.f32 v63  }
0x3e6: {  	v0 =	vadd.f32 v0, v4;
	v4 =	vperm.xlane v57, v15;
	v57 =	vunpack.i.l.bf16.f32 v41  }
0x3e7: {  	v45 =	vld [tilespmem:s0+$0xFFFFFF20];
	v40 =	vmul.f32 v40, v17;
	v7 =	vadd.f32 v7, v8;
	v43 =	vunpack.i.u.bf16.f32 v3  }
0x3e8: {  	v36 =	vmul.f32 v57, v33;
	v3 =	vunpack.i.l.bf16.f32 v3;
	v39 =	vadd.f32 v39, v0  }
0x3e9: {  	v43 =	vmul.f32 v43, v4;
	v0 =	vperm.xlane v61, v15;
	v15 =	vld [tilespmem:s0+$0xFFFFFE30];
	v40 =	vadd.f32 $0.0e+00, v40  }
0x3ea: {  	v42 =	vld [tilespmem:s0+$0xFFFFFF30];
	v5 =	vadd.f32 v5, v7;
	v3 =	vmul.f32 v3, v4;
	v62 =	vunpack.i.u.bf16.f32 v2  }
0x3eb: {  	v39 =	vadd.f32 v43, v39;
	v1 =	vmul.f32 v62, v0;
	v43 =	vunpack.i.u.bf16.f32 v41  }
0x3ec: {  	v62 =	vunpack.i.u.bf16.f32 v63;
	v63 =	vunpack.i.u.bf16.f32 v45;
	v43 =	vmul.f32 v43, v33  }
0x3ed: {  	v21 =	vadd.f32 v36, v21;
	v45 =	vunpack.i.l.bf16.f32 v45;
	v41 =	vmul.f32 v63, v13;
	v63 =	vld [tilespmem:s0+$0x30]  }
0x3ee: {  	v17 =	vmul.f32 v62, v17;
	v61 =	vunpack.i.u.bf16.f32 v15;
	v24 =	vadd.f32 v43, v24;
	v43 =	vld [tilespmem:s0+$0x120]  }
0x3ef: {  	v62 =	vunpack.i.l.bf16.f32 v42;
	v45 =	vmul.f32 v45, v13;
	v57 =	vmul.f32 v61, v33;
	v61 =	vld [tilespmem:s0+$0x20]  }
0x3f0: {  	v42 =	vunpack.i.u.bf16.f32 v42;
	v1 =	vadd.f32 v1, v39;
	v36 =	vmul.f32 v62, v13  }
0x3f1: {  	v13 =	vmul.f32 v42, v13;
	v15 =	vunpack.i.l.bf16.f32 v15;
	v32 =	vadd.f32 v41, v32  }
0x3f2: {  	v17 =	vadd.f32 $0.0e+00, v17;
	v15 =	vmul.f32 v15, v33;
	v33 =	vadd.f32 v45, v34  }
0x3f3: {  	v30 =	vadd.f32 v57, v30;
	v62 =	vunpack.i.u.bf16.f32 v63;
	v57 =	vunpack.i.u.bf16.f32 v43  }
0x3f4: {  	v45 =	vunpack.i.l.bf16.f32 v61;
	v39 =	vunpack.i.u.bf16.f32 v61;
	v61 =	vunpack.i.l.bf16.f32 v63;
	v63 =	vld [tilespmem:s0+$0xFFFFFE50]  }
0x3f5: {  	v36 =	vadd.f32 v36, v37;
	v37 =	vmul.f32 v57, v20;
	v57 =	vld [tilespmem:s0+$0xFFFFFF40];
	v34 =	vmul.f32 v45, v14  }
0x3f6: {  	v13 =	vadd.f32 v13, v16;
	v15 =	vadd.f32 v15, v44;
	v39 =	vmul.f32 v39, v14  }
0x3f7: {  	v16 =	vmul.f32 v61, v14;
	v14 =	vmul.f32 v62, v14;
	v31 =	vadd.f32 v34, v31;
	v34 =	vld [tilespmem:s0+$0xFFFFFE40]  }
0x3f8: {  	v45 =	vunpack.i.l.bf16.f32 v43;
	v17 =	vadd.f32 v37, v17;
	v38 =	vadd.f32 v39, v38;
	v39 =	vld [tilespmem:s0+$0xFFFFFF50]  }
0x3f9: {  	v42 =	vmul.f32 v45, v20;
	v16 =	vadd.f32 v16, v35;
	v14 =	vadd.f32 v14, v18  }
0x3fa: {  	v44 =	vld [tilespmem:s0+$0xFFFFFE60];
	v62 =	vunpack.i.l.bf16.f32 v63;
	v41 =	vunpack.i.u.bf16.f32 v63;
	v45 =	vunpack.i.u.bf16.f32 v57  }
0x3fb: {  	v37 =	vld [tilespmem:s0+$0x50];
	v20 =	vunpack.i.l.bf16.f32 v57;
	v18 =	vmul.f32 v62, v60;
	v41 =	vmul.f32 v41, v60  }
0x3fc: {  	v40 =	vadd.f32 v42, v40;
	v63 =	vld [tilespmem:s0+$0x40];
	v20 =	vmul.f32 v20, v9;
	v19 =	vmul.f32 v45, v9  }
0x3fd: {  	v61 =	vunpack.i.u.bf16.f32 v34;
	v34 =	vunpack.i.l.bf16.f32 v34;
	v57 =	vunpack.i.l.bf16.f32 v39  }
0x3fe: {  	v39 =	vunpack.i.u.bf16.f32 v39;
	v15 =	vadd.f32 v18, v15;
	v30 =	vadd.f32 v41, v30  }
0x3ff: {  	v20 =	vadd.f32 v20, v33;
	v33 =	vunpack.i.l.bf16.f32 v44;
	v34 =	vmul.f32 v34, v60  }
0x400: {  	v45 =	vld [tilespmem:s0+$0xFFFFFE70];
	v19 =	vadd.f32 v19, v32;
	v35 =	vmul.f32 v61, v60;
	v33 =	vmul.f32 v33, v59  }
0x401: {  	v61 =	vunpack.i.u.bf16.f32 v63;
	v62 =	vunpack.i.l.bf16.f32 v63;
	v63 =	vunpack.i.l.bf16.f32 v37  }
0x402: {  	v21 =	vadd.f32 v34, v21;
	v34 =	vmul.f32 v57, v9;
	v9 =	vmul.f32 v39, v9  }
0x403: {  	v60 =	vld [tilespmem:s0+$0x140];
	v37 =	vunpack.i.u.bf16.f32 v37;
	v39 =	vmul.f32 v62, v29;
	v18 =	vmul.f32 v61, v29  }
0x404: {  	v24 =	vadd.f32 v35, v24;
	v41 =	vmul.f32 v63, v29;
	v29 =	vmul.f32 v37, v29  }
0x405: {  	v62 =	vunpack.i.u.bf16.f32 v44;
	v63 =	vunpack.i.l.bf16.f32 v45;
	v32 =	vadd.f32 v34, v36  }
0x406: {  	v61 =	vld [tilespmem:s0+$0xFFFFFF70];
	v37 =	vmul.f32 v62, v59;
	v9 =	vadd.f32 v9, v13;
	v18 =	vadd.f32 v18, v38  }
0x407: {  	v44 =	vld [tilespmem:s0+$0x160];
	v16 =	vadd.f32 v41, v16;
	v14 =	vadd.f32 v29, v14;
	v34 =	vunpack.i.u.bf16.f32 v45  }
0x408: {  	v29 =	vmul.f32 v63, v59;
	v41 =	vld [tilespmem:s0+$0x70];
	v21 =	vadd.f32 v33, v21;
	v57 =	vunpack.i.u.bf16.f32 v60  }
0x409: {  	v35 =	vunpack.i.l.bf16.f32 v60;
	v60 =	vld [tilespmem:s0+$0xFFFFFF60];
	v34 =	vmul.f32 v34, v59;
	v24 =	vadd.f32 v37, v24  }
0x40a: {  	v35 =	vmul.f32 v35, v10;
	v13 =	vmul.f32 v57, v10;
	v10 =	vadd.f32 v39, v31  }
0x40b: {  	v15 =	vadd.f32 v29, v15;
	v43 =	vunpack.i.l.bf16.f32 v61;
	v36 =	vunpack.i.u.bf16.f32 v61  }
0x40c: {  	v38 =	vld [tilespmem:s0+$0xFFFFFF90];
	v30 =	vadd.f32 v34, v30;
	v63 =	vunpack.i.u.bf16.f32 v44;
	v35 =	vadd.f32 v35, v40  }
0x40d: {  	v40 =	vld [tilespmem:s0+$0x60];
	v13 =	vadd.f32 v13, v17;
	v33 =	vmul.f32 v43, v27;
	v59 =	vunpack.i.l.bf16.f32 v41  }
0x40e: {  	v17 =	vunpack.i.u.bf16.f32 v41;
	v31 =	vunpack.i.l.bf16.f32 v60;
	v34 =	vmul.f32 v59, v25  }
0x40f: {  	v62 =	vld [tilespmem:s0+$0xFFFFFE90];
	v42 =	vunpack.i.u.bf16.f32 v60;
	v17 =	vmul.f32 v17, v25;
	v31 =	vmul.f32 v31, v27  }
0x410: {  	v12 =	vmul.f32 v42, v27;
	v27 =	vmul.f32 v36, v27;
	v36 =	vunpack.i.l.bf16.f32 v44  }
0x411: {  	v41 =	vld [tilespmem:s0+$0x80];
	v61 =	vadd.f32 v33, v32;
	v44 =	vunpack.i.l.bf16.f32 v38;
	v32 =	vmul.f32 v36, v28  }
0x412: {  	v60 =	vld [tilespmem:s0+$0xFFFFFE80];
	v16 =	vadd.f32 v34, v16;
	v14 =	vadd.f32 v17, v14;
	v45 =	vunpack.i.u.bf16.f32 v40  }
0x413: {  	v59 =	vld [tilespmem:s0+$0xFFFFFEB0];
	v57 =	vunpack.i.l.bf16.f32 v40;
	v20 =	vadd.f32 v31, v20;
	v12 =	vadd.f32 v12, v19  }
0x414: {  	v9 =	vadd.f32 v27, v9;
	v27 =	vmul.f32 v63, v28;
	v40 =	vunpack.i.l.bf16.f32 v62  }
0x415: {  	v37 =	vmul.f32 v57, v25;
	v29 =	vmul.f32 v45, v25;
	v25 =	vunpack.i.u.bf16.f32 v62  }
0x416: {  	v42 =	vld [tilespmem:s0+$0x90];
	v17 =	vmul.f32 v40, v58;
	v32 =	vadd.f32 v32, v35;
	v34 =	vunpack.i.l.bf16.f32 v41  }
0x417: {  	v39 =	vunpack.i.u.bf16.f32 v60;
	v31 =	vunpack.i.l.bf16.f32 v60;
	v25 =	vmul.f32 v25, v58  }
0x418: {  	v13 =	vadd.f32 v27, v13;
	v34 =	vmul.f32 v34, v55;
	v35 =	vunpack.i.l.bf16.f32 v59  }
0x419: {  	v63 =	vld [tilespmem:s0+$0xFFFFFFB0];
	v10 =	vadd.f32 v37, v10;
	v18 =	vadd.f32 v29, v18;
	v31 =	vmul.f32 v31, v58  }
0x41a: {  	v45 =	vld [tilespmem:s0+$0x180];
	v33 =	vmul.f32 v39, v58;
	v29 =	vunpack.i.u.bf16.f32 v38;
	v15 =	vadd.f32 v17, v15  }
0x41b: {  	v62 =	vld [tilespmem:s0+$0xFFFFFFA0];
	v57 =	vunpack.i.l.bf16.f32 v42;
	v27 =	vunpack.i.u.bf16.f32 v42;
	v29 =	vmul.f32 v29, v56  }
0x41c: {  	v25 =	vadd.f32 v25, v30;
	v30 =	vmul.f32 v57, v55;
	v27 =	vmul.f32 v27, v55  }
0x41d: {  	v37 =	vld [tilespmem:s0+$0xFFFFFF80];
	v21 =	vadd.f32 v31, v21;
	v31 =	vmul.f32 v44, v56;
	v24 =	vadd.f32 v33, v24  }
0x41e: {  	v58 =	vld [tilespmem:s0+$0xFFFFFEA0];
	v10 =	vadd.f32 v34, v10;
	v39 =	vunpack.i.l.bf16.f32 v63;
	v9 =	vadd.f32 v29, v9  }
0x41f: {  	v60 =	vunpack.i.u.bf16.f32 v45;
	v16 =	vadd.f32 v30, v16;
	v14 =	vadd.f32 v27, v14  }
0x420: {  	v27 =	vmul.f32 v35, v52;
	v38 =	vunpack.i.u.bf16.f32 v62;
	v19 =	vadd.f32 v31, v61  }
0x421: {  	v36 =	vld [tilespmem:s0+$0xA0];
	v61 =	vunpack.i.l.bf16.f32 v45;
	v29 =	vmul.f32 v60, v11;
	v8 =	vmul.f32 v38, v54  }
0x422: {  	v43 =	vunpack.i.u.bf16.f32 v37;
	v28 =	vunpack.i.l.bf16.f32 v37;
	v31 =	vmul.f32 v61, v11  }
0x423: {  	v40 =	vld [tilespmem:s0+$0x1A0];
	v34 =	vunpack.i.u.bf16.f32 v58;
	v11 =	vunpack.i.l.bf16.f32 v62;
	v15 =	vadd.f32 v27, v15  }
0x424: {  	v35 =	vld [tilespmem:s0+$0xFFFFFEE0];
	v28 =	vmul.f32 v28, v56;
	v26 =	vmul.f32 v43, v56;
	v56 =	vunpack.i.u.bf16.f32 v41  }
0x425: {  	v45 =	vld [tilespmem:s0+$0xFFFFFED0];
	v30 =	vmul.f32 v34, v52;
	v13 =	vadd.f32 v29, v13;
	v11 =	vmul.f32 v11, v54  }
0x426: {  	v60 =	vld [tilespmem:s0+$0xD0];
	v41 =	vunpack.i.u.bf16.f32 v36;
	v17 =	vmul.f32 v56, v55;
	v31 =	vadd.f32 v31, v32  }
0x427: {  	v37 =	vld [tilespmem:s0+$0xB0];
	v32 =	vunpack.i.l.bf16.f32 v36;
	v27 =	vmul.f32 v41, v53;
	v20 =	vadd.f32 v28, v20  }
0x428: {  	v12 =	vadd.f32 v26, v12;
	v28 =	vunpack.i.l.bf16.f32 v58;
	v26 =	vunpack.i.u.bf16.f32 v59  }
0x429: {  	v24 =	vadd.f32 v30, v24;
	v32 =	vmul.f32 v32, v53;
	v41 =	vunpack.i.u.bf16.f32 v35  }
0x42a: {  	v17 =	vadd.f32 v17, v18;
	v28 =	vmul.f32 v28, v52;
	v26 =	vmul.f32 v26, v52  }
0x42b: {  	v43 =	vld [tilespmem:s0+$0xFFFFFEC0];
	v18 =	vunpack.i.u.bf16.f32 v63;
	v52 =	vunpack.i.u.bf16.f32 v40;
	v58 =	vunpack.i.l.bf16.f32 v45  }
0x42c: {  	v34 =	vunpack.i.l.bf16.f32 v60;
	v18 =	vmul.f32 v18, v54;
	v42 =	vunpack.i.l.bf16.f32 v37  }
0x42d: {  	v55 =	vld [tilespmem:s0+$0xFFFFFFC0];
	v11 =	vadd.f32 v11, v20;
	v29 =	vunpack.i.u.bf16.f32 v37;
	v8 =	vadd.f32 v8, v12  }
0x42e: {  	v56 =	vld [tilespmem:s0+$0xFFFFFFD0];
	v21 =	vadd.f32 v28, v21;
	v28 =	vmul.f32 v39, v54;
	v25 =	vadd.f32 v26, v25  }
0x42f: {  	v26 =	vmul.f32 v42, v53;
	v29 =	vmul.f32 v29, v53;
	v53 =	vunpack.i.l.bf16.f32 v40  }
0x430: {  	v54 =	vadd.f32 v32, v10;
	v17 =	vadd.f32 v27, v17;
	v57 =	vunpack.i.u.bf16.f32 v43  }
0x431: {  	v20 =	vunpack.i.l.bf16.f32 v43;
	v9 =	vadd.f32 v18, v9;
	v18 =	vmul.f32 v52, v6  }
0x432: {  	v59 =	vld [tilespmem:s0+$0xC0];
	v20 =	vmul.f32 v20, v49;
	v61 =	vunpack.i.u.bf16.f32 v55;
	v10 =	vunpack.i.l.bf16.f32 v55  }
0x433: {  	v62 =	vunpack.i.l.bf16.f32 v56;
	v27 =	vunpack.i.u.bf16.f32 v56;
	v44 =	vadd.f32 v28, v19  }
0x434: {  	v28 =	vmul.f32 v53, v6;
	v16 =	vadd.f32 v26, v16;
	v26 =	vmul.f32 v57, v49  }
0x435: {  	v63 =	vld [tilespmem:s0+$0x1C0];
	v14 =	vadd.f32 v29, v14;
	v29 =	vmul.f32 v58, v49;
	v10 =	vmul.f32 v10, v51  }
0x436: {  	v19 =	vunpack.i.u.bf16.f32 v45;
	v7 =	vmul.f32 v61, v51;
	v27 =	vmul.f32 v27, v51  }
0x437: {  	v33 =	vunpack.i.u.bf16.f32 v59;
	v30 =	vunpack.i.l.bf16.f32 v59;
	v19 =	vmul.f32 v19, v49  }
0x438: {  	v37 =	vld [tilespmem:s0+$0xFFFFFEF0];
	v13 =	vadd.f32 v18, v13;
	v20 =	vadd.f32 v20, v21;
	v21 =	vmul.f32 v62, v51  }
0x439: {  	v30 =	vmul.f32 v30, v50;
	v18 =	vunpack.i.u.bf16.f32 v60;
	v28 =	vadd.f32 v28, v31  }
0x43a: {  	v38 =	vunpack.i.u.bf16.f32 v63;
	v24 =	vadd.f32 v26, v24;
	v15 =	vadd.f32 v29, v15  }
0x43b: {  	v40 =	vld [tilespmem:s0+$0xFFFFFFE0];
	v10 =	vadd.f32 v10, v11;
	v29 =	vmul.f32 v33, v50;
	v18 =	vmul.f32 v18, v50  }
0x43c: {  	v42 =	vld [tilespmem:s0+$0xFFFFFFF0];
	v7 =	vadd.f32 v7, v8;
	v9 =	vadd.f32 v27, v9;
	v26 =	vunpack.i.l.bf16.f32 v63  }
0x43d: {  	v11 =	vunpack.i.l.bf16.f32 v35;
	v43 =	vunpack.i.l.bf16.f32 v37;
	v12 =	vunpack.i.u.bf16.f32 v37  }
0x43e: {  	v27 =	vmul.f32 v41, v47;
	v19 =	vadd.f32 v19, v25;
	v25 =	vmul.f32 v34, v50  }
0x43f: {  	v36 =	vadd.f32 v21, v44;
	v26 =	vmul.f32 v26, v4;
	v21 =	vmul.f32 v38, v4  }
0x440: {  	v52 =	vld [tilespmem:s0+$0xF0];
	v39 =	vadd.f32 v30, v54;
	v11 =	vmul.f32 v11, v47;
	v12 =	vmul.f32 v12, v47  }
0x441: {  	[tilespmem:s28+$0x50] =	vst v22;
	v51 =	vunpack.i.l.bf16.f32 v40;
	v6 =	vunpack.i.u.bf16.f32 v40;
	v54 =	vunpack.i.l.bf16.f32 v42  }
0x442: {  	s31 =	sadd.s32 $0x100, s28;
	[tilespmem:s28+$0x60] =	vst v23;
	v44 =	vld [tilespmem:s0+$0x1E0];
	v55 =	vunpack.i.u.bf16.f32 v42;
	v17 =	vadd.f32 v29, v17;
	v50 =	vadd.f32 v27, v24  }
0x443: {  	[tilespmem:s31+$0x70] =	vst v1;
	v14 =	vadd.f32 v18, v14;
	v18 =	vmul.f32 v43, v47;
	v47 =	vld [tilespmem:s0+$0xE0];
	v11 =	vadd.f32 v11, v20  }
0x444: {  	v53 =	vmul.f32 v51, v48;
	v6 =	vmul.f32 v6, v48;
	v12 =	vadd.f32 v12, v19;
	[tilespmem:s31+$0xFFFFFF90] =	vst v50  }
0x445: {  	v58 =	vunpack.i.l.bf16.f32 v52;
	v59 =	vunpack.i.u.bf16.f32 v52;
	v15 =	vadd.f32 v18, v15;
	[tilespmem:s31+$0xFFFFFF80] =	vst v11  }
0x446: {  	v49 =	vadd.f32 v21, v13;
	v13 =	vmul.f32 v54, v48;
	v6 =	vadd.f32 v6, v7;
	[tilespmem:s31+$0xFFFFFFB0] =	vst v12  }
0x447: {  	v16 =	vadd.f32 v25, v16;
	v10 =	vadd.f32 v53, v10;
	[tilespmem:s31+$0xFFFFFFA0] =	vst v15;
	v15 =	vmul.f32 v55, v48  }
0x448: {  	v8 =	vadd.f32 v13, v36;
	[tilespmem:s31+$0xFFFFFFD0] =	vst v6;
	v6 =	vmul.f32 v58, v46;
	v56 =	vunpack.i.l.bf16.f32 v47  }
0x449: {  	[tilespmem:s31+$0xFFFFFFC0] =	vst v10;
	v57 =	vunpack.i.u.bf16.f32 v47;
	v7 =	vmul.f32 v56, v46;
	v9 =	vadd.f32 v15, v9  }
0x44a: {  	v45 =	vadd.f32 v26, v28;
	[tilespmem:s31+$0xFFFFFFE0] =	vst v8;
	v10 =	vmul.f32 v57, v46;
	v6 =	vadd.f32 v6, v16  }
0x44b: {  	v61 =	vunpack.i.l.bf16.f32 v44;
	v4 =	vadd.f32 v7, v39;
	v7 =	vmul.f32 v59, v46;
	[tilespmem:s31+$0xFFFFFFF0] =	vst v9  }
0x44c: {  	v62 =	vunpack.i.u.bf16.f32 v44;
	v60 =	vadd.f32 v10, v17;
	v9 =	vmul.f32 v61, v0;
	[tilespmem:s31+$0x20] =	vst v6  }
0x44d: {  	v2 =	vunpack.i.l.bf16.f32 v2;
	[tilespmem:s31+$0x0] =	vst v4;
	v7 =	vadd.f32 v7, v14;
	v4 =	vmul.f32 v62, v0  }
0x44e: {  	p1 =	sne.s32 s25, $0x7;
	v3 =	vadd.f32 v3, v5;
	[tilespmem:s31+$0x10] =	vst v60;
	v0 =	vmul.f32 v2, v0;
	v63 =	vadd.f32 v9, v45  }
0x44f: {  	s0 =	sshll.u32 @!p1 s26, $0x7;
	v1 =	vadd.f32 v4, v49;
	[tilespmem:s31+$0x30] =	vst v7  }
0x450: {  	s0 =	sadd.s32 @!p1 s9, s0;
	v0 =	vadd.f32 v0, v3;
	[tilespmem:s31+$0x40] =	vst v63  }
0x451: {  	s6 =	simm.s32 @!p1 $0x80;
	s0 =	sshrl.u32 @!p1 s0, $0x3;
	[tilespmem:s31+$0x50] =	vst v1  }
0x452: {  	s15 =	simm.s32 @!p1 $0x800;
	s16 =	simm.s32 @!p1 $0x8880;
	s0 =	sadd.s32 @!p1 s8, s0;
	[tilespmem:s31+$0x60] =	vst v0  }
0x453: {  	[hbm4b:s0+s6] =	stream.strided.scatter @!p1 [tilespmem:s16], [sflag:$0x6], $0x400, s15, s6, $0x38;
	[tilespmem:$0xAC80] =	vst v63  }
0x454: {  	p2 =	sne.s32 s24, $0x80;
	s0 =	simm.s32 @!p1 $0x6;
	s6 =	sshll.u32 @!p1 s26, $0x11  }
0x455: {  	s15 =	simm.s32 @!p1 $0x400;
	_ =	swait.ge @!p1 [sflag:s0], $0x400;
	s6 =	sadd.s32 @!p1 s10, s6  }
0x456: {  	s16 =	simm.s32 @!p1 $0x8C80;
	[sflag:s0] =	ssyncset.done @!p1 $0x0;
	s6 =	sshrl.u32 @!p1 s6, $0x3  }
0x457: {  	[sflag:s0] =	ssyncadd.s32 @!p1 $0xFFFFFC00;
	s0 =	sadd.s32 @!p1 s7, s6;
	s6 =	simm.s32 @!p1 $0x40  }
0x458: {  	[hbm4b:s0+s6] =	stream.strided.scatter @!p1 [tilespmem:s16], [sflag:$0x5], $0x2000, s15, s6, $0x38;
	[tilespmem:$0xAC80] =	vst v63  }
.Ltmp4:
0x459: {  	_ = 	snop;
	(pc) =	sbr.rel @p2 .LBB2_2-.Ltmp4, $4  }
0x45a: {  	s0 =	simm.s32 @!p1 $0x5  }
0x45b: {  	_ =	swait.ge @!p1 [sflag:s0], $0x2000  }
0x45c: {  	s23 =	sadd.s32 $0x1, s23;
	[sflag:s0] =	ssyncset.done @!p1 $0x0  }
0x45d: {  	p0 =	por !p0, !p0;
	s15 =	smov.u32 s24;
	[sflag:s0] =	ssyncadd.s32 @!p1 $0xFFFFE000  }
0x45e: {  	s22 =	sadd.s32 $0x1, s22  }
0x45f: {  	p0 =	sne.s32 s22, s13  }
.Ltmp5:
0x460: {  	_ = 	snop;
	(pc) =	sbr.rel @p0 .LBB2_1-.Ltmp5, $1  }
0x461: {  	_ =	sdelay $0x3  }
0x462: {  	_ =	sfence.sel $0x180000  }
0x463: {  	[bflag:$0x0] =	sbarrier.arrive $0xFFFF  }
0x464: {  	_ =	strace $0x90000047  }
0x465: {  	s0 =	stileid.u32;
	[bflag:$0x2] =	sbarrier.arrive $0xFFFF  }
0x466: {  	p0 =	sne.s32 s0, $0x0;
	s0 =	rddreg [dreg:$0x3]  }
0x467: {  	s0 =	sadd.s32 @!p0 $0x100000, s0  }
0x468: {  	[sflag:s0] =	ssyncadd.tile.s32 @!p0 $0x1;
	_ =	shalt  }
.Lfunc_end2:
_tile_overlayer_lowered:
.L_overlay_start_2:
0x469: {  	(tag) =	ssettag $0x2  }
0x46a: {  	s0 =	rddreg [dreg:$0x0];
	s2 =	stileid.u32  }
0x46b: {  	s1 =	rddreg [dreg:$0x1];
	p0 =	sne.s32 s2, $0x0  }
0x46c: {  	s3 =	rddreg [dreg:$0x2];
	[bflag:$0x3] =	sbarrier.arrive $0xFFFF;
	s2 =	simm.s32 @!p0 $0x1C05  }
0x46d: {  	[timem:s3], [sflag:s2] =	dma.local @!p0 [hbm:s0], s1  }
0x46e: {  	s0 =	simm.s32 @!p0 $0x5  }
0x46f: {  	_ =	swait.ge @!p0 [sflag:s0], s1  }
0x470: {  	s1 =	ssub.s32 @!p0 $0x0, s1;
	[sflag:s0] =	ssyncset.done @!p0 $0x0  }
0x471: {  	[sflag:s0] =	ssyncadd.s32 @!p0 s1  }
0x472: {  	[bflag:$0x3] =	sbarrier.arrive $0xFFFF  }
0x473: {  	_ =	shalt  }

</sc_bundles>
